<compile_context>
chip_gen: v7x
topology: tpu7x:2x2x1
jax: 0.10.2.dev20260603
libtpu: 0.0.44.dev20260713+nightly
codegen_flags: <defaults>
</compile_context>

<pallas_src>
import functools

import jax
import jax.numpy as jnp
from jax import lax
from jax.experimental import pallas as pl
from jax.experimental.pallas import tpu as pltpu
from jax.experimental.pallas import tpu_sc as plsc

N = 10000
D = 128
E = 320000

NUM_SC = 2
NUM_TILES = 16
LANES = 16
NW = NUM_SC * NUM_TILES
EPW = E // NW
CHUNK = 80
NCHUNKS = EPW // CHUNK
WB_TILES = 10
WB_ROWS = N // WB_TILES
DEN_TILES = 5
DEN_ROWS = N // DEN_TILES



_BM = 1000


def _proj_body(x_ref, ws_ref, bs_ref, wd_ref, bd_ref, fs_ref, fd_ref):
    x = x_ref[...]
    fs_ref[...] = jnp.dot(x, ws_ref[...], preferred_element_type=jnp.float32) + bs_ref[...]
    fd_ref[...] = jnp.dot(x, wd_ref[...], preferred_element_type=jnp.float32) + bd_ref[...]


def _project(x, Ws, bs, Wd, bd):
    return pl.pallas_call(
        _proj_body,
        grid=(N // _BM,),
        in_specs=[
            pl.BlockSpec((_BM, D), lambda i: (i, 0)),
            pl.BlockSpec((D, D), lambda i: (0, 0)),
            pl.BlockSpec((1, D), lambda i: (0, 0)),
            pl.BlockSpec((D, D), lambda i: (0, 0)),
            pl.BlockSpec((1, D), lambda i: (0, 0)),
        ],
        out_specs=[
            pl.BlockSpec((_BM, D), lambda i: (i, 0)),
            pl.BlockSpec((_BM, D), lambda i: (i, 0)),
        ],
        out_shape=[jax.ShapeDtypeStruct((N, D), jnp.float32)] * 2,
    )(x, Ws, bs.reshape(1, D), Wd, bd.reshape(1, D))


def _finalize_x(num_ref, den_ref):
    n = num_ref[0] + num_ref[1]
    d = den_ref[0, 0, 0] + den_ref[1, 0, 0]
    y = n / (d.reshape(_BM, 1) + 1e-9)
    return jnp.maximum(y, 0.01 * y)


def _fin_proj_body(num_ref, den_ref, ws_ref, bs_ref, wd_ref, bd_ref,
                   fs_ref, fd_ref):
    x = _finalize_x(num_ref, den_ref)
    fs_ref[...] = jnp.dot(x, ws_ref[...], preferred_element_type=jnp.float32) + bs_ref[...]
    fd_ref[...] = jnp.dot(x, wd_ref[...], preferred_element_type=jnp.float32) + bd_ref[...]


def _finalize_project(num, den, Ws, bs, Wd, bd):
    den3 = den.reshape(2, N // _BM, 1, _BM)
    return pl.pallas_call(
        _fin_proj_body,
        grid=(N // _BM,),
        in_specs=[
            pl.BlockSpec((2, _BM, D), lambda i: (0, i, 0)),
            pl.BlockSpec((2, 1, 1, _BM), lambda i: (0, i, 0, 0)),
            pl.BlockSpec((D, D), lambda i: (0, 0)),
            pl.BlockSpec((1, D), lambda i: (0, 0)),
            pl.BlockSpec((D, D), lambda i: (0, 0)),
            pl.BlockSpec((1, D), lambda i: (0, 0)),
        ],
        out_specs=[
            pl.BlockSpec((_BM, D), lambda i: (i, 0)),
            pl.BlockSpec((_BM, D), lambda i: (i, 0)),
        ],
        out_shape=[jax.ShapeDtypeStruct((N, D), jnp.float32)] * 2,
    )(num, den3, Ws, bs.reshape(1, D), Wd, bd.reshape(1, D))


def _fin_body(num_ref, den_ref, out_ref):
    out_ref[...] = _finalize_x(num_ref, den_ref)


def _finalize(num, den):
    den3 = den.reshape(2, N // _BM, 1, _BM)
    return pl.pallas_call(
        _fin_body,
        grid=(N // _BM,),
        in_specs=[
            pl.BlockSpec((2, _BM, D), lambda i: (0, i, 0)),
            pl.BlockSpec((2, 1, 1, _BM), lambda i: (0, i, 0, 0)),
        ],
        out_specs=pl.BlockSpec((_BM, D), lambda i: (i, 0)),
        out_shape=jax.ShapeDtypeStruct((N, D), jnp.float32),
    )(num, den3)



STG_ROWS = 40
STG_ITERS = WB_ROWS // STG_ROWS


def _sc_edge_body(fs_hbm, fd_hbm, src_hbm, dst_hbm, attn_hbm,
                  num_hbm, den_hbm,
                  src_v0, dst_v0, fs_v0, fd_v0,
                  src_v1, dst_v1, fs_v1, fd_v1,
                  ex_v, attn_v, stage_v, dstage_v,
                  num_s, den_s, sem0, sem1):
    c = lax.axis_index("c")
    s = lax.axis_index("s")
    wid = s * NUM_SC + c
    zeros16 = jnp.zeros((LANES,), jnp.float32)

    def zrow(r, _):
        for j in range(D // LANES):
            stage_v[r, pl.ds(j * LANES, LANES)] = zeros16
        return 0
    lax.fori_loop(0, STG_ROWS, zrow, 0)

    def zden(i, _):
        dstage_v[pl.ds(i * LANES, LANES)] = zeros16
        return 0
    lax.fori_loop(0, DEN_ROWS // LANES, zden, 0)

    @pl.when(s < WB_TILES)
    def _():
        def zcp(k, _):
            pltpu.sync_copy(stage_v,
                            num_s.at[pl.ds(s * WB_ROWS + k * STG_ROWS, STG_ROWS)])
            return 0
        lax.fori_loop(0, STG_ITERS, zcp, 0)

    @pl.when(s < DEN_TILES)
    def _():
        pltpu.sync_copy(dstage_v, den_s.at[pl.ds(s * DEN_ROWS, DEN_ROWS)])

    pltpu.sync_copy(attn_hbm, attn_v)
    attn_regs = [attn_v[pl.ds(j * LANES, LANES)] for j in range(D // LANES)]

    plsc.subcore_barrier()

    def start(g, src_b, dst_b, fs_b, fd_b, sm):
        base = wid * EPW + g * CHUNK
        pltpu.sync_copy(src_hbm.at[pl.ds(base, CHUNK)], src_b)
        pltpu.sync_copy(dst_hbm.at[pl.ds(base, CHUNK)], dst_b)
        pltpu.async_copy(fs_hbm.at[src_b], fs_b, sm)
        pltpu.async_copy(fd_hbm.at[dst_b], fd_b, sm)

    def wait(fs_b, fd_b, sm):
        pltpu.make_async_copy(fs_hbm.at[pl.ds(0, CHUNK)], fs_b, sm).wait()
        pltpu.make_async_copy(fd_hbm.at[pl.ds(0, CHUNK)], fd_b, sm).wait()

    def process(dst_b, fs_b, fd_b):
        def edge_body(e, _):
            a = [fs_b[e, pl.ds(j * LANES, LANES)] for j in range(D // LANES)]
            acc = jnp.zeros((LANES,), jnp.float32)
            for j in range(D // LANES):
                t = a[j] + fd_b[e, pl.ds(j * LANES, LANES)]
                t = jnp.maximum(t, 0.2 * t)
                acc = acc + attn_regs[j] * t
            lanes = lax.iota(jnp.int32, LANES)
            for sh in (1, 2, 4, 8):
                acc = acc + jnp.take_along_axis(acc, lanes ^ sh, axis=0)
            ex = jnp.exp(acc)
            lane0 = lanes == 0
            plsc.store_scatter(ex_v, [jnp.full((LANES,), e, jnp.int32)], ex,
                               mask=lane0)
            for j in range(D // LANES):
                fs_b[e, pl.ds(j * LANES, LANES)] = a[j] * ex
            return 0

        lax.fori_loop(0, CHUNK, edge_body, 0)

        pltpu.sync_copy(ex_v, den_s.at[dst_b], add=True)
        pltpu.sync_copy(fs_b, num_s.at[dst_b], add=True)

    start(0, src_v0, dst_v0, fs_v0, fd_v0, sem0)

    def pair_body(i, _):
        g0 = 2 * i
        start(g0 + 1, src_v1, dst_v1, fs_v1, fd_v1, sem1)
        wait(fs_v0, fd_v0, sem0)
        process(dst_v0, fs_v0, fd_v0)
        start(g0 + 2, src_v0, dst_v0, fs_v0, fd_v0, sem0)
        wait(fs_v1, fd_v1, sem1)
        process(dst_v1, fs_v1, fd_v1)
        return 0

    lax.fori_loop(0, (NCHUNKS - 1) // 2, pair_body, 0)
    wait(fs_v0, fd_v0, sem0)
    process(dst_v0, fs_v0, fd_v0)

    plsc.subcore_barrier()

    @pl.when(s < WB_TILES)
    def _():
        def wcp(k, _):
            base = s * WB_ROWS + k * STG_ROWS
            pltpu.sync_copy(num_s.at[pl.ds(base, STG_ROWS)], stage_v)
            pltpu.sync_copy(stage_v, num_hbm.at[c, pl.ds(base, STG_ROWS)])
            return 0
        lax.fori_loop(0, STG_ITERS, wcp, 0)

    @pl.when(s < DEN_TILES)
    def _():
        pltpu.sync_copy(den_s.at[pl.ds(s * DEN_ROWS, DEN_ROWS)], dstage_v)
        pltpu.sync_copy(dstage_v, den_hbm.at[pl.ds(c * N + s * DEN_ROWS, DEN_ROWS)])


_sc_edge = pl.kernel(
    _sc_edge_body,
    out_type=[
        jax.ShapeDtypeStruct((NUM_SC, N, D), jnp.float32),
        jax.ShapeDtypeStruct((NUM_SC * N,), jnp.float32),
    ],
    mesh=plsc.VectorSubcoreMesh(core_axis_name="c", subcore_axis_name="s",
                                num_cores=NUM_SC, num_subcores=NUM_TILES),
    compiler_params=pltpu.CompilerParams(needs_layout_passes=False),
    scratch_types=[
        pltpu.VMEM((CHUNK,), jnp.int32),
        pltpu.VMEM((CHUNK,), jnp.int32),
        pltpu.VMEM((CHUNK, D), jnp.float32),
        pltpu.VMEM((CHUNK, D), jnp.float32),
        pltpu.VMEM((CHUNK,), jnp.int32),
        pltpu.VMEM((CHUNK,), jnp.int32),
        pltpu.VMEM((CHUNK, D), jnp.float32),
        pltpu.VMEM((CHUNK, D), jnp.float32),
        pltpu.VMEM((CHUNK,), jnp.float32),
        pltpu.VMEM((D,), jnp.float32),
        pltpu.VMEM((STG_ROWS, D), jnp.float32),
        pltpu.VMEM((DEN_ROWS,), jnp.float32),
        pltpu.VMEM_SHARED((N, D), jnp.float32),
        pltpu.VMEM_SHARED((N,), jnp.float32),
        pltpu.SemaphoreType.DMA,
        pltpu.SemaphoreType.DMA,
    ],
)



@jax.jit
def kernel(embedding, edge_index_user2item, edge_index_reverse_consumption,
           Ws1, bs1, Wd1, bd1, attn1, Ws2, bs2, Wd2, bd2, attn2):
    src1 = edge_index_user2item[0]
    dst1 = edge_index_user2item[1]
    src2 = edge_index_reverse_consumption[0]
    dst2 = edge_index_reverse_consumption[1]
    fs1, fd1 = _project(embedding, Ws1, bs1, Wd1, bd1)
    num1, den1 = _sc_edge(fs1, fd1, src1, dst1, attn1)
    fs2, fd2 = _finalize_project(num1, den1, Ws2, bs2, Wd2, bd2)
    num2, den2 = _sc_edge(fs2, fd2, src2, dst2, attn2)
    return _finalize(num2, den2)

# --- scband reference (transcript-rebuilt; emitter-appended) ---
"""Pipeline reference for scband-item-influence-embedding-9216999817725 (READ-ONLY COPY).

The authoritative reference and input builder live on the scoring server;
editing this copy changes nothing except your own understanding.
"""

import jax, jax.numpy as jnp
import numpy as np

N = 10000
D = 128
E = 320000


def gatv2_layer(x, src, dst, Ws, bs, Wd, bd, attn, n_nodes):
    # GATv2Conv (DGL semantics, num_heads=1):
    # fc_src / fc_dst projections
    fs = x @ Ws + bs          # (N, D) -> 'el'
    fd = x @ Wd + bd          # (N, D) -> 'er'
    # e = leaky_relu(el_u + er_v) per edge, internal slope 0.2
    e = jax.nn.leaky_relu(fs[src] + fd[dst], negative_slope=0.2)  # (E, D)
    logits = jnp.sum(e * attn, axis=-1)                            # (E,)
    # edge softmax over destination nodes
    m = jax.ops.segment_max(logits, dst, num_segments=n_nodes)
    m = jnp.where(jnp.isfinite(m), m, 0.0)
    ex = jnp.exp(logits - m[dst])
    denom = jax.ops.segment_sum(ex, dst, num_segments=n_nodes)
    alpha = ex / (denom[dst] + 1e-9)                               # (E,)
    # message = el_u * alpha, sum-aggregated at dst
    out = jax.ops.segment_sum(fs[src] * alpha[:, None], dst, num_segments=n_nodes)
    # activation=F.leaky_relu (default slope 0.01)
    return jax.nn.leaky_relu(out, negative_slope=0.01)


def setup_inputs(seed: int = 0):
    key = jax.random.key(seed)
    ks = jax.random.split(key, 14)
    scale = 1.0 / np.sqrt(D)
    inp = {}
    inp['embedding'] = jax.random.normal(ks[0], (N, D), dtype=jnp.float32)
    inp['edge_index_user2item'] = jax.random.randint(ks[1], (2, E), 0, N, dtype=jnp.int32)
    inp['edge_index_reverse_consumption'] = jax.random.randint(ks[2], (2, E), 0, N, dtype=jnp.int32)
    # layer 1 params (user2item_gat)
    inp['Ws1'] = jax.random.normal(ks[3], (D, D), dtype=jnp.float32) * scale
    inp['bs1'] = jnp.zeros((D,), dtype=jnp.float32)
    inp['Wd1'] = jax.random.normal(ks[4], (D, D), dtype=jnp.float32) * scale
    inp['bd1'] = jnp.zeros((D,), dtype=jnp.float32)
    inp['attn1'] = jax.random.normal(ks[5], (D,), dtype=jnp.float32) * scale
    # layer 2 params (item_influence_gat)
    inp['Ws2'] = jax.random.normal(ks[6], (D, D), dtype=jnp.float32) * scale
    inp['bs2'] = jnp.zeros((D,), dtype=jnp.float32)
    inp['Wd2'] = jax.random.normal(ks[7], (D, D), dtype=jnp.float32) * scale
    inp['bd2'] = jnp.zeros((D,), dtype=jnp.float32)
    inp['attn2'] = jax.random.normal(ks[8], (D,), dtype=jnp.float32) * scale
    return inp


def reference(embedding, edge_index_user2item, edge_index_reverse_consumption,
              Ws1, bs1, Wd1, bd1, attn1, Ws2, bs2, Wd2, bd2, attn2):
    src1, dst1 = edge_index_user2item[0], edge_index_user2item[1]
    src2, dst2 = edge_index_reverse_consumption[0], edge_index_reverse_consumption[1]
    user2item_embedding = gatv2_layer(embedding, src1, dst1, Ws1, bs1, Wd1, bd1, attn1, N)
    user2item_embedding = user2item_embedding.reshape(-1, D)
    item_influence_embedding = gatv2_layer(user2item_embedding, src2, dst2, Ws2, bs2, Wd2, bd2, attn2, N)
    return item_influence_embedding.reshape(-1, D)

if __name__ == "__main__":
    import jax
    _d = setup_inputs()
    print(jax.jit(kernel)(*tuple(_d.values())))

</pallas_src>

<mosaic_0001>
#map = affine_map<(d0, d1) -> (0, 0)>
#map1 = affine_map<(d0, d1) -> (0)>
#map2 = affine_map<(d0, d1) -> (0, 0, 0)>
module attributes {stable_mosaic.version = 14 : i64} {
  func.func @_sc_edge_body(%arg0: i32, %arg1: i32, %arg2: memref<10000x128xf32, #tpu.memory_space<hbm>>, %arg3: memref<10000x128xf32, #tpu.memory_space<hbm>>, %arg4: memref<320000xi32, #tpu.memory_space<hbm>>, %arg5: memref<320000xi32, #tpu.memory_space<hbm>>, %arg6: memref<128xf32, #tpu.memory_space<hbm>>, %arg7: memref<2x10000x128xf32, #tpu.memory_space<hbm>>, %arg8: memref<20000xf32, #tpu.memory_space<hbm>>, %arg9: memref<80xi32, #tpu.memory_space<vmem>>, %arg10: memref<80xi32, #tpu.memory_space<vmem>>, %arg11: memref<80x128xf32, #tpu.memory_space<vmem>>, %arg12: memref<80x128xf32, #tpu.memory_space<vmem>>, %arg13: memref<80xi32, #tpu.memory_space<vmem>>, %arg14: memref<80xi32, #tpu.memory_space<vmem>>, %arg15: memref<80x128xf32, #tpu.memory_space<vmem>>, %arg16: memref<80x128xf32, #tpu.memory_space<vmem>>, %arg17: memref<80xf32, #tpu.memory_space<vmem>>, %arg18: memref<128xf32, #tpu.memory_space<vmem>>, %arg19: memref<40x128xf32, #tpu.memory_space<vmem>>, %arg20: memref<2000xf32, #tpu.memory_space<vmem>>, %arg21: memref<10000x128xf32, #tpu.memory_space<vmem_shared>>, %arg22: memref<10000xf32, #tpu.memory_space<vmem_shared>>, %arg23: memref<!tpu.dma_semaphore, #tpu.memory_space<semaphore_mem>>, %arg24: memref<!tpu.dma_semaphore, #tpu.memory_space<semaphore_mem>>) attributes {dimension_semantics = [#tpu.dimension_semantics<core_parallel>, #tpu.dimension_semantics<subcore_parallel>], iteration_bounds = array<i64: 2, 16>, scalar_prefetch = 0 : i64, scratch_operands = 16 : i64, tpu.core_type = #tpu.core_type<sc_vector_subcore>, window_params = [{transform_indices = #map}, {transform_indices = #map}, {transform_indices = #map1}, {transform_indices = #map1}, {transform_indices = #map1}, {transform_indices = #map2}, {transform_indices = #map1}]} {
    %mul3A = arith.constant 2 : i32
    %mul3A_0 = arith.muli %arg1, %mul3A : i32
    %add3A = arith.addi %mul3A_0, %arg0 : i32
    %broadcast_in_dim3A = arith.constant 0.000000e+00 : f32
    %broadcast_in_dim3A_1 = vector.broadcast %broadcast_in_dim3A : f32 to vector<16xf32>
    %scan3A = arith.constant 0 : i32
    %scan3A_2 = arith.constant 0 : i32
    %scan3A_3 = arith.constant 40 : i32
    %scan3A_4 = arith.addi %scan3A_2, %scan3A_3 : i32
    %scan3A_5 = arith.constant 1 : i32
    %scan3A_6 = scf.for %scan3A_82 = %scan3A_2 to %scan3A_4 step %scan3A_5 iter_args(%scan3A_83 = %scan3A) -> (i32)  : i32 {
      %swap3A = arith.index_cast %scan3A_82 : i32 to index
      %swap3A_84 = arith.constant 0 : index
      %swap3A_85 = tpu.vector_load %arg19[%swap3A, %swap3A_84] {strides = array<i32>} : memref<40x128xf32, #tpu.memory_space<vmem>>, vector<16xf32>,
      tpu.vector_store %arg19[%swap3A, %swap3A_84], %broadcast_in_dim3A_1 {strides = array<i32>} : memref<40x128xf32, #tpu.memory_space<vmem>>, vector<16xf32>,
      %swap3A_86 = arith.index_cast %scan3A_82 : i32 to index
      %swap3A_87 = arith.constant 16 : index
      %swap3A_88 = tpu.vector_load %arg19[%swap3A_86, %swap3A_87] {strides = array<i32>} : memref<40x128xf32, #tpu.memory_space<vmem>>, vector<16xf32>,
      tpu.vector_store %arg19[%swap3A_86, %swap3A_87], %broadcast_in_dim3A_1 {strides = array<i32>} : memref<40x128xf32, #tpu.memory_space<vmem>>, vector<16xf32>,
      %swap3A_89 = arith.index_cast %scan3A_82 : i32 to index
      %swap3A_90 = arith.constant 32 : index
      %swap3A_91 = tpu.vector_load %arg19[%swap3A_89, %swap3A_90] {strides = array<i32>} : memref<40x128xf32, #tpu.memory_space<vmem>>, vector<16xf32>,
      tpu.vector_store %arg19[%swap3A_89, %swap3A_90], %broadcast_in_dim3A_1 {strides = array<i32>} : memref<40x128xf32, #tpu.memory_space<vmem>>, vector<16xf32>,
      %swap3A_92 = arith.index_cast %scan3A_82 : i32 to index
      %swap3A_93 = arith.constant 48 : index
      %swap3A_94 = tpu.vector_load %arg19[%swap3A_92, %swap3A_93] {strides = array<i32>} : memref<40x128xf32, #tpu.memory_space<vmem>>, vector<16xf32>,
      tpu.vector_store %arg19[%swap3A_92, %swap3A_93], %broadcast_in_dim3A_1 {strides = array<i32>} : memref<40x128xf32, #tpu.memory_space<vmem>>, vector<16xf32>,
      %swap3A_95 = arith.index_cast %scan3A_82 : i32 to index
      %swap3A_96 = arith.constant 64 : index
      %swap3A_97 = tpu.vector_load %arg19[%swap3A_95, %swap3A_96] {strides = array<i32>} : memref<40x128xf32, #tpu.memory_space<vmem>>, vector<16xf32>,
      tpu.vector_store %arg19[%swap3A_95, %swap3A_96], %broadcast_in_dim3A_1 {strides = array<i32>} : memref<40x128xf32, #tpu.memory_space<vmem>>, vector<16xf32>,
      %swap3A_98 = arith.index_cast %scan3A_82 : i32 to index
      %swap3A_99 = arith.constant 80 : index
      %swap3A_100 = tpu.vector_load %arg19[%swap3A_98, %swap3A_99] {strides = array<i32>} : memref<40x128xf32, #tpu.memory_space<vmem>>, vector<16xf32>,
      tpu.vector_store %arg19[%swap3A_98, %swap3A_99], %broadcast_in_dim3A_1 {strides = array<i32>} : memref<40x128xf32, #tpu.memory_space<vmem>>, vector<16xf32>,
      %swap3A_101 = arith.index_cast %scan3A_82 : i32 to index
      %swap3A_102 = arith.constant 96 : index
      %swap3A_103 = tpu.vector_load %arg19[%swap3A_101, %swap3A_102] {strides = array<i32>} : memref<40x128xf32, #tpu.memory_space<vmem>>, vector<16xf32>,
      tpu.vector_store %arg19[%swap3A_101, %swap3A_102], %broadcast_in_dim3A_1 {strides = array<i32>} : memref<40x128xf32, #tpu.memory_space<vmem>>, vector<16xf32>,
      %swap3A_104 = arith.index_cast %scan3A_82 : i32 to index
      %swap3A_105 = arith.constant 112 : index
      %swap3A_106 = tpu.vector_load %arg19[%swap3A_104, %swap3A_105] {strides = array<i32>} : memref<40x128xf32, #tpu.memory_space<vmem>>, vector<16xf32>,
      tpu.vector_store %arg19[%swap3A_104, %swap3A_105], %broadcast_in_dim3A_1 {strides = array<i32>} : memref<40x128xf32, #tpu.memory_space<vmem>>, vector<16xf32>,
      %scan3A_107 = arith.constant 0 : i32
      scf.yield %scan3A_107 : i32
    }
    %scan3A_7 = arith.constant 40 : i32
    %scan3A_8 = arith.constant 0 : i32
    %scan3A_9 = arith.constant 0 : i32
    %scan3A_10 = arith.constant 125 : i32
    %scan3A_11 = arith.addi %scan3A_9, %scan3A_10 : i32
    %scan3A_12 = arith.constant 1 : i32
    %scan3A_13 = scf.for %scan3A_82 = %scan3A_9 to %scan3A_11 step %scan3A_12 iter_args(%scan3A_83 = %scan3A_8) -> (i32)  : i32 {
      %mul3A_84 = arith.constant 16 : i32
      %mul3A_85 = arith.muli %scan3A_82, %mul3A_84 : i32
      %swap3A = arith.index_cast %mul3A_85 : i32 to index
      %swap3A_86 = tpu.vector_load %arg20[%swap3A] {strides = array<i32>} : memref<2000xf32, #tpu.memory_space<vmem>>, vector<16xf32>,
      tpu.vector_store %arg20[%swap3A], %broadcast_in_dim3A_1 {strides = array<i32>} : memref<2000xf32, #tpu.memory_space<vmem>>, vector<16xf32>,
      %scan3A_87 = arith.constant 0 : i32
      scf.yield %scan3A_87 : i32
    }
    %scan3A_14 = arith.constant 125 : i32
    %lt3A = arith.constant 10 : i32
    %lt3A_15 = arith.cmpi slt, %arg1, %lt3A : i32
    %convert_element_type3A = arith.extui %lt3A_15 : i1 to i32
    %cond3A = arith.constant 0 : i32
    %cond3A_16 = arith.cmpi ne, %convert_element_type3A, %cond3A : i32
    scf.if %cond3A_16 {
      %scan3A_82 = arith.constant 0 : i32
      %scan3A_83 = arith.constant 0 : i32
      %scan3A_84 = arith.constant 25 : i32
      %scan3A_85 = arith.addi %scan3A_83, %scan3A_84 : i32
      %scan3A_86 = arith.constant 1 : i32
      %scan3A_87 = scf.for %scan3A_89 = %scan3A_83 to %scan3A_85 step %scan3A_86 iter_args(%scan3A_90 = %scan3A_82) -> (i32)  : i32 {
        %mul3A_91 = arith.constant 1000 : i32
        %mul3A_92 = arith.muli %arg1, %mul3A_91 : i32
        %mul3A_93 = arith.constant 40 : i32
        %mul3A_94 = arith.muli %scan3A_89, %mul3A_93 : i32
        %add3A_95 = arith.addi %mul3A_92, %mul3A_94 : i32
        "tpu.region"() ({
          %run_scoped3A = tpu.sem_alloc : memref<!tpu.dma_semaphore, #tpu.memory_space<semaphore_mem>>
          %dma_start3A_97 = arith.constant 0 : i32
          %dma_start3A_98 = tpu.memref_slice %arg21[%add3A_95, %dma_start3A_97] : memref<10000x128xf32, #tpu.memory_space<vmem_shared>> -> memref<40x128xf32, #tpu.memory_space<vmem_shared>>
          %dma_start3A_99 = arith.constant 0 : i32
          %dma_start3A_100 = tpu.memref_slice %arg21[%add3A_95, %dma_start3A_99] : memref<10000x128xf32, #tpu.memory_space<vmem_shared>> -> memref<40x128xf32, #tpu.memory_space<vmem_shared>>
          tpu.enqueue_dma source(%arg19 : memref<40x128xf32, #tpu.memory_space<vmem>>) target(%dma_start3A_100 : memref<40x128xf32, #tpu.memory_space<vmem_shared>>) target_semaphore(%run_scoped3A : memref<!tpu.dma_semaphore, #tpu.memory_space<semaphore_mem>>)
          %dma_wait3A_101 = arith.constant 0 : i32
          %dma_wait3A_102 = tpu.memref_slice %arg21[%add3A_95, %dma_wait3A_101] : memref<10000x128xf32, #tpu.memory_space<vmem_shared>> -> memref<40x128xf32, #tpu.memory_space<vmem_shared>>
          %dma_wait3A_103 = arith.constant 0 : i32
          %dma_wait3A_104 = tpu.memref_slice %arg21[%add3A_95, %dma_wait3A_103] : memref<10000x128xf32, #tpu.memory_space<vmem_shared>> -> memref<40x128xf32, #tpu.memory_space<vmem_shared>>
          tpu.wait_dma2 semaphore(%run_scoped3A : memref<!tpu.dma_semaphore, #tpu.memory_space<semaphore_mem>>) src(%arg19 : memref<40x128xf32, #tpu.memory_space<vmem>>) dst(%dma_wait3A_104 : memref<40x128xf32, #tpu.memory_space<vmem_shared>>)
          tpu.yield
        }) : () -> ()
        %scan3A_96 = arith.constant 0 : i32
        scf.yield %scan3A_96 : i32
      }
      %scan3A_88 = arith.constant 25 : i32
    } else {
    }
    %lt3A_17 = arith.constant 5 : i32
    %lt3A_18 = arith.cmpi slt, %arg1, %lt3A_17 : i32
    %convert_element_type3A_19 = arith.extui %lt3A_18 : i1 to i32
    %cond3A_20 = arith.constant 0 : i32
    %cond3A_21 = arith.cmpi ne, %convert_element_type3A_19, %cond3A_20 : i32
    scf.if %cond3A_21 {
      %mul3A_82 = arith.constant 2000 : i32
      %mul3A_83 = arith.muli %arg1, %mul3A_82 : i32
      "tpu.region"() ({
        %run_scoped3A = tpu.sem_alloc : memref<!tpu.dma_semaphore, #tpu.memory_space<semaphore_mem>>
        %dma_start3A_84 = tpu.memref_slice %arg22[%mul3A_83] : memref<10000xf32, #tpu.memory_space<vmem_shared>> -> memref<2000xf32, #tpu.memory_space<vmem_shared>>
        %dma_start3A_85 = tpu.memref_slice %arg22[%mul3A_83] : memref<10000xf32, #tpu.memory_space<vmem_shared>> -> memref<2000xf32, #tpu.memory_space<vmem_shared>>
        tpu.enqueue_dma source(%arg20 : memref<2000xf32, #tpu.memory_space<vmem>>) target(%dma_start3A_85 : memref<2000xf32, #tpu.memory_space<vmem_shared>>) target_semaphore(%run_scoped3A : memref<!tpu.dma_semaphore, #tpu.memory_space<semaphore_mem>>)
        %dma_wait3A_86 = tpu.memref_slice %arg22[%mul3A_83] : memref<10000xf32, #tpu.memory_space<vmem_shared>> -> memref<2000xf32, #tpu.memory_space<vmem_shared>>
        %dma_wait3A_87 = tpu.memref_slice %arg22[%mul3A_83] : memref<10000xf32, #tpu.memory_space<vmem_shared>> -> memref<2000xf32, #tpu.memory_space<vmem_shared>>
        tpu.wait_dma2 semaphore(%run_scoped3A : memref<!tpu.dma_semaphore, #tpu.memory_space<semaphore_mem>>) src(%arg20 : memref<2000xf32, #tpu.memory_space<vmem>>) dst(%dma_wait3A_87 : memref<2000xf32, #tpu.memory_space<vmem_shared>>)
        tpu.yield
      }) : () -> ()
    } else {
    }
    "tpu.region"() ({
      %run_scoped3A = tpu.sem_alloc : memref<!tpu.dma_semaphore, #tpu.memory_space<semaphore_mem>>
      tpu.enqueue_dma source(%arg6 : memref<128xf32, #tpu.memory_space<hbm>>) target(%arg18 : memref<128xf32, #tpu.memory_space<vmem>>) target_semaphore(%run_scoped3A : memref<!tpu.dma_semaphore, #tpu.memory_space<semaphore_mem>>)
      tpu.wait_dma2 semaphore(%run_scoped3A : memref<!tpu.dma_semaphore, #tpu.memory_space<semaphore_mem>>) src(%arg6 : memref<128xf32, #tpu.memory_space<hbm>>) dst(%arg18 : memref<128xf32, #tpu.memory_space<vmem>>)
      tpu.yield
    }) : () -> ()
    %get3A = arith.constant 0 : index
    %get3A_22 = tpu.vector_load %arg18[%get3A] {strides = array<i32>} : memref<128xf32, #tpu.memory_space<vmem>>, vector<16xf32>,
    %get3A_23 = arith.constant 16 : index
    %get3A_24 = tpu.vector_load %arg18[%get3A_23] {strides = array<i32>} : memref<128xf32, #tpu.memory_space<vmem>>, vector<16xf32>,
    %get3A_25 = arith.constant 32 : index
    %get3A_26 = tpu.vector_load %arg18[%get3A_25] {strides = array<i32>} : memref<128xf32, #tpu.memory_space<vmem>>, vector<16xf32>,
    %get3A_27 = arith.constant 48 : index
    %get3A_28 = tpu.vector_load %arg18[%get3A_27] {strides = array<i32>} : memref<128xf32, #tpu.memory_space<vmem>>, vector<16xf32>,
    %get3A_29 = arith.constant 64 : index
    %get3A_30 = tpu.vector_load %arg18[%get3A_29] {strides = array<i32>} : memref<128xf32, #tpu.memory_space<vmem>>, vector<16xf32>,
    %get3A_31 = arith.constant 80 : index
    %get3A_32 = tpu.vector_load %arg18[%get3A_31] {strides = array<i32>} : memref<128xf32, #tpu.memory_space<vmem>>, vector<16xf32>,
    %get3A_33 = arith.constant 96 : index
    %get3A_34 = tpu.vector_load %arg18[%get3A_33] {strides = array<i32>} : memref<128xf32, #tpu.memory_space<vmem>>, vector<16xf32>,
    %get3A_35 = arith.constant 112 : index
    %get3A_36 = tpu.vector_load %arg18[%get3A_35] {strides = array<i32>} : memref<128xf32, #tpu.memory_space<vmem>>, vector<16xf32>,
    %barrier3A = arith.constant 0 : index
    tpu.barrier barrier_id(%barrier3A)
    %mul3A_37 = arith.constant 10000 : i32
    %mul3A_38 = arith.muli %add3A, %mul3A_37 : i32
    %add3A_39 = arith.constant 0 : i32
    %add3A_40 = arith.addi %mul3A_38, %add3A_39 : i32
    "tpu.region"() ({
      %run_scoped3A = tpu.sem_alloc : memref<!tpu.dma_semaphore, #tpu.memory_space<semaphore_mem>>
      %dma_start3A_82 = tpu.memref_slice %arg4[%add3A_40] : memref<320000xi32, #tpu.memory_space<hbm>> -> memref<80xi32, #tpu.memory_space<hbm>>
      %dma_start3A_83 = tpu.memref_slice %arg4[%add3A_40] : memref<320000xi32, #tpu.memory_space<hbm>> -> memref<80xi32, #tpu.memory_space<hbm>>
      tpu.enqueue_dma source(%dma_start3A_83 : memref<80xi32, #tpu.memory_space<hbm>>) target(%arg9 : memref<80xi32, #tpu.memory_space<vmem>>) target_semaphore(%run_scoped3A : memref<!tpu.dma_semaphore, #tpu.memory_space<semaphore_mem>>)
      %dma_wait3A_84 = tpu.memref_slice %arg4[%add3A_40] : memref<320000xi32, #tpu.memory_space<hbm>> -> memref<80xi32, #tpu.memory_space<hbm>>
      %dma_wait3A_85 = tpu.memref_slice %arg4[%add3A_40] : memref<320000xi32, #tpu.memory_space<hbm>> -> memref<80xi32, #tpu.memory_space<hbm>>
      tpu.wait_dma2 semaphore(%run_scoped3A : memref<!tpu.dma_semaphore, #tpu.memory_space<semaphore_mem>>) src(%dma_wait3A_85 : memref<80xi32, #tpu.memory_space<hbm>>) dst(%arg9 : memref<80xi32, #tpu.memory_space<vmem>>)
      tpu.yield
    }) : () -> ()
    "tpu.region"() ({
      %run_scoped3A = tpu.sem_alloc : memref<!tpu.dma_semaphore, #tpu.memory_space<semaphore_mem>>
      %dma_start3A_82 = tpu.memref_slice %arg5[%add3A_40] : memref<320000xi32, #tpu.memory_space<hbm>> -> memref<80xi32, #tpu.memory_space<hbm>>
      %dma_start3A_83 = tpu.memref_slice %arg5[%add3A_40] : memref<320000xi32, #tpu.memory_space<hbm>> -> memref<80xi32, #tpu.memory_space<hbm>>
      tpu.enqueue_dma source(%dma_start3A_83 : memref<80xi32, #tpu.memory_space<hbm>>) target(%arg10 : memref<80xi32, #tpu.memory_space<vmem>>) target_semaphore(%run_scoped3A : memref<!tpu.dma_semaphore, #tpu.memory_space<semaphore_mem>>)
      %dma_wait3A_84 = tpu.memref_slice %arg5[%add3A_40] : memref<320000xi32, #tpu.memory_space<hbm>> -> memref<80xi32, #tpu.memory_space<hbm>>
      %dma_wait3A_85 = tpu.memref_slice %arg5[%add3A_40] : memref<320000xi32, #tpu.memory_space<hbm>> -> memref<80xi32, #tpu.memory_space<hbm>>
      tpu.wait_dma2 semaphore(%run_scoped3A : memref<!tpu.dma_semaphore, #tpu.memory_space<semaphore_mem>>) src(%dma_wait3A_85 : memref<80xi32, #tpu.memory_space<hbm>>) dst(%arg10 : memref<80xi32, #tpu.memory_space<vmem>>)
      tpu.yield
    }) : () -> ()
    %dma_start3A = arith.constant 0 : i32
    %dma_start3A_41 = arith.constant 0 : i32
    %dma_start3A_42 = tpu.memref_slice %arg2[%dma_start3A, %dma_start3A_41] : memref<10000x128xf32, #tpu.memory_space<hbm>> -> memref<10000x128xf32, #tpu.memory_space<hbm>>
    tpu.enqueue_indirect_dma source(%dma_start3A_42 : memref<10000x128xf32, #tpu.memory_space<hbm>>) target(%arg11 : memref<80x128xf32, #tpu.memory_space<vmem>>) offsets(%arg9 : memref<80xi32, #tpu.memory_space<vmem>>) semaphore(%arg23 : memref<!tpu.dma_semaphore, #tpu.memory_space<semaphore_mem>>)
    %dma_start3A_43 = arith.constant 0 : i32
    %dma_start3A_44 = arith.constant 0 : i32
    %dma_start3A_45 = tpu.memref_slice %arg3[%dma_start3A_43, %dma_start3A_44] : memref<10000x128xf32, #tpu.memory_space<hbm>> -> memref<10000x128xf32, #tpu.memory_space<hbm>>
    tpu.enqueue_indirect_dma source(%dma_start3A_45 : memref<10000x128xf32, #tpu.memory_space<hbm>>) target(%arg12 : memref<80x128xf32, #tpu.memory_space<vmem>>) offsets(%arg10 : memref<80xi32, #tpu.memory_space<vmem>>) semaphore(%arg23 : memref<!tpu.dma_semaphore, #tpu.memory_space<semaphore_mem>>)
    %scan3A_46 = arith.constant 0 : i32
    %scan3A_47 = arith.constant 0 : i32
    %scan3A_48 = arith.constant 62 : i32
    %scan3A_49 = arith.addi %scan3A_47, %scan3A_48 : i32
    %scan3A_50 = arith.constant 1 : i32
    %scan3A_51 = scf.for %scan3A_82 = %scan3A_47 to %scan3A_49 step %scan3A_50 iter_args(%scan3A_83 = %scan3A_46) -> (i32)  : i32 {
      %mul3A_84 = arith.constant 2 : i32
      %mul3A_85 = arith.muli %mul3A_84, %scan3A_82 : i32
      %add3A_86 = arith.constant 1 : i32
      %add3A_87 = arith.addi %mul3A_85, %add3A_86 : i32
      %mul3A_88 = arith.constant 10000 : i32
      %mul3A_89 = arith.muli %add3A, %mul3A_88 : i32
      %mul3A_90 = arith.constant 80 : i32
      %mul3A_91 = arith.muli %add3A_87, %mul3A_90 : i32
      %add3A_92 = arith.addi %mul3A_89, %mul3A_91 : i32
      "tpu.region"() ({
        %run_scoped3A = tpu.sem_alloc : memref<!tpu.dma_semaphore, #tpu.memory_space<semaphore_mem>>
        %dma_start3A_151 = tpu.memref_slice %arg4[%add3A_92] : memref<320000xi32, #tpu.memory_space<hbm>> -> memref<80xi32, #tpu.memory_space<hbm>>
        %dma_start3A_152 = tpu.memref_slice %arg4[%add3A_92] : memref<320000xi32, #tpu.memory_space<hbm>> -> memref<80xi32, #tpu.memory_space<hbm>>
        tpu.enqueue_dma source(%dma_start3A_152 : memref<80xi32, #tpu.memory_space<hbm>>) target(%arg13 : memref<80xi32, #tpu.memory_space<vmem>>) target_semaphore(%run_scoped3A : memref<!tpu.dma_semaphore, #tpu.memory_space<semaphore_mem>>)
        %dma_wait3A_153 = tpu.memref_slice %arg4[%add3A_92] : memref<320000xi32, #tpu.memory_space<hbm>> -> memref<80xi32, #tpu.memory_space<hbm>>
        %dma_wait3A_154 = tpu.memref_slice %arg4[%add3A_92] : memref<320000xi32, #tpu.memory_space<hbm>> -> memref<80xi32, #tpu.memory_space<hbm>>
        tpu.wait_dma2 semaphore(%run_scoped3A : memref<!tpu.dma_semaphore, #tpu.memory_space<semaphore_mem>>) src(%dma_wait3A_154 : memref<80xi32, #tpu.memory_space<hbm>>) dst(%arg13 : memref<80xi32, #tpu.memory_space<vmem>>)
        tpu.yield
      }) : () -> ()
      "tpu.region"() ({
        %run_scoped3A = tpu.sem_alloc : memref<!tpu.dma_semaphore, #tpu.memory_space<semaphore_mem>>
        %dma_start3A_151 = tpu.memref_slice %arg5[%add3A_92] : memref<320000xi32, #tpu.memory_space<hbm>> -> memref<80xi32, #tpu.memory_space<hbm>>
        %dma_start3A_152 = tpu.memref_slice %arg5[%add3A_92] : memref<320000xi32, #tpu.memory_space<hbm>> -> memref<80xi32, #tpu.memory_space<hbm>>
        tpu.enqueue_dma source(%dma_start3A_152 : memref<80xi32, #tpu.memory_space<hbm>>) target(%arg14 : memref<80xi32, #tpu.memory_space<vmem>>) target_semaphore(%run_scoped3A : memref<!tpu.dma_semaphore, #tpu.memory_space<semaphore_mem>>)
        %dma_wait3A_153 = tpu.memref_slice %arg5[%add3A_92] : memref<320000xi32, #tpu.memory_space<hbm>> -> memref<80xi32, #tpu.memory_space<hbm>>
        %dma_wait3A_154 = tpu.memref_slice %arg5[%add3A_92] : memref<320000xi32, #tpu.memory_space<hbm>> -> memref<80xi32, #tpu.memory_space<hbm>>
        tpu.wait_dma2 semaphore(%run_scoped3A : memref<!tpu.dma_semaphore, #tpu.memory_space<semaphore_mem>>) src(%dma_wait3A_154 : memref<80xi32, #tpu.memory_space<hbm>>) dst(%arg14 : memref<80xi32, #tpu.memory_space<vmem>>)
        tpu.yield
      }) : () -> ()
      %dma_start3A_93 = arith.constant 0 : i32
      %dma_start3A_94 = arith.constant 0 : i32
      %dma_start3A_95 = tpu.memref_slice %arg2[%dma_start3A_93, %dma_start3A_94] : memref<10000x128xf32, #tpu.memory_space<hbm>> -> memref<10000x128xf32, #tpu.memory_space<hbm>>
      tpu.enqueue_indirect_dma source(%dma_start3A_95 : memref<10000x128xf32, #tpu.memory_space<hbm>>) target(%arg15 : memref<80x128xf32, #tpu.memory_space<vmem>>) offsets(%arg13 : memref<80xi32, #tpu.memory_space<vmem>>) semaphore(%arg24 : memref<!tpu.dma_semaphore, #tpu.memory_space<semaphore_mem>>)
      %dma_start3A_96 = arith.constant 0 : i32
      %dma_start3A_97 = arith.constant 0 : i32
      %dma_start3A_98 = tpu.memref_slice %arg3[%dma_start3A_96, %dma_start3A_97] : memref<10000x128xf32, #tpu.memory_space<hbm>> -> memref<10000x128xf32, #tpu.memory_space<hbm>>
      tpu.enqueue_indirect_dma source(%dma_start3A_98 : memref<10000x128xf32, #tpu.memory_space<hbm>>) target(%arg16 : memref<80x128xf32, #tpu.memory_space<vmem>>) offsets(%arg14 : memref<80xi32, #tpu.memory_space<vmem>>) semaphore(%arg24 : memref<!tpu.dma_semaphore, #tpu.memory_space<semaphore_mem>>)
      %dma_wait3A_99 = arith.constant 0 : i32
      %dma_wait3A_100 = arith.constant 0 : i32
      %dma_wait3A_101 = tpu.memref_slice %arg2[%dma_wait3A_99, %dma_wait3A_100] : memref<10000x128xf32, #tpu.memory_space<hbm>> -> memref<80x128xf32, #tpu.memory_space<hbm>>
      %dma_wait3A_102 = arith.constant 0 : i32
      %dma_wait3A_103 = arith.constant 0 : i32
      %dma_wait3A_104 = tpu.memref_slice %arg2[%dma_wait3A_102, %dma_wait3A_103] : memref<10000x128xf32, #tpu.memory_space<hbm>> -> memref<80x128xf32, #tpu.memory_space<hbm>>
      tpu.wait_dma2 semaphore(%arg23 : memref<!tpu.dma_semaphore, #tpu.memory_space<semaphore_mem>>) src(%dma_wait3A_104 : memref<80x128xf32, #tpu.memory_space<hbm>>) dst(%arg11 : memref<80x128xf32, #tpu.memory_space<vmem>>)
      %dma_wait3A_105 = arith.constant 0 : i32
      %dma_wait3A_106 = arith.constant 0 : i32
      %dma_wait3A_107 = tpu.memref_slice %arg3[%dma_wait3A_105, %dma_wait3A_106] : memref<10000x128xf32, #tpu.memory_space<hbm>> -> memref<80x128xf32, #tpu.memory_space<hbm>>
      %dma_wait3A_108 = arith.constant 0 : i32
      %dma_wait3A_109 = arith.constant 0 : i32
      %dma_wait3A_110 = tpu.memref_slice %arg3[%dma_wait3A_108, %dma_wait3A_109] : memref<10000x128xf32, #tpu.memory_space<hbm>> -> memref<80x128xf32, #tpu.memory_space<hbm>>
      tpu.wait_dma2 semaphore(%arg23 : memref<!tpu.dma_semaphore, #tpu.memory_space<semaphore_mem>>) src(%dma_wait3A_110 : memref<80x128xf32, #tpu.memory_space<hbm>>) dst(%arg12 : memref<80x128xf32, #tpu.memory_space<vmem>>)
      %scan3A_111 = arith.constant 0 : i32
      %scan3A_112 = arith.constant 0 : i32
      %scan3A_113 = arith.constant 80 : i32
      %scan3A_114 = arith.addi %scan3A_112, %scan3A_113 : i32
      %scan3A_115 = arith.constant 1 : i32
      %scan3A_116 = scf.for %scan3A_151 = %scan3A_112 to %scan3A_114 step %scan3A_115 iter_args(%scan3A_152 = %scan3A_111) -> (i32)  : i32 {
        %get3A_153 = arith.index_cast %scan3A_151 : i32 to index
        %get3A_154 = arith.constant 0 : index
        %get3A_155 = tpu.vector_load %arg11[%get3A_153, %get3A_154] {strides = array<i32>} : memref<80x128xf32, #tpu.memory_space<vmem>>, vector<16xf32>,
        %get3A_156 = arith.index_cast %scan3A_151 : i32 to index
        %get3A_157 = arith.constant 16 : index
        %get3A_158 = tpu.vector_load %arg11[%get3A_156, %get3A_157] {strides = array<i32>} : memref<80x128xf32, #tpu.memory_space<vmem>>, vector<16xf32>,
        %get3A_159 = arith.index_cast %scan3A_151 : i32 to index
        %get3A_160 = arith.constant 32 : index
        %get3A_161 = tpu.vector_load %arg11[%get3A_159, %get3A_160] {strides = array<i32>} : memref<80x128xf32, #tpu.memory_space<vmem>>, vector<16xf32>,
        %get3A_162 = arith.index_cast %scan3A_151 : i32 to index
        %get3A_163 = arith.constant 48 : index
        %get3A_164 = tpu.vector_load %arg11[%get3A_162, %get3A_163] {strides = array<i32>} : memref<80x128xf32, #tpu.memory_space<vmem>>, vector<16xf32>,
        %get3A_165 = arith.index_cast %scan3A_151 : i32 to index
        %get3A_166 = arith.constant 64 : index
        %get3A_167 = tpu.vector_load %arg11[%get3A_165, %get3A_166] {strides = array<i32>} : memref<80x128xf32, #tpu.memory_space<vmem>>, vector<16xf32>,
        %get3A_168 = arith.index_cast %scan3A_151 : i32 to index
        %get3A_169 = arith.constant 80 : index
        %get3A_170 = tpu.vector_load %arg11[%get3A_168, %get3A_169] {strides = array<i32>} : memref<80x128xf32, #tpu.memory_space<vmem>>, vector<16xf32>,
        %get3A_171 = arith.index_cast %scan3A_151 : i32 to index
        %get3A_172 = arith.constant 96 : index
        %get3A_173 = tpu.vector_load %arg11[%get3A_171, %get3A_172] {strides = array<i32>} : memref<80x128xf32, #tpu.memory_space<vmem>>, vector<16xf32>,
        %get3A_174 = arith.index_cast %scan3A_151 : i32 to index
        %get3A_175 = arith.constant 112 : index
        %get3A_176 = tpu.vector_load %arg11[%get3A_174, %get3A_175] {strides = array<i32>} : memref<80x128xf32, #tpu.memory_space<vmem>>, vector<16xf32>,
        %broadcast_in_dim3A_177 = arith.constant 0.000000e+00 : f32
        %broadcast_in_dim3A_178 = vector.broadcast %broadcast_in_dim3A_177 : f32 to vector<16xf32>
        %get3A_179 = arith.index_cast %scan3A_151 : i32 to index
        %get3A_180 = arith.constant 0 : index
        %get3A_181 = tpu.vector_load %arg12[%get3A_179, %get3A_180] {strides = array<i32>} : memref<80x128xf32, #tpu.memory_space<vmem>>, vector<16xf32>,
        %add3A_182 = arith.addf %get3A_155, %get3A_181 : vector<16xf32>
        %mul3A_183 = arith.constant 2.000000e-01 : f32
        %mul3A_184 = vector.broadcast %mul3A_183 : f32 to vector<16xf32>
        %mul3A_185 = arith.mulf %mul3A_184, %add3A_182 : vector<16xf32>
        %max3A = arith.maximumf %add3A_182, %mul3A_185 : vector<16xf32>
        %mul3A_186 = arith.mulf %get3A_22, %max3A : vector<16xf32>
        %add3A_187 = arith.addf %broadcast_in_dim3A_178, %mul3A_186 : vector<16xf32>
        %get3A_188 = arith.index_cast %scan3A_151 : i32 to index
        %get3A_189 = arith.constant 16 : index
        %get3A_190 = tpu.vector_load %arg12[%get3A_188, %get3A_189] {strides = array<i32>} : memref<80x128xf32, #tpu.memory_space<vmem>>, vector<16xf32>,
        %add3A_191 = arith.addf %get3A_158, %get3A_190 : vector<16xf32>
        %mul3A_192 = arith.constant 2.000000e-01 : f32
        %mul3A_193 = vector.broadcast %mul3A_192 : f32 to vector<16xf32>
        %mul3A_194 = arith.mulf %mul3A_193, %add3A_191 : vector<16xf32>
        %max3A_195 = arith.maximumf %add3A_191, %mul3A_194 : vector<16xf32>
        %mul3A_196 = arith.mulf %get3A_24, %max3A_195 : vector<16xf32>
        %add3A_197 = arith.addf %add3A_187, %mul3A_196 : vector<16xf32>
        %get3A_198 = arith.index_cast %scan3A_151 : i32 to index
        %get3A_199 = arith.constant 32 : index
        %get3A_200 = tpu.vector_load %arg12[%get3A_198, %get3A_199] {strides = array<i32>} : memref<80x128xf32, #tpu.memory_space<vmem>>, vector<16xf32>,
        %add3A_201 = arith.addf %get3A_161, %get3A_200 : vector<16xf32>
        %mul3A_202 = arith.constant 2.000000e-01 : f32
        %mul3A_203 = vector.broadcast %mul3A_202 : f32 to vector<16xf32>
        %mul3A_204 = arith.mulf %mul3A_203, %add3A_201 : vector<16xf32>
        %max3A_205 = arith.maximumf %add3A_201, %mul3A_204 : vector<16xf32>
        %mul3A_206 = arith.mulf %get3A_26, %max3A_205 : vector<16xf32>
        %add3A_207 = arith.addf %add3A_197, %mul3A_206 : vector<16xf32>
        %get3A_208 = arith.index_cast %scan3A_151 : i32 to index
        %get3A_209 = arith.constant 48 : index
        %get3A_210 = tpu.vector_load %arg12[%get3A_208, %get3A_209] {strides = array<i32>} : memref<80x128xf32, #tpu.memory_space<vmem>>, vector<16xf32>,
        %add3A_211 = arith.addf %get3A_164, %get3A_210 : vector<16xf32>
        %mul3A_212 = arith.constant 2.000000e-01 : f32
        %mul3A_213 = vector.broadcast %mul3A_212 : f32 to vector<16xf32>
        %mul3A_214 = arith.mulf %mul3A_213, %add3A_211 : vector<16xf32>
        %max3A_215 = arith.maximumf %add3A_211, %mul3A_214 : vector<16xf32>
        %mul3A_216 = arith.mulf %get3A_28, %max3A_215 : vector<16xf32>
        %add3A_217 = arith.addf %add3A_207, %mul3A_216 : vector<16xf32>
        %get3A_218 = arith.index_cast %scan3A_151 : i32 to index
        %get3A_219 = arith.constant 64 : index
        %get3A_220 = tpu.vector_load %arg12[%get3A_218, %get3A_219] {strides = array<i32>} : memref<80x128xf32, #tpu.memory_space<vmem>>, vector<16xf32>,
        %add3A_221 = arith.addf %get3A_167, %get3A_220 : vector<16xf32>
        %mul3A_222 = arith.constant 2.000000e-01 : f32
        %mul3A_223 = vector.broadcast %mul3A_222 : f32 to vector<16xf32>
        %mul3A_224 = arith.mulf %mul3A_223, %add3A_221 : vector<16xf32>
        %max3A_225 = arith.maximumf %add3A_221, %mul3A_224 : vector<16xf32>
        %mul3A_226 = arith.mulf %get3A_30, %max3A_225 : vector<16xf32>
        %add3A_227 = arith.addf %add3A_217, %mul3A_226 : vector<16xf32>
        %get3A_228 = arith.index_cast %scan3A_151 : i32 to index
        %get3A_229 = arith.constant 80 : index
        %get3A_230 = tpu.vector_load %arg12[%get3A_228, %get3A_229] {strides = array<i32>} : memref<80x128xf32, #tpu.memory_space<vmem>>, vector<16xf32>,
        %add3A_231 = arith.addf %get3A_170, %get3A_230 : vector<16xf32>
        %mul3A_232 = arith.constant 2.000000e-01 : f32
        %mul3A_233 = vector.broadcast %mul3A_232 : f32 to vector<16xf32>
        %mul3A_234 = arith.mulf %mul3A_233, %add3A_231 : vector<16xf32>
        %max3A_235 = arith.maximumf %add3A_231, %mul3A_234 : vector<16xf32>
        %mul3A_236 = arith.mulf %get3A_32, %max3A_235 : vector<16xf32>
        %add3A_237 = arith.addf %add3A_227, %mul3A_236 : vector<16xf32>
        %get3A_238 = arith.index_cast %scan3A_151 : i32 to index
        %get3A_239 = arith.constant 96 : index
        %get3A_240 = tpu.vector_load %arg12[%get3A_238, %get3A_239] {strides = array<i32>} : memref<80x128xf32, #tpu.memory_space<vmem>>, vector<16xf32>,
        %add3A_241 = arith.addf %get3A_173, %get3A_240 : vector<16xf32>
        %mul3A_242 = arith.constant 2.000000e-01 : f32
        %mul3A_243 = vector.broadcast %mul3A_242 : f32 to vector<16xf32>
        %mul3A_244 = arith.mulf %mul3A_243, %add3A_241 : vector<16xf32>
        %max3A_245 = arith.maximumf %add3A_241, %mul3A_244 : vector<16xf32>
        %mul3A_246 = arith.mulf %get3A_34, %max3A_245 : vector<16xf32>
        %add3A_247 = arith.addf %add3A_237, %mul3A_246 : vector<16xf32>
        %get3A_248 = arith.index_cast %scan3A_151 : i32 to index
        %get3A_249 = arith.constant 112 : index
        %get3A_250 = tpu.vector_load %arg12[%get3A_248, %get3A_249] {strides = array<i32>} : memref<80x128xf32, #tpu.memory_space<vmem>>, vector<16xf32>,
        %add3A_251 = arith.addf %get3A_176, %get3A_250 : vector<16xf32>
        %mul3A_252 = arith.constant 2.000000e-01 : f32
        %mul3A_253 = vector.broadcast %mul3A_252 : f32 to vector<16xf32>
        %mul3A_254 = arith.mulf %mul3A_253, %add3A_251 : vector<16xf32>
        %max3A_255 = arith.maximumf %add3A_251, %mul3A_254 : vector<16xf32>
        %mul3A_256 = arith.mulf %get3A_36, %max3A_255 : vector<16xf32>
        %add3A_257 = arith.addf %add3A_247, %mul3A_256 : vector<16xf32>
        %iota3A = tpu.iota {dimensions = array<i32: 0>} : vector<16xi32>
        %xor3A = arith.constant 1 : i32
        %xor3A_258 = vector.broadcast %xor3A : i32 to vector<16xi32>
        %xor3A_259 = arith.xori %iota3A, %xor3A_258 : vector<16xi32>
        %lt3A_260 = arith.constant 0 : i32
        %lt3A_261 = vector.broadcast %lt3A_260 : i32 to vector<16xi32>
        %lt3A_262 = arith.cmpi slt, %xor3A_259, %lt3A_261 : vector<16xi32>
        %add3A_263 = arith.constant 16 : i32
        %add3A_264 = vector.broadcast %add3A_263 : i32 to vector<16xi32>
        %add3A_265 = arith.addi %xor3A_259, %add3A_264 : vector<16xi32>
        %select_n3A = arith.select %lt3A_262, %add3A_265, %xor3A_259 : vector<16xi1>, vector<16xi32>
        %reshape3A = vector.shape_cast %select_n3A : vector<16xi32> to vector<16x1xi32>
        %gather3A = vector.shape_cast %reshape3A : vector<16x1xi32> to vector<16xi32>
        %gather3A_266 = tpu.dynamic_gather %add3A_257[%gather3A] in [0] : vector<16xf32>, vector<16xi32> -> vector<16xf32>
        %add3A_267 = arith.addf %add3A_257, %gather3A_266 : vector<16xf32>
        %xor3A_268 = arith.constant 2 : i32
        %xor3A_269 = vector.broadcast %xor3A_268 : i32 to vector<16xi32>
        %xor3A_270 = arith.xori %iota3A, %xor3A_269 : vector<16xi32>
        %lt3A_271 = arith.constant 0 : i32
        %lt3A_272 = vector.broadcast %lt3A_271 : i32 to vector<16xi32>
        %lt3A_273 = arith.cmpi slt, %xor3A_270, %lt3A_272 : vector<16xi32>
        %add3A_274 = arith.constant 16 : i32
        %add3A_275 = vector.broadcast %add3A_274 : i32 to vector<16xi32>
        %add3A_276 = arith.addi %xor3A_270, %add3A_275 : vector<16xi32>
        %select_n3A_277 = arith.select %lt3A_273, %add3A_276, %xor3A_270 : vector<16xi1>, vector<16xi32>
        %reshape3A_278 = vector.shape_cast %select_n3A_277 : vector<16xi32> to vector<16x1xi32>
        %gather3A_279 = vector.shape_cast %reshape3A_278 : vector<16x1xi32> to vector<16xi32>
        %gather3A_280 = tpu.dynamic_gather %add3A_267[%gather3A_279] in [0] : vector<16xf32>, vector<16xi32> -> vector<16xf32>
        %add3A_281 = arith.addf %add3A_267, %gather3A_280 : vector<16xf32>
        %xor3A_282 = arith.constant 4 : i32
        %xor3A_283 = vector.broadcast %xor3A_282 : i32 to vector<16xi32>
        %xor3A_284 = arith.xori %iota3A, %xor3A_283 : vector<16xi32>
        %lt3A_285 = arith.constant 0 : i32
        %lt3A_286 = vector.broadcast %lt3A_285 : i32 to vector<16xi32>
        %lt3A_287 = arith.cmpi slt, %xor3A_284, %lt3A_286 : vector<16xi32>
        %add3A_288 = arith.constant 16 : i32
        %add3A_289 = vector.broadcast %add3A_288 : i32 to vector<16xi32>
        %add3A_290 = arith.addi %xor3A_284, %add3A_289 : vector<16xi32>
        %select_n3A_291 = arith.select %lt3A_287, %add3A_290, %xor3A_284 : vector<16xi1>, vector<16xi32>
        %reshape3A_292 = vector.shape_cast %select_n3A_291 : vector<16xi32> to vector<16x1xi32>
        %gather3A_293 = vector.shape_cast %reshape3A_292 : vector<16x1xi32> to vector<16xi32>
        %gather3A_294 = tpu.dynamic_gather %add3A_281[%gather3A_293] in [0] : vector<16xf32>, vector<16xi32> -> vector<16xf32>
        %add3A_295 = arith.addf %add3A_281, %gather3A_294 : vector<16xf32>
        %xor3A_296 = arith.constant 8 : i32
        %xor3A_297 = vector.broadcast %xor3A_296 : i32 to vector<16xi32>
        %xor3A_298 = arith.xori %iota3A, %xor3A_297 : vector<16xi32>
        %lt3A_299 = arith.constant 0 : i32
        %lt3A_300 = vector.broadcast %lt3A_299 : i32 to vector<16xi32>
        %lt3A_301 = arith.cmpi slt, %xor3A_298, %lt3A_300 : vector<16xi32>
        %add3A_302 = arith.constant 16 : i32
        %add3A_303 = vector.broadcast %add3A_302 : i32 to vector<16xi32>
        %add3A_304 = arith.addi %xor3A_298, %add3A_303 : vector<16xi32>
        %select_n3A_305 = arith.select %lt3A_301, %add3A_304, %xor3A_298 : vector<16xi1>, vector<16xi32>
        %reshape3A_306 = vector.shape_cast %select_n3A_305 : vector<16xi32> to vector<16x1xi32>
        %gather3A_307 = vector.shape_cast %reshape3A_306 : vector<16x1xi32> to vector<16xi32>
        %gather3A_308 = tpu.dynamic_gather %add3A_295[%gather3A_307] in [0] : vector<16xf32>, vector<16xi32> -> vector<16xf32>
        %add3A_309 = arith.addf %add3A_295, %gather3A_308 : vector<16xf32>
        %exp3A = math.exp %add3A_309 : vector<16xf32>
        %eq3A = arith.constant 0 : i32
        %eq3A_310 = vector.broadcast %eq3A : i32 to vector<16xi32>
        %eq3A_311 = arith.cmpi eq, %iota3A, %eq3A_310 : vector<16xi32>
        %broadcast_in_dim3A_312 = vector.broadcast %scan3A_151 : i32 to vector<16xi32>
        tpu.vector_store_idx %arg17[%broadcast_in_dim3A_312], %exp3A masked %eq3A_311 : memref<80xf32, #tpu.memory_space<vmem>>[vector<16xi32>], vector<16xf32>, vector<16xi1>
        %mul3A_313 = arith.mulf %get3A_155, %exp3A : vector<16xf32>
        %swap3A = arith.index_cast %scan3A_151 : i32 to index
        %swap3A_314 = arith.constant 0 : index
        %swap3A_315 = tpu.vector_load %arg11[%swap3A, %swap3A_314] {strides = array<i32>} : memref<80x128xf32, #tpu.memory_space<vmem>>, vector<16xf32>,
        tpu.vector_store %arg11[%swap3A, %swap3A_314], %mul3A_313 {strides = array<i32>} : memref<80x128xf32, #tpu.memory_space<vmem>>, vector<16xf32>,
        %mul3A_316 = arith.mulf %get3A_158, %exp3A : vector<16xf32>
        %swap3A_317 = arith.index_cast %scan3A_151 : i32 to index
        %swap3A_318 = arith.constant 16 : index
        %swap3A_319 = tpu.vector_load %arg11[%swap3A_317, %swap3A_318] {strides = array<i32>} : memref<80x128xf32, #tpu.memory_space<vmem>>, vector<16xf32>,
        tpu.vector_store %arg11[%swap3A_317, %swap3A_318], %mul3A_316 {strides = array<i32>} : memref<80x128xf32, #tpu.memory_space<vmem>>, vector<16xf32>,
        %mul3A_320 = arith.mulf %get3A_161, %exp3A : vector<16xf32>
        %swap3A_321 = arith.index_cast %scan3A_151 : i32 to index
        %swap3A_322 = arith.constant 32 : index
        %swap3A_323 = tpu.vector_load %arg11[%swap3A_321, %swap3A_322] {strides = array<i32>} : memref<80x128xf32, #tpu.memory_space<vmem>>, vector<16xf32>,
        tpu.vector_store %arg11[%swap3A_321, %swap3A_322], %mul3A_320 {strides = array<i32>} : memref<80x128xf32, #tpu.memory_space<vmem>>, vector<16xf32>,
        %mul3A_324 = arith.mulf %get3A_164, %exp3A : vector<16xf32>
        %swap3A_325 = arith.index_cast %scan3A_151 : i32 to index
        %swap3A_326 = arith.constant 48 : index
        %swap3A_327 = tpu.vector_load %arg11[%swap3A_325, %swap3A_326] {strides = array<i32>} : memref<80x128xf32, #tpu.memory_space<vmem>>, vector<16xf32>,
        tpu.vector_store %arg11[%swap3A_325, %swap3A_326], %mul3A_324 {strides = array<i32>} : memref<80x128xf32, #tpu.memory_space<vmem>>, vector<16xf32>,
        %mul3A_328 = arith.mulf %get3A_167, %exp3A : vector<16xf32>
        %swap3A_329 = arith.index_cast %scan3A_151 : i32 to index
        %swap3A_330 = arith.constant 64 : index
        %swap3A_331 = tpu.vector_load %arg11[%swap3A_329, %swap3A_330] {strides = array<i32>} : memref<80x128xf32, #tpu.memory_space<vmem>>, vector<16xf32>,
        tpu.vector_store %arg11[%swap3A_329, %swap3A_330], %mul3A_328 {strides = array<i32>} : memref<80x128xf32, #tpu.memory_space<vmem>>, vector<16xf32>,
        %mul3A_332 = arith.mulf %get3A_170, %exp3A : vector<16xf32>
        %swap3A_333 = arith.index_cast %scan3A_151 : i32 to index
        %swap3A_334 = arith.constant 80 : index
        %swap3A_335 = tpu.vector_load %arg11[%swap3A_333, %swap3A_334] {strides = array<i32>} : memref<80x128xf32, #tpu.memory_space<vmem>>, vector<16xf32>,
        tpu.vector_store %arg11[%swap3A_333, %swap3A_334], %mul3A_332 {strides = array<i32>} : memref<80x128xf32, #tpu.memory_space<vmem>>, vector<16xf32>,
        %mul3A_336 = arith.mulf %get3A_173, %exp3A : vector<16xf32>
        %swap3A_337 = arith.index_cast %scan3A_151 : i32 to index
        %swap3A_338 = arith.constant 96 : index
        %swap3A_339 = tpu.vector_load %arg11[%swap3A_337, %swap3A_338] {strides = array<i32>} : memref<80x128xf32, #tpu.memory_space<vmem>>, vector<16xf32>,
        tpu.vector_store %arg11[%swap3A_337, %swap3A_338], %mul3A_336 {strides = array<i32>} : memref<80x128xf32, #tpu.memory_space<vmem>>, vector<16xf32>,
        %mul3A_340 = arith.mulf %get3A_176, %exp3A : vector<16xf32>
        %swap3A_341 = arith.index_cast %scan3A_151 : i32 to index
        %swap3A_342 = arith.constant 112 : index
        %swap3A_343 = tpu.vector_load %arg11[%swap3A_341, %swap3A_342] {strides = array<i32>} : memref<80x128xf32, #tpu.memory_space<vmem>>, vector<16xf32>,
        tpu.vector_store %arg11[%swap3A_341, %swap3A_342], %mul3A_340 {strides = array<i32>} : memref<80x128xf32, #tpu.memory_space<vmem>>, vector<16xf32>,
        %scan3A_344 = arith.constant 0 : i32
        scf.yield %scan3A_344 : i32
      }
      %scan3A_117 = arith.constant 80 : i32
      "tpu.region"() ({
        %run_scoped3A = tpu.sem_alloc : memref<!tpu.dma_semaphore, #tpu.memory_space<semaphore_mem>>
        %dma_start3A_151 = arith.constant 0 : i32
        %dma_start3A_152 = tpu.memref_slice %arg22[%dma_start3A_151] : memref<10000xf32, #tpu.memory_space<vmem_shared>> -> memref<10000xf32, #tpu.memory_space<vmem_shared>>
        tpu.enqueue_indirect_dma source(%arg17 : memref<80xf32, #tpu.memory_space<vmem>>) target(%dma_start3A_152 : memref<10000xf32, #tpu.memory_space<vmem_shared>>) offsets(%arg10 : memref<80xi32, #tpu.memory_space<vmem>>) semaphore(%run_scoped3A : memref<!tpu.dma_semaphore, #tpu.memory_space<semaphore_mem>>) {add = true}
        %dma_wait3A_153 = arith.constant 0 : i32
        %dma_wait3A_154 = tpu.memref_slice %arg22[%dma_wait3A_153] : memref<10000xf32, #tpu.memory_space<vmem_shared>> -> memref<10000xf32, #tpu.memory_space<vmem_shared>>
        tpu.wait_indirect_dma semaphore(%run_scoped3A : memref<!tpu.dma_semaphore, #tpu.memory_space<semaphore_mem>>) src(%arg17 : memref<80xf32, #tpu.memory_space<vmem>>) dst(%dma_wait3A_154 : memref<10000xf32, #tpu.memory_space<vmem_shared>>)
        tpu.yield
      }) : () -> ()
      "tpu.region"() ({
        %run_scoped3A = tpu.sem_alloc : memref<!tpu.dma_semaphore, #tpu.memory_space<semaphore_mem>>
        %dma_start3A_151 = arith.constant 0 : i32
        %dma_start3A_152 = arith.constant 0 : i32
        %dma_start3A_153 = tpu.memref_slice %arg21[%dma_start3A_151, %dma_start3A_152] : memref<10000x128xf32, #tpu.memory_space<vmem_shared>> -> memref<10000x128xf32, #tpu.memory_space<vmem_shared>>
        tpu.enqueue_indirect_dma source(%arg11 : memref<80x128xf32, #tpu.memory_space<vmem>>) target(%dma_start3A_153 : memref<10000x128xf32, #tpu.memory_space<vmem_shared>>) offsets(%arg10 : memref<80xi32, #tpu.memory_space<vmem>>) semaphore(%run_scoped3A : memref<!tpu.dma_semaphore, #tpu.memory_space<semaphore_mem>>) {add = true}
        %dma_wait3A_154 = arith.constant 0 : i32
        %dma_wait3A_155 = arith.constant 0 : i32
        %dma_wait3A_156 = tpu.memref_slice %arg21[%dma_wait3A_154, %dma_wait3A_155] : memref<10000x128xf32, #tpu.memory_space<vmem_shared>> -> memref<10000x128xf32, #tpu.memory_space<vmem_shared>>
        tpu.wait_indirect_dma semaphore(%run_scoped3A : memref<!tpu.dma_semaphore, #tpu.memory_space<semaphore_mem>>) src(%arg11 : memref<80x128xf32, #tpu.memory_space<vmem>>) dst(%dma_wait3A_156 : memref<10000x128xf32, #tpu.memory_space<vmem_shared>>)
        tpu.yield
      }) : () -> ()
      %add3A_118 = arith.constant 2 : i32
      %add3A_119 = arith.addi %mul3A_85, %add3A_118 : i32
      %mul3A_120 = arith.constant 10000 : i32
      %mul3A_121 = arith.muli %add3A, %mul3A_120 : i32
      %mul3A_122 = arith.constant 80 : i32
      %mul3A_123 = arith.muli %add3A_119, %mul3A_122 : i32
      %add3A_124 = arith.addi %mul3A_121, %mul3A_123 : i32
      "tpu.region"() ({
        %run_scoped3A = tpu.sem_alloc : memref<!tpu.dma_semaphore, #tpu.memory_space<semaphore_mem>>
        %dma_start3A_151 = tpu.memref_slice %arg4[%add3A_124] : memref<320000xi32, #tpu.memory_space<hbm>> -> memref<80xi32, #tpu.memory_space<hbm>>
        %dma_start3A_152 = tpu.memref_slice %arg4[%add3A_124] : memref<320000xi32, #tpu.memory_space<hbm>> -> memref<80xi32, #tpu.memory_space<hbm>>
        tpu.enqueue_dma source(%dma_start3A_152 : memref<80xi32, #tpu.memory_space<hbm>>) target(%arg9 : memref<80xi32, #tpu.memory_space<vmem>>) target_semaphore(%run_scoped3A : memref<!tpu.dma_semaphore, #tpu.memory_space<semaphore_mem>>)
        %dma_wait3A_153 = tpu.memref_slice %arg4[%add3A_124] : memref<320000xi32, #tpu.memory_space<hbm>> -> memref<80xi32, #tpu.memory_space<hbm>>
        %dma_wait3A_154 = tpu.memref_slice %arg4[%add3A_124] : memref<320000xi32, #tpu.memory_space<hbm>> -> memref<80xi32, #tpu.memory_space<hbm>>
        tpu.wait_dma2 semaphore(%run_scoped3A : memref<!tpu.dma_semaphore, #tpu.memory_space<semaphore_mem>>) src(%dma_wait3A_154 : memref<80xi32, #tpu.memory_space<hbm>>) dst(%arg9 : memref<80xi32, #tpu.memory_space<vmem>>)
        tpu.yield
      }) : () -> ()
      "tpu.region"() ({
        %run_scoped3A = tpu.sem_alloc : memref<!tpu.dma_semaphore, #tpu.memory_space<semaphore_mem>>
        %dma_start3A_151 = tpu.memref_slice %arg5[%add3A_124] : memref<320000xi32, #tpu.memory_space<hbm>> -> memref<80xi32, #tpu.memory_space<hbm>>
        %dma_start3A_152 = tpu.memref_slice %arg5[%add3A_124] : memref<320000xi32, #tpu.memory_space<hbm>> -> memref<80xi32, #tpu.memory_space<hbm>>
        tpu.enqueue_dma source(%dma_start3A_152 : memref<80xi32, #tpu.memory_space<hbm>>) target(%arg10 : memref<80xi32, #tpu.memory_space<vmem>>) target_semaphore(%run_scoped3A : memref<!tpu.dma_semaphore, #tpu.memory_space<semaphore_mem>>)
        %dma_wait3A_153 = tpu.memref_slice %arg5[%add3A_124] : memref<320000xi32, #tpu.memory_space<hbm>> -> memref<80xi32, #tpu.memory_space<hbm>>
        %dma_wait3A_154 = tpu.memref_slice %arg5[%add3A_124] : memref<320000xi32, #tpu.memory_space<hbm>> -> memref<80xi32, #tpu.memory_space<hbm>>
        tpu.wait_dma2 semaphore(%run_scoped3A : memref<!tpu.dma_semaphore, #tpu.memory_space<semaphore_mem>>) src(%dma_wait3A_154 : memref<80xi32, #tpu.memory_space<hbm>>) dst(%arg10 : memref<80xi32, #tpu.memory_space<vmem>>)
        tpu.yield
      }) : () -> ()
      %dma_start3A_125 = arith.constant 0 : i32
      %dma_start3A_126 = arith.constant 0 : i32
      %dma_start3A_127 = tpu.memref_slice %arg2[%dma_start3A_125, %dma_start3A_126] : memref<10000x128xf32, #tpu.memory_space<hbm>> -> memref<10000x128xf32, #tpu.memory_space<hbm>>
      tpu.enqueue_indirect_dma source(%dma_start3A_127 : memref<10000x128xf32, #tpu.memory_space<hbm>>) target(%arg11 : memref<80x128xf32, #tpu.memory_space<vmem>>) offsets(%arg9 : memref<80xi32, #tpu.memory_space<vmem>>) semaphore(%arg23 : memref<!tpu.dma_semaphore, #tpu.memory_space<semaphore_mem>>)
      %dma_start3A_128 = arith.constant 0 : i32
      %dma_start3A_129 = arith.constant 0 : i32
      %dma_start3A_130 = tpu.memref_slice %arg3[%dma_start3A_128, %dma_start3A_129] : memref<10000x128xf32, #tpu.memory_space<hbm>> -> memref<10000x128xf32, #tpu.memory_space<hbm>>
      tpu.enqueue_indirect_dma source(%dma_start3A_130 : memref<10000x128xf32, #tpu.memory_space<hbm>>) target(%arg12 : memref<80x128xf32, #tpu.memory_space<vmem>>) offsets(%arg10 : memref<80xi32, #tpu.memory_space<vmem>>) semaphore(%arg23 : memref<!tpu.dma_semaphore, #tpu.memory_space<semaphore_mem>>)
      %dma_wait3A_131 = arith.constant 0 : i32
      %dma_wait3A_132 = arith.constant 0 : i32
      %dma_wait3A_133 = tpu.memref_slice %arg2[%dma_wait3A_131, %dma_wait3A_132] : memref<10000x128xf32, #tpu.memory_space<hbm>> -> memref<80x128xf32, #tpu.memory_space<hbm>>
      %dma_wait3A_134 = arith.constant 0 : i32
      %dma_wait3A_135 = arith.constant 0 : i32
      %dma_wait3A_136 = tpu.memref_slice %arg2[%dma_wait3A_134, %dma_wait3A_135] : memref<10000x128xf32, #tpu.memory_space<hbm>> -> memref<80x128xf32, #tpu.memory_space<hbm>>
      tpu.wait_dma2 semaphore(%arg24 : memref<!tpu.dma_semaphore, #tpu.memory_space<semaphore_mem>>) src(%dma_wait3A_136 : memref<80x128xf32, #tpu.memory_space<hbm>>) dst(%arg15 : memref<80x128xf32, #tpu.memory_space<vmem>>)
      %dma_wait3A_137 = arith.constant 0 : i32
      %dma_wait3A_138 = arith.constant 0 : i32
      %dma_wait3A_139 = tpu.memref_slice %arg3[%dma_wait3A_137, %dma_wait3A_138] : memref<10000x128xf32, #tpu.memory_space<hbm>> -> memref<80x128xf32, #tpu.memory_space<hbm>>
      %dma_wait3A_140 = arith.constant 0 : i32
      %dma_wait3A_141 = arith.constant 0 : i32
      %dma_wait3A_142 = tpu.memref_slice %arg3[%dma_wait3A_140, %dma_wait3A_141] : memref<10000x128xf32, #tpu.memory_space<hbm>> -> memref<80x128xf32, #tpu.memory_space<hbm>>
      tpu.wait_dma2 semaphore(%arg24 : memref<!tpu.dma_semaphore, #tpu.memory_space<semaphore_mem>>) src(%dma_wait3A_142 : memref<80x128xf32, #tpu.memory_space<hbm>>) dst(%arg16 : memref<80x128xf32, #tpu.memory_space<vmem>>)
      %scan3A_143 = arith.constant 0 : i32
      %scan3A_144 = arith.constant 0 : i32
      %scan3A_145 = arith.constant 80 : i32
      %scan3A_146 = arith.addi %scan3A_144, %scan3A_145 : i32
      %scan3A_147 = arith.constant 1 : i32
      %scan3A_148 = scf.for %scan3A_151 = %scan3A_144 to %scan3A_146 step %scan3A_147 iter_args(%scan3A_152 = %scan3A_143) -> (i32)  : i32 {
        %get3A_153 = arith.index_cast %scan3A_151 : i32 to index
        %get3A_154 = arith.constant 0 : index
        %get3A_155 = tpu.vector_load %arg15[%get3A_153, %get3A_154] {strides = array<i32>} : memref<80x128xf32, #tpu.memory_space<vmem>>, vector<16xf32>,
        %get3A_156 = arith.index_cast %scan3A_151 : i32 to index
        %get3A_157 = arith.constant 16 : index
        %get3A_158 = tpu.vector_load %arg15[%get3A_156, %get3A_157] {strides = array<i32>} : memref<80x128xf32, #tpu.memory_space<vmem>>, vector<16xf32>,
        %get3A_159 = arith.index_cast %scan3A_151 : i32 to index
        %get3A_160 = arith.constant 32 : index
        %get3A_161 = tpu.vector_load %arg15[%get3A_159, %get3A_160] {strides = array<i32>} : memref<80x128xf32, #tpu.memory_space<vmem>>, vector<16xf32>,
        %get3A_162 = arith.index_cast %scan3A_151 : i32 to index
        %get3A_163 = arith.constant 48 : index
        %get3A_164 = tpu.vector_load %arg15[%get3A_162, %get3A_163] {strides = array<i32>} : memref<80x128xf32, #tpu.memory_space<vmem>>, vector<16xf32>,
        %get3A_165 = arith.index_cast %scan3A_151 : i32 to index
        %get3A_166 = arith.constant 64 : index
        %get3A_167 = tpu.vector_load %arg15[%get3A_165, %get3A_166] {strides = array<i32>} : memref<80x128xf32, #tpu.memory_space<vmem>>, vector<16xf32>,
        %get3A_168 = arith.index_cast %scan3A_151 : i32 to index
        %get3A_169 = arith.constant 80 : index
        %get3A_170 = tpu.vector_load %arg15[%get3A_168, %get3A_169] {strides = array<i32>} : memref<80x128xf32, #tpu.memory_space<vmem>>, vector<16xf32>,
        %get3A_171 = arith.index_cast %scan3A_151 : i32 to index
        %get3A_172 = arith.constant 96 : index
        %get3A_173 = tpu.vector_load %arg15[%get3A_171, %get3A_172] {strides = array<i32>} : memref<80x128xf32, #tpu.memory_space<vmem>>, vector<16xf32>,
        %get3A_174 = arith.index_cast %scan3A_151 : i32 to index
        %get3A_175 = arith.constant 112 : index
        %get3A_176 = tpu.vector_load %arg15[%get3A_174, %get3A_175] {strides = array<i32>} : memref<80x128xf32, #tpu.memory_space<vmem>>, vector<16xf32>,
        %broadcast_in_dim3A_177 = arith.constant 0.000000e+00 : f32
        %broadcast_in_dim3A_178 = vector.broadcast %broadcast_in_dim3A_177 : f32 to vector<16xf32>
        %get3A_179 = arith.index_cast %scan3A_151 : i32 to index
        %get3A_180 = arith.constant 0 : index
        %get3A_181 = tpu.vector_load %arg16[%get3A_179, %get3A_180] {strides = array<i32>} : memref<80x128xf32, #tpu.memory_space<vmem>>, vector<16xf32>,
        %add3A_182 = arith.addf %get3A_155, %get3A_181 : vector<16xf32>
        %mul3A_183 = arith.constant 2.000000e-01 : f32
        %mul3A_184 = vector.broadcast %mul3A_183 : f32 to vector<16xf32>
        %mul3A_185 = arith.mulf %mul3A_184, %add3A_182 : vector<16xf32>
        %max3A = arith.maximumf %add3A_182, %mul3A_185 : vector<16xf32>
        %mul3A_186 = arith.mulf %get3A_22, %max3A : vector<16xf32>
        %add3A_187 = arith.addf %broadcast_in_dim3A_178, %mul3A_186 : vector<16xf32>
        %get3A_188 = arith.index_cast %scan3A_151 : i32 to index
        %get3A_189 = arith.constant 16 : index
        %get3A_190 = tpu.vector_load %arg16[%get3A_188, %get3A_189] {strides = array<i32>} : memref<80x128xf32, #tpu.memory_space<vmem>>, vector<16xf32>,
        %add3A_191 = arith.addf %get3A_158, %get3A_190 : vector<16xf32>
        %mul3A_192 = arith.constant 2.000000e-01 : f32
        %mul3A_193 = vector.broadcast %mul3A_192 : f32 to vector<16xf32>
        %mul3A_194 = arith.mulf %mul3A_193, %add3A_191 : vector<16xf32>
        %max3A_195 = arith.maximumf %add3A_191, %mul3A_194 : vector<16xf32>
        %mul3A_196 = arith.mulf %get3A_24, %max3A_195 : vector<16xf32>
        %add3A_197 = arith.addf %add3A_187, %mul3A_196 : vector<16xf32>
        %get3A_198 = arith.index_cast %scan3A_151 : i32 to index
        %get3A_199 = arith.constant 32 : index
        %get3A_200 = tpu.vector_load %arg16[%get3A_198, %get3A_199] {strides = array<i32>} : memref<80x128xf32, #tpu.memory_space<vmem>>, vector<16xf32>,
        %add3A_201 = arith.addf %get3A_161, %get3A_200 : vector<16xf32>
        %mul3A_202 = arith.constant 2.000000e-01 : f32
        %mul3A_203 = vector.broadcast %mul3A_202 : f32 to vector<16xf32>
        %mul3A_204 = arith.mulf %mul3A_203, %add3A_201 : vector<16xf32>
        %max3A_205 = arith.maximumf %add3A_201, %mul3A_204 : vector<16xf32>
        %mul3A_206 = arith.mulf %get3A_26, %max3A_205 : vector<16xf32>
        %add3A_207 = arith.addf %add3A_197, %mul3A_206 : vector<16xf32>
        %get3A_208 = arith.index_cast %scan3A_151 : i32 to index
        %get3A_209 = arith.constant 48 : index
        %get3A_210 = tpu.vector_load %arg16[%get3A_208, %get3A_209] {strides = array<i32>} : memref<80x128xf32, #tpu.memory_space<vmem>>, vector<16xf32>,
        %add3A_211 = arith.addf %get3A_164, %get3A_210 : vector<16xf32>
        %mul3A_212 = arith.constant 2.000000e-01 : f32
        %mul3A_213 = vector.broadcast %mul3A_212 : f32 to vector<16xf32>
        %mul3A_214 = arith.mulf %mul3A_213, %add3A_211 : vector<16xf32>
        %max3A_215 = arith.maximumf %add3A_211, %mul3A_214 : vector<16xf32>
        %mul3A_216 = arith.mulf %get3A_28, %max3A_215 : vector<16xf32>
        %add3A_217 = arith.addf %add3A_207, %mul3A_216 : vector<16xf32>
        %get3A_218 = arith.index_cast %scan3A_151 : i32 to index
        %get3A_219 = arith.constant 64 : index
        %get3A_220 = tpu.vector_load %arg16[%get3A_218, %get3A_219] {strides = array<i32>} : memref<80x128xf32, #tpu.memory_space<vmem>>, vector<16xf32>,
        %add3A_221 = arith.addf %get3A_167, %get3A_220 : vector<16xf32>
        %mul3A_222 = arith.constant 2.000000e-01 : f32
        %mul3A_223 = vector.broadcast %mul3A_222 : f32 to vector<16xf32>
        %mul3A_224 = arith.mulf %mul3A_223, %add3A_221 : vector<16xf32>
        %max3A_225 = arith.maximumf %add3A_221, %mul3A_224 : vector<16xf32>
        %mul3A_226 = arith.mulf %get3A_30, %max3A_225 : vector<16xf32>
        %add3A_227 = arith.addf %add3A_217, %mul3A_226 : vector<16xf32>
        %get3A_228 = arith.index_cast %scan3A_151 : i32 to index
        %get3A_229 = arith.constant 80 : index
        %get3A_230 = tpu.vector_load %arg16[%get3A_228, %get3A_229] {strides = array<i32>} : memref<80x128xf32, #tpu.memory_space<vmem>>, vector<16xf32>,
        %add3A_231 = arith.addf %get3A_170, %get3A_230 : vector<16xf32>
        %mul3A_232 = arith.constant 2.000000e-01 : f32
        %mul3A_233 = vector.broadcast %mul3A_232 : f32 to vector<16xf32>
        %mul3A_234 = arith.mulf %mul3A_233, %add3A_231 : vector<16xf32>
        %max3A_235 = arith.maximumf %add3A_231, %mul3A_234 : vector<16xf32>
        %mul3A_236 = arith.mulf %get3A_32, %max3A_235 : vector<16xf32>
        %add3A_237 = arith.addf %add3A_227, %mul3A_236 : vector<16xf32>
        %get3A_238 = arith.index_cast %scan3A_151 : i32 to index
        %get3A_239 = arith.constant 96 : index
        %get3A_240 = tpu.vector_load %arg16[%get3A_238, %get3A_239] {strides = array<i32>} : memref<80x128xf32, #tpu.memory_space<vmem>>, vector<16xf32>,
        %add3A_241 = arith.addf %get3A_173, %get3A_240 : vector<16xf32>
        %mul3A_242 = arith.constant 2.000000e-01 : f32
        %mul3A_243 = vector.broadcast %mul3A_242 : f32 to vector<16xf32>
        %mul3A_244 = arith.mulf %mul3A_243, %add3A_241 : vector<16xf32>
        %max3A_245 = arith.maximumf %add3A_241, %mul3A_244 : vector<16xf32>
        %mul3A_246 = arith.mulf %get3A_34, %max3A_245 : vector<16xf32>
        %add3A_247 = arith.addf %add3A_237, %mul3A_246 : vector<16xf32>
        %get3A_248 = arith.index_cast %scan3A_151 : i32 to index
        %get3A_249 = arith.constant 112 : index
        %get3A_250 = tpu.vector_load %arg16[%get3A_248, %get3A_249] {strides = array<i32>} : memref<80x128xf32, #tpu.memory_space<vmem>>, vector<16xf32>,
        %add3A_251 = arith.addf %get3A_176, %get3A_250 : vector<16xf32>
        %mul3A_252 = arith.constant 2.000000e-01 : f32
        %mul3A_253 = vector.broadcast %mul3A_252 : f32 to vector<16xf32>
        %mul3A_254 = arith.mulf %mul3A_253, %add3A_251 : vector<16xf32>
        %max3A_255 = arith.maximumf %add3A_251, %mul3A_254 : vector<16xf32>
        %mul3A_256 = arith.mulf %get3A_36, %max3A_255 : vector<16xf32>
        %add3A_257 = arith.addf %add3A_247, %mul3A_256 : vector<16xf32>
        %iota3A = tpu.iota {dimensions = array<i32: 0>} : vector<16xi32>
        %xor3A = arith.constant 1 : i32
        %xor3A_258 = vector.broadcast %xor3A : i32 to vector<16xi32>
        %xor3A_259 = arith.xori %iota3A, %xor3A_258 : vector<16xi32>
        %lt3A_260 = arith.constant 0 : i32
        %lt3A_261 = vector.broadcast %lt3A_260 : i32 to vector<16xi32>
        %lt3A_262 = arith.cmpi slt, %xor3A_259, %lt3A_261 : vector<16xi32>
        %add3A_263 = arith.constant 16 : i32
        %add3A_264 = vector.broadcast %add3A_263 : i32 to vector<16xi32>
        %add3A_265 = arith.addi %xor3A_259, %add3A_264 : vector<16xi32>
        %select_n3A = arith.select %lt3A_262, %add3A_265, %xor3A_259 : vector<16xi1>, vector<16xi32>
        %reshape3A = vector.shape_cast %select_n3A : vector<16xi32> to vector<16x1xi32>
        %gather3A = vector.shape_cast %reshape3A : vector<16x1xi32> to vector<16xi32>
        %gather3A_266 = tpu.dynamic_gather %add3A_257[%gather3A] in [0] : vector<16xf32>, vector<16xi32> -> vector<16xf32>
        %add3A_267 = arith.addf %add3A_257, %gather3A_266 : vector<16xf32>
        %xor3A_268 = arith.constant 2 : i32
        %xor3A_269 = vector.broadcast %xor3A_268 : i32 to vector<16xi32>
        %xor3A_270 = arith.xori %iota3A, %xor3A_269 : vector<16xi32>
        %lt3A_271 = arith.constant 0 : i32
        %lt3A_272 = vector.broadcast %lt3A_271 : i32 to vector<16xi32>
        %lt3A_273 = arith.cmpi slt, %xor3A_270, %lt3A_272 : vector<16xi32>
        %add3A_274 = arith.constant 16 : i32
        %add3A_275 = vector.broadcast %add3A_274 : i32 to vector<16xi32>
        %add3A_276 = arith.addi %xor3A_270, %add3A_275 : vector<16xi32>
        %select_n3A_277 = arith.select %lt3A_273, %add3A_276, %xor3A_270 : vector<16xi1>, vector<16xi32>
        %reshape3A_278 = vector.shape_cast %select_n3A_277 : vector<16xi32> to vector<16x1xi32>
        %gather3A_279 = vector.shape_cast %reshape3A_278 : vector<16x1xi32> to vector<16xi32>
        %gather3A_280 = tpu.dynamic_gather %add3A_267[%gather3A_279] in [0] : vector<16xf32>, vector<16xi32> -> vector<16xf32>
        %add3A_281 = arith.addf %add3A_267, %gather3A_280 : vector<16xf32>
        %xor3A_282 = arith.constant 4 : i32
        %xor3A_283 = vector.broadcast %xor3A_282 : i32 to vector<16xi32>
        %xor3A_284 = arith.xori %iota3A, %xor3A_283 : vector<16xi32>
        %lt3A_285 = arith.constant 0 : i32
        %lt3A_286 = vector.broadcast %lt3A_285 : i32 to vector<16xi32>
        %lt3A_287 = arith.cmpi slt, %xor3A_284, %lt3A_286 : vector<16xi32>
        %add3A_288 = arith.constant 16 : i32
        %add3A_289 = vector.broadcast %add3A_288 : i32 to vector<16xi32>
        %add3A_290 = arith.addi %xor3A_284, %add3A_289 : vector<16xi32>
        %select_n3A_291 = arith.select %lt3A_287, %add3A_290, %xor3A_284 : vector<16xi1>, vector<16xi32>
        %reshape3A_292 = vector.shape_cast %select_n3A_291 : vector<16xi32> to vector<16x1xi32>
        %gather3A_293 = vector.shape_cast %reshape3A_292 : vector<16x1xi32> to vector<16xi32>
        %gather3A_294 = tpu.dynamic_gather %add3A_281[%gather3A_293] in [0] : vector<16xf32>, vector<16xi32> -> vector<16xf32>
        %add3A_295 = arith.addf %add3A_281, %gather3A_294 : vector<16xf32>
        %xor3A_296 = arith.constant 8 : i32
        %xor3A_297 = vector.broadcast %xor3A_296 : i32 to vector<16xi32>
        %xor3A_298 = arith.xori %iota3A, %xor3A_297 : vector<16xi32>
        %lt3A_299 = arith.constant 0 : i32
        %lt3A_300 = vector.broadcast %lt3A_299 : i32 to vector<16xi32>
        %lt3A_301 = arith.cmpi slt, %xor3A_298, %lt3A_300 : vector<16xi32>
        %add3A_302 = arith.constant 16 : i32
        %add3A_303 = vector.broadcast %add3A_302 : i32 to vector<16xi32>
        %add3A_304 = arith.addi %xor3A_298, %add3A_303 : vector<16xi32>
        %select_n3A_305 = arith.select %lt3A_301, %add3A_304, %xor3A_298 : vector<16xi1>, vector<16xi32>
        %reshape3A_306 = vector.shape_cast %select_n3A_305 : vector<16xi32> to vector<16x1xi32>
        %gather3A_307 = vector.shape_cast %reshape3A_306 : vector<16x1xi32> to vector<16xi32>
        %gather3A_308 = tpu.dynamic_gather %add3A_295[%gather3A_307] in [0] : vector<16xf32>, vector<16xi32> -> vector<16xf32>
        %add3A_309 = arith.addf %add3A_295, %gather3A_308 : vector<16xf32>
        %exp3A = math.exp %add3A_309 : vector<16xf32>
        %eq3A = arith.constant 0 : i32
        %eq3A_310 = vector.broadcast %eq3A : i32 to vector<16xi32>
        %eq3A_311 = arith.cmpi eq, %iota3A, %eq3A_310 : vector<16xi32>
        %broadcast_in_dim3A_312 = vector.broadcast %scan3A_151 : i32 to vector<16xi32>
        tpu.vector_store_idx %arg17[%broadcast_in_dim3A_312], %exp3A masked %eq3A_311 : memref<80xf32, #tpu.memory_space<vmem>>[vector<16xi32>], vector<16xf32>, vector<16xi1>
        %mul3A_313 = arith.mulf %get3A_155, %exp3A : vector<16xf32>
        %swap3A = arith.index_cast %scan3A_151 : i32 to index
        %swap3A_314 = arith.constant 0 : index
        %swap3A_315 = tpu.vector_load %arg15[%swap3A, %swap3A_314] {strides = array<i32>} : memref<80x128xf32, #tpu.memory_space<vmem>>, vector<16xf32>,
        tpu.vector_store %arg15[%swap3A, %swap3A_314], %mul3A_313 {strides = array<i32>} : memref<80x128xf32, #tpu.memory_space<vmem>>, vector<16xf32>,
        %mul3A_316 = arith.mulf %get3A_158, %exp3A : vector<16xf32>
        %swap3A_317 = arith.index_cast %scan3A_151 : i32 to index
        %swap3A_318 = arith.constant 16 : index
        %swap3A_319 = tpu.vector_load %arg15[%swap3A_317, %swap3A_318] {strides = array<i32>} : memref<80x128xf32, #tpu.memory_space<vmem>>, vector<16xf32>,
        tpu.vector_store %arg15[%swap3A_317, %swap3A_318], %mul3A_316 {strides = array<i32>} : memref<80x128xf32, #tpu.memory_space<vmem>>, vector<16xf32>,
        %mul3A_320 = arith.mulf %get3A_161, %exp3A : vector<16xf32>
        %swap3A_321 = arith.index_cast %scan3A_151 : i32 to index
        %swap3A_322 = arith.constant 32 : index
        %swap3A_323 = tpu.vector_load %arg15[%swap3A_321, %swap3A_322] {strides = array<i32>} : memref<80x128xf32, #tpu.memory_space<vmem>>, vector<16xf32>,
        tpu.vector_store %arg15[%swap3A_321, %swap3A_322], %mul3A_320 {strides = array<i32>} : memref<80x128xf32, #tpu.memory_space<vmem>>, vector<16xf32>,
        %mul3A_324 = arith.mulf %get3A_164, %exp3A : vector<16xf32>
        %swap3A_325 = arith.index_cast %scan3A_151 : i32 to index
        %swap3A_326 = arith.constant 48 : index
        %swap3A_327 = tpu.vector_load %arg15[%swap3A_325, %swap3A_326] {strides = array<i32>} : memref<80x128xf32, #tpu.memory_space<vmem>>, vector<16xf32>,
        tpu.vector_store %arg15[%swap3A_325, %swap3A_326], %mul3A_324 {strides = array<i32>} : memref<80x128xf32, #tpu.memory_space<vmem>>, vector<16xf32>,
        %mul3A_328 = arith.mulf %get3A_167, %exp3A : vector<16xf32>
        %swap3A_329 = arith.index_cast %scan3A_151 : i32 to index
        %swap3A_330 = arith.constant 64 : index
        %swap3A_331 = tpu.vector_load %arg15[%swap3A_329, %swap3A_330] {strides = array<i32>} : memref<80x128xf32, #tpu.memory_space<vmem>>, vector<16xf32>,
        tpu.vector_store %arg15[%swap3A_329, %swap3A_330], %mul3A_328 {strides = array<i32>} : memref<80x128xf32, #tpu.memory_space<vmem>>, vector<16xf32>,
        %mul3A_332 = arith.mulf %get3A_170, %exp3A : vector<16xf32>
        %swap3A_333 = arith.index_cast %scan3A_151 : i32 to index
        %swap3A_334 = arith.constant 80 : index
        %swap3A_335 = tpu.vector_load %arg15[%swap3A_333, %swap3A_334] {strides = array<i32>} : memref<80x128xf32, #tpu.memory_space<vmem>>, vector<16xf32>,
        tpu.vector_store %arg15[%swap3A_333, %swap3A_334], %mul3A_332 {strides = array<i32>} : memref<80x128xf32, #tpu.memory_space<vmem>>, vector<16xf32>,
        %mul3A_336 = arith.mulf %get3A_173, %exp3A : vector<16xf32>
        %swap3A_337 = arith.index_cast %scan3A_151 : i32 to index
        %swap3A_338 = arith.constant 96 : index
        %swap3A_339 = tpu.vector_load %arg15[%swap3A_337, %swap3A_338] {strides = array<i32>} : memref<80x128xf32, #tpu.memory_space<vmem>>, vector<16xf32>,
        tpu.vector_store %arg15[%swap3A_337, %swap3A_338], %mul3A_336 {strides = array<i32>} : memref<80x128xf32, #tpu.memory_space<vmem>>, vector<16xf32>,
        %mul3A_340 = arith.mulf %get3A_176, %exp3A : vector<16xf32>
        %swap3A_341 = arith.index_cast %scan3A_151 : i32 to index
        %swap3A_342 = arith.constant 112 : index
        %swap3A_343 = tpu.vector_load %arg15[%swap3A_341, %swap3A_342] {strides = array<i32>} : memref<80x128xf32, #tpu.memory_space<vmem>>, vector<16xf32>,
        tpu.vector_store %arg15[%swap3A_341, %swap3A_342], %mul3A_340 {strides = array<i32>} : memref<80x128xf32, #tpu.memory_space<vmem>>, vector<16xf32>,
        %scan3A_344 = arith.constant 0 : i32
        scf.yield %scan3A_344 : i32
      }
      %scan3A_149 = arith.constant 80 : i32
      "tpu.region"() ({
        %run_scoped3A = tpu.sem_alloc : memref<!tpu.dma_semaphore, #tpu.memory_space<semaphore_mem>>
        %dma_start3A_151 = arith.constant 0 : i32
        %dma_start3A_152 = tpu.memref_slice %arg22[%dma_start3A_151] : memref<10000xf32, #tpu.memory_space<vmem_shared>> -> memref<10000xf32, #tpu.memory_space<vmem_shared>>
        tpu.enqueue_indirect_dma source(%arg17 : memref<80xf32, #tpu.memory_space<vmem>>) target(%dma_start3A_152 : memref<10000xf32, #tpu.memory_space<vmem_shared>>) offsets(%arg14 : memref<80xi32, #tpu.memory_space<vmem>>) semaphore(%run_scoped3A : memref<!tpu.dma_semaphore, #tpu.memory_space<semaphore_mem>>) {add = true}
        %dma_wait3A_153 = arith.constant 0 : i32
        %dma_wait3A_154 = tpu.memref_slice %arg22[%dma_wait3A_153] : memref<10000xf32, #tpu.memory_space<vmem_shared>> -> memref<10000xf32, #tpu.memory_space<vmem_shared>>
        tpu.wait_indirect_dma semaphore(%run_scoped3A : memref<!tpu.dma_semaphore, #tpu.memory_space<semaphore_mem>>) src(%arg17 : memref<80xf32, #tpu.memory_space<vmem>>) dst(%dma_wait3A_154 : memref<10000xf32, #tpu.memory_space<vmem_shared>>)
        tpu.yield
      }) : () -> ()
      "tpu.region"() ({
        %run_scoped3A = tpu.sem_alloc : memref<!tpu.dma_semaphore, #tpu.memory_space<semaphore_mem>>
        %dma_start3A_151 = arith.constant 0 : i32
        %dma_start3A_152 = arith.constant 0 : i32
        %dma_start3A_153 = tpu.memref_slice %arg21[%dma_start3A_151, %dma_start3A_152] : memref<10000x128xf32, #tpu.memory_space<vmem_shared>> -> memref<10000x128xf32, #tpu.memory_space<vmem_shared>>
        tpu.enqueue_indirect_dma source(%arg15 : memref<80x128xf32, #tpu.memory_space<vmem>>) target(%dma_start3A_153 : memref<10000x128xf32, #tpu.memory_space<vmem_shared>>) offsets(%arg14 : memref<80xi32, #tpu.memory_space<vmem>>) semaphore(%run_scoped3A : memref<!tpu.dma_semaphore, #tpu.memory_space<semaphore_mem>>) {add = true}
        %dma_wait3A_154 = arith.constant 0 : i32
        %dma_wait3A_155 = arith.constant 0 : i32
        %dma_wait3A_156 = tpu.memref_slice %arg21[%dma_wait3A_154, %dma_wait3A_155] : memref<10000x128xf32, #tpu.memory_space<vmem_shared>> -> memref<10000x128xf32, #tpu.memory_space<vmem_shared>>
        tpu.wait_indirect_dma semaphore(%run_scoped3A : memref<!tpu.dma_semaphore, #tpu.memory_space<semaphore_mem>>) src(%arg15 : memref<80x128xf32, #tpu.memory_space<vmem>>) dst(%dma_wait3A_156 : memref<10000x128xf32, #tpu.memory_space<vmem_shared>>)
        tpu.yield
      }) : () -> ()
      %scan3A_150 = arith.constant 0 : i32
      scf.yield %scan3A_150 : i32
    }
    %scan3A_52 = arith.constant 62 : i32
    %dma_wait3A = arith.constant 0 : i32
    %dma_wait3A_53 = arith.constant 0 : i32
    %dma_wait3A_54 = tpu.memref_slice %arg2[%dma_wait3A, %dma_wait3A_53] : memref<10000x128xf32, #tpu.memory_space<hbm>> -> memref<80x128xf32, #tpu.memory_space<hbm>>
    %dma_wait3A_55 = arith.constant 0 : i32
    %dma_wait3A_56 = arith.constant 0 : i32
    %dma_wait3A_57 = tpu.memref_slice %arg2[%dma_wait3A_55, %dma_wait3A_56] : memref<10000x128xf32, #tpu.memory_space<hbm>> -> memref<80x128xf32, #tpu.memory_space<hbm>>
    tpu.wait_dma2 semaphore(%arg23 : memref<!tpu.dma_semaphore, #tpu.memory_space<semaphore_mem>>) src(%dma_wait3A_57 : memref<80x128xf32, #tpu.memory_space<hbm>>) dst(%arg11 : memref<80x128xf32, #tpu.memory_space<vmem>>)
    %dma_wait3A_58 = arith.constant 0 : i32
    %dma_wait3A_59 = arith.constant 0 : i32
    %dma_wait3A_60 = tpu.memref_slice %arg3[%dma_wait3A_58, %dma_wait3A_59] : memref<10000x128xf32, #tpu.memory_space<hbm>> -> memref<80x128xf32, #tpu.memory_space<hbm>>
    %dma_wait3A_61 = arith.constant 0 : i32
    %dma_wait3A_62 = arith.constant 0 : i32
    %dma_wait3A_63 = tpu.memref_slice %arg3[%dma_wait3A_61, %dma_wait3A_62] : memref<10000x128xf32, #tpu.memory_space<hbm>> -> memref<80x128xf32, #tpu.memory_space<hbm>>
    tpu.wait_dma2 semaphore(%arg23 : memref<!tpu.dma_semaphore, #tpu.memory_space<semaphore_mem>>) src(%dma_wait3A_63 : memref<80x128xf32, #tpu.memory_space<hbm>>) dst(%arg12 : memref<80x128xf32, #tpu.memory_space<vmem>>)
    %scan3A_64 = arith.constant 0 : i32
    %scan3A_65 = arith.constant 0 : i32
    %scan3A_66 = arith.constant 80 : i32
    %scan3A_67 = arith.addi %scan3A_65, %scan3A_66 : i32
    %scan3A_68 = arith.constant 1 : i32
    %scan3A_69 = scf.for %scan3A_82 = %scan3A_65 to %scan3A_67 step %scan3A_68 iter_args(%scan3A_83 = %scan3A_64) -> (i32)  : i32 {
      %get3A_84 = arith.index_cast %scan3A_82 : i32 to index
      %get3A_85 = arith.constant 0 : index
      %get3A_86 = tpu.vector_load %arg11[%get3A_84, %get3A_85] {strides = array<i32>} : memref<80x128xf32, #tpu.memory_space<vmem>>, vector<16xf32>,
      %get3A_87 = arith.index_cast %scan3A_82 : i32 to index
      %get3A_88 = arith.constant 16 : index
      %get3A_89 = tpu.vector_load %arg11[%get3A_87, %get3A_88] {strides = array<i32>} : memref<80x128xf32, #tpu.memory_space<vmem>>, vector<16xf32>,
      %get3A_90 = arith.index_cast %scan3A_82 : i32 to index
      %get3A_91 = arith.constant 32 : index
      %get3A_92 = tpu.vector_load %arg11[%get3A_90, %get3A_91] {strides = array<i32>} : memref<80x128xf32, #tpu.memory_space<vmem>>, vector<16xf32>,
      %get3A_93 = arith.index_cast %scan3A_82 : i32 to index
      %get3A_94 = arith.constant 48 : index
      %get3A_95 = tpu.vector_load %arg11[%get3A_93, %get3A_94] {strides = array<i32>} : memref<80x128xf32, #tpu.memory_space<vmem>>, vector<16xf32>,
      %get3A_96 = arith.index_cast %scan3A_82 : i32 to index
      %get3A_97 = arith.constant 64 : index
      %get3A_98 = tpu.vector_load %arg11[%get3A_96, %get3A_97] {strides = array<i32>} : memref<80x128xf32, #tpu.memory_space<vmem>>, vector<16xf32>,
      %get3A_99 = arith.index_cast %scan3A_82 : i32 to index
      %get3A_100 = arith.constant 80 : index
      %get3A_101 = tpu.vector_load %arg11[%get3A_99, %get3A_100] {strides = array<i32>} : memref<80x128xf32, #tpu.memory_space<vmem>>, vector<16xf32>,
      %get3A_102 = arith.index_cast %scan3A_82 : i32 to index
      %get3A_103 = arith.constant 96 : index
      %get3A_104 = tpu.vector_load %arg11[%get3A_102, %get3A_103] {strides = array<i32>} : memref<80x128xf32, #tpu.memory_space<vmem>>, vector<16xf32>,
      %get3A_105 = arith.index_cast %scan3A_82 : i32 to index
      %get3A_106 = arith.constant 112 : index
      %get3A_107 = tpu.vector_load %arg11[%get3A_105, %get3A_106] {strides = array<i32>} : memref<80x128xf32, #tpu.memory_space<vmem>>, vector<16xf32>,
      %broadcast_in_dim3A_108 = arith.constant 0.000000e+00 : f32
      %broadcast_in_dim3A_109 = vector.broadcast %broadcast_in_dim3A_108 : f32 to vector<16xf32>
      %get3A_110 = arith.index_cast %scan3A_82 : i32 to index
      %get3A_111 = arith.constant 0 : index
      %get3A_112 = tpu.vector_load %arg12[%get3A_110, %get3A_111] {strides = array<i32>} : memref<80x128xf32, #tpu.memory_space<vmem>>, vector<16xf32>,
      %add3A_113 = arith.addf %get3A_86, %get3A_112 : vector<16xf32>
      %mul3A_114 = arith.constant 2.000000e-01 : f32
      %mul3A_115 = vector.broadcast %mul3A_114 : f32 to vector<16xf32>
      %mul3A_116 = arith.mulf %mul3A_115, %add3A_113 : vector<16xf32>
      %max3A = arith.maximumf %add3A_113, %mul3A_116 : vector<16xf32>
      %mul3A_117 = arith.mulf %get3A_22, %max3A : vector<16xf32>
      %add3A_118 = arith.addf %broadcast_in_dim3A_109, %mul3A_117 : vector<16xf32>
      %get3A_119 = arith.index_cast %scan3A_82 : i32 to index
      %get3A_120 = arith.constant 16 : index
      %get3A_121 = tpu.vector_load %arg12[%get3A_119, %get3A_120] {strides = array<i32>} : memref<80x128xf32, #tpu.memory_space<vmem>>, vector<16xf32>,
      %add3A_122 = arith.addf %get3A_89, %get3A_121 : vector<16xf32>
      %mul3A_123 = arith.constant 2.000000e-01 : f32
      %mul3A_124 = vector.broadcast %mul3A_123 : f32 to vector<16xf32>
      %mul3A_125 = arith.mulf %mul3A_124, %add3A_122 : vector<16xf32>
      %max3A_126 = arith.maximumf %add3A_122, %mul3A_125 : vector<16xf32>
      %mul3A_127 = arith.mulf %get3A_24, %max3A_126 : vector<16xf32>
      %add3A_128 = arith.addf %add3A_118, %mul3A_127 : vector<16xf32>
      %get3A_129 = arith.index_cast %scan3A_82 : i32 to index
      %get3A_130 = arith.constant 32 : index
      %get3A_131 = tpu.vector_load %arg12[%get3A_129, %get3A_130] {strides = array<i32>} : memref<80x128xf32, #tpu.memory_space<vmem>>, vector<16xf32>,
      %add3A_132 = arith.addf %get3A_92, %get3A_131 : vector<16xf32>
      %mul3A_133 = arith.constant 2.000000e-01 : f32
      %mul3A_134 = vector.broadcast %mul3A_133 : f32 to vector<16xf32>
      %mul3A_135 = arith.mulf %mul3A_134, %add3A_132 : vector<16xf32>
      %max3A_136 = arith.maximumf %add3A_132, %mul3A_135 : vector<16xf32>
      %mul3A_137 = arith.mulf %get3A_26, %max3A_136 : vector<16xf32>
      %add3A_138 = arith.addf %add3A_128, %mul3A_137 : vector<16xf32>
      %get3A_139 = arith.index_cast %scan3A_82 : i32 to index
      %get3A_140 = arith.constant 48 : index
      %get3A_141 = tpu.vector_load %arg12[%get3A_139, %get3A_140] {strides = array<i32>} : memref<80x128xf32, #tpu.memory_space<vmem>>, vector<16xf32>,
      %add3A_142 = arith.addf %get3A_95, %get3A_141 : vector<16xf32>
      %mul3A_143 = arith.constant 2.000000e-01 : f32
      %mul3A_144 = vector.broadcast %mul3A_143 : f32 to vector<16xf32>
      %mul3A_145 = arith.mulf %mul3A_144, %add3A_142 : vector<16xf32>
      %max3A_146 = arith.maximumf %add3A_142, %mul3A_145 : vector<16xf32>
      %mul3A_147 = arith.mulf %get3A_28, %max3A_146 : vector<16xf32>
      %add3A_148 = arith.addf %add3A_138, %mul3A_147 : vector<16xf32>
      %get3A_149 = arith.index_cast %scan3A_82 : i32 to index
      %get3A_150 = arith.constant 64 : index
      %get3A_151 = tpu.vector_load %arg12[%get3A_149, %get3A_150] {strides = array<i32>} : memref<80x128xf32, #tpu.memory_space<vmem>>, vector<16xf32>,
      %add3A_152 = arith.addf %get3A_98, %get3A_151 : vector<16xf32>
      %mul3A_153 = arith.constant 2.000000e-01 : f32
      %mul3A_154 = vector.broadcast %mul3A_153 : f32 to vector<16xf32>
      %mul3A_155 = arith.mulf %mul3A_154, %add3A_152 : vector<16xf32>
      %max3A_156 = arith.maximumf %add3A_152, %mul3A_155 : vector<16xf32>
      %mul3A_157 = arith.mulf %get3A_30, %max3A_156 : vector<16xf32>
      %add3A_158 = arith.addf %add3A_148, %mul3A_157 : vector<16xf32>
      %get3A_159 = arith.index_cast %scan3A_82 : i32 to index
      %get3A_160 = arith.constant 80 : index
      %get3A_161 = tpu.vector_load %arg12[%get3A_159, %get3A_160] {strides = array<i32>} : memref<80x128xf32, #tpu.memory_space<vmem>>, vector<16xf32>,
      %add3A_162 = arith.addf %get3A_101, %get3A_161 : vector<16xf32>
      %mul3A_163 = arith.constant 2.000000e-01 : f32
      %mul3A_164 = vector.broadcast %mul3A_163 : f32 to vector<16xf32>
      %mul3A_165 = arith.mulf %mul3A_164, %add3A_162 : vector<16xf32>
      %max3A_166 = arith.maximumf %add3A_162, %mul3A_165 : vector<16xf32>
      %mul3A_167 = arith.mulf %get3A_32, %max3A_166 : vector<16xf32>
      %add3A_168 = arith.addf %add3A_158, %mul3A_167 : vector<16xf32>
      %get3A_169 = arith.index_cast %scan3A_82 : i32 to index
      %get3A_170 = arith.constant 96 : index
      %get3A_171 = tpu.vector_load %arg12[%get3A_169, %get3A_170] {strides = array<i32>} : memref<80x128xf32, #tpu.memory_space<vmem>>, vector<16xf32>,
      %add3A_172 = arith.addf %get3A_104, %get3A_171 : vector<16xf32>
      %mul3A_173 = arith.constant 2.000000e-01 : f32
      %mul3A_174 = vector.broadcast %mul3A_173 : f32 to vector<16xf32>
      %mul3A_175 = arith.mulf %mul3A_174, %add3A_172 : vector<16xf32>
      %max3A_176 = arith.maximumf %add3A_172, %mul3A_175 : vector<16xf32>
      %mul3A_177 = arith.mulf %get3A_34, %max3A_176 : vector<16xf32>
      %add3A_178 = arith.addf %add3A_168, %mul3A_177 : vector<16xf32>
      %get3A_179 = arith.index_cast %scan3A_82 : i32 to index
      %get3A_180 = arith.constant 112 : index
      %get3A_181 = tpu.vector_load %arg12[%get3A_179, %get3A_180] {strides = array<i32>} : memref<80x128xf32, #tpu.memory_space<vmem>>, vector<16xf32>,
      %add3A_182 = arith.addf %get3A_107, %get3A_181 : vector<16xf32>
      %mul3A_183 = arith.constant 2.000000e-01 : f32
      %mul3A_184 = vector.broadcast %mul3A_183 : f32 to vector<16xf32>
      %mul3A_185 = arith.mulf %mul3A_184, %add3A_182 : vector<16xf32>
      %max3A_186 = arith.maximumf %add3A_182, %mul3A_185 : vector<16xf32>
      %mul3A_187 = arith.mulf %get3A_36, %max3A_186 : vector<16xf32>
      %add3A_188 = arith.addf %add3A_178, %mul3A_187 : vector<16xf32>
      %iota3A = tpu.iota {dimensions = array<i32: 0>} : vector<16xi32>
      %xor3A = arith.constant 1 : i32
      %xor3A_189 = vector.broadcast %xor3A : i32 to vector<16xi32>
      %xor3A_190 = arith.xori %iota3A, %xor3A_189 : vector<16xi32>
      %lt3A_191 = arith.constant 0 : i32
      %lt3A_192 = vector.broadcast %lt3A_191 : i32 to vector<16xi32>
      %lt3A_193 = arith.cmpi slt, %xor3A_190, %lt3A_192 : vector<16xi32>
      %add3A_194 = arith.constant 16 : i32
      %add3A_195 = vector.broadcast %add3A_194 : i32 to vector<16xi32>
      %add3A_196 = arith.addi %xor3A_190, %add3A_195 : vector<16xi32>
      %select_n3A = arith.select %lt3A_193, %add3A_196, %xor3A_190 : vector<16xi1>, vector<16xi32>
      %reshape3A = vector.shape_cast %select_n3A : vector<16xi32> to vector<16x1xi32>
      %gather3A = vector.shape_cast %reshape3A : vector<16x1xi32> to vector<16xi32>
      %gather3A_197 = tpu.dynamic_gather %add3A_188[%gather3A] in [0] : vector<16xf32>, vector<16xi32> -> vector<16xf32>
      %add3A_198 = arith.addf %add3A_188, %gather3A_197 : vector<16xf32>
      %xor3A_199 = arith.constant 2 : i32
      %xor3A_200 = vector.broadcast %xor3A_199 : i32 to vector<16xi32>
      %xor3A_201 = arith.xori %iota3A, %xor3A_200 : vector<16xi32>
      %lt3A_202 = arith.constant 0 : i32
      %lt3A_203 = vector.broadcast %lt3A_202 : i32 to vector<16xi32>
      %lt3A_204 = arith.cmpi slt, %xor3A_201, %lt3A_203 : vector<16xi32>
      %add3A_205 = arith.constant 16 : i32
      %add3A_206 = vector.broadcast %add3A_205 : i32 to vector<16xi32>
      %add3A_207 = arith.addi %xor3A_201, %add3A_206 : vector<16xi32>
      %select_n3A_208 = arith.select %lt3A_204, %add3A_207, %xor3A_201 : vector<16xi1>, vector<16xi32>
      %reshape3A_209 = vector.shape_cast %select_n3A_208 : vector<16xi32> to vector<16x1xi32>
      %gather3A_210 = vector.shape_cast %reshape3A_209 : vector<16x1xi32> to vector<16xi32>
      %gather3A_211 = tpu.dynamic_gather %add3A_198[%gather3A_210] in [0] : vector<16xf32>, vector<16xi32> -> vector<16xf32>
      %add3A_212 = arith.addf %add3A_198, %gather3A_211 : vector<16xf32>
      %xor3A_213 = arith.constant 4 : i32
      %xor3A_214 = vector.broadcast %xor3A_213 : i32 to vector<16xi32>
      %xor3A_215 = arith.xori %iota3A, %xor3A_214 : vector<16xi32>
      %lt3A_216 = arith.constant 0 : i32
      %lt3A_217 = vector.broadcast %lt3A_216 : i32 to vector<16xi32>
      %lt3A_218 = arith.cmpi slt, %xor3A_215, %lt3A_217 : vector<16xi32>
      %add3A_219 = arith.constant 16 : i32
      %add3A_220 = vector.broadcast %add3A_219 : i32 to vector<16xi32>
      %add3A_221 = arith.addi %xor3A_215, %add3A_220 : vector<16xi32>
      %select_n3A_222 = arith.select %lt3A_218, %add3A_221, %xor3A_215 : vector<16xi1>, vector<16xi32>
      %reshape3A_223 = vector.shape_cast %select_n3A_222 : vector<16xi32> to vector<16x1xi32>
      %gather3A_224 = vector.shape_cast %reshape3A_223 : vector<16x1xi32> to vector<16xi32>
      %gather3A_225 = tpu.dynamic_gather %add3A_212[%gather3A_224] in [0] : vector<16xf32>, vector<16xi32> -> vector<16xf32>
      %add3A_226 = arith.addf %add3A_212, %gather3A_225 : vector<16xf32>
      %xor3A_227 = arith.constant 8 : i32
      %xor3A_228 = vector.broadcast %xor3A_227 : i32 to vector<16xi32>
      %xor3A_229 = arith.xori %iota3A, %xor3A_228 : vector<16xi32>
      %lt3A_230 = arith.constant 0 : i32
      %lt3A_231 = vector.broadcast %lt3A_230 : i32 to vector<16xi32>
      %lt3A_232 = arith.cmpi slt, %xor3A_229, %lt3A_231 : vector<16xi32>
      %add3A_233 = arith.constant 16 : i32
      %add3A_234 = vector.broadcast %add3A_233 : i32 to vector<16xi32>
      %add3A_235 = arith.addi %xor3A_229, %add3A_234 : vector<16xi32>
      %select_n3A_236 = arith.select %lt3A_232, %add3A_235, %xor3A_229 : vector<16xi1>, vector<16xi32>
      %reshape3A_237 = vector.shape_cast %select_n3A_236 : vector<16xi32> to vector<16x1xi32>
      %gather3A_238 = vector.shape_cast %reshape3A_237 : vector<16x1xi32> to vector<16xi32>
      %gather3A_239 = tpu.dynamic_gather %add3A_226[%gather3A_238] in [0] : vector<16xf32>, vector<16xi32> -> vector<16xf32>
      %add3A_240 = arith.addf %add3A_226, %gather3A_239 : vector<16xf32>
      %exp3A = math.exp %add3A_240 : vector<16xf32>
      %eq3A = arith.constant 0 : i32
      %eq3A_241 = vector.broadcast %eq3A : i32 to vector<16xi32>
      %eq3A_242 = arith.cmpi eq, %iota3A, %eq3A_241 : vector<16xi32>
      %broadcast_in_dim3A_243 = vector.broadcast %scan3A_82 : i32 to vector<16xi32>
      tpu.vector_store_idx %arg17[%broadcast_in_dim3A_243], %exp3A masked %eq3A_242 : memref<80xf32, #tpu.memory_space<vmem>>[vector<16xi32>], vector<16xf32>, vector<16xi1>
      %mul3A_244 = arith.mulf %get3A_86, %exp3A : vector<16xf32>
      %swap3A = arith.index_cast %scan3A_82 : i32 to index
      %swap3A_245 = arith.constant 0 : index
      %swap3A_246 = tpu.vector_load %arg11[%swap3A, %swap3A_245] {strides = array<i32>} : memref<80x128xf32, #tpu.memory_space<vmem>>, vector<16xf32>,
      tpu.vector_store %arg11[%swap3A, %swap3A_245], %mul3A_244 {strides = array<i32>} : memref<80x128xf32, #tpu.memory_space<vmem>>, vector<16xf32>,
      %mul3A_247 = arith.mulf %get3A_89, %exp3A : vector<16xf32>
      %swap3A_248 = arith.index_cast %scan3A_82 : i32 to index
      %swap3A_249 = arith.constant 16 : index
      %swap3A_250 = tpu.vector_load %arg11[%swap3A_248, %swap3A_249] {strides = array<i32>} : memref<80x128xf32, #tpu.memory_space<vmem>>, vector<16xf32>,
      tpu.vector_store %arg11[%swap3A_248, %swap3A_249], %mul3A_247 {strides = array<i32>} : memref<80x128xf32, #tpu.memory_space<vmem>>, vector<16xf32>,
      %mul3A_251 = arith.mulf %get3A_92, %exp3A : vector<16xf32>
      %swap3A_252 = arith.index_cast %scan3A_82 : i32 to index
      %swap3A_253 = arith.constant 32 : index
      %swap3A_254 = tpu.vector_load %arg11[%swap3A_252, %swap3A_253] {strides = array<i32>} : memref<80x128xf32, #tpu.memory_space<vmem>>, vector<16xf32>,
      tpu.vector_store %arg11[%swap3A_252, %swap3A_253], %mul3A_251 {strides = array<i32>} : memref<80x128xf32, #tpu.memory_space<vmem>>, vector<16xf32>,
      %mul3A_255 = arith.mulf %get3A_95, %exp3A : vector<16xf32>
      %swap3A_256 = arith.index_cast %scan3A_82 : i32 to index
      %swap3A_257 = arith.constant 48 : index
      %swap3A_258 = tpu.vector_load %arg11[%swap3A_256, %swap3A_257] {strides = array<i32>} : memref<80x128xf32, #tpu.memory_space<vmem>>, vector<16xf32>,
      tpu.vector_store %arg11[%swap3A_256, %swap3A_257], %mul3A_255 {strides = array<i32>} : memref<80x128xf32, #tpu.memory_space<vmem>>, vector<16xf32>,
      %mul3A_259 = arith.mulf %get3A_98, %exp3A : vector<16xf32>
      %swap3A_260 = arith.index_cast %scan3A_82 : i32 to index
      %swap3A_261 = arith.constant 64 : index
      %swap3A_262 = tpu.vector_load %arg11[%swap3A_260, %swap3A_261] {strides = array<i32>} : memref<80x128xf32, #tpu.memory_space<vmem>>, vector<16xf32>,
      tpu.vector_store %arg11[%swap3A_260, %swap3A_261], %mul3A_259 {strides = array<i32>} : memref<80x128xf32, #tpu.memory_space<vmem>>, vector<16xf32>,
      %mul3A_263 = arith.mulf %get3A_101, %exp3A : vector<16xf32>
      %swap3A_264 = arith.index_cast %scan3A_82 : i32 to index
      %swap3A_265 = arith.constant 80 : index
      %swap3A_266 = tpu.vector_load %arg11[%swap3A_264, %swap3A_265] {strides = array<i32>} : memref<80x128xf32, #tpu.memory_space<vmem>>, vector<16xf32>,
      tpu.vector_store %arg11[%swap3A_264, %swap3A_265], %mul3A_263 {strides = array<i32>} : memref<80x128xf32, #tpu.memory_space<vmem>>, vector<16xf32>,
      %mul3A_267 = arith.mulf %get3A_104, %exp3A : vector<16xf32>
      %swap3A_268 = arith.index_cast %scan3A_82 : i32 to index
      %swap3A_269 = arith.constant 96 : index
      %swap3A_270 = tpu.vector_load %arg11[%swap3A_268, %swap3A_269] {strides = array<i32>} : memref<80x128xf32, #tpu.memory_space<vmem>>, vector<16xf32>,
      tpu.vector_store %arg11[%swap3A_268, %swap3A_269], %mul3A_267 {strides = array<i32>} : memref<80x128xf32, #tpu.memory_space<vmem>>, vector<16xf32>,
      %mul3A_271 = arith.mulf %get3A_107, %exp3A : vector<16xf32>
      %swap3A_272 = arith.index_cast %scan3A_82 : i32 to index
      %swap3A_273 = arith.constant 112 : index
      %swap3A_274 = tpu.vector_load %arg11[%swap3A_272, %swap3A_273] {strides = array<i32>} : memref<80x128xf32, #tpu.memory_space<vmem>>, vector<16xf32>,
      tpu.vector_store %arg11[%swap3A_272, %swap3A_273], %mul3A_271 {strides = array<i32>} : memref<80x128xf32, #tpu.memory_space<vmem>>, vector<16xf32>,
      %scan3A_275 = arith.constant 0 : i32
      scf.yield %scan3A_275 : i32
    }
    %scan3A_70 = arith.constant 80 : i32
    "tpu.region"() ({
      %run_scoped3A = tpu.sem_alloc : memref<!tpu.dma_semaphore, #tpu.memory_space<semaphore_mem>>
      %dma_start3A_82 = arith.constant 0 : i32
      %dma_start3A_83 = tpu.memref_slice %arg22[%dma_start3A_82] : memref<10000xf32, #tpu.memory_space<vmem_shared>> -> memref<10000xf32, #tpu.memory_space<vmem_shared>>
      tpu.enqueue_indirect_dma source(%arg17 : memref<80xf32, #tpu.memory_space<vmem>>) target(%dma_start3A_83 : memref<10000xf32, #tpu.memory_space<vmem_shared>>) offsets(%arg10 : memref<80xi32, #tpu.memory_space<vmem>>) semaphore(%run_scoped3A : memref<!tpu.dma_semaphore, #tpu.memory_space<semaphore_mem>>) {add = true}
      %dma_wait3A_84 = arith.constant 0 : i32
      %dma_wait3A_85 = tpu.memref_slice %arg22[%dma_wait3A_84] : memref<10000xf32, #tpu.memory_space<vmem_shared>> -> memref<10000xf32, #tpu.memory_space<vmem_shared>>
      tpu.wait_indirect_dma semaphore(%run_scoped3A : memref<!tpu.dma_semaphore, #tpu.memory_space<semaphore_mem>>) src(%arg17 : memref<80xf32, #tpu.memory_space<vmem>>) dst(%dma_wait3A_85 : memref<10000xf32, #tpu.memory_space<vmem_shared>>)
      tpu.yield
    }) : () -> ()
    "tpu.region"() ({
      %run_scoped3A = tpu.sem_alloc : memref<!tpu.dma_semaphore, #tpu.memory_space<semaphore_mem>>
      %dma_start3A_82 = arith.constant 0 : i32
      %dma_start3A_83 = arith.constant 0 : i32
      %dma_start3A_84 = tpu.memref_slice %arg21[%dma_start3A_82, %dma_start3A_83] : memref<10000x128xf32, #tpu.memory_space<vmem_shared>> -> memref<10000x128xf32, #tpu.memory_space<vmem_shared>>
      tpu.enqueue_indirect_dma source(%arg11 : memref<80x128xf32, #tpu.memory_space<vmem>>) target(%dma_start3A_84 : memref<10000x128xf32, #tpu.memory_space<vmem_shared>>) offsets(%arg10 : memref<80xi32, #tpu.memory_space<vmem>>) semaphore(%run_scoped3A : memref<!tpu.dma_semaphore, #tpu.memory_space<semaphore_mem>>) {add = true}
      %dma_wait3A_85 = arith.constant 0 : i32
      %dma_wait3A_86 = arith.constant 0 : i32
      %dma_wait3A_87 = tpu.memref_slice %arg21[%dma_wait3A_85, %dma_wait3A_86] : memref<10000x128xf32, #tpu.memory_space<vmem_shared>> -> memref<10000x128xf32, #tpu.memory_space<vmem_shared>>
      tpu.wait_indirect_dma semaphore(%run_scoped3A : memref<!tpu.dma_semaphore, #tpu.memory_space<semaphore_mem>>) src(%arg11 : memref<80x128xf32, #tpu.memory_space<vmem>>) dst(%dma_wait3A_87 : memref<10000x128xf32, #tpu.memory_space<vmem_shared>>)
      tpu.yield
    }) : () -> ()
    %barrier3A_71 = arith.constant 0 : index
    tpu.barrier barrier_id(%barrier3A_71)
    %lt3A_72 = arith.constant 10 : i32
    %lt3A_73 = arith.cmpi slt, %arg1, %lt3A_72 : i32
    %convert_element_type3A_74 = arith.extui %lt3A_73 : i1 to i32
    %cond3A_75 = arith.constant 0 : i32
    %cond3A_76 = arith.cmpi ne, %convert_element_type3A_74, %cond3A_75 : i32
    scf.if %cond3A_76 {
      %scan3A_82 = arith.constant 0 : i32
      %scan3A_83 = arith.constant 0 : i32
      %scan3A_84 = arith.constant 25 : i32
      %scan3A_85 = arith.addi %scan3A_83, %scan3A_84 : i32
      %scan3A_86 = arith.constant 1 : i32
      %scan3A_87 = scf.for %scan3A_89 = %scan3A_83 to %scan3A_85 step %scan3A_86 iter_args(%scan3A_90 = %scan3A_82) -> (i32)  : i32 {
        %mul3A_91 = arith.constant 1000 : i32
        %mul3A_92 = arith.muli %arg1, %mul3A_91 : i32
        %mul3A_93 = arith.constant 40 : i32
        %mul3A_94 = arith.muli %scan3A_89, %mul3A_93 : i32
        %add3A_95 = arith.addi %mul3A_92, %mul3A_94 : i32
        "tpu.region"() ({
          %run_scoped3A = tpu.sem_alloc : memref<!tpu.dma_semaphore, #tpu.memory_space<semaphore_mem>>
          %dma_start3A_97 = arith.constant 0 : i32
          %dma_start3A_98 = tpu.memref_slice %arg21[%add3A_95, %dma_start3A_97] : memref<10000x128xf32, #tpu.memory_space<vmem_shared>> -> memref<40x128xf32, #tpu.memory_space<vmem_shared>>
          %dma_start3A_99 = arith.constant 0 : i32
          %dma_start3A_100 = tpu.memref_slice %arg21[%add3A_95, %dma_start3A_99] : memref<10000x128xf32, #tpu.memory_space<vmem_shared>> -> memref<40x128xf32, #tpu.memory_space<vmem_shared>>
          tpu.enqueue_dma source(%dma_start3A_100 : memref<40x128xf32, #tpu.memory_space<vmem_shared>>) target(%arg19 : memref<40x128xf32, #tpu.memory_space<vmem>>) target_semaphore(%run_scoped3A : memref<!tpu.dma_semaphore, #tpu.memory_space<semaphore_mem>>)
          %dma_wait3A_101 = arith.constant 0 : i32
          %dma_wait3A_102 = tpu.memref_slice %arg21[%add3A_95, %dma_wait3A_101] : memref<10000x128xf32, #tpu.memory_space<vmem_shared>> -> memref<40x128xf32, #tpu.memory_space<vmem_shared>>
          %dma_wait3A_103 = arith.constant 0 : i32
          %dma_wait3A_104 = tpu.memref_slice %arg21[%add3A_95, %dma_wait3A_103] : memref<10000x128xf32, #tpu.memory_space<vmem_shared>> -> memref<40x128xf32, #tpu.memory_space<vmem_shared>>
          tpu.wait_dma2 semaphore(%run_scoped3A : memref<!tpu.dma_semaphore, #tpu.memory_space<semaphore_mem>>) src(%dma_wait3A_104 : memref<40x128xf32, #tpu.memory_space<vmem_shared>>) dst(%arg19 : memref<40x128xf32, #tpu.memory_space<vmem>>)
          tpu.yield
        }) : () -> ()
        "tpu.region"() ({
          %run_scoped3A = tpu.sem_alloc : memref<!tpu.dma_semaphore, #tpu.memory_space<semaphore_mem>>
          %dma_start3A_97 = arith.constant 0 : i32
          %dma_start3A_98 = tpu.memref_slice %arg7[%arg0, %add3A_95, %dma_start3A_97] : memref<2x10000x128xf32, #tpu.memory_space<hbm>> -> memref<1x40x128xf32, #tpu.memory_space<hbm>>
          %dma_start3A_99 = tpu.memref_squeeze %dma_start3A_98 : memref<1x40x128xf32, #tpu.memory_space<hbm>> -> memref<40x128xf32, #tpu.memory_space<hbm>>
          %dma_start3A_100 = arith.constant 0 : i32
          %dma_start3A_101 = tpu.memref_slice %arg7[%arg0, %add3A_95, %dma_start3A_100] : memref<2x10000x128xf32, #tpu.memory_space<hbm>> -> memref<1x40x128xf32, #tpu.memory_space<hbm>>
          %dma_start3A_102 = tpu.memref_squeeze %dma_start3A_101 : memref<1x40x128xf32, #tpu.memory_space<hbm>> -> memref<40x128xf32, #tpu.memory_space<hbm>>
          tpu.enqueue_dma source(%arg19 : memref<40x128xf32, #tpu.memory_space<vmem>>) target(%dma_start3A_102 : memref<40x128xf32, #tpu.memory_space<hbm>>) target_semaphore(%run_scoped3A : memref<!tpu.dma_semaphore, #tpu.memory_space<semaphore_mem>>)
          %dma_wait3A_103 = arith.constant 0 : i32
          %dma_wait3A_104 = tpu.memref_slice %arg7[%arg0, %add3A_95, %dma_wait3A_103] : memref<2x10000x128xf32, #tpu.memory_space<hbm>> -> memref<1x40x128xf32, #tpu.memory_space<hbm>>
          %dma_wait3A_105 = tpu.memref_squeeze %dma_wait3A_104 : memref<1x40x128xf32, #tpu.memory_space<hbm>> -> memref<40x128xf32, #tpu.memory_space<hbm>>
          %dma_wait3A_106 = arith.constant 0 : i32
          %dma_wait3A_107 = tpu.memref_slice %arg7[%arg0, %add3A_95, %dma_wait3A_106] : memref<2x10000x128xf32, #tpu.memory_space<hbm>> -> memref<1x40x128xf32, #tpu.memory_space<hbm>>
          %dma_wait3A_108 = tpu.memref_squeeze %dma_wait3A_107 : memref<1x40x128xf32, #tpu.memory_space<hbm>> -> memref<40x128xf32, #tpu.memory_space<hbm>>
          tpu.wait_dma2 semaphore(%run_scoped3A : memref<!tpu.dma_semaphore, #tpu.memory_space<semaphore_mem>>) src(%arg19 : memref<40x128xf32, #tpu.memory_space<vmem>>) dst(%dma_wait3A_108 : memref<40x128xf32, #tpu.memory_space<hbm>>)
          tpu.yield
        }) : () -> ()
        %scan3A_96 = arith.constant 0 : i32
        scf.yield %scan3A_96 : i32
      }
      %scan3A_88 = arith.constant 25 : i32
    } else {
    }
    %lt3A_77 = arith.constant 5 : i32
    %lt3A_78 = arith.cmpi slt, %arg1, %lt3A_77 : i32
    %convert_element_type3A_79 = arith.extui %lt3A_78 : i1 to i32
    %cond3A_80 = arith.constant 0 : i32
    %cond3A_81 = arith.cmpi ne, %convert_element_type3A_79, %cond3A_80 : i32
    scf.if %cond3A_81 {
      %mul3A_82 = arith.constant 2000 : i32
      %mul3A_83 = arith.muli %arg1, %mul3A_82 : i32
      "tpu.region"() ({
        %run_scoped3A = tpu.sem_alloc : memref<!tpu.dma_semaphore, #tpu.memory_space<semaphore_mem>>
        %dma_start3A_89 = tpu.memref_slice %arg22[%mul3A_83] : memref<10000xf32, #tpu.memory_space<vmem_shared>> -> memref<2000xf32, #tpu.memory_space<vmem_shared>>
        %dma_start3A_90 = tpu.memref_slice %arg22[%mul3A_83] : memref<10000xf32, #tpu.memory_space<vmem_shared>> -> memref<2000xf32, #tpu.memory_space<vmem_shared>>
        tpu.enqueue_dma source(%dma_start3A_90 : memref<2000xf32, #tpu.memory_space<vmem_shared>>) target(%arg20 : memref<2000xf32, #tpu.memory_space<vmem>>) target_semaphore(%run_scoped3A : memref<!tpu.dma_semaphore, #tpu.memory_space<semaphore_mem>>)
        %dma_wait3A_91 = tpu.memref_slice %arg22[%mul3A_83] : memref<10000xf32, #tpu.memory_space<vmem_shared>> -> memref<2000xf32, #tpu.memory_space<vmem_shared>>
        %dma_wait3A_92 = tpu.memref_slice %arg22[%mul3A_83] : memref<10000xf32, #tpu.memory_space<vmem_shared>> -> memref<2000xf32, #tpu.memory_space<vmem_shared>>
        tpu.wait_dma2 semaphore(%run_scoped3A : memref<!tpu.dma_semaphore, #tpu.memory_space<semaphore_mem>>) src(%dma_wait3A_92 : memref<2000xf32, #tpu.memory_space<vmem_shared>>) dst(%arg20 : memref<2000xf32, #tpu.memory_space<vmem>>)
        tpu.yield
      }) : () -> ()
      %mul3A_84 = arith.constant 10000 : i32
      %mul3A_85 = arith.muli %arg0, %mul3A_84 : i32
      %mul3A_86 = arith.constant 2000 : i32
      %mul3A_87 = arith.muli %arg1, %mul3A_86 : i32
      %add3A_88 = arith.addi %mul3A_85, %mul3A_87 : i32
      "tpu.region"() ({
        %run_scoped3A = tpu.sem_alloc : memref<!tpu.dma_semaphore, #tpu.memory_space<semaphore_mem>>
        %dma_start3A_89 = tpu.memref_slice %arg8[%add3A_88] : memref<20000xf32, #tpu.memory_space<hbm>> -> memref<2000xf32, #tpu.memory_space<hbm>>
        %dma_start3A_90 = tpu.memref_slice %arg8[%add3A_88] : memref<20000xf32, #tpu.memory_space<hbm>> -> memref<2000xf32, #tpu.memory_space<hbm>>
        tpu.enqueue_dma source(%arg20 : memref<2000xf32, #tpu.memory_space<vmem>>) target(%dma_start3A_90 : memref<2000xf32, #tpu.memory_space<hbm>>) target_semaphore(%run_scoped3A : memref<!tpu.dma_semaphore, #tpu.memory_space<semaphore_mem>>)
        %dma_wait3A_91 = tpu.memref_slice %arg8[%add3A_88] : memref<20000xf32, #tpu.memory_space<hbm>> -> memref<2000xf32, #tpu.memory_space<hbm>>
        %dma_wait3A_92 = tpu.memref_slice %arg8[%add3A_88] : memref<20000xf32, #tpu.memory_space<hbm>> -> memref<2000xf32, #tpu.memory_space<hbm>>
        tpu.wait_dma2 semaphore(%run_scoped3A : memref<!tpu.dma_semaphore, #tpu.memory_space<semaphore_mem>>) src(%arg20 : memref<2000xf32, #tpu.memory_space<vmem>>) dst(%dma_wait3A_92 : memref<2000xf32, #tpu.memory_space<hbm>>)
        tpu.yield
      }) : () -> ()
    } else {
    }
    return
  }
}

#map = affine_map<(d0, d1) -> (0, 0)>
#map1 = affine_map<(d0, d1) -> (0)>
#map2 = affine_map<(d0, d1) -> (0, 0, 0)>
module attributes {stable_mosaic.version = 14 : i64} {
  func.func @_sc_edge_body(%arg0: i32, %arg1: i32, %arg2: memref<10000x128xf32, #tpu.memory_space<hbm>>, %arg3: memref<10000x128xf32, #tpu.memory_space<hbm>>, %arg4: memref<320000xi32, #tpu.memory_space<hbm>>, %arg5: memref<320000xi32, #tpu.memory_space<hbm>>, %arg6: memref<128xf32, #tpu.memory_space<hbm>>, %arg7: memref<2x10000x128xf32, #tpu.memory_space<hbm>>, %arg8: memref<20000xf32, #tpu.memory_space<hbm>>, %arg9: memref<80xi32, #tpu.memory_space<vmem>>, %arg10: memref<80xi32, #tpu.memory_space<vmem>>, %arg11: memref<80x128xf32, #tpu.memory_space<vmem>>, %arg12: memref<80x128xf32, #tpu.memory_space<vmem>>, %arg13: memref<80xi32, #tpu.memory_space<vmem>>, %arg14: memref<80xi32, #tpu.memory_space<vmem>>, %arg15: memref<80x128xf32, #tpu.memory_space<vmem>>, %arg16: memref<80x128xf32, #tpu.memory_space<vmem>>, %arg17: memref<80xf32, #tpu.memory_space<vmem>>, %arg18: memref<128xf32, #tpu.memory_space<vmem>>, %arg19: memref<40x128xf32, #tpu.memory_space<vmem>>, %arg20: memref<2000xf32, #tpu.memory_space<vmem>>, %arg21: memref<10000x128xf32, #tpu.memory_space<vmem_shared>>, %arg22: memref<10000xf32, #tpu.memory_space<vmem_shared>>, %arg23: memref<!tpu.dma_semaphore, #tpu.memory_space<semaphore_mem>>, %arg24: memref<!tpu.dma_semaphore, #tpu.memory_space<semaphore_mem>>) attributes {dimension_semantics = [#tpu.dimension_semantics<core_parallel>, #tpu.dimension_semantics<subcore_parallel>], iteration_bounds = array<i64: 2, 16>, scalar_prefetch = 0 : i64, scratch_operands = 16 : i64, tpu.core_type = #tpu.core_type<sc_vector_subcore>, window_params = [{transform_indices = #map}, {transform_indices = #map}, {transform_indices = #map1}, {transform_indices = #map1}, {transform_indices = #map1}, {transform_indices = #map2}, {transform_indices = #map1}]} {
    %mul3A = arith.constant 2 : i32
    %mul3A_0 = arith.muli %arg1, %mul3A : i32
    %add3A = arith.addi %mul3A_0, %arg0 : i32
    %broadcast_in_dim3A = arith.constant 0.000000e+00 : f32
    %broadcast_in_dim3A_1 = vector.broadcast %broadcast_in_dim3A : f32 to vector<16xf32>
    %scan3A = arith.constant 0 : i32
    %scan3A_2 = arith.constant 0 : i32
    %scan3A_3 = arith.constant 40 : i32
    %scan3A_4 = arith.addi %scan3A_2, %scan3A_3 : i32
    %scan3A_5 = arith.constant 1 : i32
    %scan3A_6 = scf.for %scan3A_82 = %scan3A_2 to %scan3A_4 step %scan3A_5 iter_args(%scan3A_83 = %scan3A) -> (i32)  : i32 {
      %swap3A = arith.index_cast %scan3A_82 : i32 to index
      %swap3A_84 = arith.constant 0 : index
      %swap3A_85 = tpu.vector_load %arg19[%swap3A, %swap3A_84] {strides = array<i32>} : memref<40x128xf32, #tpu.memory_space<vmem>>, vector<16xf32>,
      tpu.vector_store %arg19[%swap3A, %swap3A_84], %broadcast_in_dim3A_1 {strides = array<i32>} : memref<40x128xf32, #tpu.memory_space<vmem>>, vector<16xf32>,
      %swap3A_86 = arith.index_cast %scan3A_82 : i32 to index
      %swap3A_87 = arith.constant 16 : index
      %swap3A_88 = tpu.vector_load %arg19[%swap3A_86, %swap3A_87] {strides = array<i32>} : memref<40x128xf32, #tpu.memory_space<vmem>>, vector<16xf32>,
      tpu.vector_store %arg19[%swap3A_86, %swap3A_87], %broadcast_in_dim3A_1 {strides = array<i32>} : memref<40x128xf32, #tpu.memory_space<vmem>>, vector<16xf32>,
      %swap3A_89 = arith.index_cast %scan3A_82 : i32 to index
      %swap3A_90 = arith.constant 32 : index
      %swap3A_91 = tpu.vector_load %arg19[%swap3A_89, %swap3A_90] {strides = array<i32>} : memref<40x128xf32, #tpu.memory_space<vmem>>, vector<16xf32>,
      tpu.vector_store %arg19[%swap3A_89, %swap3A_90], %broadcast_in_dim3A_1 {strides = array<i32>} : memref<40x128xf32, #tpu.memory_space<vmem>>, vector<16xf32>,
      %swap3A_92 = arith.index_cast %scan3A_82 : i32 to index
      %swap3A_93 = arith.constant 48 : index
      %swap3A_94 = tpu.vector_load %arg19[%swap3A_92, %swap3A_93] {strides = array<i32>} : memref<40x128xf32, #tpu.memory_space<vmem>>, vector<16xf32>,
      tpu.vector_store %arg19[%swap3A_92, %swap3A_93], %broadcast_in_dim3A_1 {strides = array<i32>} : memref<40x128xf32, #tpu.memory_space<vmem>>, vector<16xf32>,
      %swap3A_95 = arith.index_cast %scan3A_82 : i32 to index
      %swap3A_96 = arith.constant 64 : index
      %swap3A_97 = tpu.vector_load %arg19[%swap3A_95, %swap3A_96] {strides = array<i32>} : memref<40x128xf32, #tpu.memory_space<vmem>>, vector<16xf32>,
      tpu.vector_store %arg19[%swap3A_95, %swap3A_96], %broadcast_in_dim3A_1 {strides = array<i32>} : memref<40x128xf32, #tpu.memory_space<vmem>>, vector<16xf32>,
      %swap3A_98 = arith.index_cast %scan3A_82 : i32 to index
      %swap3A_99 = arith.constant 80 : index
      %swap3A_100 = tpu.vector_load %arg19[%swap3A_98, %swap3A_99] {strides = array<i32>} : memref<40x128xf32, #tpu.memory_space<vmem>>, vector<16xf32>,
      tpu.vector_store %arg19[%swap3A_98, %swap3A_99], %broadcast_in_dim3A_1 {strides = array<i32>} : memref<40x128xf32, #tpu.memory_space<vmem>>, vector<16xf32>,
      %swap3A_101 = arith.index_cast %scan3A_82 : i32 to index
      %swap3A_102 = arith.constant 96 : index
      %swap3A_103 = tpu.vector_load %arg19[%swap3A_101, %swap3A_102] {strides = array<i32>} : memref<40x128xf32, #tpu.memory_space<vmem>>, vector<16xf32>,
      tpu.vector_store %arg19[%swap3A_101, %swap3A_102], %broadcast_in_dim3A_1 {strides = array<i32>} : memref<40x128xf32, #tpu.memory_space<vmem>>, vector<16xf32>,
      %swap3A_104 = arith.index_cast %scan3A_82 : i32 to index
      %swap3A_105 = arith.constant 112 : index
      %swap3A_106 = tpu.vector_load %arg19[%swap3A_104, %swap3A_105] {strides = array<i32>} : memref<40x128xf32, #tpu.memory_space<vmem>>, vector<16xf32>,
      tpu.vector_store %arg19[%swap3A_104, %swap3A_105], %broadcast_in_dim3A_1 {strides = array<i32>} : memref<40x128xf32, #tpu.memory_space<vmem>>, vector<16xf32>,
      %scan3A_107 = arith.constant 0 : i32
      scf.yield %scan3A_107 : i32
    }
    %scan3A_7 = arith.constant 40 : i32
    %scan3A_8 = arith.constant 0 : i32
    %scan3A_9 = arith.constant 0 : i32
    %scan3A_10 = arith.constant 125 : i32
    %scan3A_11 = arith.addi %scan3A_9, %scan3A_10 : i32
    %scan3A_12 = arith.constant 1 : i32
    %scan3A_13 = scf.for %scan3A_82 = %scan3A_9 to %scan3A_11 step %scan3A_12 iter_args(%scan3A_83 = %scan3A_8) -> (i32)  : i32 {
      %mul3A_84 = arith.constant 16 : i32
      %mul3A_85 = arith.muli %scan3A_82, %mul3A_84 : i32
      %swap3A = arith.index_cast %mul3A_85 : i32 to index
      %swap3A_86 = tpu.vector_load %arg20[%swap3A] {strides = array<i32>} : memref<2000xf32, #tpu.memory_space<vmem>>, vector<16xf32>,
      tpu.vector_store %arg20[%swap3A], %broadcast_in_dim3A_1 {strides = array<i32>} : memref<2000xf32, #tpu.memory_space<vmem>>, vector<16xf32>,
      %scan3A_87 = arith.constant 0 : i32
      scf.yield %scan3A_87 : i32
    }
    %scan3A_14 = arith.constant 125 : i32
    %lt3A = arith.constant 10 : i32
    %lt3A_15 = arith.cmpi slt, %arg1, %lt3A : i32
    %convert_element_type3A = arith.extui %lt3A_15 : i1 to i32
    %cond3A = arith.constant 0 : i32
    %cond3A_16 = arith.cmpi ne, %convert_element_type3A, %cond3A : i32
    scf.if %cond3A_16 {
      %scan3A_82 = arith.constant 0 : i32
      %scan3A_83 = arith.constant 0 : i32
      %scan3A_84 = arith.constant 25 : i32
      %scan3A_85 = arith.addi %scan3A_83, %scan3A_84 : i32
      %scan3A_86 = arith.constant 1 : i32
      %scan3A_87 = scf.for %scan3A_89 = %scan3A_83 to %scan3A_85 step %scan3A_86 iter_args(%scan3A_90 = %scan3A_82) -> (i32)  : i32 {
        %mul3A_91 = arith.constant 1000 : i32
        %mul3A_92 = arith.muli %arg1, %mul3A_91 : i32
        %mul3A_93 = arith.constant 40 : i32
        %mul3A_94 = arith.muli %scan3A_89, %mul3A_93 : i32
        %add3A_95 = arith.addi %mul3A_92, %mul3A_94 : i32
        "tpu.region"() ({
          %run_scoped3A = tpu.sem_alloc : memref<!tpu.dma_semaphore, #tpu.memory_space<semaphore_mem>>
          %dma_start3A_97 = arith.constant 0 : i32
          %dma_start3A_98 = tpu.memref_slice %arg21[%add3A_95, %dma_start3A_97] : memref<10000x128xf32, #tpu.memory_space<vmem_shared>> -> memref<40x128xf32, #tpu.memory_space<vmem_shared>>
          %dma_start3A_99 = arith.constant 0 : i32
          %dma_start3A_100 = tpu.memref_slice %arg21[%add3A_95, %dma_start3A_99] : memref<10000x128xf32, #tpu.memory_space<vmem_shared>> -> memref<40x128xf32, #tpu.memory_space<vmem_shared>>
          tpu.enqueue_dma source(%arg19 : memref<40x128xf32, #tpu.memory_space<vmem>>) target(%dma_start3A_100 : memref<40x128xf32, #tpu.memory_space<vmem_shared>>) target_semaphore(%run_scoped3A : memref<!tpu.dma_semaphore, #tpu.memory_space<semaphore_mem>>)
          %dma_wait3A_101 = arith.constant 0 : i32
          %dma_wait3A_102 = tpu.memref_slice %arg21[%add3A_95, %dma_wait3A_101] : memref<10000x128xf32, #tpu.memory_space<vmem_shared>> -> memref<40x128xf32, #tpu.memory_space<vmem_shared>>
          %dma_wait3A_103 = arith.constant 0 : i32
          %dma_wait3A_104 = tpu.memref_slice %arg21[%add3A_95, %dma_wait3A_103] : memref<10000x128xf32, #tpu.memory_space<vmem_shared>> -> memref<40x128xf32, #tpu.memory_space<vmem_shared>>
          tpu.wait_dma2 semaphore(%run_scoped3A : memref<!tpu.dma_semaphore, #tpu.memory_space<semaphore_mem>>) src(%arg19 : memref<40x128xf32, #tpu.memory_space<vmem>>) dst(%dma_wait3A_104 : memref<40x128xf32, #tpu.memory_space<vmem_shared>>)
          tpu.yield
        }) : () -> ()
        %scan3A_96 = arith.constant 0 : i32
        scf.yield %scan3A_96 : i32
      }
      %scan3A_88 = arith.constant 25 : i32
    } else {
    }
    %lt3A_17 = arith.constant 5 : i32
    %lt3A_18 = arith.cmpi slt, %arg1, %lt3A_17 : i32
    %convert_element_type3A_19 = arith.extui %lt3A_18 : i1 to i32
    %cond3A_20 = arith.constant 0 : i32
    %cond3A_21 = arith.cmpi ne, %convert_element_type3A_19, %cond3A_20 : i32
    scf.if %cond3A_21 {
      %mul3A_82 = arith.constant 2000 : i32
      %mul3A_83 = arith.muli %arg1, %mul3A_82 : i32
      "tpu.region"() ({
        %run_scoped3A = tpu.sem_alloc : memref<!tpu.dma_semaphore, #tpu.memory_space<semaphore_mem>>
        %dma_start3A_84 = tpu.memref_slice %arg22[%mul3A_83] : memref<10000xf32, #tpu.memory_space<vmem_shared>> -> memref<2000xf32, #tpu.memory_space<vmem_shared>>
        %dma_start3A_85 = tpu.memref_slice %arg22[%mul3A_83] : memref<10000xf32, #tpu.memory_space<vmem_shared>> -> memref<2000xf32, #tpu.memory_space<vmem_shared>>
        tpu.enqueue_dma source(%arg20 : memref<2000xf32, #tpu.memory_space<vmem>>) target(%dma_start3A_85 : memref<2000xf32, #tpu.memory_space<vmem_shared>>) target_semaphore(%run_scoped3A : memref<!tpu.dma_semaphore, #tpu.memory_space<semaphore_mem>>)
        %dma_wait3A_86 = tpu.memref_slice %arg22[%mul3A_83] : memref<10000xf32, #tpu.memory_space<vmem_shared>> -> memref<2000xf32, #tpu.memory_space<vmem_shared>>
        %dma_wait3A_87 = tpu.memref_slice %arg22[%mul3A_83] : memref<10000xf32, #tpu.memory_space<vmem_shared>> -> memref<2000xf32, #tpu.memory_space<vmem_shared>>
        tpu.wait_dma2 semaphore(%run_scoped3A : memref<!tpu.dma_semaphore, #tpu.memory_space<semaphore_mem>>) src(%arg20 : memref<2000xf32, #tpu.memory_space<vmem>>) dst(%dma_wait3A_87 : memref<2000xf32, #tpu.memory_space<vmem_shared>>)
        tpu.yield
      }) : () -> ()
    } else {
    }
    "tpu.region"() ({
      %run_scoped3A = tpu.sem_alloc : memref<!tpu.dma_semaphore, #tpu.memory_space<semaphore_mem>>
      tpu.enqueue_dma source(%arg6 : memref<128xf32, #tpu.memory_space<hbm>>) target(%arg18 : memref<128xf32, #tpu.memory_space<vmem>>) target_semaphore(%run_scoped3A : memref<!tpu.dma_semaphore, #tpu.memory_space<semaphore_mem>>)
      tpu.wait_dma2 semaphore(%run_scoped3A : memref<!tpu.dma_semaphore, #tpu.memory_space<semaphore_mem>>) src(%arg6 : memref<128xf32, #tpu.memory_space<hbm>>) dst(%arg18 : memref<128xf32, #tpu.memory_space<vmem>>)
      tpu.yield
    }) : () -> ()
    %get3A = arith.constant 0 : index
    %get3A_22 = tpu.vector_load %arg18[%get3A] {strides = array<i32>} : memref<128xf32, #tpu.memory_space<vmem>>, vector<16xf32>,
    %get3A_23 = arith.constant 16 : index
    %get3A_24 = tpu.vector_load %arg18[%get3A_23] {strides = array<i32>} : memref<128xf32, #tpu.memory_space<vmem>>, vector<16xf32>,
    %get3A_25 = arith.constant 32 : index
    %get3A_26 = tpu.vector_load %arg18[%get3A_25] {strides = array<i32>} : memref<128xf32, #tpu.memory_space<vmem>>, vector<16xf32>,
    %get3A_27 = arith.constant 48 : index
    %get3A_28 = tpu.vector_load %arg18[%get3A_27] {strides = array<i32>} : memref<128xf32, #tpu.memory_space<vmem>>, vector<16xf32>,
    %get3A_29 = arith.constant 64 : index
    %get3A_30 = tpu.vector_load %arg18[%get3A_29] {strides = array<i32>} : memref<128xf32, #tpu.memory_space<vmem>>, vector<16xf32>,
    %get3A_31 = arith.constant 80 : index
    %get3A_32 = tpu.vector_load %arg18[%get3A_31] {strides = array<i32>} : memref<128xf32, #tpu.memory_space<vmem>>, vector<16xf32>,
    %get3A_33 = arith.constant 96 : index
    %get3A_34 = tpu.vector_load %arg18[%get3A_33] {strides = array<i32>} : memref<128xf32, #tpu.memory_space<vmem>>, vector<16xf32>,
    %get3A_35 = arith.constant 112 : index
    %get3A_36 = tpu.vector_load %arg18[%get3A_35] {strides = array<i32>} : memref<128xf32, #tpu.memory_space<vmem>>, vector<16xf32>,
    %barrier3A = arith.constant 0 : index
    tpu.barrier barrier_id(%barrier3A)
    %mul3A_37 = arith.constant 10000 : i32
    %mul3A_38 = arith.muli %add3A, %mul3A_37 : i32
    %add3A_39 = arith.constant 0 : i32
    %add3A_40 = arith.addi %mul3A_38, %add3A_39 : i32
    "tpu.region"() ({
      %run_scoped3A = tpu.sem_alloc : memref<!tpu.dma_semaphore, #tpu.memory_space<semaphore_mem>>
      %dma_start3A_82 = tpu.memref_slice %arg4[%add3A_40] : memref<320000xi32, #tpu.memory_space<hbm>> -> memref<80xi32, #tpu.memory_space<hbm>>
      %dma_start3A_83 = tpu.memref_slice %arg4[%add3A_40] : memref<320000xi32, #tpu.memory_space<hbm>> -> memref<80xi32, #tpu.memory_space<hbm>>
      tpu.enqueue_dma source(%dma_start3A_83 : memref<80xi32, #tpu.memory_space<hbm>>) target(%arg9 : memref<80xi32, #tpu.memory_space<vmem>>) target_semaphore(%run_scoped3A : memref<!tpu.dma_semaphore, #tpu.memory_space<semaphore_mem>>)
      %dma_wait3A_84 = tpu.memref_slice %arg4[%add3A_40] : memref<320000xi32, #tpu.memory_space<hbm>> -> memref<80xi32, #tpu.memory_space<hbm>>
      %dma_wait3A_85 = tpu.memref_slice %arg4[%add3A_40] : memref<320000xi32, #tpu.memory_space<hbm>> -> memref<80xi32, #tpu.memory_space<hbm>>
      tpu.wait_dma2 semaphore(%run_scoped3A : memref<!tpu.dma_semaphore, #tpu.memory_space<semaphore_mem>>) src(%dma_wait3A_85 : memref<80xi32, #tpu.memory_space<hbm>>) dst(%arg9 : memref<80xi32, #tpu.memory_space<vmem>>)
      tpu.yield
    }) : () -> ()
    "tpu.region"() ({
      %run_scoped3A = tpu.sem_alloc : memref<!tpu.dma_semaphore, #tpu.memory_space<semaphore_mem>>
      %dma_start3A_82 = tpu.memref_slice %arg5[%add3A_40] : memref<320000xi32, #tpu.memory_space<hbm>> -> memref<80xi32, #tpu.memory_space<hbm>>
      %dma_start3A_83 = tpu.memref_slice %arg5[%add3A_40] : memref<320000xi32, #tpu.memory_space<hbm>> -> memref<80xi32, #tpu.memory_space<hbm>>
      tpu.enqueue_dma source(%dma_start3A_83 : memref<80xi32, #tpu.memory_space<hbm>>) target(%arg10 : memref<80xi32, #tpu.memory_space<vmem>>) target_semaphore(%run_scoped3A : memref<!tpu.dma_semaphore, #tpu.memory_space<semaphore_mem>>)
      %dma_wait3A_84 = tpu.memref_slice %arg5[%add3A_40] : memref<320000xi32, #tpu.memory_space<hbm>> -> memref<80xi32, #tpu.memory_space<hbm>>
      %dma_wait3A_85 = tpu.memref_slice %arg5[%add3A_40] : memref<320000xi32, #tpu.memory_space<hbm>> -> memref<80xi32, #tpu.memory_space<hbm>>
      tpu.wait_dma2 semaphore(%run_scoped3A : memref<!tpu.dma_semaphore, #tpu.memory_space<semaphore_mem>>) src(%dma_wait3A_85 : memref<80xi32, #tpu.memory_space<hbm>>) dst(%arg10 : memref<80xi32, #tpu.memory_space<vmem>>)
      tpu.yield
    }) : () -> ()
    %dma_start3A = arith.constant 0 : i32
    %dma_start3A_41 = arith.constant 0 : i32
    %dma_start3A_42 = tpu.memref_slice %arg2[%dma_start3A, %dma_start3A_41] : memref<10000x128xf32, #tpu.memory_space<hbm>> -> memref<10000x128xf32, #tpu.memory_space<hbm>>
    tpu.enqueue_indirect_dma source(%dma_start3A_42 : memref<10000x128xf32, #tpu.memory_space<hbm>>) target(%arg11 : memref<80x128xf32, #tpu.memory_space<vmem>>) offsets(%arg9 : memref<80xi32, #tpu.memory_space<vmem>>) semaphore(%arg23 : memref<!tpu.dma_semaphore, #tpu.memory_space<semaphore_mem>>)
    %dma_start3A_43 = arith.constant 0 : i32
    %dma_start3A_44 = arith.constant 0 : i32
    %dma_start3A_45 = tpu.memref_slice %arg3[%dma_start3A_43, %dma_start3A_44] : memref<10000x128xf32, #tpu.memory_space<hbm>> -> memref<10000x128xf32, #tpu.memory_space<hbm>>
    tpu.enqueue_indirect_dma source(%dma_start3A_45 : memref<10000x128xf32, #tpu.memory_space<hbm>>) target(%arg12 : memref<80x128xf32, #tpu.memory_space<vmem>>) offsets(%arg10 : memref<80xi32, #tpu.memory_space<vmem>>) semaphore(%arg23 : memref<!tpu.dma_semaphore, #tpu.memory_space<semaphore_mem>>)
    %scan3A_46 = arith.constant 0 : i32
    %scan3A_47 = arith.constant 0 : i32
    %scan3A_48 = arith.constant 62 : i32
    %scan3A_49 = arith.addi %scan3A_47, %scan3A_48 : i32
    %scan3A_50 = arith.constant 1 : i32
    %scan3A_51 = scf.for %scan3A_82 = %scan3A_47 to %scan3A_49 step %scan3A_50 iter_args(%scan3A_83 = %scan3A_46) -> (i32)  : i32 {
      %mul3A_84 = arith.constant 2 : i32
      %mul3A_85 = arith.muli %mul3A_84, %scan3A_82 : i32
      %add3A_86 = arith.constant 1 : i32
      %add3A_87 = arith.addi %mul3A_85, %add3A_86 : i32
      %mul3A_88 = arith.constant 10000 : i32
      %mul3A_89 = arith.muli %add3A, %mul3A_88 : i32
      %mul3A_90 = arith.constant 80 : i32
      %mul3A_91 = arith.muli %add3A_87, %mul3A_90 : i32
      %add3A_92 = arith.addi %mul3A_89, %mul3A_91 : i32
      "tpu.region"() ({
        %run_scoped3A = tpu.sem_alloc : memref<!tpu.dma_semaphore, #tpu.memory_space<semaphore_mem>>
        %dma_start3A_151 = tpu.memref_slice %arg4[%add3A_92] : memref<320000xi32, #tpu.memory_space<hbm>> -> memref<80xi32, #tpu.memory_space<hbm>>
        %dma_start3A_152 = tpu.memref_slice %arg4[%add3A_92] : memref<320000xi32, #tpu.memory_space<hbm>> -> memref<80xi32, #tpu.memory_space<hbm>>
        tpu.enqueue_dma source(%dma_start3A_152 : memref<80xi32, #tpu.memory_space<hbm>>) target(%arg13 : memref<80xi32, #tpu.memory_space<vmem>>) target_semaphore(%run_scoped3A : memref<!tpu.dma_semaphore, #tpu.memory_space<semaphore_mem>>)
        %dma_wait3A_153 = tpu.memref_slice %arg4[%add3A_92] : memref<320000xi32, #tpu.memory_space<hbm>> -> memref<80xi32, #tpu.memory_space<hbm>>
        %dma_wait3A_154 = tpu.memref_slice %arg4[%add3A_92] : memref<320000xi32, #tpu.memory_space<hbm>> -> memref<80xi32, #tpu.memory_space<hbm>>
        tpu.wait_dma2 semaphore(%run_scoped3A : memref<!tpu.dma_semaphore, #tpu.memory_space<semaphore_mem>>) src(%dma_wait3A_154 : memref<80xi32, #tpu.memory_space<hbm>>) dst(%arg13 : memref<80xi32, #tpu.memory_space<vmem>>)
        tpu.yield
      }) : () -> ()
      "tpu.region"() ({
        %run_scoped3A = tpu.sem_alloc : memref<!tpu.dma_semaphore, #tpu.memory_space<semaphore_mem>>
        %dma_start3A_151 = tpu.memref_slice %arg5[%add3A_92] : memref<320000xi32, #tpu.memory_space<hbm>> -> memref<80xi32, #tpu.memory_space<hbm>>
        %dma_start3A_152 = tpu.memref_slice %arg5[%add3A_92] : memref<320000xi32, #tpu.memory_space<hbm>> -> memref<80xi32, #tpu.memory_space<hbm>>
        tpu.enqueue_dma source(%dma_start3A_152 : memref<80xi32, #tpu.memory_space<hbm>>) target(%arg14 : memref<80xi32, #tpu.memory_space<vmem>>) target_semaphore(%run_scoped3A : memref<!tpu.dma_semaphore, #tpu.memory_space<semaphore_mem>>)
        %dma_wait3A_153 = tpu.memref_slice %arg5[%add3A_92] : memref<320000xi32, #tpu.memory_space<hbm>> -> memref<80xi32, #tpu.memory_space<hbm>>
        %dma_wait3A_154 = tpu.memref_slice %arg5[%add3A_92] : memref<320000xi32, #tpu.memory_space<hbm>> -> memref<80xi32, #tpu.memory_space<hbm>>
        tpu.wait_dma2 semaphore(%run_scoped3A : memref<!tpu.dma_semaphore, #tpu.memory_space<semaphore_mem>>) src(%dma_wait3A_154 : memref<80xi32, #tpu.memory_space<hbm>>) dst(%arg14 : memref<80xi32, #tpu.memory_space<vmem>>)
        tpu.yield
      }) : () -> ()
      %dma_start3A_93 = arith.constant 0 : i32
      %dma_start3A_94 = arith.constant 0 : i32
      %dma_start3A_95 = tpu.memref_slice %arg2[%dma_start3A_93, %dma_start3A_94] : memref<10000x128xf32, #tpu.memory_space<hbm>> -> memref<10000x128xf32, #tpu.memory_space<hbm>>
      tpu.enqueue_indirect_dma source(%dma_start3A_95 : memref<10000x128xf32, #tpu.memory_space<hbm>>) target(%arg15 : memref<80x128xf32, #tpu.memory_space<vmem>>) offsets(%arg13 : memref<80xi32, #tpu.memory_space<vmem>>) semaphore(%arg24 : memref<!tpu.dma_semaphore, #tpu.memory_space<semaphore_mem>>)
      %dma_start3A_96 = arith.constant 0 : i32
      %dma_start3A_97 = arith.constant 0 : i32
      %dma_start3A_98 = tpu.memref_slice %arg3[%dma_start3A_96, %dma_start3A_97] : memref<10000x128xf32, #tpu.memory_space<hbm>> -> memref<10000x128xf32, #tpu.memory_space<hbm>>
      tpu.enqueue_indirect_dma source(%dma_start3A_98 : memref<10000x128xf32, #tpu.memory_space<hbm>>) target(%arg16 : memref<80x128xf32, #tpu.memory_space<vmem>>) offsets(%arg14 : memref<80xi32, #tpu.memory_space<vmem>>) semaphore(%arg24 : memref<!tpu.dma_semaphore, #tpu.memory_space<semaphore_mem>>)
      %dma_wait3A_99 = arith.constant 0 : i32
      %dma_wait3A_100 = arith.constant 0 : i32
      %dma_wait3A_101 = tpu.memref_slice %arg2[%dma_wait3A_99, %dma_wait3A_100] : memref<10000x128xf32, #tpu.memory_space<hbm>> -> memref<80x128xf32, #tpu.memory_space<hbm>>
      %dma_wait3A_102 = arith.constant 0 : i32
      %dma_wait3A_103 = arith.constant 0 : i32
      %dma_wait3A_104 = tpu.memref_slice %arg2[%dma_wait3A_102, %dma_wait3A_103] : memref<10000x128xf32, #tpu.memory_space<hbm>> -> memref<80x128xf32, #tpu.memory_space<hbm>>
      tpu.wait_dma2 semaphore(%arg23 : memref<!tpu.dma_semaphore, #tpu.memory_space<semaphore_mem>>) src(%dma_wait3A_104 : memref<80x128xf32, #tpu.memory_space<hbm>>) dst(%arg11 : memref<80x128xf32, #tpu.memory_space<vmem>>)
      %dma_wait3A_105 = arith.constant 0 : i32
      %dma_wait3A_106 = arith.constant 0 : i32
      %dma_wait3A_107 = tpu.memref_slice %arg3[%dma_wait3A_105, %dma_wait3A_106] : memref<10000x128xf32, #tpu.memory_space<hbm>> -> memref<80x128xf32, #tpu.memory_space<hbm>>
      %dma_wait3A_108 = arith.constant 0 : i32
      %dma_wait3A_109 = arith.constant 0 : i32
      %dma_wait3A_110 = tpu.memref_slice %arg3[%dma_wait3A_108, %dma_wait3A_109] : memref<10000x128xf32, #tpu.memory_space<hbm>> -> memref<80x128xf32, #tpu.memory_space<hbm>>
      tpu.wait_dma2 semaphore(%arg23 : memref<!tpu.dma_semaphore, #tpu.memory_space<semaphore_mem>>) src(%dma_wait3A_110 : memref<80x128xf32, #tpu.memory_space<hbm>>) dst(%arg12 : memref<80x128xf32, #tpu.memory_space<vmem>>)
      %scan3A_111 = arith.constant 0 : i32
      %scan3A_112 = arith.constant 0 : i32
      %scan3A_113 = arith.constant 80 : i32
      %scan3A_114 = arith.addi %scan3A_112, %scan3A_113 : i32
      %scan3A_115 = arith.constant 1 : i32
      %scan3A_116 = scf.for %scan3A_151 = %scan3A_112 to %scan3A_114 step %scan3A_115 iter_args(%scan3A_152 = %scan3A_111) -> (i32)  : i32 {
        %get3A_153 = arith.index_cast %scan3A_151 : i32 to index
        %get3A_154 = arith.constant 0 : index
        %get3A_155 = tpu.vector_load %arg11[%get3A_153, %get3A_154] {strides = array<i32>} : memref<80x128xf32, #tpu.memory_space<vmem>>, vector<16xf32>,
        %get3A_156 = arith.index_cast %scan3A_151 : i32 to index
        %get3A_157 = arith.constant 16 : index
        %get3A_158 = tpu.vector_load %arg11[%get3A_156, %get3A_157] {strides = array<i32>} : memref<80x128xf32, #tpu.memory_space<vmem>>, vector<16xf32>,
        %get3A_159 = arith.index_cast %scan3A_151 : i32 to index
        %get3A_160 = arith.constant 32 : index
        %get3A_161 = tpu.vector_load %arg11[%get3A_159, %get3A_160] {strides = array<i32>} : memref<80x128xf32, #tpu.memory_space<vmem>>, vector<16xf32>,
        %get3A_162 = arith.index_cast %scan3A_151 : i32 to index
        %get3A_163 = arith.constant 48 : index
        %get3A_164 = tpu.vector_load %arg11[%get3A_162, %get3A_163] {strides = array<i32>} : memref<80x128xf32, #tpu.memory_space<vmem>>, vector<16xf32>,
        %get3A_165 = arith.index_cast %scan3A_151 : i32 to index
        %get3A_166 = arith.constant 64 : index
        %get3A_167 = tpu.vector_load %arg11[%get3A_165, %get3A_166] {strides = array<i32>} : memref<80x128xf32, #tpu.memory_space<vmem>>, vector<16xf32>,
        %get3A_168 = arith.index_cast %scan3A_151 : i32 to index
        %get3A_169 = arith.constant 80 : index
        %get3A_170 = tpu.vector_load %arg11[%get3A_168, %get3A_169] {strides = array<i32>} : memref<80x128xf32, #tpu.memory_space<vmem>>, vector<16xf32>,
        %get3A_171 = arith.index_cast %scan3A_151 : i32 to index
        %get3A_172 = arith.constant 96 : index
        %get3A_173 = tpu.vector_load %arg11[%get3A_171, %get3A_172] {strides = array<i32>} : memref<80x128xf32, #tpu.memory_space<vmem>>, vector<16xf32>,
        %get3A_174 = arith.index_cast %scan3A_151 : i32 to index
        %get3A_175 = arith.constant 112 : index
        %get3A_176 = tpu.vector_load %arg11[%get3A_174, %get3A_175] {strides = array<i32>} : memref<80x128xf32, #tpu.memory_space<vmem>>, vector<16xf32>,
        %broadcast_in_dim3A_177 = arith.constant 0.000000e+00 : f32
        %broadcast_in_dim3A_178 = vector.broadcast %broadcast_in_dim3A_177 : f32 to vector<16xf32>
        %get3A_179 = arith.index_cast %scan3A_151 : i32 to index
        %get3A_180 = arith.constant 0 : index
        %get3A_181 = tpu.vector_load %arg12[%get3A_179, %get3A_180] {strides = array<i32>} : memref<80x128xf32, #tpu.memory_space<vmem>>, vector<16xf32>,
        %add3A_182 = arith.addf %get3A_155, %get3A_181 : vector<16xf32>
        %mul3A_183 = arith.constant 2.000000e-01 : f32
        %mul3A_184 = vector.broadcast %mul3A_183 : f32 to vector<16xf32>
        %mul3A_185 = arith.mulf %mul3A_184, %add3A_182 : vector<16xf32>
        %max3A = arith.maximumf %add3A_182, %mul3A_185 : vector<16xf32>
        %mul3A_186 = arith.mulf %get3A_22, %max3A : vector<16xf32>
        %add3A_187 = arith.addf %broadcast_in_dim3A_178, %mul3A_186 : vector<16xf32>
        %get3A_188 = arith.index_cast %scan3A_151 : i32 to index
        %get3A_189 = arith.constant 16 : index
        %get3A_190 = tpu.vector_load %arg12[%get3A_188, %get3A_189] {strides = array<i32>} : memref<80x128xf32, #tpu.memory_space<vmem>>, vector<16xf32>,
        %add3A_191 = arith.addf %get3A_158, %get3A_190 : vector<16xf32>
        %mul3A_192 = arith.constant 2.000000e-01 : f32
        %mul3A_193 = vector.broadcast %mul3A_192 : f32 to vector<16xf32>
        %mul3A_194 = arith.mulf %mul3A_193, %add3A_191 : vector<16xf32>
        %max3A_195 = arith.maximumf %add3A_191, %mul3A_194 : vector<16xf32>
        %mul3A_196 = arith.mulf %get3A_24, %max3A_195 : vector<16xf32>
        %add3A_197 = arith.addf %add3A_187, %mul3A_196 : vector<16xf32>
        %get3A_198 = arith.index_cast %scan3A_151 : i32 to index
        %get3A_199 = arith.constant 32 : index
        %get3A_200 = tpu.vector_load %arg12[%get3A_198, %get3A_199] {strides = array<i32>} : memref<80x128xf32, #tpu.memory_space<vmem>>, vector<16xf32>,
        %add3A_201 = arith.addf %get3A_161, %get3A_200 : vector<16xf32>
        %mul3A_202 = arith.constant 2.000000e-01 : f32
        %mul3A_203 = vector.broadcast %mul3A_202 : f32 to vector<16xf32>
        %mul3A_204 = arith.mulf %mul3A_203, %add3A_201 : vector<16xf32>
        %max3A_205 = arith.maximumf %add3A_201, %mul3A_204 : vector<16xf32>
        %mul3A_206 = arith.mulf %get3A_26, %max3A_205 : vector<16xf32>
        %add3A_207 = arith.addf %add3A_197, %mul3A_206 : vector<16xf32>
        %get3A_208 = arith.index_cast %scan3A_151 : i32 to index
        %get3A_209 = arith.constant 48 : index
        %get3A_210 = tpu.vector_load %arg12[%get3A_208, %get3A_209] {strides = array<i32>} : memref<80x128xf32, #tpu.memory_space<vmem>>, vector<16xf32>,
        %add3A_211 = arith.addf %get3A_164, %get3A_210 : vector<16xf32>
        %mul3A_212 = arith.constant 2.000000e-01 : f32
        %mul3A_213 = vector.broadcast %mul3A_212 : f32 to vector<16xf32>
        %mul3A_214 = arith.mulf %mul3A_213, %add3A_211 : vector<16xf32>
        %max3A_215 = arith.maximumf %add3A_211, %mul3A_214 : vector<16xf32>
        %mul3A_216 = arith.mulf %get3A_28, %max3A_215 : vector<16xf32>
        %add3A_217 = arith.addf %add3A_207, %mul3A_216 : vector<16xf32>
        %get3A_218 = arith.index_cast %scan3A_151 : i32 to index
        %get3A_219 = arith.constant 64 : index
        %get3A_220 = tpu.vector_load %arg12[%get3A_218, %get3A_219] {strides = array<i32>} : memref<80x128xf32, #tpu.memory_space<vmem>>, vector<16xf32>,
        %add3A_221 = arith.addf %get3A_167, %get3A_220 : vector<16xf32>
        %mul3A_222 = arith.constant 2.000000e-01 : f32
        %mul3A_223 = vector.broadcast %mul3A_222 : f32 to vector<16xf32>
        %mul3A_224 = arith.mulf %mul3A_223, %add3A_221 : vector<16xf32>
        %max3A_225 = arith.maximumf %add3A_221, %mul3A_224 : vector<16xf32>
        %mul3A_226 = arith.mulf %get3A_30, %max3A_225 : vector<16xf32>
        %add3A_227 = arith.addf %add3A_217, %mul3A_226 : vector<16xf32>
        %get3A_228 = arith.index_cast %scan3A_151 : i32 to index
        %get3A_229 = arith.constant 80 : index
        %get3A_230 = tpu.vector_load %arg12[%get3A_228, %get3A_229] {strides = array<i32>} : memref<80x128xf32, #tpu.memory_space<vmem>>, vector<16xf32>,
        %add3A_231 = arith.addf %get3A_170, %get3A_230 : vector<16xf32>
        %mul3A_232 = arith.constant 2.000000e-01 : f32
        %mul3A_233 = vector.broadcast %mul3A_232 : f32 to vector<16xf32>
        %mul3A_234 = arith.mulf %mul3A_233, %add3A_231 : vector<16xf32>
        %max3A_235 = arith.maximumf %add3A_231, %mul3A_234 : vector<16xf32>
        %mul3A_236 = arith.mulf %get3A_32, %max3A_235 : vector<16xf32>
        %add3A_237 = arith.addf %add3A_227, %mul3A_236 : vector<16xf32>
        %get3A_238 = arith.index_cast %scan3A_151 : i32 to index
        %get3A_239 = arith.constant 96 : index
        %get3A_240 = tpu.vector_load %arg12[%get3A_238, %get3A_239] {strides = array<i32>} : memref<80x128xf32, #tpu.memory_space<vmem>>, vector<16xf32>,
        %add3A_241 = arith.addf %get3A_173, %get3A_240 : vector<16xf32>
        %mul3A_242 = arith.constant 2.000000e-01 : f32
        %mul3A_243 = vector.broadcast %mul3A_242 : f32 to vector<16xf32>
        %mul3A_244 = arith.mulf %mul3A_243, %add3A_241 : vector<16xf32>
        %max3A_245 = arith.maximumf %add3A_241, %mul3A_244 : vector<16xf32>
        %mul3A_246 = arith.mulf %get3A_34, %max3A_245 : vector<16xf32>
        %add3A_247 = arith.addf %add3A_237, %mul3A_246 : vector<16xf32>
        %get3A_248 = arith.index_cast %scan3A_151 : i32 to index
        %get3A_249 = arith.constant 112 : index
        %get3A_250 = tpu.vector_load %arg12[%get3A_248, %get3A_249] {strides = array<i32>} : memref<80x128xf32, #tpu.memory_space<vmem>>, vector<16xf32>,
        %add3A_251 = arith.addf %get3A_176, %get3A_250 : vector<16xf32>
        %mul3A_252 = arith.constant 2.000000e-01 : f32
        %mul3A_253 = vector.broadcast %mul3A_252 : f32 to vector<16xf32>
        %mul3A_254 = arith.mulf %mul3A_253, %add3A_251 : vector<16xf32>
        %max3A_255 = arith.maximumf %add3A_251, %mul3A_254 : vector<16xf32>
        %mul3A_256 = arith.mulf %get3A_36, %max3A_255 : vector<16xf32>
        %add3A_257 = arith.addf %add3A_247, %mul3A_256 : vector<16xf32>
        %iota3A = tpu.iota {dimensions = array<i32: 0>} : vector<16xi32>
        %xor3A = arith.constant 1 : i32
        %xor3A_258 = vector.broadcast %xor3A : i32 to vector<16xi32>
        %xor3A_259 = arith.xori %iota3A, %xor3A_258 : vector<16xi32>
        %lt3A_260 = arith.constant 0 : i32
        %lt3A_261 = vector.broadcast %lt3A_260 : i32 to vector<16xi32>
        %lt3A_262 = arith.cmpi slt, %xor3A_259, %lt3A_261 : vector<16xi32>
        %add3A_263 = arith.constant 16 : i32
        %add3A_264 = vector.broadcast %add3A_263 : i32 to vector<16xi32>
        %add3A_265 = arith.addi %xor3A_259, %add3A_264 : vector<16xi32>
        %select_n3A = arith.select %lt3A_262, %add3A_265, %xor3A_259 : vector<16xi1>, vector<16xi32>
        %reshape3A = vector.shape_cast %select_n3A : vector<16xi32> to vector<16x1xi32>
        %gather3A = vector.shape_cast %reshape3A : vector<16x1xi32> to vector<16xi32>
        %gather3A_266 = tpu.dynamic_gather %add3A_257[%gather3A] in [0] : vector<16xf32>, vector<16xi32> -> vector<16xf32>
        %add3A_267 = arith.addf %add3A_257, %gather3A_266 : vector<16xf32>
        %xor3A_268 = arith.constant 2 : i32
        %xor3A_269 = vector.broadcast %xor3A_268 : i32 to vector<16xi32>
        %xor3A_270 = arith.xori %iota3A, %xor3A_269 : vector<16xi32>
        %lt3A_271 = arith.constant 0 : i32
        %lt3A_272 = vector.broadcast %lt3A_271 : i32 to vector<16xi32>
        %lt3A_273 = arith.cmpi slt, %xor3A_270, %lt3A_272 : vector<16xi32>
        %add3A_274 = arith.constant 16 : i32
        %add3A_275 = vector.broadcast %add3A_274 : i32 to vector<16xi32>
        %add3A_276 = arith.addi %xor3A_270, %add3A_275 : vector<16xi32>
        %select_n3A_277 = arith.select %lt3A_273, %add3A_276, %xor3A_270 : vector<16xi1>, vector<16xi32>
        %reshape3A_278 = vector.shape_cast %select_n3A_277 : vector<16xi32> to vector<16x1xi32>
        %gather3A_279 = vector.shape_cast %reshape3A_278 : vector<16x1xi32> to vector<16xi32>
        %gather3A_280 = tpu.dynamic_gather %add3A_267[%gather3A_279] in [0] : vector<16xf32>, vector<16xi32> -> vector<16xf32>
        %add3A_281 = arith.addf %add3A_267, %gather3A_280 : vector<16xf32>
        %xor3A_282 = arith.constant 4 : i32
        %xor3A_283 = vector.broadcast %xor3A_282 : i32 to vector<16xi32>
        %xor3A_284 = arith.xori %iota3A, %xor3A_283 : vector<16xi32>
        %lt3A_285 = arith.constant 0 : i32
        %lt3A_286 = vector.broadcast %lt3A_285 : i32 to vector<16xi32>
        %lt3A_287 = arith.cmpi slt, %xor3A_284, %lt3A_286 : vector<16xi32>
        %add3A_288 = arith.constant 16 : i32
        %add3A_289 = vector.broadcast %add3A_288 : i32 to vector<16xi32>
        %add3A_290 = arith.addi %xor3A_284, %add3A_289 : vector<16xi32>
        %select_n3A_291 = arith.select %lt3A_287, %add3A_290, %xor3A_284 : vector<16xi1>, vector<16xi32>
        %reshape3A_292 = vector.shape_cast %select_n3A_291 : vector<16xi32> to vector<16x1xi32>
        %gather3A_293 = vector.shape_cast %reshape3A_292 : vector<16x1xi32> to vector<16xi32>
        %gather3A_294 = tpu.dynamic_gather %add3A_281[%gather3A_293] in [0] : vector<16xf32>, vector<16xi32> -> vector<16xf32>
        %add3A_295 = arith.addf %add3A_281, %gather3A_294 : vector<16xf32>
        %xor3A_296 = arith.constant 8 : i32
        %xor3A_297 = vector.broadcast %xor3A_296 : i32 to vector<16xi32>
        %xor3A_298 = arith.xori %iota3A, %xor3A_297 : vector<16xi32>
        %lt3A_299 = arith.constant 0 : i32
        %lt3A_300 = vector.broadcast %lt3A_299 : i32 to vector<16xi32>
        %lt3A_301 = arith.cmpi slt, %xor3A_298, %lt3A_300 : vector<16xi32>
        %add3A_302 = arith.constant 16 : i32
        %add3A_303 = vector.broadcast %add3A_302 : i32 to vector<16xi32>
        %add3A_304 = arith.addi %xor3A_298, %add3A_303 : vector<16xi32>
        %select_n3A_305 = arith.select %lt3A_301, %add3A_304, %xor3A_298 : vector<16xi1>, vector<16xi32>
        %reshape3A_306 = vector.shape_cast %select_n3A_305 : vector<16xi32> to vector<16x1xi32>
        %gather3A_307 = vector.shape_cast %reshape3A_306 : vector<16x1xi32> to vector<16xi32>
        %gather3A_308 = tpu.dynamic_gather %add3A_295[%gather3A_307] in [0] : vector<16xf32>, vector<16xi32> -> vector<16xf32>
        %add3A_309 = arith.addf %add3A_295, %gather3A_308 : vector<16xf32>
        %exp3A = math.exp %add3A_309 : vector<16xf32>
        %eq3A = arith.constant 0 : i32
        %eq3A_310 = vector.broadcast %eq3A : i32 to vector<16xi32>
        %eq3A_311 = arith.cmpi eq, %iota3A, %eq3A_310 : vector<16xi32>
        %broadcast_in_dim3A_312 = vector.broadcast %scan3A_151 : i32 to vector<16xi32>
        tpu.vector_store_idx %arg17[%broadcast_in_dim3A_312], %exp3A masked %eq3A_311 : memref<80xf32, #tpu.memory_space<vmem>>[vector<16xi32>], vector<16xf32>, vector<16xi1>
        %mul3A_313 = arith.mulf %get3A_155, %exp3A : vector<16xf32>
        %swap3A = arith.index_cast %scan3A_151 : i32 to index
        %swap3A_314 = arith.constant 0 : index
        %swap3A_315 = tpu.vector_load %arg11[%swap3A, %swap3A_314] {strides = array<i32>} : memref<80x128xf32, #tpu.memory_space<vmem>>, vector<16xf32>,
        tpu.vector_store %arg11[%swap3A, %swap3A_314], %mul3A_313 {strides = array<i32>} : memref<80x128xf32, #tpu.memory_space<vmem>>, vector<16xf32>,
        %mul3A_316 = arith.mulf %get3A_158, %exp3A : vector<16xf32>
        %swap3A_317 = arith.index_cast %scan3A_151 : i32 to index
        %swap3A_318 = arith.constant 16 : index
        %swap3A_319 = tpu.vector_load %arg11[%swap3A_317, %swap3A_318] {strides = array<i32>} : memref<80x128xf32, #tpu.memory_space<vmem>>, vector<16xf32>,
        tpu.vector_store %arg11[%swap3A_317, %swap3A_318], %mul3A_316 {strides = array<i32>} : memref<80x128xf32, #tpu.memory_space<vmem>>, vector<16xf32>,
        %mul3A_320 = arith.mulf %get3A_161, %exp3A : vector<16xf32>
        %swap3A_321 = arith.index_cast %scan3A_151 : i32 to index
        %swap3A_322 = arith.constant 32 : index
        %swap3A_323 = tpu.vector_load %arg11[%swap3A_321, %swap3A_322] {strides = array<i32>} : memref<80x128xf32, #tpu.memory_space<vmem>>, vector<16xf32>,
        tpu.vector_store %arg11[%swap3A_321, %swap3A_322], %mul3A_320 {strides = array<i32>} : memref<80x128xf32, #tpu.memory_space<vmem>>, vector<16xf32>,
        %mul3A_324 = arith.mulf %get3A_164, %exp3A : vector<16xf32>
        %swap3A_325 = arith.index_cast %scan3A_151 : i32 to index
        %swap3A_326 = arith.constant 48 : index
        %swap3A_327 = tpu.vector_load %arg11[%swap3A_325, %swap3A_326] {strides = array<i32>} : memref<80x128xf32, #tpu.memory_space<vmem>>, vector<16xf32>,
        tpu.vector_store %arg11[%swap3A_325, %swap3A_326], %mul3A_324 {strides = array<i32>} : memref<80x128xf32, #tpu.memory_space<vmem>>, vector<16xf32>,
        %mul3A_328 = arith.mulf %get3A_167, %exp3A : vector<16xf32>
        %swap3A_329 = arith.index_cast %scan3A_151 : i32 to index
        %swap3A_330 = arith.constant 64 : index
        %swap3A_331 = tpu.vector_load %arg11[%swap3A_329, %swap3A_330] {strides = array<i32>} : memref<80x128xf32, #tpu.memory_space<vmem>>, vector<16xf32>,
        tpu.vector_store %arg11[%swap3A_329, %swap3A_330], %mul3A_328 {strides = array<i32>} : memref<80x128xf32, #tpu.memory_space<vmem>>, vector<16xf32>,
        %mul3A_332 = arith.mulf %get3A_170, %exp3A : vector<16xf32>
        %swap3A_333 = arith.index_cast %scan3A_151 : i32 to index
        %swap3A_334 = arith.constant 80 : index
        %swap3A_335 = tpu.vector_load %arg11[%swap3A_333, %swap3A_334] {strides = array<i32>} : memref<80x128xf32, #tpu.memory_space<vmem>>, vector<16xf32>,
        tpu.vector_store %arg11[%swap3A_333, %swap3A_334], %mul3A_332 {strides = array<i32>} : memref<80x128xf32, #tpu.memory_space<vmem>>, vector<16xf32>,
        %mul3A_336 = arith.mulf %get3A_173, %exp3A : vector<16xf32>
        %swap3A_337 = arith.index_cast %scan3A_151 : i32 to index
        %swap3A_338 = arith.constant 96 : index
        %swap3A_339 = tpu.vector_load %arg11[%swap3A_337, %swap3A_338] {strides = array<i32>} : memref<80x128xf32, #tpu.memory_space<vmem>>, vector<16xf32>,
        tpu.vector_store %arg11[%swap3A_337, %swap3A_338], %mul3A_336 {strides = array<i32>} : memref<80x128xf32, #tpu.memory_space<vmem>>, vector<16xf32>,
        %mul3A_340 = arith.mulf %get3A_176, %exp3A : vector<16xf32>
        %swap3A_341 = arith.index_cast %scan3A_151 : i32 to index
        %swap3A_342 = arith.constant 112 : index
        %swap3A_343 = tpu.vector_load %arg11[%swap3A_341, %swap3A_342] {strides = array<i32>} : memref<80x128xf32, #tpu.memory_space<vmem>>, vector<16xf32>,
        tpu.vector_store %arg11[%swap3A_341, %swap3A_342], %mul3A_340 {strides = array<i32>} : memref<80x128xf32, #tpu.memory_space<vmem>>, vector<16xf32>,
        %scan3A_344 = arith.constant 0 : i32
        scf.yield %scan3A_344 : i32
      }
      %scan3A_117 = arith.constant 80 : i32
      "tpu.region"() ({
        %run_scoped3A = tpu.sem_alloc : memref<!tpu.dma_semaphore, #tpu.memory_space<semaphore_mem>>
        %dma_start3A_151 = arith.constant 0 : i32
        %dma_start3A_152 = tpu.memref_slice %arg22[%dma_start3A_151] : memref<10000xf32, #tpu.memory_space<vmem_shared>> -> memref<10000xf32, #tpu.memory_space<vmem_shared>>
        tpu.enqueue_indirect_dma source(%arg17 : memref<80xf32, #tpu.memory_space<vmem>>) target(%dma_start3A_152 : memref<10000xf32, #tpu.memory_space<vmem_shared>>) offsets(%arg10 : memref<80xi32, #tpu.memory_space<vmem>>) semaphore(%run_scoped3A : memref<!tpu.dma_semaphore, #tpu.memory_space<semaphore_mem>>) {add = true}
        %dma_wait3A_153 = arith.constant 0 : i32
        %dma_wait3A_154 = tpu.memref_slice %arg22[%dma_wait3A_153] : memref<10000xf32, #tpu.memory_space<vmem_shared>> -> memref<10000xf32, #tpu.memory_space<vmem_shared>>
        tpu.wait_indirect_dma semaphore(%run_scoped3A : memref<!tpu.dma_semaphore, #tpu.memory_space<semaphore_mem>>) src(%arg17 : memref<80xf32, #tpu.memory_space<vmem>>) dst(%dma_wait3A_154 : memref<10000xf32, #tpu.memory_space<vmem_shared>>)
        tpu.yield
      }) : () -> ()
      "tpu.region"() ({
        %run_scoped3A = tpu.sem_alloc : memref<!tpu.dma_semaphore, #tpu.memory_space<semaphore_mem>>
        %dma_start3A_151 = arith.constant 0 : i32
        %dma_start3A_152 = arith.constant 0 : i32
        %dma_start3A_153 = tpu.memref_slice %arg21[%dma_start3A_151, %dma_start3A_152] : memref<10000x128xf32, #tpu.memory_space<vmem_shared>> -> memref<10000x128xf32, #tpu.memory_space<vmem_shared>>
        tpu.enqueue_indirect_dma source(%arg11 : memref<80x128xf32, #tpu.memory_space<vmem>>) target(%dma_start3A_153 : memref<10000x128xf32, #tpu.memory_space<vmem_shared>>) offsets(%arg10 : memref<80xi32, #tpu.memory_space<vmem>>) semaphore(%run_scoped3A : memref<!tpu.dma_semaphore, #tpu.memory_space<semaphore_mem>>) {add = true}
        %dma_wait3A_154 = arith.constant 0 : i32
        %dma_wait3A_155 = arith.constant 0 : i32
        %dma_wait3A_156 = tpu.memref_slice %arg21[%dma_wait3A_154, %dma_wait3A_155] : memref<10000x128xf32, #tpu.memory_space<vmem_shared>> -> memref<10000x128xf32, #tpu.memory_space<vmem_shared>>
        tpu.wait_indirect_dma semaphore(%run_scoped3A : memref<!tpu.dma_semaphore, #tpu.memory_space<semaphore_mem>>) src(%arg11 : memref<80x128xf32, #tpu.memory_space<vmem>>) dst(%dma_wait3A_156 : memref<10000x128xf32, #tpu.memory_space<vmem_shared>>)
        tpu.yield
      }) : () -> ()
      %add3A_118 = arith.constant 2 : i32
      %add3A_119 = arith.addi %mul3A_85, %add3A_118 : i32
      %mul3A_120 = arith.constant 10000 : i32
      %mul3A_121 = arith.muli %add3A, %mul3A_120 : i32
      %mul3A_122 = arith.constant 80 : i32
      %mul3A_123 = arith.muli %add3A_119, %mul3A_122 : i32
      %add3A_124 = arith.addi %mul3A_121, %mul3A_123 : i32
      "tpu.region"() ({
        %run_scoped3A = tpu.sem_alloc : memref<!tpu.dma_semaphore, #tpu.memory_space<semaphore_mem>>
        %dma_start3A_151 = tpu.memref_slice %arg4[%add3A_124] : memref<320000xi32, #tpu.memory_space<hbm>> -> memref<80xi32, #tpu.memory_space<hbm>>
        %dma_start3A_152 = tpu.memref_slice %arg4[%add3A_124] : memref<320000xi32, #tpu.memory_space<hbm>> -> memref<80xi32, #tpu.memory_space<hbm>>
        tpu.enqueue_dma source(%dma_start3A_152 : memref<80xi32, #tpu.memory_space<hbm>>) target(%arg9 : memref<80xi32, #tpu.memory_space<vmem>>) target_semaphore(%run_scoped3A : memref<!tpu.dma_semaphore, #tpu.memory_space<semaphore_mem>>)
        %dma_wait3A_153 = tpu.memref_slice %arg4[%add3A_124] : memref<320000xi32, #tpu.memory_space<hbm>> -> memref<80xi32, #tpu.memory_space<hbm>>
        %dma_wait3A_154 = tpu.memref_slice %arg4[%add3A_124] : memref<320000xi32, #tpu.memory_space<hbm>> -> memref<80xi32, #tpu.memory_space<hbm>>
        tpu.wait_dma2 semaphore(%run_scoped3A : memref<!tpu.dma_semaphore, #tpu.memory_space<semaphore_mem>>) src(%dma_wait3A_154 : memref<80xi32, #tpu.memory_space<hbm>>) dst(%arg9 : memref<80xi32, #tpu.memory_space<vmem>>)
        tpu.yield
      }) : () -> ()
      "tpu.region"() ({
        %run_scoped3A = tpu.sem_alloc : memref<!tpu.dma_semaphore, #tpu.memory_space<semaphore_mem>>
        %dma_start3A_151 = tpu.memref_slice %arg5[%add3A_124] : memref<320000xi32, #tpu.memory_space<hbm>> -> memref<80xi32, #tpu.memory_space<hbm>>
        %dma_start3A_152 = tpu.memref_slice %arg5[%add3A_124] : memref<320000xi32, #tpu.memory_space<hbm>> -> memref<80xi32, #tpu.memory_space<hbm>>
        tpu.enqueue_dma source(%dma_start3A_152 : memref<80xi32, #tpu.memory_space<hbm>>) target(%arg10 : memref<80xi32, #tpu.memory_space<vmem>>) target_semaphore(%run_scoped3A : memref<!tpu.dma_semaphore, #tpu.memory_space<semaphore_mem>>)
        %dma_wait3A_153 = tpu.memref_slice %arg5[%add3A_124] : memref<320000xi32, #tpu.memory_space<hbm>> -> memref<80xi32, #tpu.memory_space<hbm>>
        %dma_wait3A_154 = tpu.memref_slice %arg5[%add3A_124] : memref<320000xi32, #tpu.memory_space<hbm>> -> memref<80xi32, #tpu.memory_space<hbm>>
        tpu.wait_dma2 semaphore(%run_scoped3A : memref<!tpu.dma_semaphore, #tpu.memory_space<semaphore_mem>>) src(%dma_wait3A_154 : memref<80xi32, #tpu.memory_space<hbm>>) dst(%arg10 : memref<80xi32, #tpu.memory_space<vmem>>)
        tpu.yield
      }) : () -> ()
      %dma_start3A_125 = arith.constant 0 : i32
      %dma_start3A_126 = arith.constant 0 : i32
      %dma_start3A_127 = tpu.memref_slice %arg2[%dma_start3A_125, %dma_start3A_126] : memref<10000x128xf32, #tpu.memory_space<hbm>> -> memref<10000x128xf32, #tpu.memory_space<hbm>>
      tpu.enqueue_indirect_dma source(%dma_start3A_127 : memref<10000x128xf32, #tpu.memory_space<hbm>>) target(%arg11 : memref<80x128xf32, #tpu.memory_space<vmem>>) offsets(%arg9 : memref<80xi32, #tpu.memory_space<vmem>>) semaphore(%arg23 : memref<!tpu.dma_semaphore, #tpu.memory_space<semaphore_mem>>)
      %dma_start3A_128 = arith.constant 0 : i32
      %dma_start3A_129 = arith.constant 0 : i32
      %dma_start3A_130 = tpu.memref_slice %arg3[%dma_start3A_128, %dma_start3A_129] : memref<10000x128xf32, #tpu.memory_space<hbm>> -> memref<10000x128xf32, #tpu.memory_space<hbm>>
      tpu.enqueue_indirect_dma source(%dma_start3A_130 : memref<10000x128xf32, #tpu.memory_space<hbm>>) target(%arg12 : memref<80x128xf32, #tpu.memory_space<vmem>>) offsets(%arg10 : memref<80xi32, #tpu.memory_space<vmem>>) semaphore(%arg23 : memref<!tpu.dma_semaphore, #tpu.memory_space<semaphore_mem>>)
      %dma_wait3A_131 = arith.constant 0 : i32
      %dma_wait3A_132 = arith.constant 0 : i32
      %dma_wait3A_133 = tpu.memref_slice %arg2[%dma_wait3A_131, %dma_wait3A_132] : memref<10000x128xf32, #tpu.memory_space<hbm>> -> memref<80x128xf32, #tpu.memory_space<hbm>>
      %dma_wait3A_134 = arith.constant 0 : i32
      %dma_wait3A_135 = arith.constant 0 : i32
      %dma_wait3A_136 = tpu.memref_slice %arg2[%dma_wait3A_134, %dma_wait3A_135] : memref<10000x128xf32, #tpu.memory_space<hbm>> -> memref<80x128xf32, #tpu.memory_space<hbm>>
      tpu.wait_dma2 semaphore(%arg24 : memref<!tpu.dma_semaphore, #tpu.memory_space<semaphore_mem>>) src(%dma_wait3A_136 : memref<80x128xf32, #tpu.memory_space<hbm>>) dst(%arg15 : memref<80x128xf32, #tpu.memory_space<vmem>>)
      %dma_wait3A_137 = arith.constant 0 : i32
      %dma_wait3A_138 = arith.constant 0 : i32
      %dma_wait3A_139 = tpu.memref_slice %arg3[%dma_wait3A_137, %dma_wait3A_138] : memref<10000x128xf32, #tpu.memory_space<hbm>> -> memref<80x128xf32, #tpu.memory_space<hbm>>
      %dma_wait3A_140 = arith.constant 0 : i32
      %dma_wait3A_141 = arith.constant 0 : i32
      %dma_wait3A_142 = tpu.memref_slice %arg3[%dma_wait3A_140, %dma_wait3A_141] : memref<10000x128xf32, #tpu.memory_space<hbm>> -> memref<80x128xf32, #tpu.memory_space<hbm>>
      tpu.wait_dma2 semaphore(%arg24 : memref<!tpu.dma_semaphore, #tpu.memory_space<semaphore_mem>>) src(%dma_wait3A_142 : memref<80x128xf32, #tpu.memory_space<hbm>>) dst(%arg16 : memref<80x128xf32, #tpu.memory_space<vmem>>)
      %scan3A_143 = arith.constant 0 : i32
      %scan3A_144 = arith.constant 0 : i32
      %scan3A_145 = arith.constant 80 : i32
      %scan3A_146 = arith.addi %scan3A_144, %scan3A_145 : i32
      %scan3A_147 = arith.constant 1 : i32
      %scan3A_148 = scf.for %scan3A_151 = %scan3A_144 to %scan3A_146 step %scan3A_147 iter_args(%scan3A_152 = %scan3A_143) -> (i32)  : i32 {
        %get3A_153 = arith.index_cast %scan3A_151 : i32 to index
        %get3A_154 = arith.constant 0 : index
        %get3A_155 = tpu.vector_load %arg15[%get3A_153, %get3A_154] {strides = array<i32>} : memref<80x128xf32, #tpu.memory_space<vmem>>, vector<16xf32>,
        %get3A_156 = arith.index_cast %scan3A_151 : i32 to index
        %get3A_157 = arith.constant 16 : index
        %get3A_158 = tpu.vector_load %arg15[%get3A_156, %get3A_157] {strides = array<i32>} : memref<80x128xf32, #tpu.memory_space<vmem>>, vector<16xf32>,
        %get3A_159 = arith.index_cast %scan3A_151 : i32 to index
        %get3A_160 = arith.constant 32 : index
        %get3A_161 = tpu.vector_load %arg15[%get3A_159, %get3A_160] {strides = array<i32>} : memref<80x128xf32, #tpu.memory_space<vmem>>, vector<16xf32>,
        %get3A_162 = arith.index_cast %scan3A_151 : i32 to index
        %get3A_163 = arith.constant 48 : index
        %get3A_164 = tpu.vector_load %arg15[%get3A_162, %get3A_163] {strides = array<i32>} : memref<80x128xf32, #tpu.memory_space<vmem>>, vector<16xf32>,
        %get3A_165 = arith.index_cast %scan3A_151 : i32 to index
        %get3A_166 = arith.constant 64 : index
        %get3A_167 = tpu.vector_load %arg15[%get3A_165, %get3A_166] {strides = array<i32>} : memref<80x128xf32, #tpu.memory_space<vmem>>, vector<16xf32>,
        %get3A_168 = arith.index_cast %scan3A_151 : i32 to index
        %get3A_169 = arith.constant 80 : index
        %get3A_170 = tpu.vector_load %arg15[%get3A_168, %get3A_169] {strides = array<i32>} : memref<80x128xf32, #tpu.memory_space<vmem>>, vector<16xf32>,
        %get3A_171 = arith.index_cast %scan3A_151 : i32 to index
        %get3A_172 = arith.constant 96 : index
        %get3A_173 = tpu.vector_load %arg15[%get3A_171, %get3A_172] {strides = array<i32>} : memref<80x128xf32, #tpu.memory_space<vmem>>, vector<16xf32>,
        %get3A_174 = arith.index_cast %scan3A_151 : i32 to index
        %get3A_175 = arith.constant 112 : index
        %get3A_176 = tpu.vector_load %arg15[%get3A_174, %get3A_175] {strides = array<i32>} : memref<80x128xf32, #tpu.memory_space<vmem>>, vector<16xf32>,
        %broadcast_in_dim3A_177 = arith.constant 0.000000e+00 : f32
        %broadcast_in_dim3A_178 = vector.broadcast %broadcast_in_dim3A_177 : f32 to vector<16xf32>
        %get3A_179 = arith.index_cast %scan3A_151 : i32 to index
        %get3A_180 = arith.constant 0 : index
        %get3A_181 = tpu.vector_load %arg16[%get3A_179, %get3A_180] {strides = array<i32>} : memref<80x128xf32, #tpu.memory_space<vmem>>, vector<16xf32>,
        %add3A_182 = arith.addf %get3A_155, %get3A_181 : vector<16xf32>
        %mul3A_183 = arith.constant 2.000000e-01 : f32
        %mul3A_184 = vector.broadcast %mul3A_183 : f32 to vector<16xf32>
        %mul3A_185 = arith.mulf %mul3A_184, %add3A_182 : vector<16xf32>
        %max3A = arith.maximumf %add3A_182, %mul3A_185 : vector<16xf32>
        %mul3A_186 = arith.mulf %get3A_22, %max3A : vector<16xf32>
        %add3A_187 = arith.addf %broadcast_in_dim3A_178, %mul3A_186 : vector<16xf32>
        %get3A_188 = arith.index_cast %scan3A_151 : i32 to index
        %get3A_189 = arith.constant 16 : index
        %get3A_190 = tpu.vector_load %arg16[%get3A_188, %get3A_189] {strides = array<i32>} : memref<80x128xf32, #tpu.memory_space<vmem>>, vector<16xf32>,
        %add3A_191 = arith.addf %get3A_158, %get3A_190 : vector<16xf32>
        %mul3A_192 = arith.constant 2.000000e-01 : f32
        %mul3A_193 = vector.broadcast %mul3A_192 : f32 to vector<16xf32>
        %mul3A_194 = arith.mulf %mul3A_193, %add3A_191 : vector<16xf32>
        %max3A_195 = arith.maximumf %add3A_191, %mul3A_194 : vector<16xf32>
        %mul3A_196 = arith.mulf %get3A_24, %max3A_195 : vector<16xf32>
        %add3A_197 = arith.addf %add3A_187, %mul3A_196 : vector<16xf32>
        %get3A_198 = arith.index_cast %scan3A_151 : i32 to index
        %get3A_199 = arith.constant 32 : index
        %get3A_200 = tpu.vector_load %arg16[%get3A_198, %get3A_199] {strides = array<i32>} : memref<80x128xf32, #tpu.memory_space<vmem>>, vector<16xf32>,
        %add3A_201 = arith.addf %get3A_161, %get3A_200 : vector<16xf32>
        %mul3A_202 = arith.constant 2.000000e-01 : f32
        %mul3A_203 = vector.broadcast %mul3A_202 : f32 to vector<16xf32>
        %mul3A_204 = arith.mulf %mul3A_203, %add3A_201 : vector<16xf32>
        %max3A_205 = arith.maximumf %add3A_201, %mul3A_204 : vector<16xf32>
        %mul3A_206 = arith.mulf %get3A_26, %max3A_205 : vector<16xf32>
        %add3A_207 = arith.addf %add3A_197, %mul3A_206 : vector<16xf32>
        %get3A_208 = arith.index_cast %scan3A_151 : i32 to index
        %get3A_209 = arith.constant 48 : index
        %get3A_210 = tpu.vector_load %arg16[%get3A_208, %get3A_209] {strides = array<i32>} : memref<80x128xf32, #tpu.memory_space<vmem>>, vector<16xf32>,
        %add3A_211 = arith.addf %get3A_164, %get3A_210 : vector<16xf32>
        %mul3A_212 = arith.constant 2.000000e-01 : f32
        %mul3A_213 = vector.broadcast %mul3A_212 : f32 to vector<16xf32>
        %mul3A_214 = arith.mulf %mul3A_213, %add3A_211 : vector<16xf32>
        %max3A_215 = arith.maximumf %add3A_211, %mul3A_214 : vector<16xf32>
        %mul3A_216 = arith.mulf %get3A_28, %max3A_215 : vector<16xf32>
        %add3A_217 = arith.addf %add3A_207, %mul3A_216 : vector<16xf32>
        %get3A_218 = arith.index_cast %scan3A_151 : i32 to index
        %get3A_219 = arith.constant 64 : index
        %get3A_220 = tpu.vector_load %arg16[%get3A_218, %get3A_219] {strides = array<i32>} : memref<80x128xf32, #tpu.memory_space<vmem>>, vector<16xf32>,
        %add3A_221 = arith.addf %get3A_167, %get3A_220 : vector<16xf32>
        %mul3A_222 = arith.constant 2.000000e-01 : f32
        %mul3A_223 = vector.broadcast %mul3A_222 : f32 to vector<16xf32>
        %mul3A_224 = arith.mulf %mul3A_223, %add3A_221 : vector<16xf32>
        %max3A_225 = arith.maximumf %add3A_221, %mul3A_224 : vector<16xf32>
        %mul3A_226 = arith.mulf %get3A_30, %max3A_225 : vector<16xf32>
        %add3A_227 = arith.addf %add3A_217, %mul3A_226 : vector<16xf32>
        %get3A_228 = arith.index_cast %scan3A_151 : i32 to index
        %get3A_229 = arith.constant 80 : index
        %get3A_230 = tpu.vector_load %arg16[%get3A_228, %get3A_229] {strides = array<i32>} : memref<80x128xf32, #tpu.memory_space<vmem>>, vector<16xf32>,
        %add3A_231 = arith.addf %get3A_170, %get3A_230 : vector<16xf32>
        %mul3A_232 = arith.constant 2.000000e-01 : f32
        %mul3A_233 = vector.broadcast %mul3A_232 : f32 to vector<16xf32>
        %mul3A_234 = arith.mulf %mul3A_233, %add3A_231 : vector<16xf32>
        %max3A_235 = arith.maximumf %add3A_231, %mul3A_234 : vector<16xf32>
        %mul3A_236 = arith.mulf %get3A_32, %max3A_235 : vector<16xf32>
        %add3A_237 = arith.addf %add3A_227, %mul3A_236 : vector<16xf32>
        %get3A_238 = arith.index_cast %scan3A_151 : i32 to index
        %get3A_239 = arith.constant 96 : index
        %get3A_240 = tpu.vector_load %arg16[%get3A_238, %get3A_239] {strides = array<i32>} : memref<80x128xf32, #tpu.memory_space<vmem>>, vector<16xf32>,
        %add3A_241 = arith.addf %get3A_173, %get3A_240 : vector<16xf32>
        %mul3A_242 = arith.constant 2.000000e-01 : f32
        %mul3A_243 = vector.broadcast %mul3A_242 : f32 to vector<16xf32>
        %mul3A_244 = arith.mulf %mul3A_243, %add3A_241 : vector<16xf32>
        %max3A_245 = arith.maximumf %add3A_241, %mul3A_244 : vector<16xf32>
        %mul3A_246 = arith.mulf %get3A_34, %max3A_245 : vector<16xf32>
        %add3A_247 = arith.addf %add3A_237, %mul3A_246 : vector<16xf32>
        %get3A_248 = arith.index_cast %scan3A_151 : i32 to index
        %get3A_249 = arith.constant 112 : index
        %get3A_250 = tpu.vector_load %arg16[%get3A_248, %get3A_249] {strides = array<i32>} : memref<80x128xf32, #tpu.memory_space<vmem>>, vector<16xf32>,
        %add3A_251 = arith.addf %get3A_176, %get3A_250 : vector<16xf32>
        %mul3A_252 = arith.constant 2.000000e-01 : f32
        %mul3A_253 = vector.broadcast %mul3A_252 : f32 to vector<16xf32>
        %mul3A_254 = arith.mulf %mul3A_253, %add3A_251 : vector<16xf32>
        %max3A_255 = arith.maximumf %add3A_251, %mul3A_254 : vector<16xf32>
        %mul3A_256 = arith.mulf %get3A_36, %max3A_255 : vector<16xf32>
        %add3A_257 = arith.addf %add3A_247, %mul3A_256 : vector<16xf32>
        %iota3A = tpu.iota {dimensions = array<i32: 0>} : vector<16xi32>
        %xor3A = arith.constant 1 : i32
        %xor3A_258 = vector.broadcast %xor3A : i32 to vector<16xi32>
        %xor3A_259 = arith.xori %iota3A, %xor3A_258 : vector<16xi32>
        %lt3A_260 = arith.constant 0 : i32
        %lt3A_261 = vector.broadcast %lt3A_260 : i32 to vector<16xi32>
        %lt3A_262 = arith.cmpi slt, %xor3A_259, %lt3A_261 : vector<16xi32>
        %add3A_263 = arith.constant 16 : i32
        %add3A_264 = vector.broadcast %add3A_263 : i32 to vector<16xi32>
        %add3A_265 = arith.addi %xor3A_259, %add3A_264 : vector<16xi32>
        %select_n3A = arith.select %lt3A_262, %add3A_265, %xor3A_259 : vector<16xi1>, vector<16xi32>
        %reshape3A = vector.shape_cast %select_n3A : vector<16xi32> to vector<16x1xi32>
        %gather3A = vector.shape_cast %reshape3A : vector<16x1xi32> to vector<16xi32>
        %gather3A_266 = tpu.dynamic_gather %add3A_257[%gather3A] in [0] : vector<16xf32>, vector<16xi32> -> vector<16xf32>
        %add3A_267 = arith.addf %add3A_257, %gather3A_266 : vector<16xf32>
        %xor3A_268 = arith.constant 2 : i32
        %xor3A_269 = vector.broadcast %xor3A_268 : i32 to vector<16xi32>
        %xor3A_270 = arith.xori %iota3A, %xor3A_269 : vector<16xi32>
        %lt3A_271 = arith.constant 0 : i32
        %lt3A_272 = vector.broadcast %lt3A_271 : i32 to vector<16xi32>
        %lt3A_273 = arith.cmpi slt, %xor3A_270, %lt3A_272 : vector<16xi32>
        %add3A_274 = arith.constant 16 : i32
        %add3A_275 = vector.broadcast %add3A_274 : i32 to vector<16xi32>
        %add3A_276 = arith.addi %xor3A_270, %add3A_275 : vector<16xi32>
        %select_n3A_277 = arith.select %lt3A_273, %add3A_276, %xor3A_270 : vector<16xi1>, vector<16xi32>
        %reshape3A_278 = vector.shape_cast %select_n3A_277 : vector<16xi32> to vector<16x1xi32>
        %gather3A_279 = vector.shape_cast %reshape3A_278 : vector<16x1xi32> to vector<16xi32>
        %gather3A_280 = tpu.dynamic_gather %add3A_267[%gather3A_279] in [0] : vector<16xf32>, vector<16xi32> -> vector<16xf32>
        %add3A_281 = arith.addf %add3A_267, %gather3A_280 : vector<16xf32>
        %xor3A_282 = arith.constant 4 : i32
        %xor3A_283 = vector.broadcast %xor3A_282 : i32 to vector<16xi32>
        %xor3A_284 = arith.xori %iota3A, %xor3A_283 : vector<16xi32>
        %lt3A_285 = arith.constant 0 : i32
        %lt3A_286 = vector.broadcast %lt3A_285 : i32 to vector<16xi32>
        %lt3A_287 = arith.cmpi slt, %xor3A_284, %lt3A_286 : vector<16xi32>
        %add3A_288 = arith.constant 16 : i32
        %add3A_289 = vector.broadcast %add3A_288 : i32 to vector<16xi32>
        %add3A_290 = arith.addi %xor3A_284, %add3A_289 : vector<16xi32>
        %select_n3A_291 = arith.select %lt3A_287, %add3A_290, %xor3A_284 : vector<16xi1>, vector<16xi32>
        %reshape3A_292 = vector.shape_cast %select_n3A_291 : vector<16xi32> to vector<16x1xi32>
        %gather3A_293 = vector.shape_cast %reshape3A_292 : vector<16x1xi32> to vector<16xi32>
        %gather3A_294 = tpu.dynamic_gather %add3A_281[%gather3A_293] in [0] : vector<16xf32>, vector<16xi32> -> vector<16xf32>
        %add3A_295 = arith.addf %add3A_281, %gather3A_294 : vector<16xf32>
        %xor3A_296 = arith.constant 8 : i32
        %xor3A_297 = vector.broadcast %xor3A_296 : i32 to vector<16xi32>
        %xor3A_298 = arith.xori %iota3A, %xor3A_297 : vector<16xi32>
        %lt3A_299 = arith.constant 0 : i32
        %lt3A_300 = vector.broadcast %lt3A_299 : i32 to vector<16xi32>
        %lt3A_301 = arith.cmpi slt, %xor3A_298, %lt3A_300 : vector<16xi32>
        %add3A_302 = arith.constant 16 : i32
        %add3A_303 = vector.broadcast %add3A_302 : i32 to vector<16xi32>
        %add3A_304 = arith.addi %xor3A_298, %add3A_303 : vector<16xi32>
        %select_n3A_305 = arith.select %lt3A_301, %add3A_304, %xor3A_298 : vector<16xi1>, vector<16xi32>
        %reshape3A_306 = vector.shape_cast %select_n3A_305 : vector<16xi32> to vector<16x1xi32>
        %gather3A_307 = vector.shape_cast %reshape3A_306 : vector<16x1xi32> to vector<16xi32>
        %gather3A_308 = tpu.dynamic_gather %add3A_295[%gather3A_307] in [0] : vector<16xf32>, vector<16xi32> -> vector<16xf32>
        %add3A_309 = arith.addf %add3A_295, %gather3A_308 : vector<16xf32>
        %exp3A = math.exp %add3A_309 : vector<16xf32>
        %eq3A = arith.constant 0 : i32
        %eq3A_310 = vector.broadcast %eq3A : i32 to vector<16xi32>
        %eq3A_311 = arith.cmpi eq, %iota3A, %eq3A_310 : vector<16xi32>
        %broadcast_in_dim3A_312 = vector.broadcast %scan3A_151 : i32 to vector<16xi32>
        tpu.vector_store_idx %arg17[%broadcast_in_dim3A_312], %exp3A masked %eq3A_311 : memref<80xf32, #tpu.memory_space<vmem>>[vector<16xi32>], vector<16xf32>, vector<16xi1>
        %mul3A_313 = arith.mulf %get3A_155, %exp3A : vector<16xf32>
        %swap3A = arith.index_cast %scan3A_151 : i32 to index
        %swap3A_314 = arith.constant 0 : index
        %swap3A_315 = tpu.vector_load %arg15[%swap3A, %swap3A_314] {strides = array<i32>} : memref<80x128xf32, #tpu.memory_space<vmem>>, vector<16xf32>,
        tpu.vector_store %arg15[%swap3A, %swap3A_314], %mul3A_313 {strides = array<i32>} : memref<80x128xf32, #tpu.memory_space<vmem>>, vector<16xf32>,
        %mul3A_316 = arith.mulf %get3A_158, %exp3A : vector<16xf32>
        %swap3A_317 = arith.index_cast %scan3A_151 : i32 to index
        %swap3A_318 = arith.constant 16 : index
        %swap3A_319 = tpu.vector_load %arg15[%swap3A_317, %swap3A_318] {strides = array<i32>} : memref<80x128xf32, #tpu.memory_space<vmem>>, vector<16xf32>,
        tpu.vector_store %arg15[%swap3A_317, %swap3A_318], %mul3A_316 {strides = array<i32>} : memref<80x128xf32, #tpu.memory_space<vmem>>, vector<16xf32>,
        %mul3A_320 = arith.mulf %get3A_161, %exp3A : vector<16xf32>
        %swap3A_321 = arith.index_cast %scan3A_151 : i32 to index
        %swap3A_322 = arith.constant 32 : index
        %swap3A_323 = tpu.vector_load %arg15[%swap3A_321, %swap3A_322] {strides = array<i32>} : memref<80x128xf32, #tpu.memory_space<vmem>>, vector<16xf32>,
        tpu.vector_store %arg15[%swap3A_321, %swap3A_322], %mul3A_320 {strides = array<i32>} : memref<80x128xf32, #tpu.memory_space<vmem>>, vector<16xf32>,
        %mul3A_324 = arith.mulf %get3A_164, %exp3A : vector<16xf32>
        %swap3A_325 = arith.index_cast %scan3A_151 : i32 to index
        %swap3A_326 = arith.constant 48 : index
        %swap3A_327 = tpu.vector_load %arg15[%swap3A_325, %swap3A_326] {strides = array<i32>} : memref<80x128xf32, #tpu.memory_space<vmem>>, vector<16xf32>,
        tpu.vector_store %arg15[%swap3A_325, %swap3A_326], %mul3A_324 {strides = array<i32>} : memref<80x128xf32, #tpu.memory_space<vmem>>, vector<16xf32>,
        %mul3A_328 = arith.mulf %get3A_167, %exp3A : vector<16xf32>
        %swap3A_329 = arith.index_cast %scan3A_151 : i32 to index
        %swap3A_330 = arith.constant 64 : index
        %swap3A_331 = tpu.vector_load %arg15[%swap3A_329, %swap3A_330] {strides = array<i32>} : memref<80x128xf32, #tpu.memory_space<vmem>>, vector<16xf32>,
        tpu.vector_store %arg15[%swap3A_329, %swap3A_330], %mul3A_328 {strides = array<i32>} : memref<80x128xf32, #tpu.memory_space<vmem>>, vector<16xf32>,
        %mul3A_332 = arith.mulf %get3A_170, %exp3A : vector<16xf32>
        %swap3A_333 = arith.index_cast %scan3A_151 : i32 to index
        %swap3A_334 = arith.constant 80 : index
        %swap3A_335 = tpu.vector_load %arg15[%swap3A_333, %swap3A_334] {strides = array<i32>} : memref<80x128xf32, #tpu.memory_space<vmem>>, vector<16xf32>,
        tpu.vector_store %arg15[%swap3A_333, %swap3A_334], %mul3A_332 {strides = array<i32>} : memref<80x128xf32, #tpu.memory_space<vmem>>, vector<16xf32>,
        %mul3A_336 = arith.mulf %get3A_173, %exp3A : vector<16xf32>
        %swap3A_337 = arith.index_cast %scan3A_151 : i32 to index
        %swap3A_338 = arith.constant 96 : index
        %swap3A_339 = tpu.vector_load %arg15[%swap3A_337, %swap3A_338] {strides = array<i32>} : memref<80x128xf32, #tpu.memory_space<vmem>>, vector<16xf32>,
        tpu.vector_store %arg15[%swap3A_337, %swap3A_338], %mul3A_336 {strides = array<i32>} : memref<80x128xf32, #tpu.memory_space<vmem>>, vector<16xf32>,
        %mul3A_340 = arith.mulf %get3A_176, %exp3A : vector<16xf32>
        %swap3A_341 = arith.index_cast %scan3A_151 : i32 to index
        %swap3A_342 = arith.constant 112 : index
        %swap3A_343 = tpu.vector_load %arg15[%swap3A_341, %swap3A_342] {strides = array<i32>} : memref<80x128xf32, #tpu.memory_space<vmem>>, vector<16xf32>,
        tpu.vector_store %arg15[%swap3A_341, %swap3A_342], %mul3A_340 {strides = array<i32>} : memref<80x128xf32, #tpu.memory_space<vmem>>, vector<16xf32>,
        %scan3A_344 = arith.constant 0 : i32
        scf.yield %scan3A_344 : i32
      }
      %scan3A_149 = arith.constant 80 : i32
      "tpu.region"() ({
        %run_scoped3A = tpu.sem_alloc : memref<!tpu.dma_semaphore, #tpu.memory_space<semaphore_mem>>
        %dma_start3A_151 = arith.constant 0 : i32
        %dma_start3A_152 = tpu.memref_slice %arg22[%dma_start3A_151] : memref<10000xf32, #tpu.memory_space<vmem_shared>> -> memref<10000xf32, #tpu.memory_space<vmem_shared>>
        tpu.enqueue_indirect_dma source(%arg17 : memref<80xf32, #tpu.memory_space<vmem>>) target(%dma_start3A_152 : memref<10000xf32, #tpu.memory_space<vmem_shared>>) offsets(%arg14 : memref<80xi32, #tpu.memory_space<vmem>>) semaphore(%run_scoped3A : memref<!tpu.dma_semaphore, #tpu.memory_space<semaphore_mem>>) {add = true}
        %dma_wait3A_153 = arith.constant 0 : i32
        %dma_wait3A_154 = tpu.memref_slice %arg22[%dma_wait3A_153] : memref<10000xf32, #tpu.memory_space<vmem_shared>> -> memref<10000xf32, #tpu.memory_space<vmem_shared>>
        tpu.wait_indirect_dma semaphore(%run_scoped3A : memref<!tpu.dma_semaphore, #tpu.memory_space<semaphore_mem>>) src(%arg17 : memref<80xf32, #tpu.memory_space<vmem>>) dst(%dma_wait3A_154 : memref<10000xf32, #tpu.memory_space<vmem_shared>>)
        tpu.yield
      }) : () -> ()
      "tpu.region"() ({
        %run_scoped3A = tpu.sem_alloc : memref<!tpu.dma_semaphore, #tpu.memory_space<semaphore_mem>>
        %dma_start3A_151 = arith.constant 0 : i32
        %dma_start3A_152 = arith.constant 0 : i32
        %dma_start3A_153 = tpu.memref_slice %arg21[%dma_start3A_151, %dma_start3A_152] : memref<10000x128xf32, #tpu.memory_space<vmem_shared>> -> memref<10000x128xf32, #tpu.memory_space<vmem_shared>>
        tpu.enqueue_indirect_dma source(%arg15 : memref<80x128xf32, #tpu.memory_space<vmem>>) target(%dma_start3A_153 : memref<10000x128xf32, #tpu.memory_space<vmem_shared>>) offsets(%arg14 : memref<80xi32, #tpu.memory_space<vmem>>) semaphore(%run_scoped3A : memref<!tpu.dma_semaphore, #tpu.memory_space<semaphore_mem>>) {add = true}
        %dma_wait3A_154 = arith.constant 0 : i32
        %dma_wait3A_155 = arith.constant 0 : i32
        %dma_wait3A_156 = tpu.memref_slice %arg21[%dma_wait3A_154, %dma_wait3A_155] : memref<10000x128xf32, #tpu.memory_space<vmem_shared>> -> memref<10000x128xf32, #tpu.memory_space<vmem_shared>>
        tpu.wait_indirect_dma semaphore(%run_scoped3A : memref<!tpu.dma_semaphore, #tpu.memory_space<semaphore_mem>>) src(%arg15 : memref<80x128xf32, #tpu.memory_space<vmem>>) dst(%dma_wait3A_156 : memref<10000x128xf32, #tpu.memory_space<vmem_shared>>)
        tpu.yield
      }) : () -> ()
      %scan3A_150 = arith.constant 0 : i32
      scf.yield %scan3A_150 : i32
    }
    %scan3A_52 = arith.constant 62 : i32
    %dma_wait3A = arith.constant 0 : i32
    %dma_wait3A_53 = arith.constant 0 : i32
    %dma_wait3A_54 = tpu.memref_slice %arg2[%dma_wait3A, %dma_wait3A_53] : memref<10000x128xf32, #tpu.memory_space<hbm>> -> memref<80x128xf32, #tpu.memory_space<hbm>>
    %dma_wait3A_55 = arith.constant 0 : i32
    %dma_wait3A_56 = arith.constant 0 : i32
    %dma_wait3A_57 = tpu.memref_slice %arg2[%dma_wait3A_55, %dma_wait3A_56] : memref<10000x128xf32, #tpu.memory_space<hbm>> -> memref<80x128xf32, #tpu.memory_space<hbm>>
    tpu.wait_dma2 semaphore(%arg23 : memref<!tpu.dma_semaphore, #tpu.memory_space<semaphore_mem>>) src(%dma_wait3A_57 : memref<80x128xf32, #tpu.memory_space<hbm>>) dst(%arg11 : memref<80x128xf32, #tpu.memory_space<vmem>>)
    %dma_wait3A_58 = arith.constant 0 : i32
    %dma_wait3A_59 = arith.constant 0 : i32
    %dma_wait3A_60 = tpu.memref_slice %arg3[%dma_wait3A_58, %dma_wait3A_59] : memref<10000x128xf32, #tpu.memory_space<hbm>> -> memref<80x128xf32, #tpu.memory_space<hbm>>
    %dma_wait3A_61 = arith.constant 0 : i32
    %dma_wait3A_62 = arith.constant 0 : i32
    %dma_wait3A_63 = tpu.memref_slice %arg3[%dma_wait3A_61, %dma_wait3A_62] : memref<10000x128xf32, #tpu.memory_space<hbm>> -> memref<80x128xf32, #tpu.memory_space<hbm>>
    tpu.wait_dma2 semaphore(%arg23 : memref<!tpu.dma_semaphore, #tpu.memory_space<semaphore_mem>>) src(%dma_wait3A_63 : memref<80x128xf32, #tpu.memory_space<hbm>>) dst(%arg12 : memref<80x128xf32, #tpu.memory_space<vmem>>)
    %scan3A_64 = arith.constant 0 : i32
    %scan3A_65 = arith.constant 0 : i32
    %scan3A_66 = arith.constant 80 : i32
    %scan3A_67 = arith.addi %scan3A_65, %scan3A_66 : i32
    %scan3A_68 = arith.constant 1 : i32
    %scan3A_69 = scf.for %scan3A_82 = %scan3A_65 to %scan3A_67 step %scan3A_68 iter_args(%scan3A_83 = %scan3A_64) -> (i32)  : i32 {
      %get3A_84 = arith.index_cast %scan3A_82 : i32 to index
      %get3A_85 = arith.constant 0 : index
      %get3A_86 = tpu.vector_load %arg11[%get3A_84, %get3A_85] {strides = array<i32>} : memref<80x128xf32, #tpu.memory_space<vmem>>, vector<16xf32>,
      %get3A_87 = arith.index_cast %scan3A_82 : i32 to index
      %get3A_88 = arith.constant 16 : index
      %get3A_89 = tpu.vector_load %arg11[%get3A_87, %get3A_88] {strides = array<i32>} : memref<80x128xf32, #tpu.memory_space<vmem>>, vector<16xf32>,
      %get3A_90 = arith.index_cast %scan3A_82 : i32 to index
      %get3A_91 = arith.constant 32 : index
      %get3A_92 = tpu.vector_load %arg11[%get3A_90, %get3A_91] {strides = array<i32>} : memref<80x128xf32, #tpu.memory_space<vmem>>, vector<16xf32>,
      %get3A_93 = arith.index_cast %scan3A_82 : i32 to index
      %get3A_94 = arith.constant 48 : index
      %get3A_95 = tpu.vector_load %arg11[%get3A_93, %get3A_94] {strides = array<i32>} : memref<80x128xf32, #tpu.memory_space<vmem>>, vector<16xf32>,
      %get3A_96 = arith.index_cast %scan3A_82 : i32 to index
      %get3A_97 = arith.constant 64 : index
      %get3A_98 = tpu.vector_load %arg11[%get3A_96, %get3A_97] {strides = array<i32>} : memref<80x128xf32, #tpu.memory_space<vmem>>, vector<16xf32>,
      %get3A_99 = arith.index_cast %scan3A_82 : i32 to index
      %get3A_100 = arith.constant 80 : index
      %get3A_101 = tpu.vector_load %arg11[%get3A_99, %get3A_100] {strides = array<i32>} : memref<80x128xf32, #tpu.memory_space<vmem>>, vector<16xf32>,
      %get3A_102 = arith.index_cast %scan3A_82 : i32 to index
      %get3A_103 = arith.constant 96 : index
      %get3A_104 = tpu.vector_load %arg11[%get3A_102, %get3A_103] {strides = array<i32>} : memref<80x128xf32, #tpu.memory_space<vmem>>, vector<16xf32>,
      %get3A_105 = arith.index_cast %scan3A_82 : i32 to index
      %get3A_106 = arith.constant 112 : index
      %get3A_107 = tpu.vector_load %arg11[%get3A_105, %get3A_106] {strides = array<i32>} : memref<80x128xf32, #tpu.memory_space<vmem>>, vector<16xf32>,
      %broadcast_in_dim3A_108 = arith.constant 0.000000e+00 : f32
      %broadcast_in_dim3A_109 = vector.broadcast %broadcast_in_dim3A_108 : f32 to vector<16xf32>
      %get3A_110 = arith.index_cast %scan3A_82 : i32 to index
      %get3A_111 = arith.constant 0 : index
      %get3A_112 = tpu.vector_load %arg12[%get3A_110, %get3A_111] {strides = array<i32>} : memref<80x128xf32, #tpu.memory_space<vmem>>, vector<16xf32>,
      %add3A_113 = arith.addf %get3A_86, %get3A_112 : vector<16xf32>
      %mul3A_114 = arith.constant 2.000000e-01 : f32
      %mul3A_115 = vector.broadcast %mul3A_114 : f32 to vector<16xf32>
      %mul3A_116 = arith.mulf %mul3A_115, %add3A_113 : vector<16xf32>
      %max3A = arith.maximumf %add3A_113, %mul3A_116 : vector<16xf32>
      %mul3A_117 = arith.mulf %get3A_22, %max3A : vector<16xf32>
      %add3A_118 = arith.addf %broadcast_in_dim3A_109, %mul3A_117 : vector<16xf32>
      %get3A_119 = arith.index_cast %scan3A_82 : i32 to index
      %get3A_120 = arith.constant 16 : index
      %get3A_121 = tpu.vector_load %arg12[%get3A_119, %get3A_120] {strides = array<i32>} : memref<80x128xf32, #tpu.memory_space<vmem>>, vector<16xf32>,
      %add3A_122 = arith.addf %get3A_89, %get3A_121 : vector<16xf32>
      %mul3A_123 = arith.constant 2.000000e-01 : f32
      %mul3A_124 = vector.broadcast %mul3A_123 : f32 to vector<16xf32>
      %mul3A_125 = arith.mulf %mul3A_124, %add3A_122 : vector<16xf32>
      %max3A_126 = arith.maximumf %add3A_122, %mul3A_125 : vector<16xf32>
      %mul3A_127 = arith.mulf %get3A_24, %max3A_126 : vector<16xf32>
      %add3A_128 = arith.addf %add3A_118, %mul3A_127 : vector<16xf32>
      %get3A_129 = arith.index_cast %scan3A_82 : i32 to index
      %get3A_130 = arith.constant 32 : index
      %get3A_131 = tpu.vector_load %arg12[%get3A_129, %get3A_130] {strides = array<i32>} : memref<80x128xf32, #tpu.memory_space<vmem>>, vector<16xf32>,
      %add3A_132 = arith.addf %get3A_92, %get3A_131 : vector<16xf32>
      %mul3A_133 = arith.constant 2.000000e-01 : f32
      %mul3A_134 = vector.broadcast %mul3A_133 : f32 to vector<16xf32>
      %mul3A_135 = arith.mulf %mul3A_134, %add3A_132 : vector<16xf32>
      %max3A_136 = arith.maximumf %add3A_132, %mul3A_135 : vector<16xf32>
      %mul3A_137 = arith.mulf %get3A_26, %max3A_136 : vector<16xf32>
      %add3A_138 = arith.addf %add3A_128, %mul3A_137 : vector<16xf32>
      %get3A_139 = arith.index_cast %scan3A_82 : i32 to index
      %get3A_140 = arith.constant 48 : index
      %get3A_141 = tpu.vector_load %arg12[%get3A_139, %get3A_140] {strides = array<i32>} : memref<80x128xf32, #tpu.memory_space<vmem>>, vector<16xf32>,
      %add3A_142 = arith.addf %get3A_95, %get3A_141 : vector<16xf32>
      %mul3A_143 = arith.constant 2.000000e-01 : f32
      %mul3A_144 = vector.broadcast %mul3A_143 : f32 to vector<16xf32>
      %mul3A_145 = arith.mulf %mul3A_144, %add3A_142 : vector<16xf32>
      %max3A_146 = arith.maximumf %add3A_142, %mul3A_145 : vector<16xf32>
      %mul3A_147 = arith.mulf %get3A_28, %max3A_146 : vector<16xf32>
      %add3A_148 = arith.addf %add3A_138, %mul3A_147 : vector<16xf32>
      %get3A_149 = arith.index_cast %scan3A_82 : i32 to index
      %get3A_150 = arith.constant 64 : index
      %get3A_151 = tpu.vector_load %arg12[%get3A_149, %get3A_150] {strides = array<i32>} : memref<80x128xf32, #tpu.memory_space<vmem>>, vector<16xf32>,
      %add3A_152 = arith.addf %get3A_98, %get3A_151 : vector<16xf32>
      %mul3A_153 = arith.constant 2.000000e-01 : f32
      %mul3A_154 = vector.broadcast %mul3A_153 : f32 to vector<16xf32>
      %mul3A_155 = arith.mulf %mul3A_154, %add3A_152 : vector<16xf32>
      %max3A_156 = arith.maximumf %add3A_152, %mul3A_155 : vector<16xf32>
      %mul3A_157 = arith.mulf %get3A_30, %max3A_156 : vector<16xf32>
      %add3A_158 = arith.addf %add3A_148, %mul3A_157 : vector<16xf32>
      %get3A_159 = arith.index_cast %scan3A_82 : i32 to index
      %get3A_160 = arith.constant 80 : index
      %get3A_161 = tpu.vector_load %arg12[%get3A_159, %get3A_160] {strides = array<i32>} : memref<80x128xf32, #tpu.memory_space<vmem>>, vector<16xf32>,
      %add3A_162 = arith.addf %get3A_101, %get3A_161 : vector<16xf32>
      %mul3A_163 = arith.constant 2.000000e-01 : f32
      %mul3A_164 = vector.broadcast %mul3A_163 : f32 to vector<16xf32>
      %mul3A_165 = arith.mulf %mul3A_164, %add3A_162 : vector<16xf32>
      %max3A_166 = arith.maximumf %add3A_162, %mul3A_165 : vector<16xf32>
      %mul3A_167 = arith.mulf %get3A_32, %max3A_166 : vector<16xf32>
      %add3A_168 = arith.addf %add3A_158, %mul3A_167 : vector<16xf32>
      %get3A_169 = arith.index_cast %scan3A_82 : i32 to index
      %get3A_170 = arith.constant 96 : index
      %get3A_171 = tpu.vector_load %arg12[%get3A_169, %get3A_170] {strides = array<i32>} : memref<80x128xf32, #tpu.memory_space<vmem>>, vector<16xf32>,
      %add3A_172 = arith.addf %get3A_104, %get3A_171 : vector<16xf32>
      %mul3A_173 = arith.constant 2.000000e-01 : f32
      %mul3A_174 = vector.broadcast %mul3A_173 : f32 to vector<16xf32>
      %mul3A_175 = arith.mulf %mul3A_174, %add3A_172 : vector<16xf32>
      %max3A_176 = arith.maximumf %add3A_172, %mul3A_175 : vector<16xf32>
      %mul3A_177 = arith.mulf %get3A_34, %max3A_176 : vector<16xf32>
      %add3A_178 = arith.addf %add3A_168, %mul3A_177 : vector<16xf32>
      %get3A_179 = arith.index_cast %scan3A_82 : i32 to index
      %get3A_180 = arith.constant 112 : index
      %get3A_181 = tpu.vector_load %arg12[%get3A_179, %get3A_180] {strides = array<i32>} : memref<80x128xf32, #tpu.memory_space<vmem>>, vector<16xf32>,
      %add3A_182 = arith.addf %get3A_107, %get3A_181 : vector<16xf32>
      %mul3A_183 = arith.constant 2.000000e-01 : f32
      %mul3A_184 = vector.broadcast %mul3A_183 : f32 to vector<16xf32>
      %mul3A_185 = arith.mulf %mul3A_184, %add3A_182 : vector<16xf32>
      %max3A_186 = arith.maximumf %add3A_182, %mul3A_185 : vector<16xf32>
      %mul3A_187 = arith.mulf %get3A_36, %max3A_186 : vector<16xf32>
      %add3A_188 = arith.addf %add3A_178, %mul3A_187 : vector<16xf32>
      %iota3A = tpu.iota {dimensions = array<i32: 0>} : vector<16xi32>
      %xor3A = arith.constant 1 : i32
      %xor3A_189 = vector.broadcast %xor3A : i32 to vector<16xi32>
      %xor3A_190 = arith.xori %iota3A, %xor3A_189 : vector<16xi32>
      %lt3A_191 = arith.constant 0 : i32
      %lt3A_192 = vector.broadcast %lt3A_191 : i32 to vector<16xi32>
      %lt3A_193 = arith.cmpi slt, %xor3A_190, %lt3A_192 : vector<16xi32>
      %add3A_194 = arith.constant 16 : i32
      %add3A_195 = vector.broadcast %add3A_194 : i32 to vector<16xi32>
      %add3A_196 = arith.addi %xor3A_190, %add3A_195 : vector<16xi32>
      %select_n3A = arith.select %lt3A_193, %add3A_196, %xor3A_190 : vector<16xi1>, vector<16xi32>
      %reshape3A = vector.shape_cast %select_n3A : vector<16xi32> to vector<16x1xi32>
      %gather3A = vector.shape_cast %reshape3A : vector<16x1xi32> to vector<16xi32>
      %gather3A_197 = tpu.dynamic_gather %add3A_188[%gather3A] in [0] : vector<16xf32>, vector<16xi32> -> vector<16xf32>
      %add3A_198 = arith.addf %add3A_188, %gather3A_197 : vector<16xf32>
      %xor3A_199 = arith.constant 2 : i32
      %xor3A_200 = vector.broadcast %xor3A_199 : i32 to vector<16xi32>
      %xor3A_201 = arith.xori %iota3A, %xor3A_200 : vector<16xi32>
      %lt3A_202 = arith.constant 0 : i32
      %lt3A_203 = vector.broadcast %lt3A_202 : i32 to vector<16xi32>
      %lt3A_204 = arith.cmpi slt, %xor3A_201, %lt3A_203 : vector<16xi32>
      %add3A_205 = arith.constant 16 : i32
      %add3A_206 = vector.broadcast %add3A_205 : i32 to vector<16xi32>
      %add3A_207 = arith.addi %xor3A_201, %add3A_206 : vector<16xi32>
      %select_n3A_208 = arith.select %lt3A_204, %add3A_207, %xor3A_201 : vector<16xi1>, vector<16xi32>
      %reshape3A_209 = vector.shape_cast %select_n3A_208 : vector<16xi32> to vector<16x1xi32>
      %gather3A_210 = vector.shape_cast %reshape3A_209 : vector<16x1xi32> to vector<16xi32>
      %gather3A_211 = tpu.dynamic_gather %add3A_198[%gather3A_210] in [0] : vector<16xf32>, vector<16xi32> -> vector<16xf32>
      %add3A_212 = arith.addf %add3A_198, %gather3A_211 : vector<16xf32>
      %xor3A_213 = arith.constant 4 : i32
      %xor3A_214 = vector.broadcast %xor3A_213 : i32 to vector<16xi32>
      %xor3A_215 = arith.xori %iota3A, %xor3A_214 : vector<16xi32>
      %lt3A_216 = arith.constant 0 : i32
      %lt3A_217 = vector.broadcast %lt3A_216 : i32 to vector<16xi32>
      %lt3A_218 = arith.cmpi slt, %xor3A_215, %lt3A_217 : vector<16xi32>
      %add3A_219 = arith.constant 16 : i32
      %add3A_220 = vector.broadcast %add3A_219 : i32 to vector<16xi32>
      %add3A_221 = arith.addi %xor3A_215, %add3A_220 : vector<16xi32>
      %select_n3A_222 = arith.select %lt3A_218, %add3A_221, %xor3A_215 : vector<16xi1>, vector<16xi32>
      %reshape3A_223 = vector.shape_cast %select_n3A_222 : vector<16xi32> to vector<16x1xi32>
      %gather3A_224 = vector.shape_cast %reshape3A_223 : vector<16x1xi32> to vector<16xi32>
      %gather3A_225 = tpu.dynamic_gather %add3A_212[%gather3A_224] in [0] : vector<16xf32>, vector<16xi32> -> vector<16xf32>
      %add3A_226 = arith.addf %add3A_212, %gather3A_225 : vector<16xf32>
      %xor3A_227 = arith.constant 8 : i32
      %xor3A_228 = vector.broadcast %xor3A_227 : i32 to vector<16xi32>
      %xor3A_229 = arith.xori %iota3A, %xor3A_228 : vector<16xi32>
      %lt3A_230 = arith.constant 0 : i32
      %lt3A_231 = vector.broadcast %lt3A_230 : i32 to vector<16xi32>
      %lt3A_232 = arith.cmpi slt, %xor3A_229, %lt3A_231 : vector<16xi32>
      %add3A_233 = arith.constant 16 : i32
      %add3A_234 = vector.broadcast %add3A_233 : i32 to vector<16xi32>
      %add3A_235 = arith.addi %xor3A_229, %add3A_234 : vector<16xi32>
      %select_n3A_236 = arith.select %lt3A_232, %add3A_235, %xor3A_229 : vector<16xi1>, vector<16xi32>
      %reshape3A_237 = vector.shape_cast %select_n3A_236 : vector<16xi32> to vector<16x1xi32>
      %gather3A_238 = vector.shape_cast %reshape3A_237 : vector<16x1xi32> to vector<16xi32>
      %gather3A_239 = tpu.dynamic_gather %add3A_226[%gather3A_238] in [0] : vector<16xf32>, vector<16xi32> -> vector<16xf32>
      %add3A_240 = arith.addf %add3A_226, %gather3A_239 : vector<16xf32>
      %exp3A = math.exp %add3A_240 : vector<16xf32>
      %eq3A = arith.constant 0 : i32
      %eq3A_241 = vector.broadcast %eq3A : i32 to vector<16xi32>
      %eq3A_242 = arith.cmpi eq, %iota3A, %eq3A_241 : vector<16xi32>
      %broadcast_in_dim3A_243 = vector.broadcast %scan3A_82 : i32 to vector<16xi32>
      tpu.vector_store_idx %arg17[%broadcast_in_dim3A_243], %exp3A masked %eq3A_242 : memref<80xf32, #tpu.memory_space<vmem>>[vector<16xi32>], vector<16xf32>, vector<16xi1>
      %mul3A_244 = arith.mulf %get3A_86, %exp3A : vector<16xf32>
      %swap3A = arith.index_cast %scan3A_82 : i32 to index
      %swap3A_245 = arith.constant 0 : index
      %swap3A_246 = tpu.vector_load %arg11[%swap3A, %swap3A_245] {strides = array<i32>} : memref<80x128xf32, #tpu.memory_space<vmem>>, vector<16xf32>,
      tpu.vector_store %arg11[%swap3A, %swap3A_245], %mul3A_244 {strides = array<i32>} : memref<80x128xf32, #tpu.memory_space<vmem>>, vector<16xf32>,
      %mul3A_247 = arith.mulf %get3A_89, %exp3A : vector<16xf32>
      %swap3A_248 = arith.index_cast %scan3A_82 : i32 to index
      %swap3A_249 = arith.constant 16 : index
      %swap3A_250 = tpu.vector_load %arg11[%swap3A_248, %swap3A_249] {strides = array<i32>} : memref<80x128xf32, #tpu.memory_space<vmem>>, vector<16xf32>,
      tpu.vector_store %arg11[%swap3A_248, %swap3A_249], %mul3A_247 {strides = array<i32>} : memref<80x128xf32, #tpu.memory_space<vmem>>, vector<16xf32>,
      %mul3A_251 = arith.mulf %get3A_92, %exp3A : vector<16xf32>
      %swap3A_252 = arith.index_cast %scan3A_82 : i32 to index
      %swap3A_253 = arith.constant 32 : index
      %swap3A_254 = tpu.vector_load %arg11[%swap3A_252, %swap3A_253] {strides = array<i32>} : memref<80x128xf32, #tpu.memory_space<vmem>>, vector<16xf32>,
      tpu.vector_store %arg11[%swap3A_252, %swap3A_253], %mul3A_251 {strides = array<i32>} : memref<80x128xf32, #tpu.memory_space<vmem>>, vector<16xf32>,
      %mul3A_255 = arith.mulf %get3A_95, %exp3A : vector<16xf32>
      %swap3A_256 = arith.index_cast %scan3A_82 : i32 to index
      %swap3A_257 = arith.constant 48 : index
      %swap3A_258 = tpu.vector_load %arg11[%swap3A_256, %swap3A_257] {strides = array<i32>} : memref<80x128xf32, #tpu.memory_space<vmem>>, vector<16xf32>,
      tpu.vector_store %arg11[%swap3A_256, %swap3A_257], %mul3A_255 {strides = array<i32>} : memref<80x128xf32, #tpu.memory_space<vmem>>, vector<16xf32>,
      %mul3A_259 = arith.mulf %get3A_98, %exp3A : vector<16xf32>
      %swap3A_260 = arith.index_cast %scan3A_82 : i32 to index
      %swap3A_261 = arith.constant 64 : index
      %swap3A_262 = tpu.vector_load %arg11[%swap3A_260, %swap3A_261] {strides = array<i32>} : memref<80x128xf32, #tpu.memory_space<vmem>>, vector<16xf32>,
      tpu.vector_store %arg11[%swap3A_260, %swap3A_261], %mul3A_259 {strides = array<i32>} : memref<80x128xf32, #tpu.memory_space<vmem>>, vector<16xf32>,
      %mul3A_263 = arith.mulf %get3A_101, %exp3A : vector<16xf32>
      %swap3A_264 = arith.index_cast %scan3A_82 : i32 to index
      %swap3A_265 = arith.constant 80 : index
      %swap3A_266 = tpu.vector_load %arg11[%swap3A_264, %swap3A_265] {strides = array<i32>} : memref<80x128xf32, #tpu.memory_space<vmem>>, vector<16xf32>,
      tpu.vector_store %arg11[%swap3A_264, %swap3A_265], %mul3A_263 {strides = array<i32>} : memref<80x128xf32, #tpu.memory_space<vmem>>, vector<16xf32>,
      %mul3A_267 = arith.mulf %get3A_104, %exp3A : vector<16xf32>
      %swap3A_268 = arith.index_cast %scan3A_82 : i32 to index
      %swap3A_269 = arith.constant 96 : index
      %swap3A_270 = tpu.vector_load %arg11[%swap3A_268, %swap3A_269] {strides = array<i32>} : memref<80x128xf32, #tpu.memory_space<vmem>>, vector<16xf32>,
      tpu.vector_store %arg11[%swap3A_268, %swap3A_269], %mul3A_267 {strides = array<i32>} : memref<80x128xf32, #tpu.memory_space<vmem>>, vector<16xf32>,
      %mul3A_271 = arith.mulf %get3A_107, %exp3A : vector<16xf32>
      %swap3A_272 = arith.index_cast %scan3A_82 : i32 to index
      %swap3A_273 = arith.constant 112 : index
      %swap3A_274 = tpu.vector_load %arg11[%swap3A_272, %swap3A_273] {strides = array<i32>} : memref<80x128xf32, #tpu.memory_space<vmem>>, vector<16xf32>,
      tpu.vector_store %arg11[%swap3A_272, %swap3A_273], %mul3A_271 {strides = array<i32>} : memref<80x128xf32, #tpu.memory_space<vmem>>, vector<16xf32>,
      %scan3A_275 = arith.constant 0 : i32
      scf.yield %scan3A_275 : i32
    }
    %scan3A_70 = arith.constant 80 : i32
    "tpu.region"() ({
      %run_scoped3A = tpu.sem_alloc : memref<!tpu.dma_semaphore, #tpu.memory_space<semaphore_mem>>
      %dma_start3A_82 = arith.constant 0 : i32
      %dma_start3A_83 = tpu.memref_slice %arg22[%dma_start3A_82] : memref<10000xf32, #tpu.memory_space<vmem_shared>> -> memref<10000xf32, #tpu.memory_space<vmem_shared>>
      tpu.enqueue_indirect_dma source(%arg17 : memref<80xf32, #tpu.memory_space<vmem>>) target(%dma_start3A_83 : memref<10000xf32, #tpu.memory_space<vmem_shared>>) offsets(%arg10 : memref<80xi32, #tpu.memory_space<vmem>>) semaphore(%run_scoped3A : memref<!tpu.dma_semaphore, #tpu.memory_space<semaphore_mem>>) {add = true}
      %dma_wait3A_84 = arith.constant 0 : i32
      %dma_wait3A_85 = tpu.memref_slice %arg22[%dma_wait3A_84] : memref<10000xf32, #tpu.memory_space<vmem_shared>> -> memref<10000xf32, #tpu.memory_space<vmem_shared>>
      tpu.wait_indirect_dma semaphore(%run_scoped3A : memref<!tpu.dma_semaphore, #tpu.memory_space<semaphore_mem>>) src(%arg17 : memref<80xf32, #tpu.memory_space<vmem>>) dst(%dma_wait3A_85 : memref<10000xf32, #tpu.memory_space<vmem_shared>>)
      tpu.yield
    }) : () -> ()
    "tpu.region"() ({
      %run_scoped3A = tpu.sem_alloc : memref<!tpu.dma_semaphore, #tpu.memory_space<semaphore_mem>>
      %dma_start3A_82 = arith.constant 0 : i32
      %dma_start3A_83 = arith.constant 0 : i32
      %dma_start3A_84 = tpu.memref_slice %arg21[%dma_start3A_82, %dma_start3A_83] : memref<10000x128xf32, #tpu.memory_space<vmem_shared>> -> memref<10000x128xf32, #tpu.memory_space<vmem_shared>>
      tpu.enqueue_indirect_dma source(%arg11 : memref<80x128xf32, #tpu.memory_space<vmem>>) target(%dma_start3A_84 : memref<10000x128xf32, #tpu.memory_space<vmem_shared>>) offsets(%arg10 : memref<80xi32, #tpu.memory_space<vmem>>) semaphore(%run_scoped3A : memref<!tpu.dma_semaphore, #tpu.memory_space<semaphore_mem>>) {add = true}
      %dma_wait3A_85 = arith.constant 0 : i32
      %dma_wait3A_86 = arith.constant 0 : i32
      %dma_wait3A_87 = tpu.memref_slice %arg21[%dma_wait3A_85, %dma_wait3A_86] : memref<10000x128xf32, #tpu.memory_space<vmem_shared>> -> memref<10000x128xf32, #tpu.memory_space<vmem_shared>>
      tpu.wait_indirect_dma semaphore(%run_scoped3A : memref<!tpu.dma_semaphore, #tpu.memory_space<semaphore_mem>>) src(%arg11 : memref<80x128xf32, #tpu.memory_space<vmem>>) dst(%dma_wait3A_87 : memref<10000x128xf32, #tpu.memory_space<vmem_shared>>)
      tpu.yield
    }) : () -> ()
    %barrier3A_71 = arith.constant 0 : index
    tpu.barrier barrier_id(%barrier3A_71)
    %lt3A_72 = arith.constant 10 : i32
    %lt3A_73 = arith.cmpi slt, %arg1, %lt3A_72 : i32
    %convert_element_type3A_74 = arith.extui %lt3A_73 : i1 to i32
    %cond3A_75 = arith.constant 0 : i32
    %cond3A_76 = arith.cmpi ne, %convert_element_type3A_74, %cond3A_75 : i32
    scf.if %cond3A_76 {
      %scan3A_82 = arith.constant 0 : i32
      %scan3A_83 = arith.constant 0 : i32
      %scan3A_84 = arith.constant 25 : i32
      %scan3A_85 = arith.addi %scan3A_83, %scan3A_84 : i32
      %scan3A_86 = arith.constant 1 : i32
      %scan3A_87 = scf.for %scan3A_89 = %scan3A_83 to %scan3A_85 step %scan3A_86 iter_args(%scan3A_90 = %scan3A_82) -> (i32)  : i32 {
        %mul3A_91 = arith.constant 1000 : i32
        %mul3A_92 = arith.muli %arg1, %mul3A_91 : i32
        %mul3A_93 = arith.constant 40 : i32
        %mul3A_94 = arith.muli %scan3A_89, %mul3A_93 : i32
        %add3A_95 = arith.addi %mul3A_92, %mul3A_94 : i32
        "tpu.region"() ({
          %run_scoped3A = tpu.sem_alloc : memref<!tpu.dma_semaphore, #tpu.memory_space<semaphore_mem>>
          %dma_start3A_97 = arith.constant 0 : i32
          %dma_start3A_98 = tpu.memref_slice %arg21[%add3A_95, %dma_start3A_97] : memref<10000x128xf32, #tpu.memory_space<vmem_shared>> -> memref<40x128xf32, #tpu.memory_space<vmem_shared>>
          %dma_start3A_99 = arith.constant 0 : i32
          %dma_start3A_100 = tpu.memref_slice %arg21[%add3A_95, %dma_start3A_99] : memref<10000x128xf32, #tpu.memory_space<vmem_shared>> -> memref<40x128xf32, #tpu.memory_space<vmem_shared>>
          tpu.enqueue_dma source(%dma_start3A_100 : memref<40x128xf32, #tpu.memory_space<vmem_shared>>) target(%arg19 : memref<40x128xf32, #tpu.memory_space<vmem>>) target_semaphore(%run_scoped3A : memref<!tpu.dma_semaphore, #tpu.memory_space<semaphore_mem>>)
          %dma_wait3A_101 = arith.constant 0 : i32
          %dma_wait3A_102 = tpu.memref_slice %arg21[%add3A_95, %dma_wait3A_101] : memref<10000x128xf32, #tpu.memory_space<vmem_shared>> -> memref<40x128xf32, #tpu.memory_space<vmem_shared>>
          %dma_wait3A_103 = arith.constant 0 : i32
          %dma_wait3A_104 = tpu.memref_slice %arg21[%add3A_95, %dma_wait3A_103] : memref<10000x128xf32, #tpu.memory_space<vmem_shared>> -> memref<40x128xf32, #tpu.memory_space<vmem_shared>>
          tpu.wait_dma2 semaphore(%run_scoped3A : memref<!tpu.dma_semaphore, #tpu.memory_space<semaphore_mem>>) src(%dma_wait3A_104 : memref<40x128xf32, #tpu.memory_space<vmem_shared>>) dst(%arg19 : memref<40x128xf32, #tpu.memory_space<vmem>>)
          tpu.yield
        }) : () -> ()
        "tpu.region"() ({
          %run_scoped3A = tpu.sem_alloc : memref<!tpu.dma_semaphore, #tpu.memory_space<semaphore_mem>>
          %dma_start3A_97 = arith.constant 0 : i32
          %dma_start3A_98 = tpu.memref_slice %arg7[%arg0, %add3A_95, %dma_start3A_97] : memref<2x10000x128xf32, #tpu.memory_space<hbm>> -> memref<1x40x128xf32, #tpu.memory_space<hbm>>
          %dma_start3A_99 = tpu.memref_squeeze %dma_start3A_98 : memref<1x40x128xf32, #tpu.memory_space<hbm>> -> memref<40x128xf32, #tpu.memory_space<hbm>>
          %dma_start3A_100 = arith.constant 0 : i32
          %dma_start3A_101 = tpu.memref_slice %arg7[%arg0, %add3A_95, %dma_start3A_100] : memref<2x10000x128xf32, #tpu.memory_space<hbm>> -> memref<1x40x128xf32, #tpu.memory_space<hbm>>
          %dma_start3A_102 = tpu.memref_squeeze %dma_start3A_101 : memref<1x40x128xf32, #tpu.memory_space<hbm>> -> memref<40x128xf32, #tpu.memory_space<hbm>>
          tpu.enqueue_dma source(%arg19 : memref<40x128xf32, #tpu.memory_space<vmem>>) target(%dma_start3A_102 : memref<40x128xf32, #tpu.memory_space<hbm>>) target_semaphore(%run_scoped3A : memref<!tpu.dma_semaphore, #tpu.memory_space<semaphore_mem>>)
          %dma_wait3A_103 = arith.constant 0 : i32
          %dma_wait3A_104 = tpu.memref_slice %arg7[%arg0, %add3A_95, %dma_wait3A_103] : memref<2x10000x128xf32, #tpu.memory_space<hbm>> -> memref<1x40x128xf32, #tpu.memory_space<hbm>>
          %dma_wait3A_105 = tpu.memref_squeeze %dma_wait3A_104 : memref<1x40x128xf32, #tpu.memory_space<hbm>> -> memref<40x128xf32, #tpu.memory_space<hbm>>
          %dma_wait3A_106 = arith.constant 0 : i32
          %dma_wait3A_107 = tpu.memref_slice %arg7[%arg0, %add3A_95, %dma_wait3A_106] : memref<2x10000x128xf32, #tpu.memory_space<hbm>> -> memref<1x40x128xf32, #tpu.memory_space<hbm>>
          %dma_wait3A_108 = tpu.memref_squeeze %dma_wait3A_107 : memref<1x40x128xf32, #tpu.memory_space<hbm>> -> memref<40x128xf32, #tpu.memory_space<hbm>>
          tpu.wait_dma2 semaphore(%run_scoped3A : memref<!tpu.dma_semaphore, #tpu.memory_space<semaphore_mem>>) src(%arg19 : memref<40x128xf32, #tpu.memory_space<vmem>>) dst(%dma_wait3A_108 : memref<40x128xf32, #tpu.memory_space<hbm>>)
          tpu.yield
        }) : () -> ()
        %scan3A_96 = arith.constant 0 : i32
        scf.yield %scan3A_96 : i32
      }
      %scan3A_88 = arith.constant 25 : i32
    } else {
    }
    %lt3A_77 = arith.constant 5 : i32
    %lt3A_78 = arith.cmpi slt, %arg1, %lt3A_77 : i32
    %convert_element_type3A_79 = arith.extui %lt3A_78 : i1 to i32
    %cond3A_80 = arith.constant 0 : i32
    %cond3A_81 = arith.cmpi ne, %convert_element_type3A_79, %cond3A_80 : i32
    scf.if %cond3A_81 {
      %mul3A_82 = arith.constant 2000 : i32
      %mul3A_83 = arith.muli %arg1, %mul3A_82 : i32
      "tpu.region"() ({
        %run_scoped3A = tpu.sem_alloc : memref<!tpu.dma_semaphore, #tpu.memory_space<semaphore_mem>>
        %dma_start3A_89 = tpu.memref_slice %arg22[%mul3A_83] : memref<10000xf32, #tpu.memory_space<vmem_shared>> -> memref<2000xf32, #tpu.memory_space<vmem_shared>>
        %dma_start3A_90 = tpu.memref_slice %arg22[%mul3A_83] : memref<10000xf32, #tpu.memory_space<vmem_shared>> -> memref<2000xf32, #tpu.memory_space<vmem_shared>>
        tpu.enqueue_dma source(%dma_start3A_90 : memref<2000xf32, #tpu.memory_space<vmem_shared>>) target(%arg20 : memref<2000xf32, #tpu.memory_space<vmem>>) target_semaphore(%run_scoped3A : memref<!tpu.dma_semaphore, #tpu.memory_space<semaphore_mem>>)
        %dma_wait3A_91 = tpu.memref_slice %arg22[%mul3A_83] : memref<10000xf32, #tpu.memory_space<vmem_shared>> -> memref<2000xf32, #tpu.memory_space<vmem_shared>>
        %dma_wait3A_92 = tpu.memref_slice %arg22[%mul3A_83] : memref<10000xf32, #tpu.memory_space<vmem_shared>> -> memref<2000xf32, #tpu.memory_space<vmem_shared>>
        tpu.wait_dma2 semaphore(%run_scoped3A : memref<!tpu.dma_semaphore, #tpu.memory_space<semaphore_mem>>) src(%dma_wait3A_92 : memref<2000xf32, #tpu.memory_space<vmem_shared>>) dst(%arg20 : memref<2000xf32, #tpu.memory_space<vmem>>)
        tpu.yield
      }) : () -> ()
      %mul3A_84 = arith.constant 10000 : i32
      %mul3A_85 = arith.muli %arg0, %mul3A_84 : i32
      %mul3A_86 = arith.constant 2000 : i32
      %mul3A_87 = arith.muli %arg1, %mul3A_86 : i32
      %add3A_88 = arith.addi %mul3A_85, %mul3A_87 : i32
      "tpu.region"() ({
        %run_scoped3A = tpu.sem_alloc : memref<!tpu.dma_semaphore, #tpu.memory_space<semaphore_mem>>
        %dma_start3A_89 = tpu.memref_slice %arg8[%add3A_88] : memref<20000xf32, #tpu.memory_space<hbm>> -> memref<2000xf32, #tpu.memory_space<hbm>>
        %dma_start3A_90 = tpu.memref_slice %arg8[%add3A_88] : memref<20000xf32, #tpu.memory_space<hbm>> -> memref<2000xf32, #tpu.memory_space<hbm>>
        tpu.enqueue_dma source(%arg20 : memref<2000xf32, #tpu.memory_space<vmem>>) target(%dma_start3A_90 : memref<2000xf32, #tpu.memory_space<hbm>>) target_semaphore(%run_scoped3A : memref<!tpu.dma_semaphore, #tpu.memory_space<semaphore_mem>>)
        %dma_wait3A_91 = tpu.memref_slice %arg8[%add3A_88] : memref<20000xf32, #tpu.memory_space<hbm>> -> memref<2000xf32, #tpu.memory_space<hbm>>
        %dma_wait3A_92 = tpu.memref_slice %arg8[%add3A_88] : memref<20000xf32, #tpu.memory_space<hbm>> -> memref<2000xf32, #tpu.memory_space<hbm>>
        tpu.wait_dma2 semaphore(%run_scoped3A : memref<!tpu.dma_semaphore, #tpu.memory_space<semaphore_mem>>) src(%arg20 : memref<2000xf32, #tpu.memory_space<vmem>>) dst(%dma_wait3A_92 : memref<2000xf32, #tpu.memory_space<hbm>>)
        tpu.yield
      }) : () -> ()
    } else {
    }
    return
  }
}

module attributes {stable_mosaic.version = 14 : i64} {
  func.func @_proj_body(%arg0: i32, %arg1: memref<1000x128xf32, #tpu.memory_space<vmem>>, %arg2: memref<128x128xf32, #tpu.memory_space<vmem>>, %arg3: memref<1x128xf32, #tpu.memory_space<vmem>>, %arg4: memref<128x128xf32, #tpu.memory_space<vmem>>, %arg5: memref<1x128xf32, #tpu.memory_space<vmem>>, %arg6: memref<1000x128xf32, #tpu.memory_space<vmem>>, %arg7: memref<1000x128xf32, #tpu.memory_space<vmem>>) attributes {dimension_semantics = [#tpu.dimension_semantics<arbitrary>], iteration_bounds = array<i64: 10>, scalar_prefetch = 0 : i64, scratch_operands = 0 : i64, tpu.core_type = #tpu.core_type<tc>, window_params = [{transform_indices = @transform_0, window_bounds = array<i64: 1000, 128>}, {pipeline_mode = #tpu.pipeline_mode<synchronous>, transform_indices = @transform_1, window_bounds = array<i64: 128, 128>}, {pipeline_mode = #tpu.pipeline_mode<synchronous>, transform_indices = @transform_2, window_bounds = array<i64: 1, 128>}, {pipeline_mode = #tpu.pipeline_mode<synchronous>, transform_indices = @transform_3, window_bounds = array<i64: 128, 128>}, {pipeline_mode = #tpu.pipeline_mode<synchronous>, transform_indices = @transform_4, window_bounds = array<i64: 1, 128>}, {transform_indices = @transform_5, window_bounds = array<i64: 1000, 128>}, {transform_indices = @transform_6, window_bounds = array<i64: 1000, 128>}]} {
    %get3A = arith.constant 0 : index
    %get3A_0 = arith.constant 0 : index
    %get3A_1 = vector.load %arg1[%get3A, %get3A_0] : memref<1000x128xf32, #tpu.memory_space<vmem>>, vector<1000x128xf32>
    %get3A_2 = arith.constant 0 : index
    %get3A_3 = arith.constant 0 : index
    %get3A_4 = vector.load %arg2[%get3A_2, %get3A_3] : memref<128x128xf32, #tpu.memory_space<vmem>>, vector<128x128xf32>
    %dot_general3A = arith.constant dense<0.000000e+00> : vector<1000x128xf32>
    %dot_general3A_5 = tpu.matmul %get3A_1, %get3A_4, %dot_general3A {dimension_numbers = #tpu.dot_dimension_numbers<[1], [0], [0], [1], [0, 0, 1, 1], [], []>, transpose_lhs_hint = false} : vector<1000x128xf32>, vector<128x128xf32>, vector<1000x128xf32> -> vector<1000x128xf32>
    %get3A_6 = arith.constant 0 : index
    %get3A_7 = arith.constant 0 : index
    %get3A_8 = vector.load %arg3[%get3A_6, %get3A_7] : memref<1x128xf32, #tpu.memory_space<vmem>>, vector<1x128xf32>
    %add3A = vector.broadcast %get3A_8 : vector<1x128xf32> to vector<1000x128xf32>
    %add3A_9 = arith.addf %dot_general3A_5, %add3A : vector<1000x128xf32>
    %swap3A = arith.constant 0 : index
    %swap3A_10 = arith.constant 0 : index
    %swap3A_11 = vector.load %arg6[%swap3A, %swap3A_10] : memref<1000x128xf32, #tpu.memory_space<vmem>>, vector<1000x128xf32>
    tpu.vector_store %arg6[%swap3A, %swap3A_10], %add3A_9 {strides = array<i32>} : memref<1000x128xf32, #tpu.memory_space<vmem>>, vector<1000x128xf32>,
    %get3A_12 = arith.constant 0 : index
    %get3A_13 = arith.constant 0 : index
    %get3A_14 = vector.load %arg4[%get3A_12, %get3A_13] : memref<128x128xf32, #tpu.memory_space<vmem>>, vector<128x128xf32>
    %dot_general3A_15 = arith.constant dense<0.000000e+00> : vector<1000x128xf32>
    %dot_general3A_16 = tpu.matmul %get3A_1, %get3A_14, %dot_general3A_15 {dimension_numbers = #tpu.dot_dimension_numbers<[1], [0], [0], [1], [0, 0, 1, 1], [], []>, transpose_lhs_hint = false} : vector<1000x128xf32>, vector<128x128xf32>, vector<1000x128xf32> -> vector<1000x128xf32>
    %get3A_17 = arith.constant 0 : index
    %get3A_18 = arith.constant 0 : index
    %get3A_19 = vector.load %arg5[%get3A_17, %get3A_18] : memref<1x128xf32, #tpu.memory_space<vmem>>, vector<1x128xf32>
    %add3A_20 = vector.broadcast %get3A_19 : vector<1x128xf32> to vector<1000x128xf32>
    %add3A_21 = arith.addf %dot_general3A_16, %add3A_20 : vector<1000x128xf32>
    %swap3A_22 = arith.constant 0 : index
    %swap3A_23 = arith.constant 0 : index
    %swap3A_24 = vector.load %arg7[%swap3A_22, %swap3A_23] : memref<1000x128xf32, #tpu.memory_space<vmem>>, vector<1000x128xf32>
    tpu.vector_store %arg7[%swap3A_22, %swap3A_23], %add3A_21 {strides = array<i32>} : memref<1000x128xf32, #tpu.memory_space<vmem>>, vector<1000x128xf32>,
    return
  }
  func.func @transform_0(%arg0: i32) -> (i32, i32) {
    %c0_i32 = arith.constant 0 : i32
    %c0_i32_0 = arith.constant 0 : i32
    return %arg0, %c0_i32 : i32, i32
  }
  func.func @transform_1(%arg0: i32) -> (i32, i32) {
    %c0_i32 = arith.constant 0 : i32
    %c0_i32_0 = arith.constant 0 : i32
    %c0_i32_1 = arith.constant 0 : i32
    return %c0_i32, %c0_i32_0 : i32, i32
  }
  func.func @transform_2(%arg0: i32) -> (i32, i32) {
    %c0_i32 = arith.constant 0 : i32
    %c0_i32_0 = arith.constant 0 : i32
    %c0_i32_1 = arith.constant 0 : i32
    return %c0_i32, %c0_i32_0 : i32, i32
  }
  func.func @transform_3(%arg0: i32) -> (i32, i32) {
    %c0_i32 = arith.constant 0 : i32
    %c0_i32_0 = arith.constant 0 : i32
    %c0_i32_1 = arith.constant 0 : i32
    return %c0_i32, %c0_i32_0 : i32, i32
  }
  func.func @transform_4(%arg0: i32) -> (i32, i32) {
    %c0_i32 = arith.constant 0 : i32
    %c0_i32_0 = arith.constant 0 : i32
    %c0_i32_1 = arith.constant 0 : i32
    return %c0_i32, %c0_i32_0 : i32, i32
  }
  func.func @transform_5(%arg0: i32) -> (i32, i32) {
    %c0_i32 = arith.constant 0 : i32
    %c0_i32_0 = arith.constant 0 : i32
    return %arg0, %c0_i32 : i32, i32
  }
  func.func @transform_6(%arg0: i32) -> (i32, i32) {
    %c0_i32 = arith.constant 0 : i32
    %c0_i32_0 = arith.constant 0 : i32
    return %arg0, %c0_i32 : i32, i32
  }
}

module attributes {stable_mosaic.version = 14 : i64} {
  func.func @_fin_proj_body(%arg0: i32, %arg1: memref<2x1000x128xf32, #tpu.memory_space<vmem>>, %arg2: memref<2x1x1x1000xf32, #tpu.memory_space<vmem>>, %arg3: memref<128x128xf32, #tpu.memory_space<vmem>>, %arg4: memref<1x128xf32, #tpu.memory_space<vmem>>, %arg5: memref<128x128xf32, #tpu.memory_space<vmem>>, %arg6: memref<1x128xf32, #tpu.memory_space<vmem>>, %arg7: memref<1000x128xf32, #tpu.memory_space<vmem>>, %arg8: memref<1000x128xf32, #tpu.memory_space<vmem>>) attributes {dimension_semantics = [#tpu.dimension_semantics<arbitrary>], iteration_bounds = array<i64: 10>, scalar_prefetch = 0 : i64, scratch_operands = 0 : i64, tpu.core_type = #tpu.core_type<tc>, window_params = [{transform_indices = @transform_0, window_bounds = array<i64: 2, 1000, 128>}, {transform_indices = @transform_1, window_bounds = array<i64: 2, 1, 1, 1000>}, {pipeline_mode = #tpu.pipeline_mode<synchronous>, transform_indices = @transform_2, window_bounds = array<i64: 128, 128>}, {pipeline_mode = #tpu.pipeline_mode<synchronous>, transform_indices = @transform_3, window_bounds = array<i64: 1, 128>}, {pipeline_mode = #tpu.pipeline_mode<synchronous>, transform_indices = @transform_4, window_bounds = array<i64: 128, 128>}, {pipeline_mode = #tpu.pipeline_mode<synchronous>, transform_indices = @transform_5, window_bounds = array<i64: 1, 128>}, {transform_indices = @transform_6, window_bounds = array<i64: 1000, 128>}, {transform_indices = @transform_7, window_bounds = array<i64: 1000, 128>}]} {
    %get3A = arith.constant 0 : index
    %get3A_0 = arith.constant 0 : index
    %get3A_1 = arith.constant 0 : index
    %get3A_2 = vector.load %arg1[%get3A, %get3A_0, %get3A_1] : memref<2x1000x128xf32, #tpu.memory_space<vmem>>, vector<1x1000x128xf32>
    %get3A_3 = vector.shape_cast %get3A_2 : vector<1x1000x128xf32> to vector<1000x128xf32>
    %get3A_4 = arith.constant 1 : index
    %get3A_5 = arith.constant 0 : index
    %get3A_6 = arith.constant 0 : index
    %get3A_7 = vector.load %arg1[%get3A_4, %get3A_5, %get3A_6] : memref<2x1000x128xf32, #tpu.memory_space<vmem>>, vector<1x1000x128xf32>
    %get3A_8 = vector.shape_cast %get3A_7 : vector<1x1000x128xf32> to vector<1000x128xf32>
    %add3A = arith.addf %get3A_3, %get3A_8 : vector<1000x128xf32>
    %get3A_9 = arith.constant 0 : index
    %get3A_10 = arith.constant 0 : index
    %get3A_11 = arith.constant 0 : index
    %get3A_12 = arith.constant 0 : index
    %get3A_13 = vector.load %arg2[%get3A_9, %get3A_10, %get3A_11, %get3A_12] : memref<2x1x1x1000xf32, #tpu.memory_space<vmem>>, vector<1x1x1x1000xf32>
    %get3A_14 = vector.shape_cast %get3A_13 : vector<1x1x1x1000xf32> to vector<1000xf32>
    %get3A_15 = arith.constant 1 : index
    %get3A_16 = arith.constant 0 : index
    %get3A_17 = arith.constant 0 : index
    %get3A_18 = arith.constant 0 : index
    %get3A_19 = vector.load %arg2[%get3A_15, %get3A_16, %get3A_17, %get3A_18] : memref<2x1x1x1000xf32, #tpu.memory_space<vmem>>, vector<1x1x1x1000xf32>
    %get3A_20 = vector.shape_cast %get3A_19 : vector<1x1x1x1000xf32> to vector<1000xf32>
    %add3A_21 = arith.addf %get3A_14, %get3A_20 : vector<1000xf32>
    %reshape3A = vector.shape_cast %add3A_21 : vector<1000xf32> to vector<1000x1xf32>
    %add3A_22 = arith.constant 9.99999971E-10 : f32
    %add3A_23 = vector.broadcast %add3A_22 : f32 to vector<1000x1xf32>
    %add3A_24 = arith.addf %reshape3A, %add3A_23 : vector<1000x1xf32>
    %div3A = vector.broadcast %add3A_24 : vector<1000x1xf32> to vector<1000x128xf32>
    %div3A_25 = arith.divf %add3A, %div3A : vector<1000x128xf32>
    %mul3A = arith.constant 0.00999999977 : f32
    %mul3A_26 = vector.broadcast %mul3A : f32 to vector<1000x128xf32>
    %mul3A_27 = arith.mulf %mul3A_26, %div3A_25 : vector<1000x128xf32>
    %max3A = arith.maximumf %div3A_25, %mul3A_27 : vector<1000x128xf32>
    %get3A_28 = arith.constant 0 : index
    %get3A_29 = arith.constant 0 : index
    %get3A_30 = vector.load %arg3[%get3A_28, %get3A_29] : memref<128x128xf32, #tpu.memory_space<vmem>>, vector<128x128xf32>
    %dot_general3A = arith.constant dense<0.000000e+00> : vector<1000x128xf32>
    %dot_general3A_31 = tpu.matmul %max3A, %get3A_30, %dot_general3A {dimension_numbers = #tpu.dot_dimension_numbers<[1], [0], [0], [1], [0, 0, 1, 1], [], []>, transpose_lhs_hint = false} : vector<1000x128xf32>, vector<128x128xf32>, vector<1000x128xf32> -> vector<1000x128xf32>
    %get3A_32 = arith.constant 0 : index
    %get3A_33 = arith.constant 0 : index
    %get3A_34 = vector.load %arg4[%get3A_32, %get3A_33] : memref<1x128xf32, #tpu.memory_space<vmem>>, vector<1x128xf32>
    %add3A_35 = vector.broadcast %get3A_34 : vector<1x128xf32> to vector<1000x128xf32>
    %add3A_36 = arith.addf %dot_general3A_31, %add3A_35 : vector<1000x128xf32>
    %swap3A = arith.constant 0 : index
    %swap3A_37 = arith.constant 0 : index
    %swap3A_38 = vector.load %arg7[%swap3A, %swap3A_37] : memref<1000x128xf32, #tpu.memory_space<vmem>>, vector<1000x128xf32>
    tpu.vector_store %arg7[%swap3A, %swap3A_37], %add3A_36 {strides = array<i32>} : memref<1000x128xf32, #tpu.memory_space<vmem>>, vector<1000x128xf32>,
    %get3A_39 = arith.constant 0 : index
    %get3A_40 = arith.constant 0 : index
    %get3A_41 = vector.load %arg5[%get3A_39, %get3A_40] : memref<128x128xf32, #tpu.memory_space<vmem>>, vector<128x128xf32>
    %dot_general3A_42 = arith.constant dense<0.000000e+00> : vector<1000x128xf32>
    %dot_general3A_43 = tpu.matmul %max3A, %get3A_41, %dot_general3A_42 {dimension_numbers = #tpu.dot_dimension_numbers<[1], [0], [0], [1], [0, 0, 1, 1], [], []>, transpose_lhs_hint = false} : vector<1000x128xf32>, vector<128x128xf32>, vector<1000x128xf32> -> vector<1000x128xf32>
    %get3A_44 = arith.constant 0 : index
    %get3A_45 = arith.constant 0 : index
    %get3A_46 = vector.load %arg6[%get3A_44, %get3A_45] : memref<1x128xf32, #tpu.memory_space<vmem>>, vector<1x128xf32>
    %add3A_47 = vector.broadcast %get3A_46 : vector<1x128xf32> to vector<1000x128xf32>
    %add3A_48 = arith.addf %dot_general3A_43, %add3A_47 : vector<1000x128xf32>
    %swap3A_49 = arith.constant 0 : index
    %swap3A_50 = arith.constant 0 : index
    %swap3A_51 = vector.load %arg8[%swap3A_49, %swap3A_50] : memref<1000x128xf32, #tpu.memory_space<vmem>>, vector<1000x128xf32>
    tpu.vector_store %arg8[%swap3A_49, %swap3A_50], %add3A_48 {strides = array<i32>} : memref<1000x128xf32, #tpu.memory_space<vmem>>, vector<1000x128xf32>,
    return
  }
  func.func @transform_0(%arg0: i32) -> (i32, i32, i32) {
    %c0_i32 = arith.constant 0 : i32
    %c0_i32_0 = arith.constant 0 : i32
    %c0_i32_1 = arith.constant 0 : i32
    return %c0_i32, %arg0, %c0_i32_0 : i32, i32, i32
  }
  func.func @transform_1(%arg0: i32) -> (i32, i32, i32, i32) {
    %c0_i32 = arith.constant 0 : i32
    %c0_i32_0 = arith.constant 0 : i32
    %c0_i32_1 = arith.constant 0 : i32
    %c0_i32_2 = arith.constant 0 : i32
    return %c0_i32, %arg0, %c0_i32_0, %c0_i32_1 : i32, i32, i32, i32
  }
  func.func @transform_2(%arg0: i32) -> (i32, i32) {
    %c0_i32 = arith.constant 0 : i32
    %c0_i32_0 = arith.constant 0 : i32
    %c0_i32_1 = arith.constant 0 : i32
    return %c0_i32, %c0_i32_0 : i32, i32
  }
  func.func @transform_3(%arg0: i32) -> (i32, i32) {
    %c0_i32 = arith.constant 0 : i32
    %c0_i32_0 = arith.constant 0 : i32
    %c0_i32_1 = arith.constant 0 : i32
    return %c0_i32, %c0_i32_0 : i32, i32
  }
  func.func @transform_4(%arg0: i32) -> (i32, i32) {
    %c0_i32 = arith.constant 0 : i32
    %c0_i32_0 = arith.constant 0 : i32
    %c0_i32_1 = arith.constant 0 : i32
    return %c0_i32, %c0_i32_0 : i32, i32
  }
  func.func @transform_5(%arg0: i32) -> (i32, i32) {
    %c0_i32 = arith.constant 0 : i32
    %c0_i32_0 = arith.constant 0 : i32
    %c0_i32_1 = arith.constant 0 : i32
    return %c0_i32, %c0_i32_0 : i32, i32
  }
  func.func @transform_6(%arg0: i32) -> (i32, i32) {
    %c0_i32 = arith.constant 0 : i32
    %c0_i32_0 = arith.constant 0 : i32
    return %arg0, %c0_i32 : i32, i32
  }
  func.func @transform_7(%arg0: i32) -> (i32, i32) {
    %c0_i32 = arith.constant 0 : i32
    %c0_i32_0 = arith.constant 0 : i32
    return %arg0, %c0_i32 : i32, i32
  }
}

module attributes {stable_mosaic.version = 14 : i64} {
  func.func @_fin_body(%arg0: i32, %arg1: memref<2x1000x128xf32, #tpu.memory_space<vmem>>, %arg2: memref<2x1x1x1000xf32, #tpu.memory_space<vmem>>, %arg3: memref<1000x128xf32, #tpu.memory_space<vmem>>) attributes {dimension_semantics = [#tpu.dimension_semantics<arbitrary>], iteration_bounds = array<i64: 10>, scalar_prefetch = 0 : i64, scratch_operands = 0 : i64, tpu.core_type = #tpu.core_type<tc>, window_params = [{transform_indices = @transform_0, window_bounds = array<i64: 2, 1000, 128>}, {transform_indices = @transform_1, window_bounds = array<i64: 2, 1, 1, 1000>}, {transform_indices = @transform_2, window_bounds = array<i64: 1000, 128>}]} {
    %get3A = arith.constant 0 : index
    %get3A_0 = arith.constant 0 : index
    %get3A_1 = arith.constant 0 : index
    %get3A_2 = vector.load %arg1[%get3A, %get3A_0, %get3A_1] : memref<2x1000x128xf32, #tpu.memory_space<vmem>>, vector<1x1000x128xf32>
    %get3A_3 = vector.shape_cast %get3A_2 : vector<1x1000x128xf32> to vector<1000x128xf32>
    %get3A_4 = arith.constant 1 : index
    %get3A_5 = arith.constant 0 : index
    %get3A_6 = arith.constant 0 : index
    %get3A_7 = vector.load %arg1[%get3A_4, %get3A_5, %get3A_6] : memref<2x1000x128xf32, #tpu.memory_space<vmem>>, vector<1x1000x128xf32>
    %get3A_8 = vector.shape_cast %get3A_7 : vector<1x1000x128xf32> to vector<1000x128xf32>
    %add3A = arith.addf %get3A_3, %get3A_8 : vector<1000x128xf32>
    %get3A_9 = arith.constant 0 : index
    %get3A_10 = arith.constant 0 : index
    %get3A_11 = arith.constant 0 : index
    %get3A_12 = arith.constant 0 : index
    %get3A_13 = vector.load %arg2[%get3A_9, %get3A_10, %get3A_11, %get3A_12] : memref<2x1x1x1000xf32, #tpu.memory_space<vmem>>, vector<1x1x1x1000xf32>
    %get3A_14 = vector.shape_cast %get3A_13 : vector<1x1x1x1000xf32> to vector<1000xf32>
    %get3A_15 = arith.constant 1 : index
    %get3A_16 = arith.constant 0 : index
    %get3A_17 = arith.constant 0 : index
    %get3A_18 = arith.constant 0 : index
    %get3A_19 = vector.load %arg2[%get3A_15, %get3A_16, %get3A_17, %get3A_18] : memref<2x1x1x1000xf32, #tpu.memory_space<vmem>>, vector<1x1x1x1000xf32>
    %get3A_20 = vector.shape_cast %get3A_19 : vector<1x1x1x1000xf32> to vector<1000xf32>
    %add3A_21 = arith.addf %get3A_14, %get3A_20 : vector<1000xf32>
    %reshape3A = vector.shape_cast %add3A_21 : vector<1000xf32> to vector<1000x1xf32>
    %add3A_22 = arith.constant 9.99999971E-10 : f32
    %add3A_23 = vector.broadcast %add3A_22 : f32 to vector<1000x1xf32>
    %add3A_24 = arith.addf %reshape3A, %add3A_23 : vector<1000x1xf32>
    %div3A = vector.broadcast %add3A_24 : vector<1000x1xf32> to vector<1000x128xf32>
    %div3A_25 = arith.divf %add3A, %div3A : vector<1000x128xf32>
    %mul3A = arith.constant 0.00999999977 : f32
    %mul3A_26 = vector.broadcast %mul3A : f32 to vector<1000x128xf32>
    %mul3A_27 = arith.mulf %mul3A_26, %div3A_25 : vector<1000x128xf32>
    %max3A = arith.maximumf %div3A_25, %mul3A_27 : vector<1000x128xf32>
    %swap3A = arith.constant 0 : index
    %swap3A_28 = arith.constant 0 : index
    %swap3A_29 = vector.load %arg3[%swap3A, %swap3A_28] : memref<1000x128xf32, #tpu.memory_space<vmem>>, vector<1000x128xf32>
    tpu.vector_store %arg3[%swap3A, %swap3A_28], %max3A {strides = array<i32>} : memref<1000x128xf32, #tpu.memory_space<vmem>>, vector<1000x128xf32>,
    return
  }
  func.func @transform_0(%arg0: i32) -> (i32, i32, i32) {
    %c0_i32 = arith.constant 0 : i32
    %c0_i32_0 = arith.constant 0 : i32
    %c0_i32_1 = arith.constant 0 : i32
    return %c0_i32, %arg0, %c0_i32_0 : i32, i32, i32
  }
  func.func @transform_1(%arg0: i32) -> (i32, i32, i32, i32) {
    %c0_i32 = arith.constant 0 : i32
    %c0_i32_0 = arith.constant 0 : i32
    %c0_i32_1 = arith.constant 0 : i32
    %c0_i32_2 = arith.constant 0 : i32
    return %c0_i32, %arg0, %c0_i32_0, %c0_i32_1 : i32, i32, i32, i32
  }
  func.func @transform_2(%arg0: i32) -> (i32, i32) {
    %c0_i32 = arith.constant 0 : i32
    %c0_i32_0 = arith.constant 0 : i32
    return %arg0, %c0_i32 : i32, i32
  }
}

</mosaic_0001>

<sc_bundles>
// kernel: kernel.10.cloned.1.call-start
scs
__scs_entry_jumppad:
0x0: {  	(pc) =	sbr.rel $0x88, $3  }
0x1: {  	(tag) =	ssettag $0x0;
	lr =	simm.s32 $0x1  }
0x2: {  	[smem:$0x3F94] =	sst lr;
	_ =	strace $0xD0000000  }
0x3: {  	_ = 	snop  }
0x4: {  	_ = 	snop  }
0x5: {  	_ = 	snop  }
0x6: {  	_ = 	snop  }
0x7: {  	_ = 	snop  }
__scs_overlays_trampoline_lowered:
0x8: {  	[smem:$0x3FA3] =	sst s0  }
0x9: {  	[smem:$0x3FA4] =	sst s1  }
0xa: {  	[smem:$0x3FA5] =	sst s2  }
0xb: {  	[smem:$0x3FA6] =	sst s3  }
0xc: {  	[smem:$0x3FA7] =	sst s4  }
0xd: {  	[smem:$0x3FA8] =	sst s5  }
0xe: {  	[smem:$0x3FA9] =	sst s6  }
0xf: {  	[smem:$0x3FAA] =	sst s7  }
0x10: {  	[smem:$0x3FAB] =	sst s8  }
0x11: {  	[smem:$0x3FAC] =	sst s9;
	s0 =	simm.s32 @!p0 $0x0  }
0x12: {  	s1 =	sld [smem:$0x3F92];
	s0 =	simm.s32 @p0 $0x1  }
0x13: {  	[smem:$0x3FAD] =	sst s0;
	s0 =	simm.s32 @!p1 $0x0  }
0x14: {  	s2 =	sld [smem:$0x3F91];
	s0 =	simm.s32 @p1 $0x1  }
0x15: {  	[smem:$0x3FAE] =	sst s0;
	s0 =	simm.s32 @!p2 $0x0  }
0x16: {  	s3 =	sld [smem:$0x3FDB];
	s0 =	simm.s32 @p2 $0x1  }
0x17: {  	s4 =	simm.s32 $0x1BF5;
	[smem:$0x3FB0] =	sst s0  }
0x18: {  	s0 =	sld [smem:$0x3F93];
	_ =	swait.ge [sflag:s4], $0x0  }
0x19: {  	s7 =	sld [smem:$0x3F94]  }
0x1a: {  	s8 =	sadd.s32 $0xFFFFE003, lr  }
0x1b: {  	s9 =	sadd.s32 $0xFFFFFEF7, lr;
	s5 =	simm.s32 $0xFFFFFFFF;
	p2 =	slt.u32 s8, $0xFFFFF086  }
0x1c: {  	p1 =	slt.u32 s9, $0xF7A;
	s5 =	simm.s32 @!p2 $0x0  }
0x1d: {  	s5 =	simm.s32 @p1 $0x1;
	p0 =	seq.s32 s7, s2  }
0x1e: {  	s7 =	smul.u32 @!p0 $0xF7A, s2;
	p2 =	seq.s32 @!p0 s5, $0x0  }
0x1f: {  	s9 =	smul.u32 $0xF7A, s1;
	s8 =	simm.s32 @!p0 $0x1BF5;
	p2 =	por !p2, p0  }
0x20: {  	[sflag:s8] =	ssyncset.s32 @!p0 $0xFFFFF086;
	s6 =	sadd.s32 @!p0 s3, s7;
	s7 =	simm.s32 @!p0 $0x108  }
0x21: {  	s3 =	sadd.s32 s3, s9;
	s6 =	sadd.s32 @!p0 $0x88, s6;
	s7 =	simm.s32 @p2 $0x1082  }
0x22: {  	[simem:s7], [sflag:s8] =	dma.local @!p0 [hbm:s6], $0xF7A  }
0x23: {  	s9 =	sor.u32 $0xD0000000, s2;
	s6 =	simm.s32 $0x108;
	_ =	swait.ge @!p0 [sflag:s8], $0x0  }
0x24: {  	s3 =	sadd.s32 $0x88, s3;
	s6 =	simm.s32 @!p1 $0x1082;
	[sflag:s4] =	ssyncset.s32 $0xFFFFF086  }
0x25: {  	[simem:s6], [sflag:s4] =	dma.local [hbm:s3], $0xF7A  }
0x26: {  	[smem:$0x3F94] =	sst s1;
	(tag) =	ssettag s2;
	_ =	strace s9  }
0x27: {  	s1 =	sld [smem:$0x3FA4]  }
0x28: {  	s2 =	sld [smem:$0x3FA5]  }
0x29: {  	s4 =	sld [smem:$0x3FA7]  }
0x2a: {  	p0 =	seq.s32 s5, $0x0;
	s5 =	sld [smem:$0x3FA8]  }
0x2b: {  	s6 =	sld [smem:$0x3FA9]  }
0x2c: {  	s7 =	sld [smem:$0x3FAA]  }
0x2d: {  	s3 =	simm.s32 $0x108;
	s8 =	sld [smem:$0x3FAB]  }
0x2e: {  	s3 =	simm.s32 @!p0 $0x1082;
	s9 =	sld [smem:$0x3FAC]  }
0x2f: {  	lr =	sadd.s32 s0, s3;
	s0 =	sld [smem:$0x3FA3]  }
0x30: {  	s3 =	sld [smem:$0x3FA6]  }
0x31: {  	[smem:$0x3FAF] =	sst s10  }
0x32: {  	s10 =	sld [smem:$0x3FAD];
	_ =	sdelay $0x3  }
0x33: {  	p0 =	seq.s32 s10, $0x1;
	s10 =	sld [smem:$0x3FAF];
	_ =	sdelay $0x3  }
0x34: {  	[smem:$0x3FAF] =	sst s10  }
0x35: {  	s10 =	sld [smem:$0x3FAE];
	_ =	sdelay $0x3  }
0x36: {  	p1 =	seq.s32 s10, $0x1;
	s10 =	sld [smem:$0x3FAF];
	_ =	sdelay $0x3  }
0x37: {  	[smem:$0x3FAF] =	sst s10  }
0x38: {  	s10 =	sld [smem:$0x3FB0]  }
0x39: {  	_ = 	snop;
	(pc) =	sbr.ind lr, $3  }
0x3a: {  	_ = 	snop  }
0x3b: {  	_ = 	snop  }
0x3c: {  	p2 =	seq.s32 s10, $0x1;
	s10 =	sld [smem:$0x3FAF]  }
0x3d: {  	_ =	shalt  }
0x3e: {  	_ =	shalt  }
0x3f: {  	_ =	shalt  }
0x40: {  	_ =	shalt  }
0x41: {  	_ =	shalt  }
0x42: {  	_ =	shalt  }
0x43: {  	_ =	shalt  }
0x44: {  	_ =	shalt  }
0x45: {  	_ =	shalt  }
0x46: {  	_ =	shalt  }
0x47: {  	_ =	shalt  }
0x48: {  	_ =	shalt  }
0x49: {  	_ =	shalt  }
0x4a: {  	_ =	shalt  }
0x4b: {  	_ =	shalt  }
0x4c: {  	_ =	shalt  }
0x4d: {  	_ =	shalt  }
0x4e: {  	_ =	shalt  }
0x4f: {  	_ =	shalt  }
0x50: {  	_ =	shalt  }
0x51: {  	_ =	shalt  }
0x52: {  	_ =	shalt  }
0x53: {  	_ =	shalt  }
0x54: {  	_ =	shalt  }
0x55: {  	_ =	shalt  }
0x56: {  	_ =	shalt  }
0x57: {  	_ =	shalt  }
0x58: {  	_ =	shalt  }
0x59: {  	_ =	shalt  }
0x5a: {  	_ =	shalt  }
0x5b: {  	_ =	shalt  }
0x5c: {  	_ =	shalt  }
0x5d: {  	_ =	shalt  }
0x5e: {  	_ =	shalt  }
0x5f: {  	_ =	shalt  }
0x60: {  	_ =	shalt  }
0x61: {  	_ =	shalt  }
0x62: {  	_ =	shalt  }
0x63: {  	_ =	shalt  }
0x64: {  	_ =	shalt  }
0x65: {  	_ =	shalt  }
0x66: {  	_ =	shalt  }
0x67: {  	_ =	shalt  }
0x68: {  	_ =	shalt  }
0x69: {  	_ =	shalt  }
0x6a: {  	_ =	shalt  }
0x6b: {  	_ =	shalt  }
0x6c: {  	_ =	shalt  }
0x6d: {  	_ =	shalt  }
0x6e: {  	_ =	shalt  }
0x6f: {  	_ =	shalt  }
0x70: {  	_ =	shalt  }
0x71: {  	_ =	shalt  }
0x72: {  	_ =	shalt  }
0x73: {  	_ =	shalt  }
0x74: {  	_ =	shalt  }
0x75: {  	_ =	shalt  }
0x76: {  	_ =	shalt  }
0x77: {  	_ =	shalt  }
0x78: {  	_ =	shalt  }
0x79: {  	_ =	shalt  }
0x7a: {  	_ =	shalt  }
0x7b: {  	_ =	shalt  }
0x7c: {  	_ =	shalt  }
0x7d: {  	_ =	shalt  }
0x7e: {  	_ =	shalt  }
0x7f: {  	_ =	shalt  }
0x80: {  	_ =	shalt  }
0x81: {  	_ =	shalt  }
0x82: {  	_ =	shalt  }
0x83: {  	_ =	shalt  }
0x84: {  	_ =	shalt  }
0x85: {  	_ =	shalt  }
0x86: {  	_ =	shalt  }
0x87: {  	_ =	shalt  }
.Lfunc_end0:
.L_simem_size_0:
called_computation.1_lowered:
.L_overlay_start_0:
0x88: {  	s2 =	sld [smem:$0x3FD9]  }
0x89: {  	s3 =	sld [smem:$0x3FFE];
	_ =	sdelay $0x1  }
0x8a: {  	s1 =	srdreg.scid  }
0x8b: {  	s0 =	sand.u32 $0x1, s1  }
0x8c: {  	s17 =	sshll.u32 s0, $0xA;
	s2 =	sadd.s32 s3, s2  }
0x8d: {  	s2 =	sadd.s32 s2, s17  }
0x8e: {  	[smem:$0x3FBB] =	sst s2  }
0x8f: {  	_ = 	snop  }
0x90: {  	s2 =	sld [smem:$0x3FBD]  }
0x91: {  	s18 =	sld [smem:$0x3FD0];
	(tm) =	ssettm $0x1  }
0x92: {  	s4 =	sld [smem:$0x3FFB];
	_ =	sdelay $0x3  }
0x93: {  	_ =	strace s4  }
0x94: {  	s4 =	sld [smem:$0x3FFC];
	_ =	sdelay $0x3  }
0x95: {  	_ =	strace s4  }
0x96: {  	s4 =	sld [smem:$0x3FFD];
	_ =	sdelay $0x3  }
0x97: {  	_ =	strace s4  }
0x98: {  	_ =	strace $0x8FFFFFFF  }
0x99: {  	s19 =	sld [smem:$0x3FDB];
	_ =	sdelay $0x1  }
0x9a: {  	s5 =	simm.s32 $_scs_section_size  }
0x9b: {  	s6 =	simm.s32 $_size__tile_overlayer_lowered;
	s7 =	simm.s32 $_tile_overlayer_lowered  }
0x9c: {  	s22 =	simm.s32 $0x1BFF;
	s21 =	sshll.u32 s7, $0x1;
	s4 =	sadd.s32 s5, s19  }
0x9d: {  	s8 =	simm.s32 $0x0;
	s20 =	sshll.u32 s6, $0x1;
	s6 =	sadd.s32 s21, s4  }
0x9e: {  	[timem:s8], [sflag:s22] =	dma.local [hbm:s6], s20  }
0x9f: {  	_ =	swait.ge [sflag:s22], s20  }
0xa0: {  	s5 =	ssub.s32 $0x0, s20;
	[sflag:s22] =	ssyncset.done $0x0  }
0xa1: {  	[sflag:s22] =	ssyncadd.s32 s5;
	_ =	sdelay $0x1  }
0xa2: {  	s23 =	simm.s32 $0x1B8B  }
0xa3: {  	_ =	swait.ge [sflag:s23], $0x1  }
0xa4: {  	[sflag:s23] =	ssyncset.done $0x0  }
0xa5: {  	s25 =	simm.s32 $0x1B8E;
	s24 =	sld [smem:$0x3FFE];
	[sflag:s23] =	ssyncadd.s32 $0xFFFFFFFF  }
0xa6: {  	s26 =	simm.s32 $execute0_lowered;
	[smem:$0x3FD2] =	sst s25  }
0xa7: {  	s6 =	sshll.u32 s26, $0x1;
	_ =	strace $0x80000049;
	[dreg:$0x1] =	wrdreg $0xFFFFFFFF  }
0xa8: {  	s28 =	simm.s32 $_size_execute0_lowered;
	s4 =	sadd.s32 s4, s6;
	[dreg:$0x0] =	wrdreg $0x0  }
0xa9: {  	s6 =	sshll.u32 s28, $0x1;
	[dreg:$0x2] =	wrdreg s4  }
0xaa: {  	[dreg:$0x3] =	wrdreg s6  }
0xab: {  	[dreg:$0x4] =	wrdreg $0xC0  }
0xac: {  	_ =	task [dreg:s8], $0x5FFFF  }
0xad: {  	[dreg:$0x1] =	wrdreg $0xFFFFFFFF  }
0xae: {  	[dreg:$0x0] =	wrdreg $0x60  }
0xaf: {  	[dreg:$0x2] =	wrdreg s18  }
0xb0: {  	[dreg:$0x3] =	wrdreg s24  }
0xb1: {  	[dreg:$0x4] =	wrdreg s2  }
0xb2: {  	[dreg:$0x5] =	wrdreg $0xBF000  }
0xb3: {  	[dreg:$0x6] =	wrdreg $0x1F7800  }
0xb4: {  	[dreg:$0x7] =	wrdreg $0x9  }
0xb5: {  	_ =	task.clear_ibuf [dreg:s8], $0x8FFFF;
	_ =	strace $0x90000049  }
0xb6: {  	s29 =	simm.s32 $0x9;
	_ =	strace $0x8000004B  }
0xb7: {  	_ =	swait.ge [sflag:s29], $0x1  }
0xb8: {  	[sflag:s29] =	ssyncadd.s32 $0xFFFFFFFF  }
0xb9: {  	_ =	strace $0x9000004B  }
0xba: {  	_ =	sfence  }
0xbb: {  	s30 =	sld [smem:$0x0];
	_ =	sdelay $0x2  }
0xbc: {  	s31 =	sshll.u32 s1, $0xD;
	s1 =	sshrl.u32 s1, $0x2  }
0xbd: {  	s3 =	sand.u32 $0x4000, s31;
	s1 =	sadd.s32 s1, s30  }
0xbe: {  	s0 =	sor.u32 s3, s0;
	s1 =	sshll.u32 s1, $0x11  }
0xbf: {  	s0 =	sor.u32 s1, s0  }
0xc0: {  	s0 =	sadd.s32 $0x8F2B, s0  }
0xc1: {  	[sflag:s0] =	ssyncadd.remote.s32 $0x1  }
0xc2: {  	_ =	sfence.sel $0xFFFF  }
0xc3: {  	[dreg:$0x0] =	wrdreg $0xFFFFFFFF;
	(pc) =	sbr.abs _section_cstart, $3  }
0xc4: {  	[dreg:$0x1] =	wrdreg $0xFFFFFFFF  }
0xc5: {  	_ =	task.clear_ibuf [dreg:s8], $0x2FFFF;
	_ =	strace $0x9FFFFFFF  }
0xc6: {  	(tm) =	ssettm $0x7FFFFFFF  }
0xc7: {  	_ =	shalt  }
tec
execute0_lowered:
.L_overlay_start_1:
0x0: {  	(tag) =	ssettag $0x1  }
0x1: {  	s1 =	rddreg [dreg:$0x0]  }
0x2: {  	s0 =	rddreg [dreg:$0x1]  }
0x3: {  	s3 =	rddreg [dreg:$0x3]  }
0x4: {  	s4 =	rddreg [dreg:$0x4];
	s2 =	srdreg.scid;
	s6 =	simm.s32 $0x0  }
0x5: {  	s15 =	stileid.u32;
	s28 =	simm.s32 $0x5100;
	s29 =	simm.s32 $0x5180  }
0x6: {  	s30 =	simm.s32 $0x5200;
	s2 =	sand.u32 $0x1, s2;
	s10 =	smul.u32 $0x1F400, s15  }
0x7: {  	[smem:$0x7FF] =	sst s6;
	s11 =	smul.u32 $0x7D0, s15;
	s7 =	sadd.s32 $0x2200, s0  }
0x8: {  	s8 =	sadd.s32 $0x95A00, s0;
	s9 =	sadd.s32 $0x8BC00, s0;
	s13 =	smul.u32 $0x1F40, s15  }
0x9: {  	s19 =	sshll.u32 s15, $0x1;
	s24 =	smul.u32 $0x7D000, s15;
	p0 =	sgt.u32 s15, $0x9  }
0xa: {  	p1 =	sgt.u32 s15, $0x4;
	s5 =	smul.u32 $0x138800, s2;
	_ =	strace $0x8000004A  }
0xb: {  	s12 =	smul.u32 $0x2710, s2;
	s13 =	sshrl.u32 s13, $0x2;
	s25 =	sadd.s32 s11, s4  }
0xc: {  	s31 =	sshrl.u32 s24, $0x2;
	s24 =	simm.s32 $0x50;
	s5 =	sadd.s32 s10, s5  }
0xd: {  	s12 =	sadd.s32 s11, s12;
	s10 =	sor.u32 s2, s19;
	s2 =	ssub.s32 $0x2, s2  }
0xe: {  	v0 =	vimm.s32 $0xEFCDAB89;
	s21 =	sadd.s32 s13, s4;
	[dreg:$0x9] =	wrdreg s25;
	s19 =	sadd.s32 s31, s3  }
0xf: {  	v1 =	vimm.s32 $0x67452301;
	v2 =	vimm.s32 $0xDCFE98BA;
	v3 =	vimm.s32 $0x54761032;
	s25 =	simm.s32 $0x100;
	s5 =	sshrl.u32 s5, $0x3;
	s12 =	sshrl.u32 s12, $0x3  }
0x10: {  	v4 =	vimm.s32 $0xBA98FEDC;
	v5 =	vimm.s32 $0xFEDCBA98;
	s10 =	smul.u32 $0x2710, s10;
	s20 =	sshrl.u32 s2, $0x1;
	[dreg:$0x6] =	wrdreg s21  }
0x11: {  	v6 =	vimm.s32 $0x32107654;
	v7 =	vimm.s32 $0x76543210;
	v0 =	vunpack.c.l.s4.s8 v0;
	s21 =	simm.s32 $0x3;
	s5 =	sadd.s32 s5, s0;
	s0 =	sadd.s32 s12, s0  }
0x12: {  	v1 =	vunpack.c.l.s4.s8 v1;
	v2 =	vunpack.c.l.s4.s8 v2;
	v3 =	vunpack.c.l.s4.s8 v3;
	s2 =	ssub.s32 s2, s20;
	s20 =	simm.s32 $0xA300;
	s12 =	simm.s32 $0x0  }
0x13: {  	v5 =	vunpack.c.l.s4.s8 v5;
	v4 =	vunpack.c.l.s4.s8 v4;
	v6 =	vunpack.c.l.s4.s8 v6;
	s14 =	sshrl.u32 s10, $0x3;
	s13 =	sadd.s32 $0x50, s10;
	s0 =	sadd.s32 $0x29400, s0  }
.Ltmp0:
0x14: {  	v7 =	vunpack.c.l.s4.s8 v7;
	v0 =	vunpack.c.0.s8.s32 v0;
	v1 =	vunpack.c.0.s8.s32 v1;
	s26 =	smax.u32 s2, $0x1;
	s18 =	sadd.s32 $0x29E00, s5;
	(pc) =	sbr.rel .LBB2_1-.Ltmp0, $4  }
0x15: {  	v2 =	vunpack.c.0.s8.s32 v2;
	v3 =	vunpack.c.0.s8.s32 v3;
	v5 =	vunpack.c.0.s8.s32 v5;
	s5 =	simm.s32 $0xA200;
	s2 =	simm.s32 $0x2;
	[dreg:$0xa] =	wrdreg s0  }
0x16: {  	v4 =	vunpack.c.0.s8.s32 v4;
	v6 =	vunpack.c.0.s8.s32 v6;
	v7 =	vunpack.c.0.s8.s32 v7;
	s22 =	sadd.s32 s8, s14;
	s23 =	sadd.s32 s9, s14;
	[dreg:$0xb] =	wrdreg s26  }
0x17: {  	v0 =	vcombine.low v1, v0;
	v1 =	vcombine.low v3, v2;
	v5 =	vand.u32 $0xF, v5;
	s14 =	sadd.s32 $0xA0, s10;
	s26 =	simm.s32 $0x2900;
	[dreg:$0x7] =	wrdreg s22  }
0x18: {  	v2 =	vcombine.low v6, v4;
	v3 =	vimm.f32 $0.0e+00;
	v4 =	vcombine.low v5, v7;
	s0 =	simm.s32 $0x1;
	[dreg:$0x8] =	wrdreg s23;
	s23 =	simm.s32 $0x80  }
.LBB2_21:
0x19: {  	s10 =	simm.s32 @p2 $0xB700;
	s11 =	rddreg [dreg:$0x9]  }
0x1a: {  	[tilespmem:s10], [sflag:$0x3] =	stream.linear.gather @p2 [spmem:s11], $0x7D0, $0x38;
	[tilespmem:$0x1F9F8] =	vst v63  }
0x1b: {  	s11 =	simm.s32 @p2 $0x3  }
0x1c: {  	_ =	swait.ge @p2 [sflag:s11], $0x7D0  }
0x1d: {  	[sflag:s11] =	ssyncset.done @p2 $0x0  }
0x1e: {  	s12 =	simm.s32 @p2 $0x0;
	s15 =	rddreg [dreg:$0xa];
	[sflag:s11] =	ssyncadd.s32 @p2 $0xFFFFF830  }
0x1f: {  	[hbm4b:s15+s12] =	stream.linear.scatter @p2 [tilespmem:s10], [sflag:$0x3], $0x7D0, $0x38;
	[tilespmem:$0x1F9F8] =	vst v63  }
0x20: {  	_ =	swait.ge @p2 [sflag:s11], $0x7D0  }
0x21: {  	s12 =	sadd.s32 $0x1, s16;
	s31 =	rddreg [dreg:$0xb]  }
0x22: {  	p3 =	sne.s32 s12, s31  }
.Ltmp1:
0x23: {  	_ = 	snop;
	(pc) =	sbr.rel @!p3 .LBB2_22-.Ltmp1, $3  }
0x24: {  	_ =	sdelay $0x1  }
0x25: {  	[sflag:s11] =	ssyncset.done @p2 $0x0  }
0x26: {  	[sflag:s11] =	ssyncadd.s32 @p2 $0xFFFFF830  }
.LBB2_1:
0x27: {  	s10 =	simm.s32 $0x0;
	s11 =	simm.s32 $0x200  }
.LBB2_2:
0x28: {  	p2 =	sne.s32 s11, $0x4E00;
	[tilespmem:s10+$0xA370] =	vst v3  }
0x29: {  	[tilespmem:s10+$0xA300] =	vst v3  }
0x2a: {  	[tilespmem:s10+$0xA310] =	vst v3  }
.Ltmp2:
0x2b: {  	[tilespmem:s10+$0xA320] =	vst v3;
	(pc) =	sbr.rel @p2 .LBB2_2-.Ltmp2, $4  }
0x2c: {  	[tilespmem:s10+$0xA330] =	vst v3  }
0x2d: {  	[tilespmem:s10+$0xA340] =	vst v3  }
0x2e: {  	[tilespmem:s10+$0xA350] =	vst v3  }
0x2f: {  	[tilespmem:s10+$0xA360] =	vst v3;
	s10 =	sshra.s32 s11, $0x2;
	s11 =	sadd.s32 $0x200, s11  }
0x30: {  	[tilespmem:s10+$0xA370] =	vst v3  }
0x31: {  	[tilespmem:s10+$0xA300] =	vst v3  }
0x32: {  	[tilespmem:s10+$0xA310] =	vst v3  }
0x33: {  	[tilespmem:s10+$0xA320] =	vst v3  }
0x34: {  	[tilespmem:s10+$0xA330] =	vst v3  }
0x35: {  	[tilespmem:s10+$0xA340] =	vst v3  }
0x36: {  	[tilespmem:s10+$0xA350] =	vst v3  }
0x37: {  	[tilespmem:s10+$0xA360] =	vst v3;
	s10 =	simm.s32 $0x40;
	s11 =	simm.s32 $0x0  }
.LBB2_4:
0x38: {  	p2 =	sne.s32 s10, $0x1F00;
	[tilespmem:s11+$0xB700] =	vst v3;
	s11 =	smov.u32 s10;
	s10 =	sadd.s32 $0x40, s10  }
.Ltmp3:
0x39: {  	(pc) =	sbr.rel @p2 .LBB2_4-.Ltmp3, $2  }
0x3a: {  	_ =	sdelay $0x2  }
0x3b: {  	s11 =	sshra.s32 s11, $0x2  }
.Ltmp4:
0x3c: {  	(pc) =	sbr.rel @p0 .LBB2_9-.Ltmp4, $2  }
0x3d: {  	_ =	sdelay $0x2  }
0x3e: {  	[tilespmem:s11+$0xB700] =	vst v3;
	p2 =	por $0x0, $0x0  }
0x3f: {  	s10 =	sadd.s32 $0x0, s19  }
0x40: {  	[spmem:s10] =	stream.linear.scatter [tilespmem:s20], [sflag:$0x3], $0x1400, $0x38;
	[tilespmem:$0x1F9F8] =	vst v63  }
0x41: {  	s10 =	simm.s32 $0x5000;
	_ =	swait.ge [sflag:s21], $0x1400  }
.LBB2_7:
0x42: {  	s11 =	sshra.s32 s10, $0x2;
	[sflag:s21] =	ssyncset.done $0x0;
	p2 =	sne.s32 s10, $0x78000  }
.Ltmp5:
0x43: {  	s11 =	sadd.s32 s11, s19;
	[sflag:s21] =	ssyncadd.s32 $0xFFFFEC00;
	(pc) =	sbr.rel @p2 .LBB2_7-.Ltmp5, $3  }
0x44: {  	[spmem:s11] =	stream.linear.scatter [tilespmem:s20], [sflag:$0x3], $0x1400, $0x38;
	[tilespmem:$0x1F9F8] =	vst v63  }
0x45: {  	s10 =	sadd.s32 $0x5000, s10;
	_ =	sdelay $0x1  }
0x46: {  	_ =	swait.ge [sflag:s21], $0x1400  }
0x47: {  	[sflag:s21] =	ssyncset.done $0x0  }
0x48: {  	s10 =	simm.s32 @!p1 $0xB700;
	s11 =	rddreg [dreg:$0x6];
	[sflag:s21] =	ssyncadd.s32 $0xFFFFEC00  }
0x49: {  	[spmem:s11] =	stream.linear.scatter @!p1 [tilespmem:s10], [sflag:$0x3], $0x7D0, $0x38;
	[tilespmem:$0x1F9F8] =	vst v63  }
0x4a: {  	s10 =	simm.s32 @!p1 $0x3  }
0x4b: {  	_ =	swait.ge @!p1 [sflag:s10], $0x7D0  }
0x4c: {  	p3 =	por @!p1 $0x1, $0x1;
	p2 =	por $0x0, $0x0;
	[sflag:s10] =	ssyncset.done @!p1 $0x0  }
0x4d: {  	p2 =	por @!p1 p3, p3;
	[sflag:s10] =	ssyncadd.s32 @!p1 $0xFFFFF830  }
.LBB2_9:
0x4e: {  	[dreg:$0xc] =	wrdreg s12  }
0x4f: {  	s10 =	simm.s32 $0x0;
	s11 =	rddreg [dreg:$0x2];
	s17 =	simm.s32 $0xA280  }
0x50: {  	[tilespmem:s17], [sflag:$0x3] =	stream.linear.gather [hbm4b:s11+s10], $0x80, $0x38;
	[tilespmem:$0x1F9F8] =	vst v63  }
0x51: {  	_ =	swait.ge [sflag:s21], $0x80  }
0x52: {  	[sflag:s21] =	ssyncset.done $0x0  }
0x53: {  	[sflag:s21] =	ssyncadd.s32 $0xFFFFFF80  }
0x54: {  	v5 =	vld [tilespmem:$0xA280]  }
0x55: {  	v6 =	vld [tilespmem:$0xA290]  }
0x56: {  	v7 =	vld [tilespmem:$0xA2A0]  }
0x57: {  	v8 =	vld [tilespmem:$0xA2B0]  }
0x58: {  	v9 =	vld [tilespmem:$0xA2C0]  }
0x59: {  	v10 =	vld [tilespmem:$0xA2D0]  }
0x5a: {  	v11 =	vld [tilespmem:$0xA2E0]  }
0x5b: {  	v12 =	vld [tilespmem:$0xA2F0];
	[bflag:$0x0] =	sbarrier.arrive $0xFFFF  }
0x5c: {  	s22 =	rddreg [dreg:$0x7]  }
0x5d: {  	[tilespmem:s10], [sflag:$0x3] =	stream.linear.gather [hbm4b:s22+s10], $0x50, $0x38;
	[tilespmem:$0x1F9F8] =	vst v63  }
0x5e: {  	_ =	swait.ge [sflag:s21], $0x50  }
0x5f: {  	[sflag:s21] =	ssyncset.done $0x0  }
0x60: {  	s31 =	rddreg [dreg:$0x8];
	[sflag:s21] =	ssyncadd.s32 $0xFFFFFFB0  }
0x61: {  	[tilespmem:s23], [sflag:$0x3] =	stream.linear.gather [hbm4b:s31+s10], $0x50, $0x38;
	[tilespmem:$0x1F9F8] =	vst v63  }
0x62: {  	_ =	swait.ge [sflag:s21], $0x50  }
0x63: {  	[sflag:s21] =	ssyncset.done $0x0  }
0x64: {  	[sflag:s21] =	ssyncadd.s32 $0xFFFFFFB0  }
0x65: {  	[tilespmem:s25], [sflag:$0x1] =	stream.indirect.gather [hbm4b:s1+s24], $0x80, s10, s24, $0xb8;
	[tilespmem:$0x1F9F8] =	vst v63  }
0x66: {  	s11 =	simm.s32 $0x0  }
0x67: {  	[tilespmem:s26], [sflag:$0x1] =	stream.indirect.gather [hbm4b:s7+s24], $0x80, s23, s24, $0xb8;
	[tilespmem:$0x1F9F8] =	vst v63  }
.LBB2_10:
0x68: {  	s12 =	smul.u32 $0xA0, s11;
	_ =	sdelay $0x1  }
0x69: {  	s15 =	sadd.s32 s12, s13  }
0x6a: {  	s15 =	sshrl.u32 s15, $0x3  }
0x6b: {  	s16 =	sadd.s32 s8, s15  }
0x6c: {  	[tilespmem:s28], [sflag:$0x3] =	stream.linear.gather [hbm4b:s16+s10], $0x50, $0x38;
	[tilespmem:$0x1F9F8] =	vst v63  }
0x6d: {  	_ =	swait.ge [sflag:s21], $0x50  }
0x6e: {  	[sflag:s21] =	ssyncset.done $0x0  }
0x6f: {  	s15 =	sadd.s32 s9, s15;
	[sflag:s21] =	ssyncadd.s32 $0xFFFFFFB0  }
0x70: {  	[tilespmem:s29], [sflag:$0x3] =	stream.linear.gather [hbm4b:s15+s10], $0x50, $0x38;
	[tilespmem:$0x1F9F8] =	vst v63  }
0x71: {  	_ =	swait.ge [sflag:s21], $0x50  }
0x72: {  	[sflag:s21] =	ssyncset.done $0x0  }
0x73: {  	[sflag:s21] =	ssyncadd.s32 $0xFFFFFFB0  }
0x74: {  	[tilespmem:s30], [sflag:$0x2] =	stream.indirect.gather [hbm4b:s1+s24], $0x80, s28, s24, $0xb8;
	[tilespmem:$0x1F9F8] =	vst v63  }
0x75: {  	s31 =	simm.s32 $0x7A00  }
0x76: {  	[tilespmem:s31], [sflag:$0x2] =	stream.indirect.gather [hbm4b:s7+s24], $0x80, s29, s24, $0xb8;
	[tilespmem:$0x1F9F8] =	vst v63  }
0x77: {  	_ =	swait.ge [sflag:s0], $0x2800  }
0x78: {  	[sflag:s0] =	ssyncset.done $0x0  }
0x79: {  	[sflag:s0] =	ssyncadd.s32 $0xFFFFD800  }
0x7a: {  	_ =	swait.ge [sflag:s0], $0x2800  }
0x7b: {  	[sflag:s0] =	ssyncset.done $0x0  }
0x7c: {  	s15 =	simm.s32 $0x140;
	[sflag:s0] =	ssyncadd.s32 $0xFFFFD800  }
0x7d: {  	s16 =	simm.s32 $0x2940;
	v18 =	vld [tilespmem:s15+$0xFFFFFFC0]  }
0x7e: {  	v15 =	vld [tilespmem:s16+$0xFFFFFFC0]  }
0x7f: {  	v16 =	vld [tilespmem:s16+$0xFFFFFFD0]  }
0x80: {  	v13 =	vld [tilespmem:s15+$0xFFFFFFD0]  }
0x81: {  	v20 =	vld [tilespmem:s15+$0xFFFFFFE0]  }
0x82: {  	v17 =	vld [tilespmem:s16+$0xFFFFFFE0]  }
0x83: {  	v14 =	vld [tilespmem:s15+$0xFFFFFFF0];
	v19 =	vadd.f32 v15, v18  }
0x84: {  	v21 =	vld [tilespmem:s16+$0xFFFFFFF0]  }
0x85: {  	v24 =	vld [tilespmem:s16+$0x0];
	v23 =	vadd.f32 v16, v13;
	v22 =	vmul.f32 $2.000000030e-01, v19  }
0x86: {  	v15 =	vld [tilespmem:s15+$0x0]  }
0x87: {  	v25 =	vld [tilespmem:s16+$0x10];
	v17 =	vadd.f32 v17, v20;
	v19 =	vmax.f32 v19, v22;
	v22 =	vmul.f32 $2.000000030e-01, v23  }
0x88: {  	v16 =	vld [tilespmem:s15+$0x10];
	v19 =	vmul.f32 v19, v5  }
0x89: {  	v26 =	vld [tilespmem:s15+$0x20];
	v21 =	vadd.f32 v21, v14;
	v22 =	vmax.f32 v23, v22;
	v23 =	vmul.f32 $2.000000030e-01, v17  }
0x8a: {  	v27 =	vld [tilespmem:s16+$0x20];
	v19 =	vadd.f32 $0.0e+00, v19;
	v22 =	vmul.f32 v22, v6  }
0x8b: {  	v28 =	vld [tilespmem:s15+$0x30];
	v24 =	vadd.f32 v24, v15;
	v17 =	vmax.f32 v17, v23;
	v23 =	vmul.f32 $2.000000030e-01, v21  }
0x8c: {  	v19 =	vadd.f32 v22, v19;
	v17 =	vmul.f32 v17, v7;
	v22 =	vld [tilespmem:s16+$0x30]  }
0x8d: {  	v25 =	vadd.f32 v25, v16;
	v21 =	vmax.f32 v21, v23;
	v23 =	vmul.f32 $2.000000030e-01, v24  }
0x8e: {  	v17 =	vadd.f32 v17, v19;
	v19 =	vmul.f32 v21, v8  }
0x8f: {  	v63 =	vadd.f32 v27, v26;
	v21 =	vmax.f32 v24, v23;
	v23 =	vmul.f32 $2.000000030e-01, v25  }
0x90: {  	v17 =	vadd.f32 v19, v17;
	v19 =	vmul.f32 v21, v9  }
0x91: {  	v21 =	vmax.f32 v25, v23;
	v23 =	vmul.f32 $2.000000030e-01, v63;
	v22 =	vadd.f32 v22, v28  }
0x92: {  	v17 =	vadd.f32 v19, v17;
	v19 =	vmul.f32 v21, v10  }
0x93: {  	v21 =	vmax.f32 v63, v23;
	v23 =	vmul.f32 $2.000000030e-01, v22  }
0x94: {  	v17 =	vadd.f32 v19, v17;
	v19 =	vmul.f32 v21, v11  }
0x95: {  	v21 =	vmax.f32 v22, v23  }
0x96: {  	v17 =	vadd.f32 v19, v17;
	v19 =	vmul.f32 v21, v12;
	_ =	sdelay $0x1  }
0x97: {  	v17 =	vadd.f32 v19, v17;
	_ =	sdelay $0x1  }
0x98: {  	v19 =	vperm.xlane v17, v0;
	_ =	sdelay $0x1  }
0x99: {  	v17 =	vadd.f32 v17, v19;
	_ =	sdelay $0x1  }
0x9a: {  	v19 =	vperm.xlane v17, v1;
	_ =	sdelay $0x1  }
0x9b: {  	v17 =	vadd.f32 v17, v19;
	_ =	sdelay $0x1  }
0x9c: {  	v19 =	vperm.xlane v17, v2;
	_ =	sdelay $0x1  }
0x9d: {  	v17 =	vadd.f32 v17, v19;
	_ =	sdelay $0x1  }
0x9e: {  	v19 =	vperm.xlane v17, v4;
	_ =	sdelay $0x1  }
0x9f: {  	v17 =	vadd.f32 v17, v19;
	_ =	sdelay $0x1  }
0xa0: {  	v17 =	vmul.f32 $1.442695020e+00, v17;
	_ =	sdelay $0x1  }
0xa1: {  	(erf) = vpow2.f32 v17;
	_ =	sdelay $0x5  }
0xa2: {  	v22 =	vmov s10;
	_ =	sdelay $0x2  }
0xa3: {  	v17 =	vpop (erf)  }
0xa4: {  	v21 =	vmul.f32 v17, v18;
	v19 =	vmul.f32 v17, v28  }
0xa5: {  	s17 =	simm.s32 $0x1;
	s22 =	simm.s32 $0x140;
	[tilespmem:v22+s5+$0x0] =	vst.idx.msk $0x1, v17;
	v18 =	vmul.f32 v17, v20;
	v20 =	vmul.f32 v17, v26  }
.LBB2_11:
0xa6: {  	p3 =	sne.s32 s17, $0x4F;
	[tilespmem:s15+$0xFFFFFFC0] =	vst v21;
	v13 =	vmul.f32 v17, v13;
	v16 =	vmul.f32 v17, v16;
	s22 =	sadd.s32 $0x80, s22;
	s16 =	sadd.s32 $0x80, s16  }
0xa7: {  	v14 =	vmul.f32 v17, v14;
	v15 =	vmul.f32 v17, v15;
	s31 =	smov.u32 s17;
	s17 =	sadd.s32 $0x1, s17;
	[tilespmem:s15+$0x30] =	vst v19  }
0xa8: {  	[tilespmem:s15+$0x20] =	vst v20  }
0xa9: {  	[tilespmem:s15+$0xFFFFFFE0] =	vst v18  }
0xaa: {  	[tilespmem:s15+$0xFFFFFFF0] =	vst v14  }
0xab: {  	[tilespmem:s15+$0x0] =	vst v15  }
0xac: {  	[tilespmem:s15+$0x10] =	vst v16  }
0xad: {  	v18 =	vld [tilespmem:s22+$0xFFFFFFC0];
	[tilespmem:s15+$0xFFFFFFD0] =	vst v13;
	s15 =	smov.u32 s22  }
0xae: {  	v15 =	vld [tilespmem:s16+$0xFFFFFFC0]  }
0xaf: {  	v16 =	vld [tilespmem:s16+$0xFFFFFFD0]  }
0xb0: {  	v13 =	vld [tilespmem:s22+$0xFFFFFFD0]  }
0xb1: {  	v20 =	vld [tilespmem:s22+$0xFFFFFFE0]  }
0xb2: {  	v17 =	vld [tilespmem:s16+$0xFFFFFFE0]  }
0xb3: {  	v14 =	vld [tilespmem:s22+$0xFFFFFFF0];
	v19 =	vadd.f32 v15, v18  }
0xb4: {  	v21 =	vld [tilespmem:s16+$0xFFFFFFF0]  }
0xb5: {  	v15 =	vld [tilespmem:s22+$0x0];
	v22 =	vmul.f32 $2.000000030e-01, v19;
	v23 =	vadd.f32 v16, v13  }
0xb6: {  	v24 =	vld [tilespmem:s16+$0x0]  }
0xb7: {  	v16 =	vld [tilespmem:s22+$0x10];
	v19 =	vmax.f32 v19, v22;
	v22 =	vmul.f32 $2.000000030e-01, v23;
	v17 =	vadd.f32 v17, v20  }
0xb8: {  	v19 =	vmul.f32 v19, v5;
	v25 =	vld [tilespmem:s16+$0x10]  }
0xb9: {  	v26 =	vld [tilespmem:s22+$0x20];
	v22 =	vmax.f32 v23, v22;
	v23 =	vmul.f32 $2.000000030e-01, v17;
	v21 =	vadd.f32 v21, v14  }
0xba: {  	v19 =	vadd.f32 $0.0e+00, v19;
	v22 =	vmul.f32 v22, v6;
	v27 =	vld [tilespmem:s16+$0x20]  }
0xbb: {  	v28 =	vld [tilespmem:s22+$0x30];
	v17 =	vmax.f32 v17, v23;
	v23 =	vmul.f32 $2.000000030e-01, v21;
	v24 =	vadd.f32 v24, v15  }
0xbc: {  	v19 =	vadd.f32 v22, v19;
	v17 =	vmul.f32 v17, v7;
	v22 =	vld [tilespmem:s16+$0x30]  }
0xbd: {  	v21 =	vmax.f32 v21, v23;
	v23 =	vmul.f32 $2.000000030e-01, v24;
	v25 =	vadd.f32 v25, v16  }
0xbe: {  	v17 =	vadd.f32 v17, v19;
	v19 =	vmul.f32 v21, v8  }
0xbf: {  	v21 =	vmax.f32 v24, v23;
	v23 =	vmul.f32 $2.000000030e-01, v25;
	v24 =	vadd.f32 v27, v26  }
0xc0: {  	v17 =	vadd.f32 v19, v17;
	v19 =	vmul.f32 v21, v9  }
0xc1: {  	v21 =	vmax.f32 v25, v23;
	v23 =	vmul.f32 $2.000000030e-01, v24;
	v22 =	vadd.f32 v22, v28  }
0xc2: {  	v17 =	vadd.f32 v19, v17;
	v19 =	vmul.f32 v21, v10  }
0xc3: {  	v21 =	vmax.f32 v24, v23;
	v23 =	vmul.f32 $2.000000030e-01, v22  }
0xc4: {  	v17 =	vadd.f32 v19, v17;
	v19 =	vmul.f32 v21, v11  }
0xc5: {  	v21 =	vmax.f32 v22, v23  }
0xc6: {  	v17 =	vadd.f32 v19, v17;
	v19 =	vmul.f32 v21, v12;
	_ =	sdelay $0x1  }
0xc7: {  	v17 =	vadd.f32 v19, v17;
	_ =	sdelay $0x1  }
0xc8: {  	v19 =	vperm.xlane v17, v0;
	_ =	sdelay $0x1  }
0xc9: {  	v17 =	vadd.f32 v17, v19;
	_ =	sdelay $0x1  }
0xca: {  	v19 =	vperm.xlane v17, v1;
	_ =	sdelay $0x1  }
0xcb: {  	v17 =	vadd.f32 v17, v19;
	_ =	sdelay $0x1  }
0xcc: {  	v19 =	vperm.xlane v17, v2;
	_ =	sdelay $0x1  }
0xcd: {  	v17 =	vadd.f32 v17, v19;
	_ =	sdelay $0x1  }
0xce: {  	v19 =	vperm.xlane v17, v4;
	_ =	sdelay $0x1  }
0xcf: {  	v17 =	vadd.f32 v17, v19;
	_ =	sdelay $0x1  }
0xd0: {  	v17 =	vmul.f32 $1.442695020e+00, v17;
	_ =	sdelay $0x1  }
0xd1: {  	(erf) = vpow2.f32 v17;
	_ =	sdelay $0x5  }
0xd2: {  	v22 =	vmov s31  }
.Ltmp6:
0xd3: {  	(pc) =	sbr.rel @p3 .LBB2_11-.Ltmp6, $4  }
0xd4: {  	_ = 	snop  }
0xd5: {  	v17 =	vpop (erf)  }
0xd6: {  	v21 =	vmul.f32 v17, v18;
	v19 =	vmul.f32 v17, v28  }
0xd7: {  	v18 =	vmul.f32 v17, v20;
	v20 =	vmul.f32 v17, v26;
	[tilespmem:v22+s5+$0x0] =	vst.idx.msk $0x1, v17  }
0xd8: {  	[tilespmem:s15+$0xFFFFFFC0] =	vst v21  }
0xd9: {  	[tilespmem:s15+$0x30] =	vst v19  }
0xda: {  	v14 =	vmul.f32 v17, v14;
	[tilespmem:s15+$0x20] =	vst v20  }
0xdb: {  	v15 =	vmul.f32 v17, v15;
	[tilespmem:s15+$0xFFFFFFE0] =	vst v18  }
0xdc: {  	v16 =	vmul.f32 v17, v16;
	[tilespmem:s15+$0xFFFFFFF0] =	vst v14  }
0xdd: {  	v13 =	vmul.f32 v17, v13;
	[tilespmem:s15+$0x0] =	vst v15  }
0xde: {  	[tilespmem:s15+$0x10] =	vst v16  }
0xdf: {  	[tilespmem:s15+$0xFFFFFFD0] =	vst v13  }
0xe0: {  	[spmem:s4] =	stream.indirect.scatter.add.f32 [tilespmem:s5], [sflag:$0x3], $0x1, s23, s24, $0xb8;
	[tilespmem:$0x1F9F8] =	vst v63  }
0xe1: {  	_ =	swait.ge [sflag:s21], $0x50  }
0xe2: {  	[sflag:s21] =	ssyncset.done $0x0  }
0xe3: {  	[sflag:s21] =	ssyncadd.s32 $0xFFFFFFB0  }
0xe4: {  	[spmem:s3] =	stream.indirect.scatter.add.f32 [tilespmem:s25], [sflag:$0x3], $0x80, s23, s24, $0xb8;
	[tilespmem:$0x1F9F8] =	vst v63  }
0xe5: {  	s12 =	sadd.s32 s12, s14;
	_ =	swait.ge [sflag:s21], $0x2800  }
0xe6: {  	s12 =	sshrl.u32 s12, $0x3;
	[sflag:s21] =	ssyncset.done $0x0  }
0xe7: {  	s16 =	simm.s32 $0x0;
	s31 =	sadd.s32 s8, s12;
	[sflag:s21] =	ssyncadd.s32 $0xFFFFD800  }
0xe8: {  	[tilespmem:s16], [sflag:$0x3] =	stream.linear.gather [hbm4b:s31+s16], $0x50, $0x38;
	[tilespmem:$0x1F9F8] =	vst v63  }
0xe9: {  	_ =	swait.ge [sflag:s21], $0x50  }
0xea: {  	[sflag:s21] =	ssyncset.done $0x0  }
0xeb: {  	s12 =	sadd.s32 s9, s12;
	[sflag:s21] =	ssyncadd.s32 $0xFFFFFFB0  }
0xec: {  	[tilespmem:s23], [sflag:$0x3] =	stream.linear.gather [hbm4b:s12+s16], $0x50, $0x38;
	[tilespmem:$0x1F9F8] =	vst v63  }
0xed: {  	_ =	swait.ge [sflag:s21], $0x50  }
0xee: {  	[sflag:s21] =	ssyncset.done $0x0  }
0xef: {  	[sflag:s21] =	ssyncadd.s32 $0xFFFFFFB0  }
0xf0: {  	[tilespmem:s25], [sflag:$0x1] =	stream.indirect.gather [hbm4b:s1+s24], $0x80, s16, s24, $0xb8;
	[tilespmem:$0x1F9F8] =	vst v63  }
0xf1: {  	_ = 	snop  }
0xf2: {  	[tilespmem:s26], [sflag:$0x1] =	stream.indirect.gather [hbm4b:s7+s24], $0x80, s23, s24, $0xb8;
	[tilespmem:$0x1F9F8] =	vst v63  }
0xf3: {  	_ =	swait.ge [sflag:s2], $0x2800  }
0xf4: {  	[sflag:s2] =	ssyncset.done $0x0  }
0xf5: {  	[sflag:s2] =	ssyncadd.s32 $0xFFFFD800  }
0xf6: {  	_ =	swait.ge [sflag:s2], $0x2800  }
0xf7: {  	[sflag:s2] =	ssyncset.done $0x0  }
0xf8: {  	s12 =	simm.s32 $0x5240;
	[sflag:s2] =	ssyncadd.s32 $0xFFFFD800  }
0xf9: {  	s15 =	simm.s32 $0x7A40;
	v18 =	vld [tilespmem:s12+$0xFFFFFFC0]  }
0xfa: {  	v15 =	vld [tilespmem:s15+$0xFFFFFFC0]  }
0xfb: {  	v16 =	vld [tilespmem:s15+$0xFFFFFFD0]  }
0xfc: {  	v13 =	vld [tilespmem:s12+$0xFFFFFFD0]  }
0xfd: {  	v20 =	vld [tilespmem:s12+$0xFFFFFFE0]  }
0xfe: {  	v17 =	vld [tilespmem:s15+$0xFFFFFFE0]  }
0xff: {  	v14 =	vld [tilespmem:s12+$0xFFFFFFF0];
	v19 =	vadd.f32 v15, v18  }
0x100: {  	v21 =	vld [tilespmem:s15+$0xFFFFFFF0]  }
0x101: {  	v24 =	vld [tilespmem:s15+$0x0];
	v23 =	vadd.f32 v16, v13;
	v22 =	vmul.f32 $2.000000030e-01, v19  }
0x102: {  	v15 =	vld [tilespmem:s12+$0x0]  }
0x103: {  	v25 =	vld [tilespmem:s15+$0x10];
	v17 =	vadd.f32 v17, v20;
	v19 =	vmax.f32 v19, v22;
	v22 =	vmul.f32 $2.000000030e-01, v23  }
0x104: {  	v16 =	vld [tilespmem:s12+$0x10];
	v19 =	vmul.f32 v19, v5  }
0x105: {  	v26 =	vld [tilespmem:s12+$0x20];
	v21 =	vadd.f32 v21, v14;
	v22 =	vmax.f32 v23, v22;
	v23 =	vmul.f32 $2.000000030e-01, v17  }
0x106: {  	v27 =	vld [tilespmem:s15+$0x20];
	v19 =	vadd.f32 $0.0e+00, v19;
	v22 =	vmul.f32 v22, v6  }
0x107: {  	v28 =	vld [tilespmem:s12+$0x30];
	v24 =	vadd.f32 v24, v15;
	v17 =	vmax.f32 v17, v23;
	v23 =	vmul.f32 $2.000000030e-01, v21  }
0x108: {  	v19 =	vadd.f32 v22, v19;
	v17 =	vmul.f32 v17, v7;
	v22 =	vld [tilespmem:s15+$0x30]  }
0x109: {  	v25 =	vadd.f32 v25, v16;
	v21 =	vmax.f32 v21, v23;
	v23 =	vmul.f32 $2.000000030e-01, v24  }
0x10a: {  	v17 =	vadd.f32 v17, v19;
	v19 =	vmul.f32 v21, v8  }
0x10b: {  	v63 =	vadd.f32 v27, v26;
	v21 =	vmax.f32 v24, v23;
	v23 =	vmul.f32 $2.000000030e-01, v25  }
0x10c: {  	v17 =	vadd.f32 v19, v17;
	v19 =	vmul.f32 v21, v9  }
0x10d: {  	v21 =	vmax.f32 v25, v23;
	v23 =	vmul.f32 $2.000000030e-01, v63;
	v22 =	vadd.f32 v22, v28  }
0x10e: {  	v17 =	vadd.f32 v19, v17;
	v19 =	vmul.f32 v21, v10  }
0x10f: {  	v21 =	vmax.f32 v63, v23;
	v23 =	vmul.f32 $2.000000030e-01, v22  }
0x110: {  	v17 =	vadd.f32 v19, v17;
	v19 =	vmul.f32 v21, v11  }
0x111: {  	v21 =	vmax.f32 v22, v23  }
0x112: {  	v17 =	vadd.f32 v19, v17;
	v19 =	vmul.f32 v21, v12;
	_ =	sdelay $0x1  }
0x113: {  	v17 =	vadd.f32 v19, v17;
	_ =	sdelay $0x1  }
0x114: {  	v19 =	vperm.xlane v17, v0;
	_ =	sdelay $0x1  }
0x115: {  	v17 =	vadd.f32 v17, v19;
	_ =	sdelay $0x1  }
0x116: {  	v19 =	vperm.xlane v17, v1;
	_ =	sdelay $0x1  }
0x117: {  	v17 =	vadd.f32 v17, v19;
	_ =	sdelay $0x1  }
0x118: {  	v19 =	vperm.xlane v17, v2;
	_ =	sdelay $0x1  }
0x119: {  	v17 =	vadd.f32 v17, v19;
	_ =	sdelay $0x1  }
0x11a: {  	v19 =	vperm.xlane v17, v4;
	_ =	sdelay $0x1  }
0x11b: {  	v17 =	vadd.f32 v17, v19;
	_ =	sdelay $0x1  }
0x11c: {  	v17 =	vmul.f32 $1.442695020e+00, v17;
	_ =	sdelay $0x1  }
0x11d: {  	(erf) = vpow2.f32 v17;
	_ =	sdelay $0x5  }
0x11e: {  	v22 =	vmov s16;
	_ =	sdelay $0x2  }
0x11f: {  	v17 =	vpop (erf)  }
0x120: {  	v21 =	vmul.f32 v17, v18;
	v19 =	vmul.f32 v17, v28  }
0x121: {  	s17 =	simm.s32 $0x5240;
	s16 =	simm.s32 $0x1;
	[tilespmem:v22+s5+$0x0] =	vst.idx.msk $0x1, v17;
	v18 =	vmul.f32 v17, v20;
	v20 =	vmul.f32 v17, v26  }
.LBB2_13:
0x122: {  	p3 =	sne.s32 s16, $0x4F;
	[tilespmem:s12+$0xFFFFFFC0] =	vst v21;
	v13 =	vmul.f32 v17, v13;
	v16 =	vmul.f32 v17, v16;
	s17 =	sadd.s32 $0x80, s17;
	s15 =	sadd.s32 $0x80, s15  }
0x123: {  	v14 =	vmul.f32 v17, v14;
	v15 =	vmul.f32 v17, v15;
	s22 =	smov.u32 s16;
	s16 =	sadd.s32 $0x1, s16;
	[tilespmem:s12+$0x30] =	vst v19  }
0x124: {  	[tilespmem:s12+$0x20] =	vst v20  }
0x125: {  	[tilespmem:s12+$0xFFFFFFE0] =	vst v18  }
0x126: {  	[tilespmem:s12+$0xFFFFFFF0] =	vst v14  }
0x127: {  	[tilespmem:s12+$0x0] =	vst v15  }
0x128: {  	[tilespmem:s12+$0x10] =	vst v16  }
0x129: {  	v18 =	vld [tilespmem:s17+$0xFFFFFFC0];
	[tilespmem:s12+$0xFFFFFFD0] =	vst v13;
	s12 =	smov.u32 s17  }
0x12a: {  	v15 =	vld [tilespmem:s15+$0xFFFFFFC0]  }
0x12b: {  	v16 =	vld [tilespmem:s15+$0xFFFFFFD0]  }
0x12c: {  	v13 =	vld [tilespmem:s17+$0xFFFFFFD0]  }
0x12d: {  	v20 =	vld [tilespmem:s17+$0xFFFFFFE0]  }
0x12e: {  	v17 =	vld [tilespmem:s15+$0xFFFFFFE0]  }
0x12f: {  	v14 =	vld [tilespmem:s17+$0xFFFFFFF0];
	v19 =	vadd.f32 v15, v18  }
0x130: {  	v21 =	vld [tilespmem:s15+$0xFFFFFFF0]  }
0x131: {  	v15 =	vld [tilespmem:s17+$0x0];
	v22 =	vmul.f32 $2.000000030e-01, v19;
	v23 =	vadd.f32 v16, v13  }
0x132: {  	v24 =	vld [tilespmem:s15+$0x0]  }
0x133: {  	v16 =	vld [tilespmem:s17+$0x10];
	v19 =	vmax.f32 v19, v22;
	v22 =	vmul.f32 $2.000000030e-01, v23;
	v17 =	vadd.f32 v17, v20  }
0x134: {  	v19 =	vmul.f32 v19, v5;
	v25 =	vld [tilespmem:s15+$0x10]  }
0x135: {  	v26 =	vld [tilespmem:s17+$0x20];
	v22 =	vmax.f32 v23, v22;
	v23 =	vmul.f32 $2.000000030e-01, v17;
	v21 =	vadd.f32 v21, v14  }
0x136: {  	v19 =	vadd.f32 $0.0e+00, v19;
	v22 =	vmul.f32 v22, v6;
	v27 =	vld [tilespmem:s15+$0x20]  }
0x137: {  	v28 =	vld [tilespmem:s17+$0x30];
	v17 =	vmax.f32 v17, v23;
	v23 =	vmul.f32 $2.000000030e-01, v21;
	v24 =	vadd.f32 v24, v15  }
0x138: {  	v19 =	vadd.f32 v22, v19;
	v17 =	vmul.f32 v17, v7;
	v22 =	vld [tilespmem:s15+$0x30]  }
0x139: {  	v21 =	vmax.f32 v21, v23;
	v23 =	vmul.f32 $2.000000030e-01, v24;
	v25 =	vadd.f32 v25, v16  }
0x13a: {  	v17 =	vadd.f32 v17, v19;
	v19 =	vmul.f32 v21, v8  }
0x13b: {  	v21 =	vmax.f32 v24, v23;
	v23 =	vmul.f32 $2.000000030e-01, v25;
	v24 =	vadd.f32 v27, v26  }
0x13c: {  	v17 =	vadd.f32 v19, v17;
	v19 =	vmul.f32 v21, v9  }
0x13d: {  	v21 =	vmax.f32 v25, v23;
	v23 =	vmul.f32 $2.000000030e-01, v24;
	v22 =	vadd.f32 v22, v28  }
0x13e: {  	v17 =	vadd.f32 v19, v17;
	v19 =	vmul.f32 v21, v10  }
0x13f: {  	v21 =	vmax.f32 v24, v23;
	v23 =	vmul.f32 $2.000000030e-01, v22  }
0x140: {  	v17 =	vadd.f32 v19, v17;
	v19 =	vmul.f32 v21, v11  }
0x141: {  	v21 =	vmax.f32 v22, v23  }
0x142: {  	v17 =	vadd.f32 v19, v17;
	v19 =	vmul.f32 v21, v12;
	_ =	sdelay $0x1  }
0x143: {  	v17 =	vadd.f32 v19, v17;
	_ =	sdelay $0x1  }
0x144: {  	v19 =	vperm.xlane v17, v0;
	_ =	sdelay $0x1  }
0x145: {  	v17 =	vadd.f32 v17, v19;
	_ =	sdelay $0x1  }
0x146: {  	v19 =	vperm.xlane v17, v1;
	_ =	sdelay $0x1  }
0x147: {  	v17 =	vadd.f32 v17, v19;
	_ =	sdelay $0x1  }
0x148: {  	v19 =	vperm.xlane v17, v2;
	_ =	sdelay $0x1  }
0x149: {  	v17 =	vadd.f32 v17, v19;
	_ =	sdelay $0x1  }
0x14a: {  	v19 =	vperm.xlane v17, v4;
	_ =	sdelay $0x1  }
0x14b: {  	v17 =	vadd.f32 v17, v19;
	_ =	sdelay $0x1  }
0x14c: {  	v17 =	vmul.f32 $1.442695020e+00, v17;
	_ =	sdelay $0x1  }
0x14d: {  	(erf) = vpow2.f32 v17;
	_ =	sdelay $0x5  }
0x14e: {  	v22 =	vmov s22  }
.Ltmp7:
0x14f: {  	(pc) =	sbr.rel @p3 .LBB2_13-.Ltmp7, $4  }
0x150: {  	_ = 	snop  }
0x151: {  	v17 =	vpop (erf)  }
0x152: {  	v21 =	vmul.f32 v17, v18;
	v19 =	vmul.f32 v17, v28  }
0x153: {  	v18 =	vmul.f32 v17, v20;
	v20 =	vmul.f32 v17, v26;
	[tilespmem:v22+s5+$0x0] =	vst.idx.msk $0x1, v17  }
0x154: {  	[tilespmem:s12+$0xFFFFFFC0] =	vst v21  }
0x155: {  	[tilespmem:s12+$0x30] =	vst v19  }
0x156: {  	v14 =	vmul.f32 v17, v14;
	[tilespmem:s12+$0x20] =	vst v20  }
0x157: {  	v15 =	vmul.f32 v17, v15;
	[tilespmem:s12+$0xFFFFFFE0] =	vst v18  }
0x158: {  	v16 =	vmul.f32 v17, v16;
	[tilespmem:s12+$0xFFFFFFF0] =	vst v14  }
0x159: {  	v13 =	vmul.f32 v17, v13;
	[tilespmem:s12+$0x0] =	vst v15  }
0x15a: {  	[tilespmem:s12+$0x10] =	vst v16  }
0x15b: {  	[tilespmem:s12+$0xFFFFFFD0] =	vst v13  }
0x15c: {  	[spmem:s4] =	stream.indirect.scatter.add.f32 [tilespmem:s5], [sflag:$0x3], $0x1, s29, s24, $0xb8;
	[tilespmem:$0x1F9F8] =	vst v63  }
0x15d: {  	s11 =	sadd.s32 $0x1, s11;
	_ =	swait.ge [sflag:s21], $0x50  }
0x15e: {  	p3 =	sne.s32 s11, $0x3E;
	[sflag:s21] =	ssyncset.done $0x0  }
.Ltmp8:
0x15f: {  	[sflag:s21] =	ssyncadd.s32 $0xFFFFFFB0;
	(pc) =	sbr.rel @p3 .LBB2_10-.Ltmp8, $4  }
0x160: {  	[spmem:s3] =	stream.indirect.scatter.add.f32 [tilespmem:s30], [sflag:$0x3], $0x80, s29, s24, $0xb8;
	[tilespmem:$0x1F9F8] =	vst v63  }
0x161: {  	_ =	swait.ge [sflag:s21], $0x2800  }
0x162: {  	[sflag:s21] =	ssyncset.done $0x0  }
0x163: {  	[sflag:s21] =	ssyncadd.s32 $0xFFFFD800  }
0x164: {  	_ =	swait.ge [sflag:s0], $0x2800  }
0x165: {  	[sflag:s0] =	ssyncset.done $0x0  }
0x166: {  	[sflag:s0] =	ssyncadd.s32 $0xFFFFD800  }
0x167: {  	_ =	swait.ge [sflag:s0], $0x2800  }
0x168: {  	[sflag:s0] =	ssyncset.done $0x0  }
0x169: {  	s10 =	simm.s32 $0x140;
	[sflag:s0] =	ssyncadd.s32 $0xFFFFD800  }
0x16a: {  	s11 =	simm.s32 $0x2940;
	v18 =	vld [tilespmem:s10+$0xFFFFFFC0]  }
0x16b: {  	v15 =	vld [tilespmem:s11+$0xFFFFFFC0]  }
0x16c: {  	v16 =	vld [tilespmem:s11+$0xFFFFFFD0]  }
0x16d: {  	v13 =	vld [tilespmem:s10+$0xFFFFFFD0]  }
0x16e: {  	v20 =	vld [tilespmem:s10+$0xFFFFFFE0]  }
0x16f: {  	v17 =	vld [tilespmem:s11+$0xFFFFFFE0]  }
0x170: {  	v14 =	vld [tilespmem:s10+$0xFFFFFFF0];
	v19 =	vadd.f32 v15, v18  }
0x171: {  	v21 =	vld [tilespmem:s11+$0xFFFFFFF0]  }
0x172: {  	v24 =	vld [tilespmem:s11+$0x0];
	v23 =	vadd.f32 v16, v13;
	v22 =	vmul.f32 $2.000000030e-01, v19  }
0x173: {  	v15 =	vld [tilespmem:s10+$0x0]  }
0x174: {  	v25 =	vld [tilespmem:s11+$0x10];
	v17 =	vadd.f32 v17, v20;
	v19 =	vmax.f32 v19, v22;
	v22 =	vmul.f32 $2.000000030e-01, v23  }
0x175: {  	v16 =	vld [tilespmem:s10+$0x10];
	v19 =	vmul.f32 v19, v5  }
0x176: {  	v26 =	vld [tilespmem:s10+$0x20];
	v21 =	vadd.f32 v21, v14;
	v22 =	vmax.f32 v23, v22;
	v23 =	vmul.f32 $2.000000030e-01, v17  }
0x177: {  	v27 =	vld [tilespmem:s11+$0x20];
	v19 =	vadd.f32 $0.0e+00, v19;
	v22 =	vmul.f32 v22, v6  }
0x178: {  	v28 =	vld [tilespmem:s10+$0x30];
	v24 =	vadd.f32 v24, v15;
	v17 =	vmax.f32 v17, v23;
	v23 =	vmul.f32 $2.000000030e-01, v21  }
0x179: {  	v19 =	vadd.f32 v22, v19;
	v17 =	vmul.f32 v17, v7;
	v22 =	vld [tilespmem:s11+$0x30]  }
0x17a: {  	v25 =	vadd.f32 v25, v16;
	v21 =	vmax.f32 v21, v23;
	v23 =	vmul.f32 $2.000000030e-01, v24  }
0x17b: {  	v17 =	vadd.f32 v17, v19;
	v19 =	vmul.f32 v21, v8  }
0x17c: {  	v63 =	vadd.f32 v27, v26;
	v21 =	vmax.f32 v24, v23;
	v23 =	vmul.f32 $2.000000030e-01, v25  }
0x17d: {  	v17 =	vadd.f32 v19, v17;
	v19 =	vmul.f32 v21, v9  }
0x17e: {  	v21 =	vmax.f32 v25, v23;
	v23 =	vmul.f32 $2.000000030e-01, v63;
	v22 =	vadd.f32 v22, v28  }
0x17f: {  	v17 =	vadd.f32 v19, v17;
	v19 =	vmul.f32 v21, v10  }
0x180: {  	v21 =	vmax.f32 v63, v23;
	v23 =	vmul.f32 $2.000000030e-01, v22  }
0x181: {  	v17 =	vadd.f32 v19, v17;
	v19 =	vmul.f32 v21, v11  }
0x182: {  	v21 =	vmax.f32 v22, v23  }
0x183: {  	v17 =	vadd.f32 v19, v17;
	v19 =	vmul.f32 v21, v12;
	_ =	sdelay $0x1  }
0x184: {  	v17 =	vadd.f32 v19, v17;
	_ =	sdelay $0x1  }
0x185: {  	v19 =	vperm.xlane v17, v0;
	_ =	sdelay $0x1  }
0x186: {  	v17 =	vadd.f32 v17, v19;
	_ =	sdelay $0x1  }
0x187: {  	v19 =	vperm.xlane v17, v1;
	_ =	sdelay $0x1  }
0x188: {  	v17 =	vadd.f32 v17, v19;
	_ =	sdelay $0x1  }
0x189: {  	v19 =	vperm.xlane v17, v2;
	_ =	sdelay $0x1  }
0x18a: {  	v17 =	vadd.f32 v17, v19;
	_ =	sdelay $0x1  }
0x18b: {  	v19 =	vperm.xlane v17, v4;
	_ =	sdelay $0x1  }
0x18c: {  	v17 =	vadd.f32 v17, v19;
	_ =	sdelay $0x1  }
0x18d: {  	v17 =	vmul.f32 $1.442695020e+00, v17;
	_ =	sdelay $0x1  }
0x18e: {  	(erf) = vpow2.f32 v17;
	_ =	sdelay $0x4  }
0x18f: {  	s12 =	simm.s32 $0x0  }
0x190: {  	v22 =	vmov s12;
	_ =	sdelay $0x2  }
0x191: {  	v17 =	vpop (erf)  }
0x192: {  	v21 =	vmul.f32 v17, v18;
	v19 =	vmul.f32 v17, v28  }
0x193: {  	s15 =	simm.s32 $0x140;
	s12 =	simm.s32 $0x1;
	[tilespmem:v22+s5+$0x0] =	vst.idx.msk $0x1, v17;
	v18 =	vmul.f32 v17, v20;
	v20 =	vmul.f32 v17, v26  }
.LBB2_16:
0x194: {  	p3 =	sne.s32 s12, $0x4F;
	[tilespmem:s10+$0xFFFFFFC0] =	vst v21;
	v13 =	vmul.f32 v17, v13;
	v16 =	vmul.f32 v17, v16;
	s15 =	sadd.s32 $0x80, s15;
	s11 =	sadd.s32 $0x80, s11  }
0x195: {  	v14 =	vmul.f32 v17, v14;
	v15 =	vmul.f32 v17, v15;
	s16 =	smov.u32 s12;
	s12 =	sadd.s32 $0x1, s12;
	[tilespmem:s10+$0x30] =	vst v19  }
0x196: {  	[tilespmem:s10+$0x20] =	vst v20  }
0x197: {  	[tilespmem:s10+$0xFFFFFFE0] =	vst v18  }
0x198: {  	[tilespmem:s10+$0xFFFFFFF0] =	vst v14  }
0x199: {  	[tilespmem:s10+$0x0] =	vst v15  }
0x19a: {  	[tilespmem:s10+$0x10] =	vst v16  }
0x19b: {  	v18 =	vld [tilespmem:s15+$0xFFFFFFC0];
	[tilespmem:s10+$0xFFFFFFD0] =	vst v13;
	s10 =	smov.u32 s15  }
0x19c: {  	v15 =	vld [tilespmem:s11+$0xFFFFFFC0]  }
0x19d: {  	v16 =	vld [tilespmem:s11+$0xFFFFFFD0]  }
0x19e: {  	v13 =	vld [tilespmem:s15+$0xFFFFFFD0]  }
0x19f: {  	v20 =	vld [tilespmem:s15+$0xFFFFFFE0]  }
0x1a0: {  	v17 =	vld [tilespmem:s11+$0xFFFFFFE0]  }
0x1a1: {  	v14 =	vld [tilespmem:s15+$0xFFFFFFF0];
	v19 =	vadd.f32 v15, v18  }
0x1a2: {  	v21 =	vld [tilespmem:s11+$0xFFFFFFF0]  }
0x1a3: {  	v15 =	vld [tilespmem:s15+$0x0];
	v22 =	vmul.f32 $2.000000030e-01, v19;
	v23 =	vadd.f32 v16, v13  }
0x1a4: {  	v24 =	vld [tilespmem:s11+$0x0]  }
0x1a5: {  	v16 =	vld [tilespmem:s15+$0x10];
	v19 =	vmax.f32 v19, v22;
	v22 =	vmul.f32 $2.000000030e-01, v23;
	v17 =	vadd.f32 v17, v20  }
0x1a6: {  	v19 =	vmul.f32 v19, v5;
	v25 =	vld [tilespmem:s11+$0x10]  }
0x1a7: {  	v26 =	vld [tilespmem:s15+$0x20];
	v22 =	vmax.f32 v23, v22;
	v23 =	vmul.f32 $2.000000030e-01, v17;
	v21 =	vadd.f32 v21, v14  }
0x1a8: {  	v19 =	vadd.f32 $0.0e+00, v19;
	v22 =	vmul.f32 v22, v6;
	v27 =	vld [tilespmem:s11+$0x20]  }
0x1a9: {  	v28 =	vld [tilespmem:s15+$0x30];
	v17 =	vmax.f32 v17, v23;
	v23 =	vmul.f32 $2.000000030e-01, v21;
	v24 =	vadd.f32 v24, v15  }
0x1aa: {  	v19 =	vadd.f32 v22, v19;
	v17 =	vmul.f32 v17, v7;
	v22 =	vld [tilespmem:s11+$0x30]  }
0x1ab: {  	v21 =	vmax.f32 v21, v23;
	v23 =	vmul.f32 $2.000000030e-01, v24;
	v25 =	vadd.f32 v25, v16  }
0x1ac: {  	v17 =	vadd.f32 v17, v19;
	v19 =	vmul.f32 v21, v8  }
0x1ad: {  	v21 =	vmax.f32 v24, v23;
	v23 =	vmul.f32 $2.000000030e-01, v25;
	v24 =	vadd.f32 v27, v26  }
0x1ae: {  	v17 =	vadd.f32 v19, v17;
	v19 =	vmul.f32 v21, v9  }
0x1af: {  	v21 =	vmax.f32 v25, v23;
	v23 =	vmul.f32 $2.000000030e-01, v24;
	v22 =	vadd.f32 v22, v28  }
0x1b0: {  	v17 =	vadd.f32 v19, v17;
	v19 =	vmul.f32 v21, v10  }
0x1b1: {  	v21 =	vmax.f32 v24, v23;
	v23 =	vmul.f32 $2.000000030e-01, v22  }
0x1b2: {  	v17 =	vadd.f32 v19, v17;
	v19 =	vmul.f32 v21, v11  }
0x1b3: {  	v21 =	vmax.f32 v22, v23  }
0x1b4: {  	v17 =	vadd.f32 v19, v17;
	v19 =	vmul.f32 v21, v12;
	_ =	sdelay $0x1  }
0x1b5: {  	v17 =	vadd.f32 v19, v17;
	_ =	sdelay $0x1  }
0x1b6: {  	v19 =	vperm.xlane v17, v0;
	_ =	sdelay $0x1  }
0x1b7: {  	v17 =	vadd.f32 v17, v19;
	_ =	sdelay $0x1  }
0x1b8: {  	v19 =	vperm.xlane v17, v1;
	_ =	sdelay $0x1  }
0x1b9: {  	v17 =	vadd.f32 v17, v19;
	_ =	sdelay $0x1  }
0x1ba: {  	v19 =	vperm.xlane v17, v2;
	_ =	sdelay $0x1  }
0x1bb: {  	v17 =	vadd.f32 v17, v19;
	_ =	sdelay $0x1  }
0x1bc: {  	v19 =	vperm.xlane v17, v4;
	_ =	sdelay $0x1  }
0x1bd: {  	v17 =	vadd.f32 v17, v19;
	_ =	sdelay $0x1  }
0x1be: {  	v17 =	vmul.f32 $1.442695020e+00, v17;
	_ =	sdelay $0x1  }
0x1bf: {  	(erf) = vpow2.f32 v17;
	_ =	sdelay $0x5  }
0x1c0: {  	v22 =	vmov s16  }
.Ltmp9:
0x1c1: {  	(pc) =	sbr.rel @p3 .LBB2_16-.Ltmp9, $4  }
0x1c2: {  	_ = 	snop  }
0x1c3: {  	v17 =	vpop (erf)  }
0x1c4: {  	v21 =	vmul.f32 v17, v18;
	v19 =	vmul.f32 v17, v28  }
0x1c5: {  	v18 =	vmul.f32 v17, v20;
	v20 =	vmul.f32 v17, v26;
	[tilespmem:v22+s5+$0x0] =	vst.idx.msk $0x1, v17  }
0x1c6: {  	[tilespmem:s10+$0xFFFFFFC0] =	vst v21  }
0x1c7: {  	[tilespmem:s10+$0x30] =	vst v19  }
0x1c8: {  	v5 =	vmul.f32 v17, v14;
	[tilespmem:s10+$0x20] =	vst v20  }
0x1c9: {  	v6 =	vmul.f32 v17, v15;
	[tilespmem:s10+$0xFFFFFFE0] =	vst v18  }
0x1ca: {  	v7 =	vmul.f32 v17, v16;
	[tilespmem:s10+$0xFFFFFFF0] =	vst v5  }
0x1cb: {  	v5 =	vmul.f32 v17, v13;
	[tilespmem:s10+$0x0] =	vst v6  }
0x1cc: {  	[tilespmem:s10+$0x10] =	vst v7  }
0x1cd: {  	[tilespmem:s10+$0xFFFFFFD0] =	vst v5  }
0x1ce: {  	[spmem:s4] =	stream.indirect.scatter.add.f32 [tilespmem:s5], [sflag:$0x3], $0x1, s23, s24, $0xb8;
	[tilespmem:$0x1F9F8] =	vst v63  }
0x1cf: {  	_ =	swait.ge [sflag:s21], $0x50  }
0x1d0: {  	[sflag:s21] =	ssyncset.done $0x0  }
0x1d1: {  	[sflag:s21] =	ssyncadd.s32 $0xFFFFFFB0  }
0x1d2: {  	[spmem:s3] =	stream.indirect.scatter.add.f32 [tilespmem:s25], [sflag:$0x3], $0x80, s23, s24, $0xb8;
	[tilespmem:$0x1F9F8] =	vst v63  }
.Ltmp10:
0x1d3: {  	_ =	swait.ge [sflag:s21], $0x2800;
	(pc) =	sbr.rel @p0 .LBB2_21-.Ltmp10, $4  }
0x1d4: {  	[sflag:s21] =	ssyncset.done $0x0  }
0x1d5: {  	[sflag:s21] =	ssyncadd.s32 $0xFFFFD800  }
0x1d6: {  	[bflag:$0x0] =	sbarrier.arrive $0xFFFF  }
0x1d7: {  	s16 =	rddreg [dreg:$0xc]  }
0x1d8: {  	[tilespmem:s20], [sflag:$0x3] =	stream.linear.gather [spmem:s19], $0x1400, $0x38;
	[tilespmem:$0x1F9F8] =	vst v63  }
0x1d9: {  	_ =	swait.ge [sflag:s21], $0x1400  }
0x1da: {  	[sflag:s21] =	ssyncset.done $0x0  }
0x1db: {  	s10 =	sadd.s32 $0x0, s18;
	[sflag:s21] =	ssyncadd.s32 $0xFFFFEC00  }
0x1dc: {  	[hbm4b:s10+s6] =	stream.linear.scatter [tilespmem:s20], [sflag:$0x3], $0x1400, $0x38;
	[tilespmem:$0x1F9F8] =	vst v63  }
0x1dd: {  	_ =	swait.ge [sflag:s21], $0x1400  }
0x1de: {  	s11 =	smov.u32 s19;
	s10 =	simm.s32 $0x280;
	[sflag:s21] =	ssyncset.done $0x0  }
.LBB2_19:
0x1df: {  	p3 =	sne.s32 s10, $0x3C00;
	[sflag:s21] =	ssyncadd.s32 $0xFFFFEC00;
	s11 =	sadd.s32 $0x1400, s11  }
0x1e0: {  	[tilespmem:s20], [sflag:$0x3] =	stream.linear.gather [spmem:s11], $0x1400, $0x38;
	[tilespmem:$0x1F9F8] =	vst v63  }
0x1e1: {  	s12 =	smov.u32 s10;
	s10 =	sadd.s32 $0x280, s10;
	_ =	swait.ge [sflag:s21], $0x1400  }
.Ltmp11:
0x1e2: {  	[sflag:s21] =	ssyncset.done $0x0;
	(pc) =	sbr.rel @p3 .LBB2_19-.Ltmp11, $4  }
0x1e3: {  	s12 =	sadd.s32 s12, s18;
	[sflag:s21] =	ssyncadd.s32 $0xFFFFEC00  }
0x1e4: {  	[hbm4b:s12+s6] =	stream.linear.scatter [tilespmem:s20], [sflag:$0x3], $0x1400, $0x38;
	[tilespmem:$0x1F9F8] =	vst v63  }
0x1e5: {  	_ =	swait.ge [sflag:s21], $0x1400  }
0x1e6: {  	[sflag:s21] =	ssyncset.done $0x0  }
.Ltmp12:
0x1e7: {  	(pc) =	sbr.rel .LBB2_21-.Ltmp12, $2  }
0x1e8: {  	_ =	sdelay $0x2  }
0x1e9: {  	[sflag:s21] =	ssyncadd.s32 $0xFFFFEC00;
	s16 =	rddreg [dreg:$0xc]  }
.LBB2_22:
0x1ea: {  	_ =	sfence.sel $0x180000  }
0x1eb: {  	[bflag:$0x0] =	sbarrier.arrive $0xFFFF  }
0x1ec: {  	_ =	strace $0x9000004A  }
0x1ed: {  	s0 =	stileid.u32;
	[bflag:$0x2] =	sbarrier.arrive $0xFFFF  }
0x1ee: {  	p0 =	sne.s32 s0, $0x0;
	s0 =	rddreg [dreg:$0x5]  }
0x1ef: {  	s0 =	sadd.s32 @!p0 $0x100000, s0  }
0x1f0: {  	[sflag:s0] =	ssyncadd.tile.s32 @!p0 $0x1;
	_ =	shalt  }
.Lfunc_end2:
_tile_overlayer_lowered:
.L_overlay_start_2:
0x1f1: {  	(tag) =	ssettag $0x2  }
0x1f2: {  	s0 =	rddreg [dreg:$0x0];
	s2 =	stileid.u32  }
0x1f3: {  	s1 =	rddreg [dreg:$0x1];
	p0 =	sne.s32 s2, $0x0  }
0x1f4: {  	s3 =	rddreg [dreg:$0x2];
	[bflag:$0x3] =	sbarrier.arrive $0xFFFF;
	s2 =	simm.s32 @!p0 $0x1C03  }
0x1f5: {  	[timem:s3], [sflag:s2] =	dma.local @!p0 [hbm:s0], s1  }
0x1f6: {  	s0 =	simm.s32 @!p0 $0x3  }
0x1f7: {  	_ =	swait.ge @!p0 [sflag:s0], s1  }
0x1f8: {  	s1 =	ssub.s32 @!p0 $0x0, s1;
	[sflag:s0] =	ssyncset.done @!p0 $0x0  }
0x1f9: {  	[sflag:s0] =	ssyncadd.s32 @!p0 s1  }
0x1fa: {  	[bflag:$0x3] =	sbarrier.arrive $0xFFFF  }
0x1fb: {  	_ =	shalt  }

// kernel: kernel.7.cloned.1.call-start
scs
__scs_entry_jumppad:
0x0: {  	(pc) =	sbr.rel $0x88, $3  }
0x1: {  	(tag) =	ssettag $0x0;
	lr =	simm.s32 $0x1  }
0x2: {  	[smem:$0x3F94] =	sst lr;
	_ =	strace $0xD0000000  }
0x3: {  	_ = 	snop  }
0x4: {  	_ = 	snop  }
0x5: {  	_ = 	snop  }
0x6: {  	_ = 	snop  }
0x7: {  	_ = 	snop  }
__scs_overlays_trampoline_lowered:
0x8: {  	[smem:$0x3FA3] =	sst s0  }
0x9: {  	[smem:$0x3FA4] =	sst s1  }
0xa: {  	[smem:$0x3FA5] =	sst s2  }
0xb: {  	[smem:$0x3FA6] =	sst s3  }
0xc: {  	[smem:$0x3FA7] =	sst s4  }
0xd: {  	[smem:$0x3FA8] =	sst s5  }
0xe: {  	[smem:$0x3FA9] =	sst s6  }
0xf: {  	[smem:$0x3FAA] =	sst s7  }
0x10: {  	[smem:$0x3FAB] =	sst s8  }
0x11: {  	[smem:$0x3FAC] =	sst s9;
	s0 =	simm.s32 @!p0 $0x0  }
0x12: {  	s1 =	sld [smem:$0x3F92];
	s0 =	simm.s32 @p0 $0x1  }
0x13: {  	[smem:$0x3FAD] =	sst s0;
	s0 =	simm.s32 @!p1 $0x0  }
0x14: {  	s2 =	sld [smem:$0x3F91];
	s0 =	simm.s32 @p1 $0x1  }
0x15: {  	[smem:$0x3FAE] =	sst s0;
	s0 =	simm.s32 @!p2 $0x0  }
0x16: {  	s3 =	sld [smem:$0x3FDB];
	s0 =	simm.s32 @p2 $0x1  }
0x17: {  	s4 =	simm.s32 $0x1BF5;
	[smem:$0x3FB0] =	sst s0  }
0x18: {  	s0 =	sld [smem:$0x3F93];
	_ =	swait.ge [sflag:s4], $0x0  }
0x19: {  	s7 =	sld [smem:$0x3F94]  }
0x1a: {  	s8 =	sadd.s32 $0xFFFFE003, lr  }
0x1b: {  	s9 =	sadd.s32 $0xFFFFFEF7, lr;
	s5 =	simm.s32 $0xFFFFFFFF;
	p2 =	slt.u32 s8, $0xFFFFF086  }
0x1c: {  	p1 =	slt.u32 s9, $0xF7A;
	s5 =	simm.s32 @!p2 $0x0  }
0x1d: {  	s5 =	simm.s32 @p1 $0x1;
	p0 =	seq.s32 s7, s2  }
0x1e: {  	s7 =	smul.u32 @!p0 $0xF7A, s2;
	p2 =	seq.s32 @!p0 s5, $0x0  }
0x1f: {  	s9 =	smul.u32 $0xF7A, s1;
	s8 =	simm.s32 @!p0 $0x1BF5;
	p2 =	por !p2, p0  }
0x20: {  	[sflag:s8] =	ssyncset.s32 @!p0 $0xFFFFF086;
	s6 =	sadd.s32 @!p0 s3, s7;
	s7 =	simm.s32 @!p0 $0x108  }
0x21: {  	s3 =	sadd.s32 s3, s9;
	s6 =	sadd.s32 @!p0 $0x88, s6;
	s7 =	simm.s32 @p2 $0x1082  }
0x22: {  	[simem:s7], [sflag:s8] =	dma.local @!p0 [hbm:s6], $0xF7A  }
0x23: {  	s9 =	sor.u32 $0xD0000000, s2;
	s6 =	simm.s32 $0x108;
	_ =	swait.ge @!p0 [sflag:s8], $0x0  }
0x24: {  	s3 =	sadd.s32 $0x88, s3;
	s6 =	simm.s32 @!p1 $0x1082;
	[sflag:s4] =	ssyncset.s32 $0xFFFFF086  }
0x25: {  	[simem:s6], [sflag:s4] =	dma.local [hbm:s3], $0xF7A  }
0x26: {  	[smem:$0x3F94] =	sst s1;
	(tag) =	ssettag s2;
	_ =	strace s9  }
0x27: {  	s1 =	sld [smem:$0x3FA4]  }
0x28: {  	s2 =	sld [smem:$0x3FA5]  }
0x29: {  	s4 =	sld [smem:$0x3FA7]  }
0x2a: {  	p0 =	seq.s32 s5, $0x0;
	s5 =	sld [smem:$0x3FA8]  }
0x2b: {  	s6 =	sld [smem:$0x3FA9]  }
0x2c: {  	s7 =	sld [smem:$0x3FAA]  }
0x2d: {  	s3 =	simm.s32 $0x108;
	s8 =	sld [smem:$0x3FAB]  }
0x2e: {  	s3 =	simm.s32 @!p0 $0x1082;
	s9 =	sld [smem:$0x3FAC]  }
0x2f: {  	lr =	sadd.s32 s0, s3;
	s0 =	sld [smem:$0x3FA3]  }
0x30: {  	s3 =	sld [smem:$0x3FA6]  }
0x31: {  	[smem:$0x3FAF] =	sst s10  }
0x32: {  	s10 =	sld [smem:$0x3FAD];
	_ =	sdelay $0x3  }
0x33: {  	p0 =	seq.s32 s10, $0x1;
	s10 =	sld [smem:$0x3FAF];
	_ =	sdelay $0x3  }
0x34: {  	[smem:$0x3FAF] =	sst s10  }
0x35: {  	s10 =	sld [smem:$0x3FAE];
	_ =	sdelay $0x3  }
0x36: {  	p1 =	seq.s32 s10, $0x1;
	s10 =	sld [smem:$0x3FAF];
	_ =	sdelay $0x3  }
0x37: {  	[smem:$0x3FAF] =	sst s10  }
0x38: {  	s10 =	sld [smem:$0x3FB0]  }
0x39: {  	_ = 	snop;
	(pc) =	sbr.ind lr, $3  }
0x3a: {  	_ = 	snop  }
0x3b: {  	_ = 	snop  }
0x3c: {  	p2 =	seq.s32 s10, $0x1;
	s10 =	sld [smem:$0x3FAF]  }
0x3d: {  	_ =	shalt  }
0x3e: {  	_ =	shalt  }
0x3f: {  	_ =	shalt  }
0x40: {  	_ =	shalt  }
0x41: {  	_ =	shalt  }
0x42: {  	_ =	shalt  }
0x43: {  	_ =	shalt  }
0x44: {  	_ =	shalt  }
0x45: {  	_ =	shalt  }
0x46: {  	_ =	shalt  }
0x47: {  	_ =	shalt  }
0x48: {  	_ =	shalt  }
0x49: {  	_ =	shalt  }
0x4a: {  	_ =	shalt  }
0x4b: {  	_ =	shalt  }
0x4c: {  	_ =	shalt  }
0x4d: {  	_ =	shalt  }
0x4e: {  	_ =	shalt  }
0x4f: {  	_ =	shalt  }
0x50: {  	_ =	shalt  }
0x51: {  	_ =	shalt  }
0x52: {  	_ =	shalt  }
0x53: {  	_ =	shalt  }
0x54: {  	_ =	shalt  }
0x55: {  	_ =	shalt  }
0x56: {  	_ =	shalt  }
0x57: {  	_ =	shalt  }
0x58: {  	_ =	shalt  }
0x59: {  	_ =	shalt  }
0x5a: {  	_ =	shalt  }
0x5b: {  	_ =	shalt  }
0x5c: {  	_ =	shalt  }
0x5d: {  	_ =	shalt  }
0x5e: {  	_ =	shalt  }
0x5f: {  	_ =	shalt  }
0x60: {  	_ =	shalt  }
0x61: {  	_ =	shalt  }
0x62: {  	_ =	shalt  }
0x63: {  	_ =	shalt  }
0x64: {  	_ =	shalt  }
0x65: {  	_ =	shalt  }
0x66: {  	_ =	shalt  }
0x67: {  	_ =	shalt  }
0x68: {  	_ =	shalt  }
0x69: {  	_ =	shalt  }
0x6a: {  	_ =	shalt  }
0x6b: {  	_ =	shalt  }
0x6c: {  	_ =	shalt  }
0x6d: {  	_ =	shalt  }
0x6e: {  	_ =	shalt  }
0x6f: {  	_ =	shalt  }
0x70: {  	_ =	shalt  }
0x71: {  	_ =	shalt  }
0x72: {  	_ =	shalt  }
0x73: {  	_ =	shalt  }
0x74: {  	_ =	shalt  }
0x75: {  	_ =	shalt  }
0x76: {  	_ =	shalt  }
0x77: {  	_ =	shalt  }
0x78: {  	_ =	shalt  }
0x79: {  	_ =	shalt  }
0x7a: {  	_ =	shalt  }
0x7b: {  	_ =	shalt  }
0x7c: {  	_ =	shalt  }
0x7d: {  	_ =	shalt  }
0x7e: {  	_ =	shalt  }
0x7f: {  	_ =	shalt  }
0x80: {  	_ =	shalt  }
0x81: {  	_ =	shalt  }
0x82: {  	_ =	shalt  }
0x83: {  	_ =	shalt  }
0x84: {  	_ =	shalt  }
0x85: {  	_ =	shalt  }
0x86: {  	_ =	shalt  }
0x87: {  	_ =	shalt  }
.Lfunc_end0:
.L_simem_size_0:
called_computation_lowered:
.L_overlay_start_0:
0x88: {  	s2 =	sld [smem:$0x3FD9]  }
0x89: {  	s3 =	sld [smem:$0x3FFE];
	_ =	sdelay $0x1  }
0x8a: {  	s1 =	srdreg.scid  }
0x8b: {  	s0 =	sand.u32 $0x1, s1  }
0x8c: {  	s17 =	sshll.u32 s0, $0xA;
	s2 =	sadd.s32 s3, s2  }
0x8d: {  	s2 =	sadd.s32 s2, s17  }
0x8e: {  	[smem:$0x3FBB] =	sst s2  }
0x8f: {  	_ = 	snop  }
0x90: {  	s2 =	sld [smem:$0x3FC2]  }
0x91: {  	s18 =	sld [smem:$0x3FD0];
	(tm) =	ssettm $0x1  }
0x92: {  	s4 =	sld [smem:$0x3FFB];
	_ =	sdelay $0x3  }
0x93: {  	_ =	strace s4  }
0x94: {  	s4 =	sld [smem:$0x3FFC];
	_ =	sdelay $0x3  }
0x95: {  	_ =	strace s4  }
0x96: {  	s4 =	sld [smem:$0x3FFD];
	_ =	sdelay $0x3  }
0x97: {  	_ =	strace s4  }
0x98: {  	_ =	strace $0x8FFFFFFF  }
0x99: {  	s19 =	sld [smem:$0x3FDB];
	_ =	sdelay $0x1  }
0x9a: {  	s5 =	simm.s32 $_scs_section_size  }
0x9b: {  	s6 =	simm.s32 $_size__tile_overlayer_lowered;
	s7 =	simm.s32 $_tile_overlayer_lowered  }
0x9c: {  	s22 =	simm.s32 $0x1BFF;
	s21 =	sshll.u32 s7, $0x1;
	s4 =	sadd.s32 s5, s19  }
0x9d: {  	s8 =	simm.s32 $0x0;
	s20 =	sshll.u32 s6, $0x1;
	s6 =	sadd.s32 s21, s4  }
0x9e: {  	[timem:s8], [sflag:s22] =	dma.local [hbm:s6], s20  }
0x9f: {  	_ =	swait.ge [sflag:s22], s20  }
0xa0: {  	s5 =	ssub.s32 $0x0, s20;
	[sflag:s22] =	ssyncset.done $0x0  }
0xa1: {  	[sflag:s22] =	ssyncadd.s32 s5;
	_ =	sdelay $0x1  }
0xa2: {  	s23 =	simm.s32 $0x1B8B  }
0xa3: {  	_ =	swait.ge [sflag:s23], $0x1  }
0xa4: {  	[sflag:s23] =	ssyncset.done $0x0  }
0xa5: {  	s25 =	simm.s32 $0x1B8E;
	s24 =	sld [smem:$0x3FFE];
	[sflag:s23] =	ssyncadd.s32 $0xFFFFFFFF  }
0xa6: {  	s26 =	simm.s32 $execute0_lowered;
	[smem:$0x3FD2] =	sst s25  }
0xa7: {  	s6 =	sshll.u32 s26, $0x1;
	_ =	strace $0x80000046;
	[dreg:$0x1] =	wrdreg $0xFFFFFFFF  }
0xa8: {  	s28 =	simm.s32 $_size_execute0_lowered;
	s4 =	sadd.s32 s4, s6;
	[dreg:$0x0] =	wrdreg $0x0  }
0xa9: {  	s6 =	sshll.u32 s28, $0x1;
	[dreg:$0x2] =	wrdreg s4  }
0xaa: {  	[dreg:$0x3] =	wrdreg s6  }
0xab: {  	[dreg:$0x4] =	wrdreg $0xC0  }
0xac: {  	_ =	task [dreg:s8], $0x5FFFF  }
0xad: {  	[dreg:$0x1] =	wrdreg $0xFFFFFFFF  }
0xae: {  	[dreg:$0x0] =	wrdreg $0x60  }
0xaf: {  	[dreg:$0x2] =	wrdreg s18  }
0xb0: {  	[dreg:$0x3] =	wrdreg s24  }
0xb1: {  	[dreg:$0x4] =	wrdreg s2  }
0xb2: {  	[dreg:$0x5] =	wrdreg $0xBF000  }
0xb3: {  	[dreg:$0x6] =	wrdreg $0x1F7800  }
0xb4: {  	[dreg:$0x7] =	wrdreg $0x9  }
0xb5: {  	_ =	task.clear_ibuf [dreg:s8], $0x8FFFF;
	_ =	strace $0x90000046  }
0xb6: {  	s29 =	simm.s32 $0x9;
	_ =	strace $0x80000048  }
0xb7: {  	_ =	swait.ge [sflag:s29], $0x1  }
0xb8: {  	[sflag:s29] =	ssyncadd.s32 $0xFFFFFFFF  }
0xb9: {  	_ =	strace $0x90000048  }
0xba: {  	_ =	sfence  }
0xbb: {  	s30 =	sld [smem:$0x0];
	_ =	sdelay $0x2  }
0xbc: {  	s31 =	sshll.u32 s1, $0xD;
	s1 =	sshrl.u32 s1, $0x2  }
0xbd: {  	s3 =	sand.u32 $0x4000, s31;
	s1 =	sadd.s32 s1, s30  }
0xbe: {  	s0 =	sor.u32 s3, s0;
	s1 =	sshll.u32 s1, $0x11  }
0xbf: {  	s0 =	sor.u32 s1, s0  }
0xc0: {  	s0 =	sadd.s32 $0x8F2B, s0  }
0xc1: {  	[sflag:s0] =	ssyncadd.remote.s32 $0x1  }
0xc2: {  	_ =	sfence.sel $0xFFFF  }
0xc3: {  	[dreg:$0x0] =	wrdreg $0xFFFFFFFF;
	(pc) =	sbr.abs _section_cstart, $3  }
0xc4: {  	[dreg:$0x1] =	wrdreg $0xFFFFFFFF  }
0xc5: {  	_ =	task.clear_ibuf [dreg:s8], $0x2FFFF;
	_ =	strace $0x9FFFFFFF  }
0xc6: {  	(tm) =	ssettm $0x7FFFFFFF  }
0xc7: {  	_ =	shalt  }
tec
execute0_lowered:
.L_overlay_start_1:
0x0: {  	(tag) =	ssettag $0x1  }
0x1: {  	s1 =	rddreg [dreg:$0x0]  }
0x2: {  	s0 =	rddreg [dreg:$0x1]  }
0x3: {  	s3 =	rddreg [dreg:$0x3]  }
0x4: {  	s4 =	rddreg [dreg:$0x4];
	s2 =	srdreg.scid;
	s6 =	simm.s32 $0x0  }
0x5: {  	s15 =	stileid.u32;
	s28 =	simm.s32 $0x5100;
	s29 =	simm.s32 $0x5180  }
0x6: {  	s30 =	simm.s32 $0x5200;
	s2 =	sand.u32 $0x1, s2;
	s10 =	smul.u32 $0x1F400, s15  }
0x7: {  	[smem:$0x7FF] =	sst s6;
	s11 =	smul.u32 $0x7D0, s15;
	s7 =	sadd.s32 $0x15E00, s0  }
0x8: {  	s8 =	sadd.s32 $0xC000, s0;
	s9 =	sadd.s32 $0x2200, s0;
	s13 =	smul.u32 $0x1F40, s15  }
0x9: {  	s19 =	sshll.u32 s15, $0x1;
	s24 =	smul.u32 $0x7D000, s15;
	p0 =	sgt.u32 s15, $0x9  }
0xa: {  	p1 =	sgt.u32 s15, $0x4;
	s5 =	smul.u32 $0x138800, s2;
	_ =	strace $0x80000047  }
0xb: {  	s12 =	smul.u32 $0x2710, s2;
	s13 =	sshrl.u32 s13, $0x2;
	s25 =	sadd.s32 s11, s4  }
0xc: {  	s31 =	sshrl.u32 s24, $0x2;
	s24 =	simm.s32 $0x50;
	s5 =	sadd.s32 s10, s5  }
0xd: {  	s12 =	sadd.s32 s11, s12;
	s10 =	sor.u32 s2, s19;
	s2 =	ssub.s32 $0x2, s2  }
0xe: {  	v0 =	vimm.s32 $0xEFCDAB89;
	s21 =	sadd.s32 s13, s4;
	[dreg:$0x9] =	wrdreg s25;
	s19 =	sadd.s32 s31, s3  }
0xf: {  	v1 =	vimm.s32 $0x67452301;
	v2 =	vimm.s32 $0xDCFE98BA;
	v3 =	vimm.s32 $0x54761032;
	s25 =	simm.s32 $0x100;
	s5 =	sshrl.u32 s5, $0x3;
	s12 =	sshrl.u32 s12, $0x3  }
0x10: {  	v4 =	vimm.s32 $0xBA98FEDC;
	v5 =	vimm.s32 $0xFEDCBA98;
	s10 =	smul.u32 $0x2710, s10;
	s20 =	sshrl.u32 s2, $0x1;
	[dreg:$0x6] =	wrdreg s21  }
0x11: {  	v6 =	vimm.s32 $0x32107654;
	v7 =	vimm.s32 $0x76543210;
	v0 =	vunpack.c.l.s4.s8 v0;
	s21 =	simm.s32 $0x3;
	s5 =	sadd.s32 s5, s0;
	s0 =	sadd.s32 s12, s0  }
0x12: {  	v1 =	vunpack.c.l.s4.s8 v1;
	v2 =	vunpack.c.l.s4.s8 v2;
	v3 =	vunpack.c.l.s4.s8 v3;
	s2 =	ssub.s32 s2, s20;
	s20 =	simm.s32 $0xA300;
	s12 =	simm.s32 $0x0  }
0x13: {  	v5 =	vunpack.c.l.s4.s8 v5;
	v4 =	vunpack.c.l.s4.s8 v4;
	v6 =	vunpack.c.l.s4.s8 v6;
	s14 =	sshrl.u32 s10, $0x3;
	s13 =	sadd.s32 $0x50, s10;
	s0 =	sadd.s32 $0x3D000, s0  }
.Ltmp0:
0x14: {  	v7 =	vunpack.c.l.s4.s8 v7;
	v0 =	vunpack.c.0.s8.s32 v0;
	v1 =	vunpack.c.0.s8.s32 v1;
	s26 =	smax.u32 s2, $0x1;
	s18 =	sadd.s32 $0x3DA00, s5;
	(pc) =	sbr.rel .LBB2_1-.Ltmp0, $4  }
0x15: {  	v2 =	vunpack.c.0.s8.s32 v2;
	v3 =	vunpack.c.0.s8.s32 v3;
	v5 =	vunpack.c.0.s8.s32 v5;
	s5 =	simm.s32 $0xA200;
	s2 =	simm.s32 $0x2;
	[dreg:$0xa] =	wrdreg s0  }
0x16: {  	v4 =	vunpack.c.0.s8.s32 v4;
	v6 =	vunpack.c.0.s8.s32 v6;
	v7 =	vunpack.c.0.s8.s32 v7;
	s22 =	sadd.s32 s8, s14;
	s23 =	sadd.s32 s9, s14;
	[dreg:$0xb] =	wrdreg s26  }
0x17: {  	v0 =	vcombine.low v1, v0;
	v1 =	vcombine.low v3, v2;
	v5 =	vand.u32 $0xF, v5;
	s14 =	sadd.s32 $0xA0, s10;
	s26 =	simm.s32 $0x2900;
	[dreg:$0x7] =	wrdreg s22  }
0x18: {  	v2 =	vcombine.low v6, v4;
	v3 =	vimm.f32 $0.0e+00;
	v4 =	vcombine.low v5, v7;
	s0 =	simm.s32 $0x1;
	[dreg:$0x8] =	wrdreg s23;
	s23 =	simm.s32 $0x80  }
.LBB2_21:
0x19: {  	s10 =	simm.s32 @p2 $0xB700;
	s11 =	rddreg [dreg:$0x9]  }
0x1a: {  	[tilespmem:s10], [sflag:$0x3] =	stream.linear.gather @p2 [spmem:s11], $0x7D0, $0x38;
	[tilespmem:$0x1F9F8] =	vst v63  }
0x1b: {  	s11 =	simm.s32 @p2 $0x3  }
0x1c: {  	_ =	swait.ge @p2 [sflag:s11], $0x7D0  }
0x1d: {  	[sflag:s11] =	ssyncset.done @p2 $0x0  }
0x1e: {  	s12 =	simm.s32 @p2 $0x0;
	s15 =	rddreg [dreg:$0xa];
	[sflag:s11] =	ssyncadd.s32 @p2 $0xFFFFF830  }
0x1f: {  	[hbm4b:s15+s12] =	stream.linear.scatter @p2 [tilespmem:s10], [sflag:$0x3], $0x7D0, $0x38;
	[tilespmem:$0x1F9F8] =	vst v63  }
0x20: {  	_ =	swait.ge @p2 [sflag:s11], $0x7D0  }
0x21: {  	s12 =	sadd.s32 $0x1, s16;
	s31 =	rddreg [dreg:$0xb]  }
0x22: {  	p3 =	sne.s32 s12, s31  }
.Ltmp1:
0x23: {  	_ = 	snop;
	(pc) =	sbr.rel @!p3 .LBB2_22-.Ltmp1, $3  }
0x24: {  	_ =	sdelay $0x1  }
0x25: {  	[sflag:s11] =	ssyncset.done @p2 $0x0  }
0x26: {  	[sflag:s11] =	ssyncadd.s32 @p2 $0xFFFFF830  }
.LBB2_1:
0x27: {  	s10 =	simm.s32 $0x0;
	s11 =	simm.s32 $0x200  }
.LBB2_2:
0x28: {  	p2 =	sne.s32 s11, $0x4E00;
	[tilespmem:s10+$0xA370] =	vst v3  }
0x29: {  	[tilespmem:s10+$0xA300] =	vst v3  }
0x2a: {  	[tilespmem:s10+$0xA310] =	vst v3  }
.Ltmp2:
0x2b: {  	[tilespmem:s10+$0xA320] =	vst v3;
	(pc) =	sbr.rel @p2 .LBB2_2-.Ltmp2, $4  }
0x2c: {  	[tilespmem:s10+$0xA330] =	vst v3  }
0x2d: {  	[tilespmem:s10+$0xA340] =	vst v3  }
0x2e: {  	[tilespmem:s10+$0xA350] =	vst v3  }
0x2f: {  	[tilespmem:s10+$0xA360] =	vst v3;
	s10 =	sshra.s32 s11, $0x2;
	s11 =	sadd.s32 $0x200, s11  }
0x30: {  	[tilespmem:s10+$0xA370] =	vst v3  }
0x31: {  	[tilespmem:s10+$0xA300] =	vst v3  }
0x32: {  	[tilespmem:s10+$0xA310] =	vst v3  }
0x33: {  	[tilespmem:s10+$0xA320] =	vst v3  }
0x34: {  	[tilespmem:s10+$0xA330] =	vst v3  }
0x35: {  	[tilespmem:s10+$0xA340] =	vst v3  }
0x36: {  	[tilespmem:s10+$0xA350] =	vst v3  }
0x37: {  	[tilespmem:s10+$0xA360] =	vst v3;
	s10 =	simm.s32 $0x40;
	s11 =	simm.s32 $0x0  }
.LBB2_4:
0x38: {  	p2 =	sne.s32 s10, $0x1F00;
	[tilespmem:s11+$0xB700] =	vst v3;
	s11 =	smov.u32 s10;
	s10 =	sadd.s32 $0x40, s10  }
.Ltmp3:
0x39: {  	(pc) =	sbr.rel @p2 .LBB2_4-.Ltmp3, $2  }
0x3a: {  	_ =	sdelay $0x2  }
0x3b: {  	s11 =	sshra.s32 s11, $0x2  }
.Ltmp4:
0x3c: {  	(pc) =	sbr.rel @p0 .LBB2_9-.Ltmp4, $2  }
0x3d: {  	_ =	sdelay $0x2  }
0x3e: {  	[tilespmem:s11+$0xB700] =	vst v3;
	p2 =	por $0x0, $0x0  }
0x3f: {  	s10 =	sadd.s32 $0x0, s19  }
0x40: {  	[spmem:s10] =	stream.linear.scatter [tilespmem:s20], [sflag:$0x3], $0x1400, $0x38;
	[tilespmem:$0x1F9F8] =	vst v63  }
0x41: {  	s10 =	simm.s32 $0x5000;
	_ =	swait.ge [sflag:s21], $0x1400  }
.LBB2_7:
0x42: {  	s11 =	sshra.s32 s10, $0x2;
	[sflag:s21] =	ssyncset.done $0x0;
	p2 =	sne.s32 s10, $0x78000  }
.Ltmp5:
0x43: {  	s11 =	sadd.s32 s11, s19;
	[sflag:s21] =	ssyncadd.s32 $0xFFFFEC00;
	(pc) =	sbr.rel @p2 .LBB2_7-.Ltmp5, $3  }
0x44: {  	[spmem:s11] =	stream.linear.scatter [tilespmem:s20], [sflag:$0x3], $0x1400, $0x38;
	[tilespmem:$0x1F9F8] =	vst v63  }
0x45: {  	s10 =	sadd.s32 $0x5000, s10;
	_ =	sdelay $0x1  }
0x46: {  	_ =	swait.ge [sflag:s21], $0x1400  }
0x47: {  	[sflag:s21] =	ssyncset.done $0x0  }
0x48: {  	s10 =	simm.s32 @!p1 $0xB700;
	s11 =	rddreg [dreg:$0x6];
	[sflag:s21] =	ssyncadd.s32 $0xFFFFEC00  }
0x49: {  	[spmem:s11] =	stream.linear.scatter @!p1 [tilespmem:s10], [sflag:$0x3], $0x7D0, $0x38;
	[tilespmem:$0x1F9F8] =	vst v63  }
0x4a: {  	s10 =	simm.s32 @!p1 $0x3  }
0x4b: {  	_ =	swait.ge @!p1 [sflag:s10], $0x7D0  }
0x4c: {  	p3 =	por @!p1 $0x1, $0x1;
	p2 =	por $0x0, $0x0;
	[sflag:s10] =	ssyncset.done @!p1 $0x0  }
0x4d: {  	p2 =	por @!p1 p3, p3;
	[sflag:s10] =	ssyncadd.s32 @!p1 $0xFFFFF830  }
.LBB2_9:
0x4e: {  	[dreg:$0xc] =	wrdreg s12  }
0x4f: {  	s10 =	simm.s32 $0x0;
	s11 =	rddreg [dreg:$0x2];
	s17 =	simm.s32 $0xA280  }
0x50: {  	[tilespmem:s17], [sflag:$0x3] =	stream.linear.gather [hbm4b:s11+s10], $0x80, $0x38;
	[tilespmem:$0x1F9F8] =	vst v63  }
0x51: {  	_ =	swait.ge [sflag:s21], $0x80  }
0x52: {  	[sflag:s21] =	ssyncset.done $0x0  }
0x53: {  	[sflag:s21] =	ssyncadd.s32 $0xFFFFFF80  }
0x54: {  	v5 =	vld [tilespmem:$0xA280]  }
0x55: {  	v6 =	vld [tilespmem:$0xA290]  }
0x56: {  	v7 =	vld [tilespmem:$0xA2A0]  }
0x57: {  	v8 =	vld [tilespmem:$0xA2B0]  }
0x58: {  	v9 =	vld [tilespmem:$0xA2C0]  }
0x59: {  	v10 =	vld [tilespmem:$0xA2D0]  }
0x5a: {  	v11 =	vld [tilespmem:$0xA2E0]  }
0x5b: {  	v12 =	vld [tilespmem:$0xA2F0];
	[bflag:$0x0] =	sbarrier.arrive $0xFFFF  }
0x5c: {  	s22 =	rddreg [dreg:$0x7]  }
0x5d: {  	[tilespmem:s10], [sflag:$0x3] =	stream.linear.gather [hbm4b:s22+s10], $0x50, $0x38;
	[tilespmem:$0x1F9F8] =	vst v63  }
0x5e: {  	_ =	swait.ge [sflag:s21], $0x50  }
0x5f: {  	[sflag:s21] =	ssyncset.done $0x0  }
0x60: {  	s31 =	rddreg [dreg:$0x8];
	[sflag:s21] =	ssyncadd.s32 $0xFFFFFFB0  }
0x61: {  	[tilespmem:s23], [sflag:$0x3] =	stream.linear.gather [hbm4b:s31+s10], $0x50, $0x38;
	[tilespmem:$0x1F9F8] =	vst v63  }
0x62: {  	_ =	swait.ge [sflag:s21], $0x50  }
0x63: {  	[sflag:s21] =	ssyncset.done $0x0  }
0x64: {  	[sflag:s21] =	ssyncadd.s32 $0xFFFFFFB0  }
0x65: {  	[tilespmem:s25], [sflag:$0x1] =	stream.indirect.gather [hbm4b:s1+s24], $0x80, s10, s24, $0xb8;
	[tilespmem:$0x1F9F8] =	vst v63  }
0x66: {  	s11 =	simm.s32 $0x0  }
0x67: {  	[tilespmem:s26], [sflag:$0x1] =	stream.indirect.gather [hbm4b:s7+s24], $0x80, s23, s24, $0xb8;
	[tilespmem:$0x1F9F8] =	vst v63  }
.LBB2_10:
0x68: {  	s12 =	smul.u32 $0xA0, s11;
	_ =	sdelay $0x1  }
0x69: {  	s15 =	sadd.s32 s12, s13  }
0x6a: {  	s15 =	sshrl.u32 s15, $0x3  }
0x6b: {  	s16 =	sadd.s32 s8, s15  }
0x6c: {  	[tilespmem:s28], [sflag:$0x3] =	stream.linear.gather [hbm4b:s16+s10], $0x50, $0x38;
	[tilespmem:$0x1F9F8] =	vst v63  }
0x6d: {  	_ =	swait.ge [sflag:s21], $0x50  }
0x6e: {  	[sflag:s21] =	ssyncset.done $0x0  }
0x6f: {  	s15 =	sadd.s32 s9, s15;
	[sflag:s21] =	ssyncadd.s32 $0xFFFFFFB0  }
0x70: {  	[tilespmem:s29], [sflag:$0x3] =	stream.linear.gather [hbm4b:s15+s10], $0x50, $0x38;
	[tilespmem:$0x1F9F8] =	vst v63  }
0x71: {  	_ =	swait.ge [sflag:s21], $0x50  }
0x72: {  	[sflag:s21] =	ssyncset.done $0x0  }
0x73: {  	[sflag:s21] =	ssyncadd.s32 $0xFFFFFFB0  }
0x74: {  	[tilespmem:s30], [sflag:$0x2] =	stream.indirect.gather [hbm4b:s1+s24], $0x80, s28, s24, $0xb8;
	[tilespmem:$0x1F9F8] =	vst v63  }
0x75: {  	s31 =	simm.s32 $0x7A00  }
0x76: {  	[tilespmem:s31], [sflag:$0x2] =	stream.indirect.gather [hbm4b:s7+s24], $0x80, s29, s24, $0xb8;
	[tilespmem:$0x1F9F8] =	vst v63  }
0x77: {  	_ =	swait.ge [sflag:s0], $0x2800  }
0x78: {  	[sflag:s0] =	ssyncset.done $0x0  }
0x79: {  	[sflag:s0] =	ssyncadd.s32 $0xFFFFD800  }
0x7a: {  	_ =	swait.ge [sflag:s0], $0x2800  }
0x7b: {  	[sflag:s0] =	ssyncset.done $0x0  }
0x7c: {  	s15 =	simm.s32 $0x140;
	[sflag:s0] =	ssyncadd.s32 $0xFFFFD800  }
0x7d: {  	s16 =	simm.s32 $0x2940;
	v18 =	vld [tilespmem:s15+$0xFFFFFFC0]  }
0x7e: {  	v15 =	vld [tilespmem:s16+$0xFFFFFFC0]  }
0x7f: {  	v16 =	vld [tilespmem:s16+$0xFFFFFFD0]  }
0x80: {  	v13 =	vld [tilespmem:s15+$0xFFFFFFD0]  }
0x81: {  	v20 =	vld [tilespmem:s15+$0xFFFFFFE0]  }
0x82: {  	v17 =	vld [tilespmem:s16+$0xFFFFFFE0]  }
0x83: {  	v14 =	vld [tilespmem:s15+$0xFFFFFFF0];
	v19 =	vadd.f32 v15, v18  }
0x84: {  	v21 =	vld [tilespmem:s16+$0xFFFFFFF0]  }
0x85: {  	v24 =	vld [tilespmem:s16+$0x0];
	v23 =	vadd.f32 v16, v13;
	v22 =	vmul.f32 $2.000000030e-01, v19  }
0x86: {  	v15 =	vld [tilespmem:s15+$0x0]  }
0x87: {  	v25 =	vld [tilespmem:s16+$0x10];
	v17 =	vadd.f32 v17, v20;
	v19 =	vmax.f32 v19, v22;
	v22 =	vmul.f32 $2.000000030e-01, v23  }
0x88: {  	v16 =	vld [tilespmem:s15+$0x10];
	v19 =	vmul.f32 v19, v5  }
0x89: {  	v26 =	vld [tilespmem:s15+$0x20];
	v21 =	vadd.f32 v21, v14;
	v22 =	vmax.f32 v23, v22;
	v23 =	vmul.f32 $2.000000030e-01, v17  }
0x8a: {  	v27 =	vld [tilespmem:s16+$0x20];
	v19 =	vadd.f32 $0.0e+00, v19;
	v22 =	vmul.f32 v22, v6  }
0x8b: {  	v28 =	vld [tilespmem:s15+$0x30];
	v24 =	vadd.f32 v24, v15;
	v17 =	vmax.f32 v17, v23;
	v23 =	vmul.f32 $2.000000030e-01, v21  }
0x8c: {  	v19 =	vadd.f32 v22, v19;
	v17 =	vmul.f32 v17, v7;
	v22 =	vld [tilespmem:s16+$0x30]  }
0x8d: {  	v25 =	vadd.f32 v25, v16;
	v21 =	vmax.f32 v21, v23;
	v23 =	vmul.f32 $2.000000030e-01, v24  }
0x8e: {  	v17 =	vadd.f32 v17, v19;
	v19 =	vmul.f32 v21, v8  }
0x8f: {  	v63 =	vadd.f32 v27, v26;
	v21 =	vmax.f32 v24, v23;
	v23 =	vmul.f32 $2.000000030e-01, v25  }
0x90: {  	v17 =	vadd.f32 v19, v17;
	v19 =	vmul.f32 v21, v9  }
0x91: {  	v21 =	vmax.f32 v25, v23;
	v23 =	vmul.f32 $2.000000030e-01, v63;
	v22 =	vadd.f32 v22, v28  }
0x92: {  	v17 =	vadd.f32 v19, v17;
	v19 =	vmul.f32 v21, v10  }
0x93: {  	v21 =	vmax.f32 v63, v23;
	v23 =	vmul.f32 $2.000000030e-01, v22  }
0x94: {  	v17 =	vadd.f32 v19, v17;
	v19 =	vmul.f32 v21, v11  }
0x95: {  	v21 =	vmax.f32 v22, v23  }
0x96: {  	v17 =	vadd.f32 v19, v17;
	v19 =	vmul.f32 v21, v12;
	_ =	sdelay $0x1  }
0x97: {  	v17 =	vadd.f32 v19, v17;
	_ =	sdelay $0x1  }
0x98: {  	v19 =	vperm.xlane v17, v0;
	_ =	sdelay $0x1  }
0x99: {  	v17 =	vadd.f32 v17, v19;
	_ =	sdelay $0x1  }
0x9a: {  	v19 =	vperm.xlane v17, v1;
	_ =	sdelay $0x1  }
0x9b: {  	v17 =	vadd.f32 v17, v19;
	_ =	sdelay $0x1  }
0x9c: {  	v19 =	vperm.xlane v17, v2;
	_ =	sdelay $0x1  }
0x9d: {  	v17 =	vadd.f32 v17, v19;
	_ =	sdelay $0x1  }
0x9e: {  	v19 =	vperm.xlane v17, v4;
	_ =	sdelay $0x1  }
0x9f: {  	v17 =	vadd.f32 v17, v19;
	_ =	sdelay $0x1  }
0xa0: {  	v17 =	vmul.f32 $1.442695020e+00, v17;
	_ =	sdelay $0x1  }
0xa1: {  	(erf) = vpow2.f32 v17;
	_ =	sdelay $0x5  }
0xa2: {  	v22 =	vmov s10;
	_ =	sdelay $0x2  }
0xa3: {  	v17 =	vpop (erf)  }
0xa4: {  	v21 =	vmul.f32 v17, v18;
	v19 =	vmul.f32 v17, v28  }
0xa5: {  	s17 =	simm.s32 $0x1;
	s22 =	simm.s32 $0x140;
	[tilespmem:v22+s5+$0x0] =	vst.idx.msk $0x1, v17;
	v18 =	vmul.f32 v17, v20;
	v20 =	vmul.f32 v17, v26  }
.LBB2_11:
0xa6: {  	p3 =	sne.s32 s17, $0x4F;
	[tilespmem:s15+$0xFFFFFFC0] =	vst v21;
	v13 =	vmul.f32 v17, v13;
	v16 =	vmul.f32 v17, v16;
	s22 =	sadd.s32 $0x80, s22;
	s16 =	sadd.s32 $0x80, s16  }
0xa7: {  	v14 =	vmul.f32 v17, v14;
	v15 =	vmul.f32 v17, v15;
	s31 =	smov.u32 s17;
	s17 =	sadd.s32 $0x1, s17;
	[tilespmem:s15+$0x30] =	vst v19  }
0xa8: {  	[tilespmem:s15+$0x20] =	vst v20  }
0xa9: {  	[tilespmem:s15+$0xFFFFFFE0] =	vst v18  }
0xaa: {  	[tilespmem:s15+$0xFFFFFFF0] =	vst v14  }
0xab: {  	[tilespmem:s15+$0x0] =	vst v15  }
0xac: {  	[tilespmem:s15+$0x10] =	vst v16  }
0xad: {  	v18 =	vld [tilespmem:s22+$0xFFFFFFC0];
	[tilespmem:s15+$0xFFFFFFD0] =	vst v13;
	s15 =	smov.u32 s22  }
0xae: {  	v15 =	vld [tilespmem:s16+$0xFFFFFFC0]  }
0xaf: {  	v16 =	vld [tilespmem:s16+$0xFFFFFFD0]  }
0xb0: {  	v13 =	vld [tilespmem:s22+$0xFFFFFFD0]  }
0xb1: {  	v20 =	vld [tilespmem:s22+$0xFFFFFFE0]  }
0xb2: {  	v17 =	vld [tilespmem:s16+$0xFFFFFFE0]  }
0xb3: {  	v14 =	vld [tilespmem:s22+$0xFFFFFFF0];
	v19 =	vadd.f32 v15, v18  }
0xb4: {  	v21 =	vld [tilespmem:s16+$0xFFFFFFF0]  }
0xb5: {  	v15 =	vld [tilespmem:s22+$0x0];
	v22 =	vmul.f32 $2.000000030e-01, v19;
	v23 =	vadd.f32 v16, v13  }
0xb6: {  	v24 =	vld [tilespmem:s16+$0x0]  }
0xb7: {  	v16 =	vld [tilespmem:s22+$0x10];
	v19 =	vmax.f32 v19, v22;
	v22 =	vmul.f32 $2.000000030e-01, v23;
	v17 =	vadd.f32 v17, v20  }
0xb8: {  	v19 =	vmul.f32 v19, v5;
	v25 =	vld [tilespmem:s16+$0x10]  }
0xb9: {  	v26 =	vld [tilespmem:s22+$0x20];
	v22 =	vmax.f32 v23, v22;
	v23 =	vmul.f32 $2.000000030e-01, v17;
	v21 =	vadd.f32 v21, v14  }
0xba: {  	v19 =	vadd.f32 $0.0e+00, v19;
	v22 =	vmul.f32 v22, v6;
	v27 =	vld [tilespmem:s16+$0x20]  }
0xbb: {  	v28 =	vld [tilespmem:s22+$0x30];
	v17 =	vmax.f32 v17, v23;
	v23 =	vmul.f32 $2.000000030e-01, v21;
	v24 =	vadd.f32 v24, v15  }
0xbc: {  	v19 =	vadd.f32 v22, v19;
	v17 =	vmul.f32 v17, v7;
	v22 =	vld [tilespmem:s16+$0x30]  }
0xbd: {  	v21 =	vmax.f32 v21, v23;
	v23 =	vmul.f32 $2.000000030e-01, v24;
	v25 =	vadd.f32 v25, v16  }
0xbe: {  	v17 =	vadd.f32 v17, v19;
	v19 =	vmul.f32 v21, v8  }
0xbf: {  	v21 =	vmax.f32 v24, v23;
	v23 =	vmul.f32 $2.000000030e-01, v25;
	v24 =	vadd.f32 v27, v26  }
0xc0: {  	v17 =	vadd.f32 v19, v17;
	v19 =	vmul.f32 v21, v9  }
0xc1: {  	v21 =	vmax.f32 v25, v23;
	v23 =	vmul.f32 $2.000000030e-01, v24;
	v22 =	vadd.f32 v22, v28  }
0xc2: {  	v17 =	vadd.f32 v19, v17;
	v19 =	vmul.f32 v21, v10  }
0xc3: {  	v21 =	vmax.f32 v24, v23;
	v23 =	vmul.f32 $2.000000030e-01, v22  }
0xc4: {  	v17 =	vadd.f32 v19, v17;
	v19 =	vmul.f32 v21, v11  }
0xc5: {  	v21 =	vmax.f32 v22, v23  }
0xc6: {  	v17 =	vadd.f32 v19, v17;
	v19 =	vmul.f32 v21, v12;
	_ =	sdelay $0x1  }
0xc7: {  	v17 =	vadd.f32 v19, v17;
	_ =	sdelay $0x1  }
0xc8: {  	v19 =	vperm.xlane v17, v0;
	_ =	sdelay $0x1  }
0xc9: {  	v17 =	vadd.f32 v17, v19;
	_ =	sdelay $0x1  }
0xca: {  	v19 =	vperm.xlane v17, v1;
	_ =	sdelay $0x1  }
0xcb: {  	v17 =	vadd.f32 v17, v19;
	_ =	sdelay $0x1  }
0xcc: {  	v19 =	vperm.xlane v17, v2;
	_ =	sdelay $0x1  }
0xcd: {  	v17 =	vadd.f32 v17, v19;
	_ =	sdelay $0x1  }
0xce: {  	v19 =	vperm.xlane v17, v4;
	_ =	sdelay $0x1  }
0xcf: {  	v17 =	vadd.f32 v17, v19;
	_ =	sdelay $0x1  }
0xd0: {  	v17 =	vmul.f32 $1.442695020e+00, v17;
	_ =	sdelay $0x1  }
0xd1: {  	(erf) = vpow2.f32 v17;
	_ =	sdelay $0x5  }
0xd2: {  	v22 =	vmov s31  }
.Ltmp6:
0xd3: {  	(pc) =	sbr.rel @p3 .LBB2_11-.Ltmp6, $4  }
0xd4: {  	_ = 	snop  }
0xd5: {  	v17 =	vpop (erf)  }
0xd6: {  	v21 =	vmul.f32 v17, v18;
	v19 =	vmul.f32 v17, v28  }
0xd7: {  	v18 =	vmul.f32 v17, v20;
	v20 =	vmul.f32 v17, v26;
	[tilespmem:v22+s5+$0x0] =	vst.idx.msk $0x1, v17  }
0xd8: {  	[tilespmem:s15+$0xFFFFFFC0] =	vst v21  }
0xd9: {  	[tilespmem:s15+$0x30] =	vst v19  }
0xda: {  	v14 =	vmul.f32 v17, v14;
	[tilespmem:s15+$0x20] =	vst v20  }
0xdb: {  	v15 =	vmul.f32 v17, v15;
	[tilespmem:s15+$0xFFFFFFE0] =	vst v18  }
0xdc: {  	v16 =	vmul.f32 v17, v16;
	[tilespmem:s15+$0xFFFFFFF0] =	vst v14  }
0xdd: {  	v13 =	vmul.f32 v17, v13;
	[tilespmem:s15+$0x0] =	vst v15  }
0xde: {  	[tilespmem:s15+$0x10] =	vst v16  }
0xdf: {  	[tilespmem:s15+$0xFFFFFFD0] =	vst v13  }
0xe0: {  	[spmem:s4] =	stream.indirect.scatter.add.f32 [tilespmem:s5], [sflag:$0x3], $0x1, s23, s24, $0xb8;
	[tilespmem:$0x1F9F8] =	vst v63  }
0xe1: {  	_ =	swait.ge [sflag:s21], $0x50  }
0xe2: {  	[sflag:s21] =	ssyncset.done $0x0  }
0xe3: {  	[sflag:s21] =	ssyncadd.s32 $0xFFFFFFB0  }
0xe4: {  	[spmem:s3] =	stream.indirect.scatter.add.f32 [tilespmem:s25], [sflag:$0x3], $0x80, s23, s24, $0xb8;
	[tilespmem:$0x1F9F8] =	vst v63  }
0xe5: {  	s12 =	sadd.s32 s12, s14;
	_ =	swait.ge [sflag:s21], $0x2800  }
0xe6: {  	s12 =	sshrl.u32 s12, $0x3;
	[sflag:s21] =	ssyncset.done $0x0  }
0xe7: {  	s16 =	simm.s32 $0x0;
	s31 =	sadd.s32 s8, s12;
	[sflag:s21] =	ssyncadd.s32 $0xFFFFD800  }
0xe8: {  	[tilespmem:s16], [sflag:$0x3] =	stream.linear.gather [hbm4b:s31+s16], $0x50, $0x38;
	[tilespmem:$0x1F9F8] =	vst v63  }
0xe9: {  	_ =	swait.ge [sflag:s21], $0x50  }
0xea: {  	[sflag:s21] =	ssyncset.done $0x0  }
0xeb: {  	s12 =	sadd.s32 s9, s12;
	[sflag:s21] =	ssyncadd.s32 $0xFFFFFFB0  }
0xec: {  	[tilespmem:s23], [sflag:$0x3] =	stream.linear.gather [hbm4b:s12+s16], $0x50, $0x38;
	[tilespmem:$0x1F9F8] =	vst v63  }
0xed: {  	_ =	swait.ge [sflag:s21], $0x50  }
0xee: {  	[sflag:s21] =	ssyncset.done $0x0  }
0xef: {  	[sflag:s21] =	ssyncadd.s32 $0xFFFFFFB0  }
0xf0: {  	[tilespmem:s25], [sflag:$0x1] =	stream.indirect.gather [hbm4b:s1+s24], $0x80, s16, s24, $0xb8;
	[tilespmem:$0x1F9F8] =	vst v63  }
0xf1: {  	_ = 	snop  }
0xf2: {  	[tilespmem:s26], [sflag:$0x1] =	stream.indirect.gather [hbm4b:s7+s24], $0x80, s23, s24, $0xb8;
	[tilespmem:$0x1F9F8] =	vst v63  }
0xf3: {  	_ =	swait.ge [sflag:s2], $0x2800  }
0xf4: {  	[sflag:s2] =	ssyncset.done $0x0  }
0xf5: {  	[sflag:s2] =	ssyncadd.s32 $0xFFFFD800  }
0xf6: {  	_ =	swait.ge [sflag:s2], $0x2800  }
0xf7: {  	[sflag:s2] =	ssyncset.done $0x0  }
0xf8: {  	s12 =	simm.s32 $0x5240;
	[sflag:s2] =	ssyncadd.s32 $0xFFFFD800  }
0xf9: {  	s15 =	simm.s32 $0x7A40;
	v18 =	vld [tilespmem:s12+$0xFFFFFFC0]  }
0xfa: {  	v15 =	vld [tilespmem:s15+$0xFFFFFFC0]  }
0xfb: {  	v16 =	vld [tilespmem:s15+$0xFFFFFFD0]  }
0xfc: {  	v13 =	vld [tilespmem:s12+$0xFFFFFFD0]  }
0xfd: {  	v20 =	vld [tilespmem:s12+$0xFFFFFFE0]  }
0xfe: {  	v17 =	vld [tilespmem:s15+$0xFFFFFFE0]  }
0xff: {  	v14 =	vld [tilespmem:s12+$0xFFFFFFF0];
	v19 =	vadd.f32 v15, v18  }
0x100: {  	v21 =	vld [tilespmem:s15+$0xFFFFFFF0]  }
0x101: {  	v24 =	vld [tilespmem:s15+$0x0];
	v23 =	vadd.f32 v16, v13;
	v22 =	vmul.f32 $2.000000030e-01, v19  }
0x102: {  	v15 =	vld [tilespmem:s12+$0x0]  }
0x103: {  	v25 =	vld [tilespmem:s15+$0x10];
	v17 =	vadd.f32 v17, v20;
	v19 =	vmax.f32 v19, v22;
	v22 =	vmul.f32 $2.000000030e-01, v23  }
0x104: {  	v16 =	vld [tilespmem:s12+$0x10];
	v19 =	vmul.f32 v19, v5  }
0x105: {  	v26 =	vld [tilespmem:s12+$0x20];
	v21 =	vadd.f32 v21, v14;
	v22 =	vmax.f32 v23, v22;
	v23 =	vmul.f32 $2.000000030e-01, v17  }
0x106: {  	v27 =	vld [tilespmem:s15+$0x20];
	v19 =	vadd.f32 $0.0e+00, v19;
	v22 =	vmul.f32 v22, v6  }
0x107: {  	v28 =	vld [tilespmem:s12+$0x30];
	v24 =	vadd.f32 v24, v15;
	v17 =	vmax.f32 v17, v23;
	v23 =	vmul.f32 $2.000000030e-01, v21  }
0x108: {  	v19 =	vadd.f32 v22, v19;
	v17 =	vmul.f32 v17, v7;
	v22 =	vld [tilespmem:s15+$0x30]  }
0x109: {  	v25 =	vadd.f32 v25, v16;
	v21 =	vmax.f32 v21, v23;
	v23 =	vmul.f32 $2.000000030e-01, v24  }
0x10a: {  	v17 =	vadd.f32 v17, v19;
	v19 =	vmul.f32 v21, v8  }
0x10b: {  	v63 =	vadd.f32 v27, v26;
	v21 =	vmax.f32 v24, v23;
	v23 =	vmul.f32 $2.000000030e-01, v25  }
0x10c: {  	v17 =	vadd.f32 v19, v17;
	v19 =	vmul.f32 v21, v9  }
0x10d: {  	v21 =	vmax.f32 v25, v23;
	v23 =	vmul.f32 $2.000000030e-01, v63;
	v22 =	vadd.f32 v22, v28  }
0x10e: {  	v17 =	vadd.f32 v19, v17;
	v19 =	vmul.f32 v21, v10  }
0x10f: {  	v21 =	vmax.f32 v63, v23;
	v23 =	vmul.f32 $2.000000030e-01, v22  }
0x110: {  	v17 =	vadd.f32 v19, v17;
	v19 =	vmul.f32 v21, v11  }
0x111: {  	v21 =	vmax.f32 v22, v23  }
0x112: {  	v17 =	vadd.f32 v19, v17;
	v19 =	vmul.f32 v21, v12;
	_ =	sdelay $0x1  }
0x113: {  	v17 =	vadd.f32 v19, v17;
	_ =	sdelay $0x1  }
0x114: {  	v19 =	vperm.xlane v17, v0;
	_ =	sdelay $0x1  }
0x115: {  	v17 =	vadd.f32 v17, v19;
	_ =	sdelay $0x1  }
0x116: {  	v19 =	vperm.xlane v17, v1;
	_ =	sdelay $0x1  }
0x117: {  	v17 =	vadd.f32 v17, v19;
	_ =	sdelay $0x1  }
0x118: {  	v19 =	vperm.xlane v17, v2;
	_ =	sdelay $0x1  }
0x119: {  	v17 =	vadd.f32 v17, v19;
	_ =	sdelay $0x1  }
0x11a: {  	v19 =	vperm.xlane v17, v4;
	_ =	sdelay $0x1  }
0x11b: {  	v17 =	vadd.f32 v17, v19;
	_ =	sdelay $0x1  }
0x11c: {  	v17 =	vmul.f32 $1.442695020e+00, v17;
	_ =	sdelay $0x1  }
0x11d: {  	(erf) = vpow2.f32 v17;
	_ =	sdelay $0x5  }
0x11e: {  	v22 =	vmov s16;
	_ =	sdelay $0x2  }
0x11f: {  	v17 =	vpop (erf)  }
0x120: {  	v21 =	vmul.f32 v17, v18;
	v19 =	vmul.f32 v17, v28  }
0x121: {  	s17 =	simm.s32 $0x5240;
	s16 =	simm.s32 $0x1;
	[tilespmem:v22+s5+$0x0] =	vst.idx.msk $0x1, v17;
	v18 =	vmul.f32 v17, v20;
	v20 =	vmul.f32 v17, v26  }
.LBB2_13:
0x122: {  	p3 =	sne.s32 s16, $0x4F;
	[tilespmem:s12+$0xFFFFFFC0] =	vst v21;
	v13 =	vmul.f32 v17, v13;
	v16 =	vmul.f32 v17, v16;
	s17 =	sadd.s32 $0x80, s17;
	s15 =	sadd.s32 $0x80, s15  }
0x123: {  	v14 =	vmul.f32 v17, v14;
	v15 =	vmul.f32 v17, v15;
	s22 =	smov.u32 s16;
	s16 =	sadd.s32 $0x1, s16;
	[tilespmem:s12+$0x30] =	vst v19  }
0x124: {  	[tilespmem:s12+$0x20] =	vst v20  }
0x125: {  	[tilespmem:s12+$0xFFFFFFE0] =	vst v18  }
0x126: {  	[tilespmem:s12+$0xFFFFFFF0] =	vst v14  }
0x127: {  	[tilespmem:s12+$0x0] =	vst v15  }
0x128: {  	[tilespmem:s12+$0x10] =	vst v16  }
0x129: {  	v18 =	vld [tilespmem:s17+$0xFFFFFFC0];
	[tilespmem:s12+$0xFFFFFFD0] =	vst v13;
	s12 =	smov.u32 s17  }
0x12a: {  	v15 =	vld [tilespmem:s15+$0xFFFFFFC0]  }
0x12b: {  	v16 =	vld [tilespmem:s15+$0xFFFFFFD0]  }
0x12c: {  	v13 =	vld [tilespmem:s17+$0xFFFFFFD0]  }
0x12d: {  	v20 =	vld [tilespmem:s17+$0xFFFFFFE0]  }
0x12e: {  	v17 =	vld [tilespmem:s15+$0xFFFFFFE0]  }
0x12f: {  	v14 =	vld [tilespmem:s17+$0xFFFFFFF0];
	v19 =	vadd.f32 v15, v18  }
0x130: {  	v21 =	vld [tilespmem:s15+$0xFFFFFFF0]  }
0x131: {  	v15 =	vld [tilespmem:s17+$0x0];
	v22 =	vmul.f32 $2.000000030e-01, v19;
	v23 =	vadd.f32 v16, v13  }
0x132: {  	v24 =	vld [tilespmem:s15+$0x0]  }
0x133: {  	v16 =	vld [tilespmem:s17+$0x10];
	v19 =	vmax.f32 v19, v22;
	v22 =	vmul.f32 $2.000000030e-01, v23;
	v17 =	vadd.f32 v17, v20  }
0x134: {  	v19 =	vmul.f32 v19, v5;
	v25 =	vld [tilespmem:s15+$0x10]  }
0x135: {  	v26 =	vld [tilespmem:s17+$0x20];
	v22 =	vmax.f32 v23, v22;
	v23 =	vmul.f32 $2.000000030e-01, v17;
	v21 =	vadd.f32 v21, v14  }
0x136: {  	v19 =	vadd.f32 $0.0e+00, v19;
	v22 =	vmul.f32 v22, v6;
	v27 =	vld [tilespmem:s15+$0x20]  }
0x137: {  	v28 =	vld [tilespmem:s17+$0x30];
	v17 =	vmax.f32 v17, v23;
	v23 =	vmul.f32 $2.000000030e-01, v21;
	v24 =	vadd.f32 v24, v15  }
0x138: {  	v19 =	vadd.f32 v22, v19;
	v17 =	vmul.f32 v17, v7;
	v22 =	vld [tilespmem:s15+$0x30]  }
0x139: {  	v21 =	vmax.f32 v21, v23;
	v23 =	vmul.f32 $2.000000030e-01, v24;
	v25 =	vadd.f32 v25, v16  }
0x13a: {  	v17 =	vadd.f32 v17, v19;
	v19 =	vmul.f32 v21, v8  }
0x13b: {  	v21 =	vmax.f32 v24, v23;
	v23 =	vmul.f32 $2.000000030e-01, v25;
	v24 =	vadd.f32 v27, v26  }
0x13c: {  	v17 =	vadd.f32 v19, v17;
	v19 =	vmul.f32 v21, v9  }
0x13d: {  	v21 =	vmax.f32 v25, v23;
	v23 =	vmul.f32 $2.000000030e-01, v24;
	v22 =	vadd.f32 v22, v28  }
0x13e: {  	v17 =	vadd.f32 v19, v17;
	v19 =	vmul.f32 v21, v10  }
0x13f: {  	v21 =	vmax.f32 v24, v23;
	v23 =	vmul.f32 $2.000000030e-01, v22  }
0x140: {  	v17 =	vadd.f32 v19, v17;
	v19 =	vmul.f32 v21, v11  }
0x141: {  	v21 =	vmax.f32 v22, v23  }
0x142: {  	v17 =	vadd.f32 v19, v17;
	v19 =	vmul.f32 v21, v12;
	_ =	sdelay $0x1  }
0x143: {  	v17 =	vadd.f32 v19, v17;
	_ =	sdelay $0x1  }
0x144: {  	v19 =	vperm.xlane v17, v0;
	_ =	sdelay $0x1  }
0x145: {  	v17 =	vadd.f32 v17, v19;
	_ =	sdelay $0x1  }
0x146: {  	v19 =	vperm.xlane v17, v1;
	_ =	sdelay $0x1  }
0x147: {  	v17 =	vadd.f32 v17, v19;
	_ =	sdelay $0x1  }
0x148: {  	v19 =	vperm.xlane v17, v2;
	_ =	sdelay $0x1  }
0x149: {  	v17 =	vadd.f32 v17, v19;
	_ =	sdelay $0x1  }
0x14a: {  	v19 =	vperm.xlane v17, v4;
	_ =	sdelay $0x1  }
0x14b: {  	v17 =	vadd.f32 v17, v19;
	_ =	sdelay $0x1  }
0x14c: {  	v17 =	vmul.f32 $1.442695020e+00, v17;
	_ =	sdelay $0x1  }
0x14d: {  	(erf) = vpow2.f32 v17;
	_ =	sdelay $0x5  }
0x14e: {  	v22 =	vmov s22  }
.Ltmp7:
0x14f: {  	(pc) =	sbr.rel @p3 .LBB2_13-.Ltmp7, $4  }
0x150: {  	_ = 	snop  }
0x151: {  	v17 =	vpop (erf)  }
0x152: {  	v21 =	vmul.f32 v17, v18;
	v19 =	vmul.f32 v17, v28  }
0x153: {  	v18 =	vmul.f32 v17, v20;
	v20 =	vmul.f32 v17, v26;
	[tilespmem:v22+s5+$0x0] =	vst.idx.msk $0x1, v17  }
0x154: {  	[tilespmem:s12+$0xFFFFFFC0] =	vst v21  }
0x155: {  	[tilespmem:s12+$0x30] =	vst v19  }
0x156: {  	v14 =	vmul.f32 v17, v14;
	[tilespmem:s12+$0x20] =	vst v20  }
0x157: {  	v15 =	vmul.f32 v17, v15;
	[tilespmem:s12+$0xFFFFFFE0] =	vst v18  }
0x158: {  	v16 =	vmul.f32 v17, v16;
	[tilespmem:s12+$0xFFFFFFF0] =	vst v14  }
0x159: {  	v13 =	vmul.f32 v17, v13;
	[tilespmem:s12+$0x0] =	vst v15  }
0x15a: {  	[tilespmem:s12+$0x10] =	vst v16  }
0x15b: {  	[tilespmem:s12+$0xFFFFFFD0] =	vst v13  }
0x15c: {  	[spmem:s4] =	stream.indirect.scatter.add.f32 [tilespmem:s5], [sflag:$0x3], $0x1, s29, s24, $0xb8;
	[tilespmem:$0x1F9F8] =	vst v63  }
0x15d: {  	s11 =	sadd.s32 $0x1, s11;
	_ =	swait.ge [sflag:s21], $0x50  }
0x15e: {  	p3 =	sne.s32 s11, $0x3E;
	[sflag:s21] =	ssyncset.done $0x0  }
.Ltmp8:
0x15f: {  	[sflag:s21] =	ssyncadd.s32 $0xFFFFFFB0;
	(pc) =	sbr.rel @p3 .LBB2_10-.Ltmp8, $4  }
0x160: {  	[spmem:s3] =	stream.indirect.scatter.add.f32 [tilespmem:s30], [sflag:$0x3], $0x80, s29, s24, $0xb8;
	[tilespmem:$0x1F9F8] =	vst v63  }
0x161: {  	_ =	swait.ge [sflag:s21], $0x2800  }
0x162: {  	[sflag:s21] =	ssyncset.done $0x0  }
0x163: {  	[sflag:s21] =	ssyncadd.s32 $0xFFFFD800  }
0x164: {  	_ =	swait.ge [sflag:s0], $0x2800  }
0x165: {  	[sflag:s0] =	ssyncset.done $0x0  }
0x166: {  	[sflag:s0] =	ssyncadd.s32 $0xFFFFD800  }
0x167: {  	_ =	swait.ge [sflag:s0], $0x2800  }
0x168: {  	[sflag:s0] =	ssyncset.done $0x0  }
0x169: {  	s10 =	simm.s32 $0x140;
	[sflag:s0] =	ssyncadd.s32 $0xFFFFD800  }
0x16a: {  	s11 =	simm.s32 $0x2940;
	v18 =	vld [tilespmem:s10+$0xFFFFFFC0]  }
0x16b: {  	v15 =	vld [tilespmem:s11+$0xFFFFFFC0]  }
0x16c: {  	v16 =	vld [tilespmem:s11+$0xFFFFFFD0]  }
0x16d: {  	v13 =	vld [tilespmem:s10+$0xFFFFFFD0]  }
0x16e: {  	v20 =	vld [tilespmem:s10+$0xFFFFFFE0]  }
0x16f: {  	v17 =	vld [tilespmem:s11+$0xFFFFFFE0]  }
0x170: {  	v14 =	vld [tilespmem:s10+$0xFFFFFFF0];
	v19 =	vadd.f32 v15, v18  }
0x171: {  	v21 =	vld [tilespmem:s11+$0xFFFFFFF0]  }
0x172: {  	v24 =	vld [tilespmem:s11+$0x0];
	v23 =	vadd.f32 v16, v13;
	v22 =	vmul.f32 $2.000000030e-01, v19  }
0x173: {  	v15 =	vld [tilespmem:s10+$0x0]  }
0x174: {  	v25 =	vld [tilespmem:s11+$0x10];
	v17 =	vadd.f32 v17, v20;
	v19 =	vmax.f32 v19, v22;
	v22 =	vmul.f32 $2.000000030e-01, v23  }
0x175: {  	v16 =	vld [tilespmem:s10+$0x10];
	v19 =	vmul.f32 v19, v5  }
0x176: {  	v26 =	vld [tilespmem:s10+$0x20];
	v21 =	vadd.f32 v21, v14;
	v22 =	vmax.f32 v23, v22;
	v23 =	vmul.f32 $2.000000030e-01, v17  }
0x177: {  	v27 =	vld [tilespmem:s11+$0x20];
	v19 =	vadd.f32 $0.0e+00, v19;
	v22 =	vmul.f32 v22, v6  }
0x178: {  	v28 =	vld [tilespmem:s10+$0x30];
	v24 =	vadd.f32 v24, v15;
	v17 =	vmax.f32 v17, v23;
	v23 =	vmul.f32 $2.000000030e-01, v21  }
0x179: {  	v19 =	vadd.f32 v22, v19;
	v17 =	vmul.f32 v17, v7;
	v22 =	vld [tilespmem:s11+$0x30]  }
0x17a: {  	v25 =	vadd.f32 v25, v16;
	v21 =	vmax.f32 v21, v23;
	v23 =	vmul.f32 $2.000000030e-01, v24  }
0x17b: {  	v17 =	vadd.f32 v17, v19;
	v19 =	vmul.f32 v21, v8  }
0x17c: {  	v63 =	vadd.f32 v27, v26;
	v21 =	vmax.f32 v24, v23;
	v23 =	vmul.f32 $2.000000030e-01, v25  }
0x17d: {  	v17 =	vadd.f32 v19, v17;
	v19 =	vmul.f32 v21, v9  }
0x17e: {  	v21 =	vmax.f32 v25, v23;
	v23 =	vmul.f32 $2.000000030e-01, v63;
	v22 =	vadd.f32 v22, v28  }
0x17f: {  	v17 =	vadd.f32 v19, v17;
	v19 =	vmul.f32 v21, v10  }
0x180: {  	v21 =	vmax.f32 v63, v23;
	v23 =	vmul.f32 $2.000000030e-01, v22  }
0x181: {  	v17 =	vadd.f32 v19, v17;
	v19 =	vmul.f32 v21, v11  }
0x182: {  	v21 =	vmax.f32 v22, v23  }
0x183: {  	v17 =	vadd.f32 v19, v17;
	v19 =	vmul.f32 v21, v12;
	_ =	sdelay $0x1  }
0x184: {  	v17 =	vadd.f32 v19, v17;
	_ =	sdelay $0x1  }
0x185: {  	v19 =	vperm.xlane v17, v0;
	_ =	sdelay $0x1  }
0x186: {  	v17 =	vadd.f32 v17, v19;
	_ =	sdelay $0x1  }
0x187: {  	v19 =	vperm.xlane v17, v1;
	_ =	sdelay $0x1  }
0x188: {  	v17 =	vadd.f32 v17, v19;
	_ =	sdelay $0x1  }
0x189: {  	v19 =	vperm.xlane v17, v2;
	_ =	sdelay $0x1  }
0x18a: {  	v17 =	vadd.f32 v17, v19;
	_ =	sdelay $0x1  }
0x18b: {  	v19 =	vperm.xlane v17, v4;
	_ =	sdelay $0x1  }
0x18c: {  	v17 =	vadd.f32 v17, v19;
	_ =	sdelay $0x1  }
0x18d: {  	v17 =	vmul.f32 $1.442695020e+00, v17;
	_ =	sdelay $0x1  }
0x18e: {  	(erf) = vpow2.f32 v17;
	_ =	sdelay $0x4  }
0x18f: {  	s12 =	simm.s32 $0x0  }
0x190: {  	v22 =	vmov s12;
	_ =	sdelay $0x2  }
0x191: {  	v17 =	vpop (erf)  }
0x192: {  	v21 =	vmul.f32 v17, v18;
	v19 =	vmul.f32 v17, v28  }
0x193: {  	s15 =	simm.s32 $0x140;
	s12 =	simm.s32 $0x1;
	[tilespmem:v22+s5+$0x0] =	vst.idx.msk $0x1, v17;
	v18 =	vmul.f32 v17, v20;
	v20 =	vmul.f32 v17, v26  }
.LBB2_16:
0x194: {  	p3 =	sne.s32 s12, $0x4F;
	[tilespmem:s10+$0xFFFFFFC0] =	vst v21;
	v13 =	vmul.f32 v17, v13;
	v16 =	vmul.f32 v17, v16;
	s15 =	sadd.s32 $0x80, s15;
	s11 =	sadd.s32 $0x80, s11  }
0x195: {  	v14 =	vmul.f32 v17, v14;
	v15 =	vmul.f32 v17, v15;
	s16 =	smov.u32 s12;
	s12 =	sadd.s32 $0x1, s12;
	[tilespmem:s10+$0x30] =	vst v19  }
0x196: {  	[tilespmem:s10+$0x20] =	vst v20  }
0x197: {  	[tilespmem:s10+$0xFFFFFFE0] =	vst v18  }
0x198: {  	[tilespmem:s10+$0xFFFFFFF0] =	vst v14  }
0x199: {  	[tilespmem:s10+$0x0] =	vst v15  }
0x19a: {  	[tilespmem:s10+$0x10] =	vst v16  }
0x19b: {  	v18 =	vld [tilespmem:s15+$0xFFFFFFC0];
	[tilespmem:s10+$0xFFFFFFD0] =	vst v13;
	s10 =	smov.u32 s15  }
0x19c: {  	v15 =	vld [tilespmem:s11+$0xFFFFFFC0]  }
0x19d: {  	v16 =	vld [tilespmem:s11+$0xFFFFFFD0]  }
0x19e: {  	v13 =	vld [tilespmem:s15+$0xFFFFFFD0]  }
0x19f: {  	v20 =	vld [tilespmem:s15+$0xFFFFFFE0]  }
0x1a0: {  	v17 =	vld [tilespmem:s11+$0xFFFFFFE0]  }
0x1a1: {  	v14 =	vld [tilespmem:s15+$0xFFFFFFF0];
	v19 =	vadd.f32 v15, v18  }
0x1a2: {  	v21 =	vld [tilespmem:s11+$0xFFFFFFF0]  }
0x1a3: {  	v15 =	vld [tilespmem:s15+$0x0];
	v22 =	vmul.f32 $2.000000030e-01, v19;
	v23 =	vadd.f32 v16, v13  }
0x1a4: {  	v24 =	vld [tilespmem:s11+$0x0]  }
0x1a5: {  	v16 =	vld [tilespmem:s15+$0x10];
	v19 =	vmax.f32 v19, v22;
	v22 =	vmul.f32 $2.000000030e-01, v23;
	v17 =	vadd.f32 v17, v20  }
0x1a6: {  	v19 =	vmul.f32 v19, v5;
	v25 =	vld [tilespmem:s11+$0x10]  }
0x1a7: {  	v26 =	vld [tilespmem:s15+$0x20];
	v22 =	vmax.f32 v23, v22;
	v23 =	vmul.f32 $2.000000030e-01, v17;
	v21 =	vadd.f32 v21, v14  }
0x1a8: {  	v19 =	vadd.f32 $0.0e+00, v19;
	v22 =	vmul.f32 v22, v6;
	v27 =	vld [tilespmem:s11+$0x20]  }
0x1a9: {  	v28 =	vld [tilespmem:s15+$0x30];
	v17 =	vmax.f32 v17, v23;
	v23 =	vmul.f32 $2.000000030e-01, v21;
	v24 =	vadd.f32 v24, v15  }
0x1aa: {  	v19 =	vadd.f32 v22, v19;
	v17 =	vmul.f32 v17, v7;
	v22 =	vld [tilespmem:s11+$0x30]  }
0x1ab: {  	v21 =	vmax.f32 v21, v23;
	v23 =	vmul.f32 $2.000000030e-01, v24;
	v25 =	vadd.f32 v25, v16  }
0x1ac: {  	v17 =	vadd.f32 v17, v19;
	v19 =	vmul.f32 v21, v8  }
0x1ad: {  	v21 =	vmax.f32 v24, v23;
	v23 =	vmul.f32 $2.000000030e-01, v25;
	v24 =	vadd.f32 v27, v26  }
0x1ae: {  	v17 =	vadd.f32 v19, v17;
	v19 =	vmul.f32 v21, v9  }
0x1af: {  	v21 =	vmax.f32 v25, v23;
	v23 =	vmul.f32 $2.000000030e-01, v24;
	v22 =	vadd.f32 v22, v28  }
0x1b0: {  	v17 =	vadd.f32 v19, v17;
	v19 =	vmul.f32 v21, v10  }
0x1b1: {  	v21 =	vmax.f32 v24, v23;
	v23 =	vmul.f32 $2.000000030e-01, v22  }
0x1b2: {  	v17 =	vadd.f32 v19, v17;
	v19 =	vmul.f32 v21, v11  }
0x1b3: {  	v21 =	vmax.f32 v22, v23  }
0x1b4: {  	v17 =	vadd.f32 v19, v17;
	v19 =	vmul.f32 v21, v12;
	_ =	sdelay $0x1  }
0x1b5: {  	v17 =	vadd.f32 v19, v17;
	_ =	sdelay $0x1  }
0x1b6: {  	v19 =	vperm.xlane v17, v0;
	_ =	sdelay $0x1  }
0x1b7: {  	v17 =	vadd.f32 v17, v19;
	_ =	sdelay $0x1  }
0x1b8: {  	v19 =	vperm.xlane v17, v1;
	_ =	sdelay $0x1  }
0x1b9: {  	v17 =	vadd.f32 v17, v19;
	_ =	sdelay $0x1  }
0x1ba: {  	v19 =	vperm.xlane v17, v2;
	_ =	sdelay $0x1  }
0x1bb: {  	v17 =	vadd.f32 v17, v19;
	_ =	sdelay $0x1  }
0x1bc: {  	v19 =	vperm.xlane v17, v4;
	_ =	sdelay $0x1  }
0x1bd: {  	v17 =	vadd.f32 v17, v19;
	_ =	sdelay $0x1  }
0x1be: {  	v17 =	vmul.f32 $1.442695020e+00, v17;
	_ =	sdelay $0x1  }
0x1bf: {  	(erf) = vpow2.f32 v17;
	_ =	sdelay $0x5  }
0x1c0: {  	v22 =	vmov s16  }
.Ltmp9:
0x1c1: {  	(pc) =	sbr.rel @p3 .LBB2_16-.Ltmp9, $4  }
0x1c2: {  	_ = 	snop  }
0x1c3: {  	v17 =	vpop (erf)  }
0x1c4: {  	v21 =	vmul.f32 v17, v18;
	v19 =	vmul.f32 v17, v28  }
0x1c5: {  	v18 =	vmul.f32 v17, v20;
	v20 =	vmul.f32 v17, v26;
	[tilespmem:v22+s5+$0x0] =	vst.idx.msk $0x1, v17  }
0x1c6: {  	[tilespmem:s10+$0xFFFFFFC0] =	vst v21  }
0x1c7: {  	[tilespmem:s10+$0x30] =	vst v19  }
0x1c8: {  	v5 =	vmul.f32 v17, v14;
	[tilespmem:s10+$0x20] =	vst v20  }
0x1c9: {  	v6 =	vmul.f32 v17, v15;
	[tilespmem:s10+$0xFFFFFFE0] =	vst v18  }
0x1ca: {  	v7 =	vmul.f32 v17, v16;
	[tilespmem:s10+$0xFFFFFFF0] =	vst v5  }
0x1cb: {  	v5 =	vmul.f32 v17, v13;
	[tilespmem:s10+$0x0] =	vst v6  }
0x1cc: {  	[tilespmem:s10+$0x10] =	vst v7  }
0x1cd: {  	[tilespmem:s10+$0xFFFFFFD0] =	vst v5  }
0x1ce: {  	[spmem:s4] =	stream.indirect.scatter.add.f32 [tilespmem:s5], [sflag:$0x3], $0x1, s23, s24, $0xb8;
	[tilespmem:$0x1F9F8] =	vst v63  }
0x1cf: {  	_ =	swait.ge [sflag:s21], $0x50  }
0x1d0: {  	[sflag:s21] =	ssyncset.done $0x0  }
0x1d1: {  	[sflag:s21] =	ssyncadd.s32 $0xFFFFFFB0  }
0x1d2: {  	[spmem:s3] =	stream.indirect.scatter.add.f32 [tilespmem:s25], [sflag:$0x3], $0x80, s23, s24, $0xb8;
	[tilespmem:$0x1F9F8] =	vst v63  }
.Ltmp10:
0x1d3: {  	_ =	swait.ge [sflag:s21], $0x2800;
	(pc) =	sbr.rel @p0 .LBB2_21-.Ltmp10, $4  }
0x1d4: {  	[sflag:s21] =	ssyncset.done $0x0  }
0x1d5: {  	[sflag:s21] =	ssyncadd.s32 $0xFFFFD800  }
0x1d6: {  	[bflag:$0x0] =	sbarrier.arrive $0xFFFF  }
0x1d7: {  	s16 =	rddreg [dreg:$0xc]  }
0x1d8: {  	[tilespmem:s20], [sflag:$0x3] =	stream.linear.gather [spmem:s19], $0x1400, $0x38;
	[tilespmem:$0x1F9F8] =	vst v63  }
0x1d9: {  	_ =	swait.ge [sflag:s21], $0x1400  }
0x1da: {  	[sflag:s21] =	ssyncset.done $0x0  }
0x1db: {  	s10 =	sadd.s32 $0x0, s18;
	[sflag:s21] =	ssyncadd.s32 $0xFFFFEC00  }
0x1dc: {  	[hbm4b:s10+s6] =	stream.linear.scatter [tilespmem:s20], [sflag:$0x3], $0x1400, $0x38;
	[tilespmem:$0x1F9F8] =	vst v63  }
0x1dd: {  	_ =	swait.ge [sflag:s21], $0x1400  }
0x1de: {  	s11 =	smov.u32 s19;
	s10 =	simm.s32 $0x280;
	[sflag:s21] =	ssyncset.done $0x0  }
.LBB2_19:
0x1df: {  	p3 =	sne.s32 s10, $0x3C00;
	[sflag:s21] =	ssyncadd.s32 $0xFFFFEC00;
	s11 =	sadd.s32 $0x1400, s11  }
0x1e0: {  	[tilespmem:s20], [sflag:$0x3] =	stream.linear.gather [spmem:s11], $0x1400, $0x38;
	[tilespmem:$0x1F9F8] =	vst v63  }
0x1e1: {  	s12 =	smov.u32 s10;
	s10 =	sadd.s32 $0x280, s10;
	_ =	swait.ge [sflag:s21], $0x1400  }
.Ltmp11:
0x1e2: {  	[sflag:s21] =	ssyncset.done $0x0;
	(pc) =	sbr.rel @p3 .LBB2_19-.Ltmp11, $4  }
0x1e3: {  	s12 =	sadd.s32 s12, s18;
	[sflag:s21] =	ssyncadd.s32 $0xFFFFEC00  }
0x1e4: {  	[hbm4b:s12+s6] =	stream.linear.scatter [tilespmem:s20], [sflag:$0x3], $0x1400, $0x38;
	[tilespmem:$0x1F9F8] =	vst v63  }
0x1e5: {  	_ =	swait.ge [sflag:s21], $0x1400  }
0x1e6: {  	[sflag:s21] =	ssyncset.done $0x0  }
.Ltmp12:
0x1e7: {  	(pc) =	sbr.rel .LBB2_21-.Ltmp12, $2  }
0x1e8: {  	_ =	sdelay $0x2  }
0x1e9: {  	[sflag:s21] =	ssyncadd.s32 $0xFFFFEC00;
	s16 =	rddreg [dreg:$0xc]  }
.LBB2_22:
0x1ea: {  	_ =	sfence.sel $0x180000  }
0x1eb: {  	[bflag:$0x0] =	sbarrier.arrive $0xFFFF  }
0x1ec: {  	_ =	strace $0x90000047  }
0x1ed: {  	s0 =	stileid.u32;
	[bflag:$0x2] =	sbarrier.arrive $0xFFFF  }
0x1ee: {  	p0 =	sne.s32 s0, $0x0;
	s0 =	rddreg [dreg:$0x5]  }
0x1ef: {  	s0 =	sadd.s32 @!p0 $0x100000, s0  }
0x1f0: {  	[sflag:s0] =	ssyncadd.tile.s32 @!p0 $0x1;
	_ =	shalt  }
.Lfunc_end2:
_tile_overlayer_lowered:
.L_overlay_start_2:
0x1f1: {  	(tag) =	ssettag $0x2  }
0x1f2: {  	s0 =	rddreg [dreg:$0x0];
	s2 =	stileid.u32  }
0x1f3: {  	s1 =	rddreg [dreg:$0x1];
	p0 =	sne.s32 s2, $0x0  }
0x1f4: {  	s3 =	rddreg [dreg:$0x2];
	[bflag:$0x3] =	sbarrier.arrive $0xFFFF;
	s2 =	simm.s32 @!p0 $0x1C03  }
0x1f5: {  	[timem:s3], [sflag:s2] =	dma.local @!p0 [hbm:s0], s1  }
0x1f6: {  	s0 =	simm.s32 @!p0 $0x3  }
0x1f7: {  	_ =	swait.ge @!p0 [sflag:s0], s1  }
0x1f8: {  	s1 =	ssub.s32 @!p0 $0x0, s1;
	[sflag:s0] =	ssyncset.done @!p0 $0x0  }
0x1f9: {  	[sflag:s0] =	ssyncadd.s32 @!p0 s1  }
0x1fa: {  	[bflag:$0x3] =	sbarrier.arrive $0xFFFF  }
0x1fb: {  	_ =	shalt  }

</sc_bundles>
